<compile_context>
chip_gen: v7x
topology: tpu7x:2x2x1
jax: 0.10.2.dev20260603
libtpu: 0.0.44.dev20260713+nightly
codegen_flags: <defaults>
</compile_context>

<pallas_src>
import functools

import jax
import jax.numpy as jnp
from jax import lax
from jax.experimental import pallas as pl
from jax.experimental.pallas import tpu as pltpu
from jax.experimental.pallas import tpu_sc as plsc

N_NODES = 10000
D = 128
E = 320000

NC = 2
NS = 16
L = 16
NW = NC * NS

CHUNK = 128
NCHUNKS = -(-E // (NW * CHUNK))
EPW = NCHUNKS * CHUNK
E_PAD = EPW * NW

N_PAD = 10112
ROWS_PER_TILE = N_PAD // NS
GARBAGE_ROW = N_NODES

_MESH = plsc.VectorSubcoreMesh(
    core_axis_name="c", subcore_axis_name="s", num_cores=NC, num_subcores=NS)


STRIDE = 640
WCHUNKS = STRIDE // CHUNK


def _k1_body(x_hbm, src_hbm, dst_hbm, zrows_hbm, zidx_hbm, agg_out,
             sidx_v, didx_v, idx_v, rows_v, sem, agg_sh):
    c = lax.axis_index("c")
    s = lax.axis_index("s")
    wid = c * NS + s

    pltpu.sync_copy(zrows_hbm, rows_v)

    def _zero_blk(k, _):
        zoff = pl.multiple_of(s * STRIDE + k * CHUNK, CHUNK)
        pltpu.sync_copy(zidx_hbm.at[pl.ds(zoff, CHUNK)], idx_v)
        pltpu.sync_copy(rows_v, agg_sh.at[idx_v])
        return 0

    lax.fori_loop(0, WCHUNKS, _zero_blk, 0)
    plsc.subcore_barrier()

    ebase = wid * EPW

    def _chunk_body(j, _):
        off = pl.multiple_of(ebase + j * CHUNK, CHUNK)
        pltpu.sync_copy(src_hbm.at[pl.ds(off, CHUNK)], sidx_v)
        pltpu.sync_copy(dst_hbm.at[pl.ds(off, CHUNK)], didx_v)
        pltpu.async_copy(x_hbm.at[sidx_v], rows_v, sem).wait()
        pltpu.sync_copy(rows_v, agg_sh.at[didx_v], add=True)
        return 0

    lax.fori_loop(0, NCHUNKS, _chunk_body, 0)
    plsc.subcore_barrier()

    def _wb_blk(k, _):
        zoff = pl.multiple_of(s * STRIDE + k * CHUNK, CHUNK)
        pltpu.sync_copy(zidx_hbm.at[pl.ds(zoff, CHUNK)], idx_v)
        pltpu.async_copy(agg_sh.at[idx_v], rows_v, sem).wait()
        pltpu.sync_copy(rows_v, agg_out.at[c, pl.ds(zoff, CHUNK)])
        return 0

    lax.fori_loop(0, WCHUNKS, _wb_blk, 0)


_k1 = pl.kernel(
    _k1_body,
    out_type=jax.ShapeDtypeStruct((NC, NS * STRIDE, D), jnp.float32),
    mesh=_MESH,
    scratch_types=[
        pltpu.VMEM((CHUNK,), jnp.int32),
        pltpu.VMEM((CHUNK,), jnp.int32),
        pltpu.VMEM((CHUNK,), jnp.int32),
        pltpu.VMEM((CHUNK, D), jnp.float32),
        pltpu.SemaphoreType.DMA,
        pltpu.VMEM_SHARED((N_PAD, D), jnp.float32),
    ],
)


def _host_zidx():
    import numpy as _np
    rows = []
    for s in range(NS):
        base = s * ROWS_PER_TILE
        idx = list(range(base, base + ROWS_PER_TILE))
        idx += list(range(N_PAD - (STRIDE - ROWS_PER_TILE), N_PAD))
        rows.append(idx)
    return _np.asarray(rows, dtype=_np.int32).reshape(-1)


_ZIDX_NP = _host_zidx()


def _k2_body(x_ref, a0_ref, a1_ref, d0_ref, d1_ref, w_ref, hn_ref):
    deg = d0_ref[:, 0:1] + d1_ref[:, 0:1]
    t = x_ref[...] + (a0_ref[...] + a1_ref[...]) / jnp.maximum(deg, 1.0)
    h = jnp.dot(t, w_ref[...], preferred_element_type=jnp.float32)
    nrm = jnp.sqrt(jnp.sum(h * h, axis=1, keepdims=True))
    hn_ref[...] = h / jnp.maximum(nrm, 1e-8)


_K2_BLK = 1000


def _k2(x, a0, a1, d0, d1, W):
    grid = (N_NODES // _K2_BLK,)
    return pl.pallas_call(
        _k2_body,
        grid=grid,
        in_specs=[
            pl.BlockSpec((_K2_BLK, D), lambda i: (i, 0)),
            pl.BlockSpec((_K2_BLK, D), lambda i: (i, 0)),
            pl.BlockSpec((_K2_BLK, D), lambda i: (i, 0)),
            pl.BlockSpec((_K2_BLK, L), lambda i: (i, 0)),
            pl.BlockSpec((_K2_BLK, L), lambda i: (i, 0)),
            pl.BlockSpec((D, D), lambda i: (0, 0)),
        ],
        out_specs=pl.BlockSpec((_K2_BLK, D), lambda i: (i, 0)),
        out_shape=jax.ShapeDtypeStruct((N_NODES, D), jnp.float32),
    )(x, a0, a1, d0, d1, W)


def _lane_permute(v, perm):
    return lax.gather(
        v, perm[:, None],
        lax.GatherDimensionNumbers(
            offset_dims=(), collapsed_slice_dims=(0,), start_index_map=(0,)),
        (1,), mode=lax.GatherScatterMode.PROMISE_IN_BOUNDS)


GROUPS = CHUNK // L


def _k3_body(hn_hbm, src_hbm, dst_hbm, out_hbm,
             sidx_v, didx_v, a_v, b_v, o_v, sem_a, sem_b):
    c = lax.axis_index("c")
    s = lax.axis_index("s")
    wid = c * NS + s
    ebase = wid * EPW
    lanes = lax.iota(jnp.int32, L)
    perms = [lax.rem(lanes + sh, L) for sh in (8, 4, 2, 1)]

    def _chunk_body(j, _):
        off = pl.multiple_of(ebase + j * CHUNK, CHUNK)
        pltpu.sync_copy(src_hbm.at[pl.ds(off, CHUNK)], sidx_v)
        pltpu.sync_copy(dst_hbm.at[pl.ds(off, CHUNK)], didx_v)
        cp_a = pltpu.async_copy(hn_hbm.at[sidx_v], a_v, sem_a)
        cp_b = pltpu.async_copy(hn_hbm.at[didx_v], b_v, sem_b)
        cp_a.wait()
        cp_b.wait()

        def _group_body(g, _):
            outv = lanes * 0.0
            for el in range(L):
                e = g * L + el
                acc = a_v[e, pl.ds(0, L)] * b_v[e, pl.ds(0, L)]
                for q in range(1, D // L):
                    acc = acc + (a_v[e, pl.ds(q * L, L)]
                                 * b_v[e, pl.ds(q * L, L)])
                for perm in perms:
                    acc = acc + _lane_permute(acc, perm)
                outv = jnp.where(lanes == el, acc, outv)
            o_v[g] = outv * 0.5 + 0.5
            return 0

        lax.fori_loop(0, GROUPS, _group_body, 0)
        row_off = pl.multiple_of((ebase + j * CHUNK) // L, GROUPS)
        pltpu.sync_copy(o_v, out_hbm.at[pl.ds(row_off, GROUPS)])
        return 0

    lax.fori_loop(0, NCHUNKS, _chunk_body, 0)


_k3 = pl.kernel(
    _k3_body,
    out_type=jax.ShapeDtypeStruct((E_PAD // L, L), jnp.float32),
    mesh=_MESH,
    scratch_types=[
        pltpu.VMEM((CHUNK,), jnp.int32),
        pltpu.VMEM((CHUNK,), jnp.int32),
        pltpu.VMEM((CHUNK, D), jnp.float32),
        pltpu.VMEM((CHUNK, D), jnp.float32),
        pltpu.VMEM((GROUPS, L), jnp.float32),
        pltpu.SemaphoreType.DMA,
        pltpu.SemaphoreType.DMA,
    ],
)


def kernel(x, adj, srcs, drts, W):
    src = adj[0].astype(jnp.int32)
    dst = adj[1].astype(jnp.int32)
    pad = E_PAD - E
    src_p = jnp.concatenate([src, jnp.zeros((pad,), jnp.int32)])
    dst_p = jnp.concatenate([dst, jnp.full((pad,), GARBAGE_ROW, jnp.int32)])
    sp = jnp.concatenate([srcs.astype(jnp.int32), jnp.zeros((pad,), jnp.int32)])
    dp = jnp.concatenate([drts.astype(jnp.int32), jnp.zeros((pad,), jnp.int32)])

    zrows = jnp.zeros((CHUNK, D), jnp.float32)
    zidx = jnp.asarray(_ZIDX_NP)
    out1 = _k1(x, src_p, dst_p, zrows, zidx)
    v = out1.reshape(NC, NS, STRIDE, D)[:, :, :ROWS_PER_TILE]
    v = v.reshape(NC, N_PAD, D)[:, :N_NODES]

    deg = jax.ops.segment_sum(jnp.ones((E,), jnp.float32), dst,
                              num_segments=N_NODES)
    degL = jnp.broadcast_to(deg[:, None], (N_NODES, L))
    zL = jnp.zeros((N_NODES, L), jnp.float32)

    hn = _k2(x, v[0], v[1], degL, zL, W)
    out = _k3(hn, sp, dp)
    return out.reshape(-1)[:E]

# --- scband reference (transcript-rebuilt; emitter-appended) ---
"""Pipeline reference for scband-link-predictor-21835613733512 (READ-ONLY COPY).

The authoritative reference and input builder live on the scoring server;
editing this copy changes nothing except your own understanding.
"""

import jax, jax.numpy as jnp
import numpy as np

N_NODES = 10000
D = 128
E = 320000

def setup_inputs(seed: int = 0) -> dict:
    key = jax.random.key(seed)
    k1, k2, k3, k4, k5 = jax.random.split(key, 5)
    x = jax.random.normal(k1, (N_NODES, D), dtype=jnp.float32)
    adj = jax.random.randint(k2, (2, E), 0, N_NODES, dtype=jnp.int64)
    srcs = jax.random.randint(k3, (E,), 0, N_NODES, dtype=jnp.int64)
    drts = jax.random.randint(k4, (E,), 0, N_NODES, dtype=jnp.int64)
    # learned parameter of the base_model (one mean-aggregation GCN layer)
    W = jax.random.normal(k5, (D, D), dtype=jnp.float32) * 0.05
    return {"x": x, "adj": adj, "srcs": srcs, "drts": drts, "W": W}

def _base_model(x, adj, W):
    # simple GCN-style mean aggregation stand-in for base_model(x, adj)
    src = adj[0]
    dst = adj[1]
    agg = jax.ops.segment_sum(x[src], dst, num_segments=N_NODES)
    deg = jax.ops.segment_sum(jnp.ones((adj.shape[1],), dtype=x.dtype), dst, num_segments=N_NODES)
    h = (x + agg / jnp.maximum(deg, 1.0)[:, None]) @ W
    return h

def reference(x, adj, srcs, drts, W):
    h = _base_model(x, adj, W)
    a = jnp.take(h, srcs, axis=0)
    b = jnp.take(h, drts, axis=0)
    eps = 1e-8
    na = jnp.maximum(jnp.linalg.norm(a, axis=-1), eps)
    nb = jnp.maximum(jnp.linalg.norm(b, axis=-1), eps)
    sim = jnp.sum(a * b, axis=-1) / (na * nb)
    out = (sim + 1.0) / 2.0
    return out

if __name__ == "__main__":
    import jax
    _d = setup_inputs()
    print(jax.jit(kernel)(*tuple(_d.values())))

</pallas_src>

<mosaic_0001>
#map = affine_map<(d0, d1) -> (0, 0)>
#map1 = affine_map<(d0, d1) -> (0)>
#map2 = affine_map<(d0, d1) -> (0, 0, 0)>
module attributes {stable_mosaic.version = 14 : i64} {
  func.func @_k1_body(%arg0: i32, %arg1: i32, %arg2: memref<10000x128xf32, #tpu.memory_space<hbm>>, %arg3: memref<323584xi32, #tpu.memory_space<hbm>>, %arg4: memref<323584xi32, #tpu.memory_space<hbm>>, %arg5: memref<128x128xf32, #tpu.memory_space<hbm>>, %arg6: memref<10240xi32, #tpu.memory_space<hbm>>, %arg7: memref<2x10240x128xf32, #tpu.memory_space<hbm>>, %arg8: memref<128xi32, #tpu.memory_space<vmem>>, %arg9: memref<128xi32, #tpu.memory_space<vmem>>, %arg10: memref<128xi32, #tpu.memory_space<vmem>>, %arg11: memref<128x128xf32, #tpu.memory_space<vmem>>, %arg12: memref<!tpu.dma_semaphore, #tpu.memory_space<semaphore_mem>>, %arg13: memref<10112x128xf32, #tpu.memory_space<vmem_shared>>) attributes {dimension_semantics = [#tpu.dimension_semantics<core_parallel>, #tpu.dimension_semantics<subcore_parallel>], iteration_bounds = array<i64: 2, 16>, scalar_prefetch = 0 : i64, scratch_operands = 6 : i64, tpu.core_type = #tpu.core_type<sc_vector_subcore>, window_params = [{transform_indices = #map}, {transform_indices = #map1}, {transform_indices = #map1}, {transform_indices = #map}, {transform_indices = #map1}, {transform_indices = #map2}]} {
    %mul3A = arith.constant 16 : i32
    %mul3A_0 = arith.muli %arg0, %mul3A : i32
    %add3A = arith.addi %mul3A_0, %arg1 : i32
    "tpu.region"() ({
      %run_scoped3A = tpu.sem_alloc : memref<!tpu.dma_semaphore, #tpu.memory_space<semaphore_mem>>
      tpu.enqueue_dma source(%arg5 : memref<128x128xf32, #tpu.memory_space<hbm>>) target(%arg11 : memref<128x128xf32, #tpu.memory_space<vmem>>) target_semaphore(%run_scoped3A : memref<!tpu.dma_semaphore, #tpu.memory_space<semaphore_mem>>)
      tpu.wait_dma2 semaphore(%run_scoped3A : memref<!tpu.dma_semaphore, #tpu.memory_space<semaphore_mem>>) src(%arg5 : memref<128x128xf32, #tpu.memory_space<hbm>>) dst(%arg11 : memref<128x128xf32, #tpu.memory_space<vmem>>)
      tpu.yield
    }) : () -> ()
    %scan3A = arith.constant 0 : i32
    %scan3A_1 = arith.constant 0 : i32
    %scan3A_2 = arith.constant 5 : i32
    %scan3A_3 = arith.addi %scan3A_1, %scan3A_2 : i32
    %scan3A_4 = arith.constant 1 : i32
    %scan3A_5 = scf.for %scan3A_24 = %scan3A_1 to %scan3A_3 step %scan3A_4 iter_args(%scan3A_25 = %scan3A) -> (i32)  : i32 {
      %mul3A_26 = arith.constant 640 : i32
      %mul3A_27 = arith.muli %arg1, %mul3A_26 : i32
      %mul3A_28 = arith.constant 128 : i32
      %mul3A_29 = arith.muli %scan3A_24, %mul3A_28 : i32
      %add3A_30 = arith.addi %mul3A_27, %mul3A_29 : i32
      %multiple_of3A = tpu.assume_multiple %add3A_30, 128 : i32
      "tpu.region"() ({
        %run_scoped3A = tpu.sem_alloc : memref<!tpu.dma_semaphore, #tpu.memory_space<semaphore_mem>>
        %dma_start3A = tpu.memref_slice %arg6[%multiple_of3A] : memref<10240xi32, #tpu.memory_space<hbm>> -> memref<128xi32, #tpu.memory_space<hbm>>
        %dma_start3A_32 = tpu.memref_slice %arg6[%multiple_of3A] : memref<10240xi32, #tpu.memory_space<hbm>> -> memref<128xi32, #tpu.memory_space<hbm>>
        tpu.enqueue_dma source(%dma_start3A_32 : memref<128xi32, #tpu.memory_space<hbm>>) target(%arg10 : memref<128xi32, #tpu.memory_space<vmem>>) target_semaphore(%run_scoped3A : memref<!tpu.dma_semaphore, #tpu.memory_space<semaphore_mem>>)
        %dma_wait3A = tpu.memref_slice %arg6[%multiple_of3A] : memref<10240xi32, #tpu.memory_space<hbm>> -> memref<128xi32, #tpu.memory_space<hbm>>
        %dma_wait3A_33 = tpu.memref_slice %arg6[%multiple_of3A] : memref<10240xi32, #tpu.memory_space<hbm>> -> memref<128xi32, #tpu.memory_space<hbm>>
        tpu.wait_dma2 semaphore(%run_scoped3A : memref<!tpu.dma_semaphore, #tpu.memory_space<semaphore_mem>>) src(%dma_wait3A_33 : memref<128xi32, #tpu.memory_space<hbm>>) dst(%arg10 : memref<128xi32, #tpu.memory_space<vmem>>)
        tpu.yield
      }) : () -> ()
      "tpu.region"() ({
        %run_scoped3A = tpu.sem_alloc : memref<!tpu.dma_semaphore, #tpu.memory_space<semaphore_mem>>
        %dma_start3A = arith.constant 0 : i32
        %dma_start3A_32 = arith.constant 0 : i32
        %dma_start3A_33 = tpu.memref_slice %arg13[%dma_start3A, %dma_start3A_32] : memref<10112x128xf32, #tpu.memory_space<vmem_shared>> -> memref<10112x128xf32, #tpu.memory_space<vmem_shared>>
        tpu.enqueue_indirect_dma source(%arg11 : memref<128x128xf32, #tpu.memory_space<vmem>>) target(%dma_start3A_33 : memref<10112x128xf32, #tpu.memory_space<vmem_shared>>) offsets(%arg10 : memref<128xi32, #tpu.memory_space<vmem>>) semaphore(%run_scoped3A : memref<!tpu.dma_semaphore, #tpu.memory_space<semaphore_mem>>)
        %dma_wait3A = arith.constant 0 : i32
        %dma_wait3A_34 = arith.constant 0 : i32
        %dma_wait3A_35 = tpu.memref_slice %arg13[%dma_wait3A, %dma_wait3A_34] : memref<10112x128xf32, #tpu.memory_space<vmem_shared>> -> memref<10112x128xf32, #tpu.memory_space<vmem_shared>>
        tpu.wait_indirect_dma semaphore(%run_scoped3A : memref<!tpu.dma_semaphore, #tpu.memory_space<semaphore_mem>>) src(%arg11 : memref<128x128xf32, #tpu.memory_space<vmem>>) dst(%dma_wait3A_35 : memref<10112x128xf32, #tpu.memory_space<vmem_shared>>)
        tpu.yield
      }) : () -> ()
      %scan3A_31 = arith.constant 0 : i32
      scf.yield %scan3A_31 : i32
    }
    %scan3A_6 = arith.constant 5 : i32
    %barrier3A = arith.constant 0 : index
    tpu.barrier barrier_id(%barrier3A)
    %mul3A_7 = arith.constant 10112 : i32
    %mul3A_8 = arith.muli %add3A, %mul3A_7 : i32
    %scan3A_9 = arith.constant 0 : i32
    %scan3A_10 = arith.constant 0 : i32
    %scan3A_11 = arith.constant 79 : i32
    %scan3A_12 = arith.addi %scan3A_10, %scan3A_11 : i32
    %scan3A_13 = arith.constant 1 : i32
    %scan3A_14 = scf.for %scan3A_24 = %scan3A_10 to %scan3A_12 step %scan3A_13 iter_args(%scan3A_25 = %scan3A_9) -> (i32)  : i32 {
      %mul3A_26 = arith.constant 128 : i32
      %mul3A_27 = arith.muli %scan3A_24, %mul3A_26 : i32
      %add3A_28 = arith.addi %mul3A_8, %mul3A_27 : i32
      %multiple_of3A = tpu.assume_multiple %add3A_28, 128 : i32
      "tpu.region"() ({
        %run_scoped3A = tpu.sem_alloc : memref<!tpu.dma_semaphore, #tpu.memory_space<semaphore_mem>>
        %dma_start3A_34 = tpu.memref_slice %arg3[%multiple_of3A] : memref<323584xi32, #tpu.memory_space<hbm>> -> memref<128xi32, #tpu.memory_space<hbm>>
        %dma_start3A_35 = tpu.memref_slice %arg3[%multiple_of3A] : memref<323584xi32, #tpu.memory_space<hbm>> -> memref<128xi32, #tpu.memory_space<hbm>>
        tpu.enqueue_dma source(%dma_start3A_35 : memref<128xi32, #tpu.memory_space<hbm>>) target(%arg8 : memref<128xi32, #tpu.memory_space<vmem>>) target_semaphore(%run_scoped3A : memref<!tpu.dma_semaphore, #tpu.memory_space<semaphore_mem>>)
        %dma_wait3A_36 = tpu.memref_slice %arg3[%multiple_of3A] : memref<323584xi32, #tpu.memory_space<hbm>> -> memref<128xi32, #tpu.memory_space<hbm>>
        %dma_wait3A_37 = tpu.memref_slice %arg3[%multiple_of3A] : memref<323584xi32, #tpu.memory_space<hbm>> -> memref<128xi32, #tpu.memory_space<hbm>>
        tpu.wait_dma2 semaphore(%run_scoped3A : memref<!tpu.dma_semaphore, #tpu.memory_space<semaphore_mem>>) src(%dma_wait3A_37 : memref<128xi32, #tpu.memory_space<hbm>>) dst(%arg8 : memref<128xi32, #tpu.memory_space<vmem>>)
        tpu.yield
      }) : () -> ()
      "tpu.region"() ({
        %run_scoped3A = tpu.sem_alloc : memref<!tpu.dma_semaphore, #tpu.memory_space<semaphore_mem>>
        %dma_start3A_34 = tpu.memref_slice %arg4[%multiple_of3A] : memref<323584xi32, #tpu.memory_space<hbm>> -> memref<128xi32, #tpu.memory_space<hbm>>
        %dma_start3A_35 = tpu.memref_slice %arg4[%multiple_of3A] : memref<323584xi32, #tpu.memory_space<hbm>> -> memref<128xi32, #tpu.memory_space<hbm>>
        tpu.enqueue_dma source(%dma_start3A_35 : memref<128xi32, #tpu.memory_space<hbm>>) target(%arg9 : memref<128xi32, #tpu.memory_space<vmem>>) target_semaphore(%run_scoped3A : memref<!tpu.dma_semaphore, #tpu.memory_space<semaphore_mem>>)
        %dma_wait3A_36 = tpu.memref_slice %arg4[%multiple_of3A] : memref<323584xi32, #tpu.memory_space<hbm>> -> memref<128xi32, #tpu.memory_space<hbm>>
        %dma_wait3A_37 = tpu.memref_slice %arg4[%multiple_of3A] : memref<323584xi32, #tpu.memory_space<hbm>> -> memref<128xi32, #tpu.memory_space<hbm>>
        tpu.wait_dma2 semaphore(%run_scoped3A : memref<!tpu.dma_semaphore, #tpu.memory_space<semaphore_mem>>) src(%dma_wait3A_37 : memref<128xi32, #tpu.memory_space<hbm>>) dst(%arg9 : memref<128xi32, #tpu.memory_space<vmem>>)
        tpu.yield
      }) : () -> ()
      %dma_start3A = arith.constant 0 : i32
      %dma_start3A_29 = arith.constant 0 : i32
      %dma_start3A_30 = tpu.memref_slice %arg2[%dma_start3A, %dma_start3A_29] : memref<10000x128xf32, #tpu.memory_space<hbm>> -> memref<10000x128xf32, #tpu.memory_space<hbm>>
      tpu.enqueue_indirect_dma source(%dma_start3A_30 : memref<10000x128xf32, #tpu.memory_space<hbm>>) target(%arg11 : memref<128x128xf32, #tpu.memory_space<vmem>>) offsets(%arg8 : memref<128xi32, #tpu.memory_space<vmem>>) semaphore(%arg12 : memref<!tpu.dma_semaphore, #tpu.memory_space<semaphore_mem>>)
      %dma_wait3A = arith.constant 0 : i32
      %dma_wait3A_31 = arith.constant 0 : i32
      %dma_wait3A_32 = tpu.memref_slice %arg2[%dma_wait3A, %dma_wait3A_31] : memref<10000x128xf32, #tpu.memory_space<hbm>> -> memref<10000x128xf32, #tpu.memory_space<hbm>>
      tpu.wait_indirect_dma semaphore(%arg12 : memref<!tpu.dma_semaphore, #tpu.memory_space<semaphore_mem>>) src(%dma_wait3A_32 : memref<10000x128xf32, #tpu.memory_space<hbm>>) dst(%arg11 : memref<128x128xf32, #tpu.memory_space<vmem>>)
      "tpu.region"() ({
        %run_scoped3A = tpu.sem_alloc : memref<!tpu.dma_semaphore, #tpu.memory_space<semaphore_mem>>
        %dma_start3A_34 = arith.constant 0 : i32
        %dma_start3A_35 = arith.constant 0 : i32
        %dma_start3A_36 = tpu.memref_slice %arg13[%dma_start3A_34, %dma_start3A_35] : memref<10112x128xf32, #tpu.memory_space<vmem_shared>> -> memref<10112x128xf32, #tpu.memory_space<vmem_shared>>
        tpu.enqueue_indirect_dma source(%arg11 : memref<128x128xf32, #tpu.memory_space<vmem>>) target(%dma_start3A_36 : memref<10112x128xf32, #tpu.memory_space<vmem_shared>>) offsets(%arg9 : memref<128xi32, #tpu.memory_space<vmem>>) semaphore(%run_scoped3A : memref<!tpu.dma_semaphore, #tpu.memory_space<semaphore_mem>>) {add = true}
        %dma_wait3A_37 = arith.constant 0 : i32
        %dma_wait3A_38 = arith.constant 0 : i32
        %dma_wait3A_39 = tpu.memref_slice %arg13[%dma_wait3A_37, %dma_wait3A_38] : memref<10112x128xf32, #tpu.memory_space<vmem_shared>> -> memref<10112x128xf32, #tpu.memory_space<vmem_shared>>
        tpu.wait_indirect_dma semaphore(%run_scoped3A : memref<!tpu.dma_semaphore, #tpu.memory_space<semaphore_mem>>) src(%arg11 : memref<128x128xf32, #tpu.memory_space<vmem>>) dst(%dma_wait3A_39 : memref<10112x128xf32, #tpu.memory_space<vmem_shared>>)
        tpu.yield
      }) : () -> ()
      %scan3A_33 = arith.constant 0 : i32
      scf.yield %scan3A_33 : i32
    }
    %scan3A_15 = arith.constant 79 : i32
    %barrier3A_16 = arith.constant 0 : index
    tpu.barrier barrier_id(%barrier3A_16)
    %scan3A_17 = arith.constant 0 : i32
    %scan3A_18 = arith.constant 0 : i32
    %scan3A_19 = arith.constant 5 : i32
    %scan3A_20 = arith.addi %scan3A_18, %scan3A_19 : i32
    %scan3A_21 = arith.constant 1 : i32
    %scan3A_22 = scf.for %scan3A_24 = %scan3A_18 to %scan3A_20 step %scan3A_21 iter_args(%scan3A_25 = %scan3A_17) -> (i32)  : i32 {
      %mul3A_26 = arith.constant 640 : i32
      %mul3A_27 = arith.muli %arg1, %mul3A_26 : i32
      %mul3A_28 = arith.constant 128 : i32
      %mul3A_29 = arith.muli %scan3A_24, %mul3A_28 : i32
      %add3A_30 = arith.addi %mul3A_27, %mul3A_29 : i32
      %multiple_of3A = tpu.assume_multiple %add3A_30, 128 : i32
      "tpu.region"() ({
        %run_scoped3A = tpu.sem_alloc : memref<!tpu.dma_semaphore, #tpu.memory_space<semaphore_mem>>
        %dma_start3A_36 = tpu.memref_slice %arg6[%multiple_of3A] : memref<10240xi32, #tpu.memory_space<hbm>> -> memref<128xi32, #tpu.memory_space<hbm>>
        %dma_start3A_37 = tpu.memref_slice %arg6[%multiple_of3A] : memref<10240xi32, #tpu.memory_space<hbm>> -> memref<128xi32, #tpu.memory_space<hbm>>
        tpu.enqueue_dma source(%dma_start3A_37 : memref<128xi32, #tpu.memory_space<hbm>>) target(%arg10 : memref<128xi32, #tpu.memory_space<vmem>>) target_semaphore(%run_scoped3A : memref<!tpu.dma_semaphore, #tpu.memory_space<semaphore_mem>>)
        %dma_wait3A_38 = tpu.memref_slice %arg6[%multiple_of3A] : memref<10240xi32, #tpu.memory_space<hbm>> -> memref<128xi32, #tpu.memory_space<hbm>>
        %dma_wait3A_39 = tpu.memref_slice %arg6[%multiple_of3A] : memref<10240xi32, #tpu.memory_space<hbm>> -> memref<128xi32, #tpu.memory_space<hbm>>
        tpu.wait_dma2 semaphore(%run_scoped3A : memref<!tpu.dma_semaphore, #tpu.memory_space<semaphore_mem>>) src(%dma_wait3A_39 : memref<128xi32, #tpu.memory_space<hbm>>) dst(%arg10 : memref<128xi32, #tpu.memory_space<vmem>>)
        tpu.yield
      }) : () -> ()
      %dma_start3A = arith.constant 0 : i32
      %dma_start3A_31 = arith.constant 0 : i32
      %dma_start3A_32 = tpu.memref_slice %arg13[%dma_start3A, %dma_start3A_31] : memref<10112x128xf32, #tpu.memory_space<vmem_shared>> -> memref<10112x128xf32, #tpu.memory_space<vmem_shared>>
      tpu.enqueue_indirect_dma source(%dma_start3A_32 : memref<10112x128xf32, #tpu.memory_space<vmem_shared>>) target(%arg11 : memref<128x128xf32, #tpu.memory_space<vmem>>) offsets(%arg10 : memref<128xi32, #tpu.memory_space<vmem>>) semaphore(%arg12 : memref<!tpu.dma_semaphore, #tpu.memory_space<semaphore_mem>>)
      %dma_wait3A = arith.constant 0 : i32
      %dma_wait3A_33 = arith.constant 0 : i32
      %dma_wait3A_34 = tpu.memref_slice %arg13[%dma_wait3A, %dma_wait3A_33] : memref<10112x128xf32, #tpu.memory_space<vmem_shared>> -> memref<10112x128xf32, #tpu.memory_space<vmem_shared>>
      tpu.wait_indirect_dma semaphore(%arg12 : memref<!tpu.dma_semaphore, #tpu.memory_space<semaphore_mem>>) src(%dma_wait3A_34 : memref<10112x128xf32, #tpu.memory_space<vmem_shared>>) dst(%arg11 : memref<128x128xf32, #tpu.memory_space<vmem>>)
      "tpu.region"() ({
        %run_scoped3A = tpu.sem_alloc : memref<!tpu.dma_semaphore, #tpu.memory_space<semaphore_mem>>
        %dma_start3A_36 = arith.constant 0 : i32
        %dma_start3A_37 = tpu.memref_slice %arg7[%arg0, %multiple_of3A, %dma_start3A_36] : memref<2x10240x128xf32, #tpu.memory_space<hbm>> -> memref<1x128x128xf32, #tpu.memory_space<hbm>>
        %dma_start3A_38 = tpu.memref_squeeze %dma_start3A_37 : memref<1x128x128xf32, #tpu.memory_space<hbm>> -> memref<128x128xf32, #tpu.memory_space<hbm>>
        %dma_start3A_39 = arith.constant 0 : i32
        %dma_start3A_40 = tpu.memref_slice %arg7[%arg0, %multiple_of3A, %dma_start3A_39] : memref<2x10240x128xf32, #tpu.memory_space<hbm>> -> memref<1x128x128xf32, #tpu.memory_space<hbm>>
        %dma_start3A_41 = tpu.memref_squeeze %dma_start3A_40 : memref<1x128x128xf32, #tpu.memory_space<hbm>> -> memref<128x128xf32, #tpu.memory_space<hbm>>
        tpu.enqueue_dma source(%arg11 : memref<128x128xf32, #tpu.memory_space<vmem>>) target(%dma_start3A_41 : memref<128x128xf32, #tpu.memory_space<hbm>>) target_semaphore(%run_scoped3A : memref<!tpu.dma_semaphore, #tpu.memory_space<semaphore_mem>>)
        %dma_wait3A_42 = arith.constant 0 : i32
        %dma_wait3A_43 = tpu.memref_slice %arg7[%arg0, %multiple_of3A, %dma_wait3A_42] : memref<2x10240x128xf32, #tpu.memory_space<hbm>> -> memref<1x128x128xf32, #tpu.memory_space<hbm>>
        %dma_wait3A_44 = tpu.memref_squeeze %dma_wait3A_43 : memref<1x128x128xf32, #tpu.memory_space<hbm>> -> memref<128x128xf32, #tpu.memory_space<hbm>>
        %dma_wait3A_45 = arith.constant 0 : i32
        %dma_wait3A_46 = tpu.memref_slice %arg7[%arg0, %multiple_of3A, %dma_wait3A_45] : memref<2x10240x128xf32, #tpu.memory_space<hbm>> -> memref<1x128x128xf32, #tpu.memory_space<hbm>>
        %dma_wait3A_47 = tpu.memref_squeeze %dma_wait3A_46 : memref<1x128x128xf32, #tpu.memory_space<hbm>> -> memref<128x128xf32, #tpu.memory_space<hbm>>
        tpu.wait_dma2 semaphore(%run_scoped3A : memref<!tpu.dma_semaphore, #tpu.memory_space<semaphore_mem>>) src(%arg11 : memref<128x128xf32, #tpu.memory_space<vmem>>) dst(%dma_wait3A_47 : memref<128x128xf32, #tpu.memory_space<hbm>>)
        tpu.yield
      }) : () -> ()
      %scan3A_35 = arith.constant 0 : i32
      scf.yield %scan3A_35 : i32
    }
    %scan3A_23 = arith.constant 5 : i32
    return
  }
}

#map = affine_map<(d0, d1) -> (0, 0)>
#map1 = affine_map<(d0, d1) -> (0)>
module attributes {stable_mosaic.version = 14 : i64} {
  func.func @_k3_body(%arg0: i32, %arg1: i32, %arg2: memref<10000x128xf32, #tpu.memory_space<hbm>>, %arg3: memref<323584xi32, #tpu.memory_space<hbm>>, %arg4: memref<323584xi32, #tpu.memory_space<hbm>>, %arg5: memref<20224x16xf32, #tpu.memory_space<hbm>>, %arg6: memref<128xi32, #tpu.memory_space<vmem>>, %arg7: memref<128xi32, #tpu.memory_space<vmem>>, %arg8: memref<128x128xf32, #tpu.memory_space<vmem>>, %arg9: memref<128x128xf32, #tpu.memory_space<vmem>>, %arg10: memref<8x16xf32, #tpu.memory_space<vmem>>, %arg11: memref<!tpu.dma_semaphore, #tpu.memory_space<semaphore_mem>>, %arg12: memref<!tpu.dma_semaphore, #tpu.memory_space<semaphore_mem>>) attributes {dimension_semantics = [#tpu.dimension_semantics<core_parallel>, #tpu.dimension_semantics<subcore_parallel>], iteration_bounds = array<i64: 2, 16>, scalar_prefetch = 0 : i64, scratch_operands = 7 : i64, tpu.core_type = #tpu.core_type<sc_vector_subcore>, window_params = [{transform_indices = #map}, {transform_indices = #map1}, {transform_indices = #map1}, {transform_indices = #map}]} {
    %mul3A = arith.constant 16 : i32
    %mul3A_0 = arith.muli %arg0, %mul3A : i32
    %add3A = arith.addi %mul3A_0, %arg1 : i32
    %mul3A_1 = arith.constant 10112 : i32
    %mul3A_2 = arith.muli %add3A, %mul3A_1 : i32
    %iota3A = tpu.iota {dimensions = array<i32: 0>} : vector<16xi32>
    %add3A_3 = arith.constant 8 : i32
    %add3A_4 = vector.broadcast %add3A_3 : i32 to vector<16xi32>
    %add3A_5 = arith.addi %iota3A, %add3A_4 : vector<16xi32>
    %rem3A = arith.constant 16 : i32
    %rem3A_6 = vector.broadcast %rem3A : i32 to vector<16xi32>
    %rem3A_7 = arith.remsi %add3A_5, %rem3A_6 : vector<16xi32>
    %add3A_8 = arith.constant 4 : i32
    %add3A_9 = vector.broadcast %add3A_8 : i32 to vector<16xi32>
    %add3A_10 = arith.addi %iota3A, %add3A_9 : vector<16xi32>
    %rem3A_11 = arith.constant 16 : i32
    %rem3A_12 = vector.broadcast %rem3A_11 : i32 to vector<16xi32>
    %rem3A_13 = arith.remsi %add3A_10, %rem3A_12 : vector<16xi32>
    %add3A_14 = arith.constant 2 : i32
    %add3A_15 = vector.broadcast %add3A_14 : i32 to vector<16xi32>
    %add3A_16 = arith.addi %iota3A, %add3A_15 : vector<16xi32>
    %rem3A_17 = arith.constant 16 : i32
    %rem3A_18 = vector.broadcast %rem3A_17 : i32 to vector<16xi32>
    %rem3A_19 = arith.remsi %add3A_16, %rem3A_18 : vector<16xi32>
    %add3A_20 = arith.constant 1 : i32
    %add3A_21 = vector.broadcast %add3A_20 : i32 to vector<16xi32>
    %add3A_22 = arith.addi %iota3A, %add3A_21 : vector<16xi32>
    %rem3A_23 = arith.constant 16 : i32
    %rem3A_24 = vector.broadcast %rem3A_23 : i32 to vector<16xi32>
    %rem3A_25 = arith.remsi %add3A_22, %rem3A_24 : vector<16xi32>
    %scan3A = arith.constant 0 : i32
    %scan3A_26 = arith.constant 0 : i32
    %scan3A_27 = arith.constant 79 : i32
    %scan3A_28 = arith.addi %scan3A_26, %scan3A_27 : i32
    %scan3A_29 = arith.constant 1 : i32
    %scan3A_30 = scf.for %scan3A_32 = %scan3A_26 to %scan3A_28 step %scan3A_29 iter_args(%scan3A_33 = %scan3A) -> (i32)  : i32 {
      %mul3A_34 = arith.constant 128 : i32
      %mul3A_35 = arith.muli %scan3A_32, %mul3A_34 : i32
      %add3A_36 = arith.addi %mul3A_2, %mul3A_35 : i32
      %multiple_of3A = tpu.assume_multiple %add3A_36, 128 : i32
      "tpu.region"() ({
        %run_scoped3A = tpu.sem_alloc : memref<!tpu.dma_semaphore, #tpu.memory_space<semaphore_mem>>
        %dma_start3A_76 = tpu.memref_slice %arg3[%multiple_of3A] : memref<323584xi32, #tpu.memory_space<hbm>> -> memref<128xi32, #tpu.memory_space<hbm>>
        %dma_start3A_77 = tpu.memref_slice %arg3[%multiple_of3A] : memref<323584xi32, #tpu.memory_space<hbm>> -> memref<128xi32, #tpu.memory_space<hbm>>
        tpu.enqueue_dma source(%dma_start3A_77 : memref<128xi32, #tpu.memory_space<hbm>>) target(%arg6 : memref<128xi32, #tpu.memory_space<vmem>>) target_semaphore(%run_scoped3A : memref<!tpu.dma_semaphore, #tpu.memory_space<semaphore_mem>>)
        %dma_wait3A_78 = tpu.memref_slice %arg3[%multiple_of3A] : memref<323584xi32, #tpu.memory_space<hbm>> -> memref<128xi32, #tpu.memory_space<hbm>>
        %dma_wait3A_79 = tpu.memref_slice %arg3[%multiple_of3A] : memref<323584xi32, #tpu.memory_space<hbm>> -> memref<128xi32, #tpu.memory_space<hbm>>
        tpu.wait_dma2 semaphore(%run_scoped3A : memref<!tpu.dma_semaphore, #tpu.memory_space<semaphore_mem>>) src(%dma_wait3A_79 : memref<128xi32, #tpu.memory_space<hbm>>) dst(%arg6 : memref<128xi32, #tpu.memory_space<vmem>>)
        tpu.yield
      }) : () -> ()
      "tpu.region"() ({
        %run_scoped3A = tpu.sem_alloc : memref<!tpu.dma_semaphore, #tpu.memory_space<semaphore_mem>>
        %dma_start3A_76 = tpu.memref_slice %arg4[%multiple_of3A] : memref<323584xi32, #tpu.memory_space<hbm>> -> memref<128xi32, #tpu.memory_space<hbm>>
        %dma_start3A_77 = tpu.memref_slice %arg4[%multiple_of3A] : memref<323584xi32, #tpu.memory_space<hbm>> -> memref<128xi32, #tpu.memory_space<hbm>>
        tpu.enqueue_dma source(%dma_start3A_77 : memref<128xi32, #tpu.memory_space<hbm>>) target(%arg7 : memref<128xi32, #tpu.memory_space<vmem>>) target_semaphore(%run_scoped3A : memref<!tpu.dma_semaphore, #tpu.memory_space<semaphore_mem>>)
        %dma_wait3A_78 = tpu.memref_slice %arg4[%multiple_of3A] : memref<323584xi32, #tpu.memory_space<hbm>> -> memref<128xi32, #tpu.memory_space<hbm>>
        %dma_wait3A_79 = tpu.memref_slice %arg4[%multiple_of3A] : memref<323584xi32, #tpu.memory_space<hbm>> -> memref<128xi32, #tpu.memory_space<hbm>>
        tpu.wait_dma2 semaphore(%run_scoped3A : memref<!tpu.dma_semaphore, #tpu.memory_space<semaphore_mem>>) src(%dma_wait3A_79 : memref<128xi32, #tpu.memory_space<hbm>>) dst(%arg7 : memref<128xi32, #tpu.memory_space<vmem>>)
        tpu.yield
      }) : () -> ()
      %dma_start3A = arith.constant 0 : i32
      %dma_start3A_37 = arith.constant 0 : i32
      %dma_start3A_38 = tpu.memref_slice %arg2[%dma_start3A, %dma_start3A_37] : memref<10000x128xf32, #tpu.memory_space<hbm>> -> memref<10000x128xf32, #tpu.memory_space<hbm>>
      tpu.enqueue_indirect_dma source(%dma_start3A_38 : memref<10000x128xf32, #tpu.memory_space<hbm>>) target(%arg8 : memref<128x128xf32, #tpu.memory_space<vmem>>) offsets(%arg6 : memref<128xi32, #tpu.memory_space<vmem>>) semaphore(%arg11 : memref<!tpu.dma_semaphore, #tpu.memory_space<semaphore_mem>>)
      %dma_start3A_39 = arith.constant 0 : i32
      %dma_start3A_40 = arith.constant 0 : i32
      %dma_start3A_41 = tpu.memref_slice %arg2[%dma_start3A_39, %dma_start3A_40] : memref<10000x128xf32, #tpu.memory_space<hbm>> -> memref<10000x128xf32, #tpu.memory_space<hbm>>
      tpu.enqueue_indirect_dma source(%dma_start3A_41 : memref<10000x128xf32, #tpu.memory_space<hbm>>) target(%arg9 : memref<128x128xf32, #tpu.memory_space<vmem>>) offsets(%arg7 : memref<128xi32, #tpu.memory_space<vmem>>) semaphore(%arg12 : memref<!tpu.dma_semaphore, #tpu.memory_space<semaphore_mem>>)
      %dma_wait3A = arith.constant 0 : i32
      %dma_wait3A_42 = arith.constant 0 : i32
      %dma_wait3A_43 = tpu.memref_slice %arg2[%dma_wait3A, %dma_wait3A_42] : memref<10000x128xf32, #tpu.memory_space<hbm>> -> memref<10000x128xf32, #tpu.memory_space<hbm>>
      tpu.wait_indirect_dma semaphore(%arg11 : memref<!tpu.dma_semaphore, #tpu.memory_space<semaphore_mem>>) src(%dma_wait3A_43 : memref<10000x128xf32, #tpu.memory_space<hbm>>) dst(%arg8 : memref<128x128xf32, #tpu.memory_space<vmem>>)
      %dma_wait3A_44 = arith.constant 0 : i32
      %dma_wait3A_45 = arith.constant 0 : i32
      %dma_wait3A_46 = tpu.memref_slice %arg2[%dma_wait3A_44, %dma_wait3A_45] : memref<10000x128xf32, #tpu.memory_space<hbm>> -> memref<10000x128xf32, #tpu.memory_space<hbm>>
      tpu.wait_indirect_dma semaphore(%arg12 : memref<!tpu.dma_semaphore, #tpu.memory_space<semaphore_mem>>) src(%dma_wait3A_46 : memref<10000x128xf32, #tpu.memory_space<hbm>>) dst(%arg9 : memref<128x128xf32, #tpu.memory_space<vmem>>)
      %scan3A_47 = arith.constant 0 : i32
      %scan3A_48 = arith.constant 0 : i32
      %scan3A_49 = arith.constant 8 : i32
      %scan3A_50 = arith.addi %scan3A_48, %scan3A_49 : i32
      %scan3A_51 = arith.constant 1 : i32
      %scan3A_52 = scf.for %scan3A_76 = %scan3A_48 to %scan3A_50 step %scan3A_51 iter_args(%scan3A_77 = %scan3A_47) -> (i32)  : i32 {
        %convert_element_type3A = arith.sitofp %iota3A : vector<16xi32> to vector<16xf32>
        %mul3A_78 = arith.constant 0.000000e+00 : f32
        %mul3A_79 = vector.broadcast %mul3A_78 : f32 to vector<16xf32>
        %mul3A_80 = arith.mulf %convert_element_type3A, %mul3A_79 : vector<16xf32>
        %mul3A_81 = arith.constant 16 : i32
        %mul3A_82 = arith.muli %scan3A_76, %mul3A_81 : i32
        %add3A_83 = arith.constant 0 : i32
        %add3A_84 = arith.addi %mul3A_82, %add3A_83 : i32
        %get3A = arith.index_cast %add3A_84 : i32 to index
        %get3A_85 = arith.constant 0 : index
        %get3A_86 = tpu.vector_load %arg8[%get3A, %get3A_85] {strides = array<i32>} : memref<128x128xf32, #tpu.memory_space<vmem>>, vector<1x16xf32>,
        %get3A_87 = vector.shape_cast %get3A_86 : vector<1x16xf32> to vector<16xf32>
        %get3A_88 = arith.index_cast %add3A_84 : i32 to index
        %get3A_89 = arith.constant 0 : index
        %get3A_90 = tpu.vector_load %arg9[%get3A_88, %get3A_89] {strides = array<i32>} : memref<128x128xf32, #tpu.memory_space<vmem>>, vector<1x16xf32>,
        %get3A_91 = vector.shape_cast %get3A_90 : vector<1x16xf32> to vector<16xf32>
        %mul3A_92 = arith.mulf %get3A_87, %get3A_91 : vector<16xf32>
        %get3A_93 = arith.index_cast %add3A_84 : i32 to index
        %get3A_94 = arith.constant 16 : index
        %get3A_95 = tpu.vector_load %arg8[%get3A_93, %get3A_94] {strides = array<i32>} : memref<128x128xf32, #tpu.memory_space<vmem>>, vector<1x16xf32>,
        %get3A_96 = vector.shape_cast %get3A_95 : vector<1x16xf32> to vector<16xf32>
        %get3A_97 = arith.index_cast %add3A_84 : i32 to index
        %get3A_98 = arith.constant 16 : index
        %get3A_99 = tpu.vector_load %arg9[%get3A_97, %get3A_98] {strides = array<i32>} : memref<128x128xf32, #tpu.memory_space<vmem>>, vector<1x16xf32>,
        %get3A_100 = vector.shape_cast %get3A_99 : vector<1x16xf32> to vector<16xf32>
        %mul3A_101 = arith.mulf %get3A_96, %get3A_100 : vector<16xf32>
        %add3A_102 = arith.addf %mul3A_92, %mul3A_101 : vector<16xf32>
        %get3A_103 = arith.index_cast %add3A_84 : i32 to index
        %get3A_104 = arith.constant 32 : index
        %get3A_105 = tpu.vector_load %arg8[%get3A_103, %get3A_104] {strides = array<i32>} : memref<128x128xf32, #tpu.memory_space<vmem>>, vector<1x16xf32>,
        %get3A_106 = vector.shape_cast %get3A_105 : vector<1x16xf32> to vector<16xf32>
        %get3A_107 = arith.index_cast %add3A_84 : i32 to index
        %get3A_108 = arith.constant 32 : index
        %get3A_109 = tpu.vector_load %arg9[%get3A_107, %get3A_108] {strides = array<i32>} : memref<128x128xf32, #tpu.memory_space<vmem>>, vector<1x16xf32>,
        %get3A_110 = vector.shape_cast %get3A_109 : vector<1x16xf32> to vector<16xf32>
        %mul3A_111 = arith.mulf %get3A_106, %get3A_110 : vector<16xf32>
        %add3A_112 = arith.addf %add3A_102, %mul3A_111 : vector<16xf32>
        %get3A_113 = arith.index_cast %add3A_84 : i32 to index
        %get3A_114 = arith.constant 48 : index
        %get3A_115 = tpu.vector_load %arg8[%get3A_113, %get3A_114] {strides = array<i32>} : memref<128x128xf32, #tpu.memory_space<vmem>>, vector<1x16xf32>,
        %get3A_116 = vector.shape_cast %get3A_115 : vector<1x16xf32> to vector<16xf32>
        %get3A_117 = arith.index_cast %add3A_84 : i32 to index
        %get3A_118 = arith.constant 48 : index
        %get3A_119 = tpu.vector_load %arg9[%get3A_117, %get3A_118] {strides = array<i32>} : memref<128x128xf32, #tpu.memory_space<vmem>>, vector<1x16xf32>,
        %get3A_120 = vector.shape_cast %get3A_119 : vector<1x16xf32> to vector<16xf32>
        %mul3A_121 = arith.mulf %get3A_116, %get3A_120 : vector<16xf32>
        %add3A_122 = arith.addf %add3A_112, %mul3A_121 : vector<16xf32>
        %get3A_123 = arith.index_cast %add3A_84 : i32 to index
        %get3A_124 = arith.constant 64 : index
        %get3A_125 = tpu.vector_load %arg8[%get3A_123, %get3A_124] {strides = array<i32>} : memref<128x128xf32, #tpu.memory_space<vmem>>, vector<1x16xf32>,
        %get3A_126 = vector.shape_cast %get3A_125 : vector<1x16xf32> to vector<16xf32>
        %get3A_127 = arith.index_cast %add3A_84 : i32 to index
        %get3A_128 = arith.constant 64 : index
        %get3A_129 = tpu.vector_load %arg9[%get3A_127, %get3A_128] {strides = array<i32>} : memref<128x128xf32, #tpu.memory_space<vmem>>, vector<1x16xf32>,
        %get3A_130 = vector.shape_cast %get3A_129 : vector<1x16xf32> to vector<16xf32>
        %mul3A_131 = arith.mulf %get3A_126, %get3A_130 : vector<16xf32>
        %add3A_132 = arith.addf %add3A_122, %mul3A_131 : vector<16xf32>
        %get3A_133 = arith.index_cast %add3A_84 : i32 to index
        %get3A_134 = arith.constant 80 : index
        %get3A_135 = tpu.vector_load %arg8[%get3A_133, %get3A_134] {strides = array<i32>} : memref<128x128xf32, #tpu.memory_space<vmem>>, vector<1x16xf32>,
        %get3A_136 = vector.shape_cast %get3A_135 : vector<1x16xf32> to vector<16xf32>
        %get3A_137 = arith.index_cast %add3A_84 : i32 to index
        %get3A_138 = arith.constant 80 : index
        %get3A_139 = tpu.vector_load %arg9[%get3A_137, %get3A_138] {strides = array<i32>} : memref<128x128xf32, #tpu.memory_space<vmem>>, vector<1x16xf32>,
        %get3A_140 = vector.shape_cast %get3A_139 : vector<1x16xf32> to vector<16xf32>
        %mul3A_141 = arith.mulf %get3A_136, %get3A_140 : vector<16xf32>
        %add3A_142 = arith.addf %add3A_132, %mul3A_141 : vector<16xf32>
        %get3A_143 = arith.index_cast %add3A_84 : i32 to index
        %get3A_144 = arith.constant 96 : index
        %get3A_145 = tpu.vector_load %arg8[%get3A_143, %get3A_144] {strides = array<i32>} : memref<128x128xf32, #tpu.memory_space<vmem>>, vector<1x16xf32>,
        %get3A_146 = vector.shape_cast %get3A_145 : vector<1x16xf32> to vector<16xf32>
        %get3A_147 = arith.index_cast %add3A_84 : i32 to index
        %get3A_148 = arith.constant 96 : index
        %get3A_149 = tpu.vector_load %arg9[%get3A_147, %get3A_148] {strides = array<i32>} : memref<128x128xf32, #tpu.memory_space<vmem>>, vector<1x16xf32>,
        %get3A_150 = vector.shape_cast %get3A_149 : vector<1x16xf32> to vector<16xf32>
        %mul3A_151 = arith.mulf %get3A_146, %get3A_150 : vector<16xf32>
        %add3A_152 = arith.addf %add3A_142, %mul3A_151 : vector<16xf32>
        %get3A_153 = arith.index_cast %add3A_84 : i32 to index
        %get3A_154 = arith.constant 112 : index
        %get3A_155 = tpu.vector_load %arg8[%get3A_153, %get3A_154] {strides = array<i32>} : memref<128x128xf32, #tpu.memory_space<vmem>>, vector<1x16xf32>,
        %get3A_156 = vector.shape_cast %get3A_155 : vector<1x16xf32> to vector<16xf32>
        %get3A_157 = arith.index_cast %add3A_84 : i32 to index
        %get3A_158 = arith.constant 112 : index
        %get3A_159 = tpu.vector_load %arg9[%get3A_157, %get3A_158] {strides = array<i32>} : memref<128x128xf32, #tpu.memory_space<vmem>>, vector<1x16xf32>,
        %get3A_160 = vector.shape_cast %get3A_159 : vector<1x16xf32> to vector<16xf32>
        %mul3A_161 = arith.mulf %get3A_156, %get3A_160 : vector<16xf32>
        %add3A_162 = arith.addf %add3A_152, %mul3A_161 : vector<16xf32>
        %broadcast_in_dim3A = vector.shape_cast %rem3A_7 : vector<16xi32> to vector<16x1xi32>
        %gather3A = vector.shape_cast %broadcast_in_dim3A : vector<16x1xi32> to vector<16xi32>
        %gather3A_163 = tpu.dynamic_gather %add3A_162[%gather3A] in [0] : vector<16xf32>, vector<16xi32> -> vector<16xf32>
        %add3A_164 = arith.addf %add3A_162, %gather3A_163 : vector<16xf32>
        %broadcast_in_dim3A_165 = vector.shape_cast %rem3A_13 : vector<16xi32> to vector<16x1xi32>
        %gather3A_166 = vector.shape_cast %broadcast_in_dim3A_165 : vector<16x1xi32> to vector<16xi32>
        %gather3A_167 = tpu.dynamic_gather %add3A_164[%gather3A_166] in [0] : vector<16xf32>, vector<16xi32> -> vector<16xf32>
        %add3A_168 = arith.addf %add3A_164, %gather3A_167 : vector<16xf32>
        %broadcast_in_dim3A_169 = vector.shape_cast %rem3A_19 : vector<16xi32> to vector<16x1xi32>
        %gather3A_170 = vector.shape_cast %broadcast_in_dim3A_169 : vector<16x1xi32> to vector<16xi32>
        %gather3A_171 = tpu.dynamic_gather %add3A_168[%gather3A_170] in [0] : vector<16xf32>, vector<16xi32> -> vector<16xf32>
        %add3A_172 = arith.addf %add3A_168, %gather3A_171 : vector<16xf32>
        %broadcast_in_dim3A_173 = vector.shape_cast %rem3A_25 : vector<16xi32> to vector<16x1xi32>
        %gather3A_174 = vector.shape_cast %broadcast_in_dim3A_173 : vector<16x1xi32> to vector<16xi32>
        %gather3A_175 = tpu.dynamic_gather %add3A_172[%gather3A_174] in [0] : vector<16xf32>, vector<16xi32> -> vector<16xf32>
        %add3A_176 = arith.addf %add3A_172, %gather3A_175 : vector<16xf32>
        %eq3A = arith.constant 0 : i32
        %eq3A_177 = vector.broadcast %eq3A : i32 to vector<16xi32>
        %eq3A_178 = arith.cmpi eq, %iota3A, %eq3A_177 : vector<16xi32>
        %select_n3A_179 = arith.select %eq3A_178, %add3A_176, %mul3A_80 : vector<16xi1>, vector<16xf32>
        %mul3A_180 = arith.constant 16 : i32
        %mul3A_181 = arith.muli %scan3A_76, %mul3A_180 : i32
        %add3A_182 = arith.constant 1 : i32
        %add3A_183 = arith.addi %mul3A_181, %add3A_182 : i32
        %get3A_184 = arith.index_cast %add3A_183 : i32 to index
        %get3A_185 = arith.constant 0 : index
        %get3A_186 = tpu.vector_load %arg8[%get3A_184, %get3A_185] {strides = array<i32>} : memref<128x128xf32, #tpu.memory_space<vmem>>, vector<1x16xf32>,
        %get3A_187 = vector.shape_cast %get3A_186 : vector<1x16xf32> to vector<16xf32>
        %get3A_188 = arith.index_cast %add3A_183 : i32 to index
        %get3A_189 = arith.constant 0 : index
        %get3A_190 = tpu.vector_load %arg9[%get3A_188, %get3A_189] {strides = array<i32>} : memref<128x128xf32, #tpu.memory_space<vmem>>, vector<1x16xf32>,
        %get3A_191 = vector.shape_cast %get3A_190 : vector<1x16xf32> to vector<16xf32>
        %mul3A_192 = arith.mulf %get3A_187, %get3A_191 : vector<16xf32>
        %get3A_193 = arith.index_cast %add3A_183 : i32 to index
        %get3A_194 = arith.constant 16 : index
        %get3A_195 = tpu.vector_load %arg8[%get3A_193, %get3A_194] {strides = array<i32>} : memref<128x128xf32, #tpu.memory_space<vmem>>, vector<1x16xf32>,
        %get3A_196 = vector.shape_cast %get3A_195 : vector<1x16xf32> to vector<16xf32>
        %get3A_197 = arith.index_cast %add3A_183 : i32 to index
        %get3A_198 = arith.constant 16 : index
        %get3A_199 = tpu.vector_load %arg9[%get3A_197, %get3A_198] {strides = array<i32>} : memref<128x128xf32, #tpu.memory_space<vmem>>, vector<1x16xf32>,
        %get3A_200 = vector.shape_cast %get3A_199 : vector<1x16xf32> to vector<16xf32>
        %mul3A_201 = arith.mulf %get3A_196, %get3A_200 : vector<16xf32>
        %add3A_202 = arith.addf %mul3A_192, %mul3A_201 : vector<16xf32>
        %get3A_203 = arith.index_cast %add3A_183 : i32 to index
        %get3A_204 = arith.constant 32 : index
        %get3A_205 = tpu.vector_load %arg8[%get3A_203, %get3A_204] {strides = array<i32>} : memref<128x128xf32, #tpu.memory_space<vmem>>, vector<1x16xf32>,
        %get3A_206 = vector.shape_cast %get3A_205 : vector<1x16xf32> to vector<16xf32>
        %get3A_207 = arith.index_cast %add3A_183 : i32 to index
        %get3A_208 = arith.constant 32 : index
        %get3A_209 = tpu.vector_load %arg9[%get3A_207, %get3A_208] {strides = array<i32>} : memref<128x128xf32, #tpu.memory_space<vmem>>, vector<1x16xf32>,
        %get3A_210 = vector.shape_cast %get3A_209 : vector<1x16xf32> to vector<16xf32>
        %mul3A_211 = arith.mulf %get3A_206, %get3A_210 : vector<16xf32>
        %add3A_212 = arith.addf %add3A_202, %mul3A_211 : vector<16xf32>
        %get3A_213 = arith.index_cast %add3A_183 : i32 to index
        %get3A_214 = arith.constant 48 : index
        %get3A_215 = tpu.vector_load %arg8[%get3A_213, %get3A_214] {strides = array<i32>} : memref<128x128xf32, #tpu.memory_space<vmem>>, vector<1x16xf32>,
        %get3A_216 = vector.shape_cast %get3A_215 : vector<1x16xf32> to vector<16xf32>
        %get3A_217 = arith.index_cast %add3A_183 : i32 to index
        %get3A_218 = arith.constant 48 : index
        %get3A_219 = tpu.vector_load %arg9[%get3A_217, %get3A_218] {strides = array<i32>} : memref<128x128xf32, #tpu.memory_space<vmem>>, vector<1x16xf32>,
        %get3A_220 = vector.shape_cast %get3A_219 : vector<1x16xf32> to vector<16xf32>
        %mul3A_221 = arith.mulf %get3A_216, %get3A_220 : vector<16xf32>
        %add3A_222 = arith.addf %add3A_212, %mul3A_221 : vector<16xf32>
        %get3A_223 = arith.index_cast %add3A_183 : i32 to index
        %get3A_224 = arith.constant 64 : index
        %get3A_225 = tpu.vector_load %arg8[%get3A_223, %get3A_224] {strides = array<i32>} : memref<128x128xf32, #tpu.memory_space<vmem>>, vector<1x16xf32>,
        %get3A_226 = vector.shape_cast %get3A_225 : vector<1x16xf32> to vector<16xf32>
        %get3A_227 = arith.index_cast %add3A_183 : i32 to index
        %get3A_228 = arith.constant 64 : index
        %get3A_229 = tpu.vector_load %arg9[%get3A_227, %get3A_228] {strides = array<i32>} : memref<128x128xf32, #tpu.memory_space<vmem>>, vector<1x16xf32>,
        %get3A_230 = vector.shape_cast %get3A_229 : vector<1x16xf32> to vector<16xf32>
        %mul3A_231 = arith.mulf %get3A_226, %get3A_230 : vector<16xf32>
        %add3A_232 = arith.addf %add3A_222, %mul3A_231 : vector<16xf32>
        %get3A_233 = arith.index_cast %add3A_183 : i32 to index
        %get3A_234 = arith.constant 80 : index
        %get3A_235 = tpu.vector_load %arg8[%get3A_233, %get3A_234] {strides = array<i32>} : memref<128x128xf32, #tpu.memory_space<vmem>>, vector<1x16xf32>,
        %get3A_236 = vector.shape_cast %get3A_235 : vector<1x16xf32> to vector<16xf32>
        %get3A_237 = arith.index_cast %add3A_183 : i32 to index
        %get3A_238 = arith.constant 80 : index
        %get3A_239 = tpu.vector_load %arg9[%get3A_237, %get3A_238] {strides = array<i32>} : memref<128x128xf32, #tpu.memory_space<vmem>>, vector<1x16xf32>,
        %get3A_240 = vector.shape_cast %get3A_239 : vector<1x16xf32> to vector<16xf32>
        %mul3A_241 = arith.mulf %get3A_236, %get3A_240 : vector<16xf32>
        %add3A_242 = arith.addf %add3A_232, %mul3A_241 : vector<16xf32>
        %get3A_243 = arith.index_cast %add3A_183 : i32 to index
        %get3A_244 = arith.constant 96 : index
        %get3A_245 = tpu.vector_load %arg8[%get3A_243, %get3A_244] {strides = array<i32>} : memref<128x128xf32, #tpu.memory_space<vmem>>, vector<1x16xf32>,
        %get3A_246 = vector.shape_cast %get3A_245 : vector<1x16xf32> to vector<16xf32>
        %get3A_247 = arith.index_cast %add3A_183 : i32 to index
        %get3A_248 = arith.constant 96 : index
        %get3A_249 = tpu.vector_load %arg9[%get3A_247, %get3A_248] {strides = array<i32>} : memref<128x128xf32, #tpu.memory_space<vmem>>, vector<1x16xf32>,
        %get3A_250 = vector.shape_cast %get3A_249 : vector<1x16xf32> to vector<16xf32>
        %mul3A_251 = arith.mulf %get3A_246, %get3A_250 : vector<16xf32>
        %add3A_252 = arith.addf %add3A_242, %mul3A_251 : vector<16xf32>
        %get3A_253 = arith.index_cast %add3A_183 : i32 to index
        %get3A_254 = arith.constant 112 : index
        %get3A_255 = tpu.vector_load %arg8[%get3A_253, %get3A_254] {strides = array<i32>} : memref<128x128xf32, #tpu.memory_space<vmem>>, vector<1x16xf32>,
        %get3A_256 = vector.shape_cast %get3A_255 : vector<1x16xf32> to vector<16xf32>
        %get3A_257 = arith.index_cast %add3A_183 : i32 to index
        %get3A_258 = arith.constant 112 : index
        %get3A_259 = tpu.vector_load %arg9[%get3A_257, %get3A_258] {strides = array<i32>} : memref<128x128xf32, #tpu.memory_space<vmem>>, vector<1x16xf32>,
        %get3A_260 = vector.shape_cast %get3A_259 : vector<1x16xf32> to vector<16xf32>
        %mul3A_261 = arith.mulf %get3A_256, %get3A_260 : vector<16xf32>
        %add3A_262 = arith.addf %add3A_252, %mul3A_261 : vector<16xf32>
        %broadcast_in_dim3A_263 = vector.shape_cast %rem3A_7 : vector<16xi32> to vector<16x1xi32>
        %gather3A_264 = vector.shape_cast %broadcast_in_dim3A_263 : vector<16x1xi32> to vector<16xi32>
        %gather3A_265 = tpu.dynamic_gather %add3A_262[%gather3A_264] in [0] : vector<16xf32>, vector<16xi32> -> vector<16xf32>
        %add3A_266 = arith.addf %add3A_262, %gather3A_265 : vector<16xf32>
        %broadcast_in_dim3A_267 = vector.shape_cast %rem3A_13 : vector<16xi32> to vector<16x1xi32>
        %gather3A_268 = vector.shape_cast %broadcast_in_dim3A_267 : vector<16x1xi32> to vector<16xi32>
        %gather3A_269 = tpu.dynamic_gather %add3A_266[%gather3A_268] in [0] : vector<16xf32>, vector<16xi32> -> vector<16xf32>
        %add3A_270 = arith.addf %add3A_266, %gather3A_269 : vector<16xf32>
        %broadcast_in_dim3A_271 = vector.shape_cast %rem3A_19 : vector<16xi32> to vector<16x1xi32>
        %gather3A_272 = vector.shape_cast %broadcast_in_dim3A_271 : vector<16x1xi32> to vector<16xi32>
        %gather3A_273 = tpu.dynamic_gather %add3A_270[%gather3A_272] in [0] : vector<16xf32>, vector<16xi32> -> vector<16xf32>
        %add3A_274 = arith.addf %add3A_270, %gather3A_273 : vector<16xf32>
        %broadcast_in_dim3A_275 = vector.shape_cast %rem3A_25 : vector<16xi32> to vector<16x1xi32>
        %gather3A_276 = vector.shape_cast %broadcast_in_dim3A_275 : vector<16x1xi32> to vector<16xi32>
        %gather3A_277 = tpu.dynamic_gather %add3A_274[%gather3A_276] in [0] : vector<16xf32>, vector<16xi32> -> vector<16xf32>
        %add3A_278 = arith.addf %add3A_274, %gather3A_277 : vector<16xf32>
        %eq3A_279 = arith.constant 1 : i32
        %eq3A_280 = vector.broadcast %eq3A_279 : i32 to vector<16xi32>
        %eq3A_281 = arith.cmpi eq, %iota3A, %eq3A_280 : vector<16xi32>
        %select_n3A_282 = arith.select %eq3A_281, %add3A_278, %select_n3A_179 : vector<16xi1>, vector<16xf32>
        %mul3A_283 = arith.constant 16 : i32
        %mul3A_284 = arith.muli %scan3A_76, %mul3A_283 : i32
        %add3A_285 = arith.constant 2 : i32
        %add3A_286 = arith.addi %mul3A_284, %add3A_285 : i32
        %get3A_287 = arith.index_cast %add3A_286 : i32 to index
        %get3A_288 = arith.constant 0 : index
        %get3A_289 = tpu.vector_load %arg8[%get3A_287, %get3A_288] {strides = array<i32>} : memref<128x128xf32, #tpu.memory_space<vmem>>, vector<1x16xf32>,
        %get3A_290 = vector.shape_cast %get3A_289 : vector<1x16xf32> to vector<16xf32>
        %get3A_291 = arith.index_cast %add3A_286 : i32 to index
        %get3A_292 = arith.constant 0 : index
        %get3A_293 = tpu.vector_load %arg9[%get3A_291, %get3A_292] {strides = array<i32>} : memref<128x128xf32, #tpu.memory_space<vmem>>, vector<1x16xf32>,
        %get3A_294 = vector.shape_cast %get3A_293 : vector<1x16xf32> to vector<16xf32>
        %mul3A_295 = arith.mulf %get3A_290, %get3A_294 : vector<16xf32>
        %get3A_296 = arith.index_cast %add3A_286 : i32 to index
        %get3A_297 = arith.constant 16 : index
        %get3A_298 = tpu.vector_load %arg8[%get3A_296, %get3A_297] {strides = array<i32>} : memref<128x128xf32, #tpu.memory_space<vmem>>, vector<1x16xf32>,
        %get3A_299 = vector.shape_cast %get3A_298 : vector<1x16xf32> to vector<16xf32>
        %get3A_300 = arith.index_cast %add3A_286 : i32 to index
        %get3A_301 = arith.constant 16 : index
        %get3A_302 = tpu.vector_load %arg9[%get3A_300, %get3A_301] {strides = array<i32>} : memref<128x128xf32, #tpu.memory_space<vmem>>, vector<1x16xf32>,
        %get3A_303 = vector.shape_cast %get3A_302 : vector<1x16xf32> to vector<16xf32>
        %mul3A_304 = arith.mulf %get3A_299, %get3A_303 : vector<16xf32>
        %add3A_305 = arith.addf %mul3A_295, %mul3A_304 : vector<16xf32>
        %get3A_306 = arith.index_cast %add3A_286 : i32 to index
        %get3A_307 = arith.constant 32 : index
        %get3A_308 = tpu.vector_load %arg8[%get3A_306, %get3A_307] {strides = array<i32>} : memref<128x128xf32, #tpu.memory_space<vmem>>, vector<1x16xf32>,
        %get3A_309 = vector.shape_cast %get3A_308 : vector<1x16xf32> to vector<16xf32>
        %get3A_310 = arith.index_cast %add3A_286 : i32 to index
        %get3A_311 = arith.constant 32 : index
        %get3A_312 = tpu.vector_load %arg9[%get3A_310, %get3A_311] {strides = array<i32>} : memref<128x128xf32, #tpu.memory_space<vmem>>, vector<1x16xf32>,
        %get3A_313 = vector.shape_cast %get3A_312 : vector<1x16xf32> to vector<16xf32>
        %mul3A_314 = arith.mulf %get3A_309, %get3A_313 : vector<16xf32>
        %add3A_315 = arith.addf %add3A_305, %mul3A_314 : vector<16xf32>
        %get3A_316 = arith.index_cast %add3A_286 : i32 to index
        %get3A_317 = arith.constant 48 : index
        %get3A_318 = tpu.vector_load %arg8[%get3A_316, %get3A_317] {strides = array<i32>} : memref<128x128xf32, #tpu.memory_space<vmem>>, vector<1x16xf32>,
        %get3A_319 = vector.shape_cast %get3A_318 : vector<1x16xf32> to vector<16xf32>
        %get3A_320 = arith.index_cast %add3A_286 : i32 to index
        %get3A_321 = arith.constant 48 : index
        %get3A_322 = tpu.vector_load %arg9[%get3A_320, %get3A_321] {strides = array<i32>} : memref<128x128xf32, #tpu.memory_space<vmem>>, vector<1x16xf32>,
        %get3A_323 = vector.shape_cast %get3A_322 : vector<1x16xf32> to vector<16xf32>
        %mul3A_324 = arith.mulf %get3A_319, %get3A_323 : vector<16xf32>
        %add3A_325 = arith.addf %add3A_315, %mul3A_324 : vector<16xf32>
        %get3A_326 = arith.index_cast %add3A_286 : i32 to index
        %get3A_327 = arith.constant 64 : index
        %get3A_328 = tpu.vector_load %arg8[%get3A_326, %get3A_327] {strides = array<i32>} : memref<128x128xf32, #tpu.memory_space<vmem>>, vector<1x16xf32>,
        %get3A_329 = vector.shape_cast %get3A_328 : vector<1x16xf32> to vector<16xf32>
        %get3A_330 = arith.index_cast %add3A_286 : i32 to index
        %get3A_331 = arith.constant 64 : index
        %get3A_332 = tpu.vector_load %arg9[%get3A_330, %get3A_331] {strides = array<i32>} : memref<128x128xf32, #tpu.memory_space<vmem>>, vector<1x16xf32>,
        %get3A_333 = vector.shape_cast %get3A_332 : vector<1x16xf32> to vector<16xf32>
        %mul3A_334 = arith.mulf %get3A_329, %get3A_333 : vector<16xf32>
        %add3A_335 = arith.addf %add3A_325, %mul3A_334 : vector<16xf32>
        %get3A_336 = arith.index_cast %add3A_286 : i32 to index
        %get3A_337 = arith.constant 80 : index
        %get3A_338 = tpu.vector_load %arg8[%get3A_336, %get3A_337] {strides = array<i32>} : memref<128x128xf32, #tpu.memory_space<vmem>>, vector<1x16xf32>,
        %get3A_339 = vector.shape_cast %get3A_338 : vector<1x16xf32> to vector<16xf32>
        %get3A_340 = arith.index_cast %add3A_286 : i32 to index
        %get3A_341 = arith.constant 80 : index
        %get3A_342 = tpu.vector_load %arg9[%get3A_340, %get3A_341] {strides = array<i32>} : memref<128x128xf32, #tpu.memory_space<vmem>>, vector<1x16xf32>,
        %get3A_343 = vector.shape_cast %get3A_342 : vector<1x16xf32> to vector<16xf32>
        %mul3A_344 = arith.mulf %get3A_339, %get3A_343 : vector<16xf32>
        %add3A_345 = arith.addf %add3A_335, %mul3A_344 : vector<16xf32>
        %get3A_346 = arith.index_cast %add3A_286 : i32 to index
        %get3A_347 = arith.constant 96 : index
        %get3A_348 = tpu.vector_load %arg8[%get3A_346, %get3A_347] {strides = array<i32>} : memref<128x128xf32, #tpu.memory_space<vmem>>, vector<1x16xf32>,
        %get3A_349 = vector.shape_cast %get3A_348 : vector<1x16xf32> to vector<16xf32>
        %get3A_350 = arith.index_cast %add3A_286 : i32 to index
        %get3A_351 = arith.constant 96 : index
        %get3A_352 = tpu.vector_load %arg9[%get3A_350, %get3A_351] {strides = array<i32>} : memref<128x128xf32, #tpu.memory_space<vmem>>, vector<1x16xf32>,
        %get3A_353 = vector.shape_cast %get3A_352 : vector<1x16xf32> to vector<16xf32>
        %mul3A_354 = arith.mulf %get3A_349, %get3A_353 : vector<16xf32>
        %add3A_355 = arith.addf %add3A_345, %mul3A_354 : vector<16xf32>
        %get3A_356 = arith.index_cast %add3A_286 : i32 to index
        %get3A_357 = arith.constant 112 : index
        %get3A_358 = tpu.vector_load %arg8[%get3A_356, %get3A_357] {strides = array<i32>} : memref<128x128xf32, #tpu.memory_space<vmem>>, vector<1x16xf32>,
        %get3A_359 = vector.shape_cast %get3A_358 : vector<1x16xf32> to vector<16xf32>
        %get3A_360 = arith.index_cast %add3A_286 : i32 to index
        %get3A_361 = arith.constant 112 : index
        %get3A_362 = tpu.vector_load %arg9[%get3A_360, %get3A_361] {strides = array<i32>} : memref<128x128xf32, #tpu.memory_space<vmem>>, vector<1x16xf32>,
        %get3A_363 = vector.shape_cast %get3A_362 : vector<1x16xf32> to vector<16xf32>
        %mul3A_364 = arith.mulf %get3A_359, %get3A_363 : vector<16xf32>
        %add3A_365 = arith.addf %add3A_355, %mul3A_364 : vector<16xf32>
        %broadcast_in_dim3A_366 = vector.shape_cast %rem3A_7 : vector<16xi32> to vector<16x1xi32>
        %gather3A_367 = vector.shape_cast %broadcast_in_dim3A_366 : vector<16x1xi32> to vector<16xi32>
        %gather3A_368 = tpu.dynamic_gather %add3A_365[%gather3A_367] in [0] : vector<16xf32>, vector<16xi32> -> vector<16xf32>
        %add3A_369 = arith.addf %add3A_365, %gather3A_368 : vector<16xf32>
        %broadcast_in_dim3A_370 = vector.shape_cast %rem3A_13 : vector<16xi32> to vector<16x1xi32>
        %gather3A_371 = vector.shape_cast %broadcast_in_dim3A_370 : vector<16x1xi32> to vector<16xi32>
        %gather3A_372 = tpu.dynamic_gather %add3A_369[%gather3A_371] in [0] : vector<16xf32>, vector<16xi32> -> vector<16xf32>
        %add3A_373 = arith.addf %add3A_369, %gather3A_372 : vector<16xf32>
        %broadcast_in_dim3A_374 = vector.shape_cast %rem3A_19 : vector<16xi32> to vector<16x1xi32>
        %gather3A_375 = vector.shape_cast %broadcast_in_dim3A_374 : vector<16x1xi32> to vector<16xi32>
        %gather3A_376 = tpu.dynamic_gather %add3A_373[%gather3A_375] in [0] : vector<16xf32>, vector<16xi32> -> vector<16xf32>
        %add3A_377 = arith.addf %add3A_373, %gather3A_376 : vector<16xf32>
        %broadcast_in_dim3A_378 = vector.shape_cast %rem3A_25 : vector<16xi32> to vector<16x1xi32>
        %gather3A_379 = vector.shape_cast %broadcast_in_dim3A_378 : vector<16x1xi32> to vector<16xi32>
        %gather3A_380 = tpu.dynamic_gather %add3A_377[%gather3A_379] in [0] : vector<16xf32>, vector<16xi32> -> vector<16xf32>
        %add3A_381 = arith.addf %add3A_377, %gather3A_380 : vector<16xf32>
        %eq3A_382 = arith.constant 2 : i32
        %eq3A_383 = vector.broadcast %eq3A_382 : i32 to vector<16xi32>
        %eq3A_384 = arith.cmpi eq, %iota3A, %eq3A_383 : vector<16xi32>
        %select_n3A_385 = arith.select %eq3A_384, %add3A_381, %select_n3A_282 : vector<16xi1>, vector<16xf32>
        %mul3A_386 = arith.constant 16 : i32
        %mul3A_387 = arith.muli %scan3A_76, %mul3A_386 : i32
        %add3A_388 = arith.constant 3 : i32
        %add3A_389 = arith.addi %mul3A_387, %add3A_388 : i32
        %get3A_390 = arith.index_cast %add3A_389 : i32 to index
        %get3A_391 = arith.constant 0 : index
        %get3A_392 = tpu.vector_load %arg8[%get3A_390, %get3A_391] {strides = array<i32>} : memref<128x128xf32, #tpu.memory_space<vmem>>, vector<1x16xf32>,
        %get3A_393 = vector.shape_cast %get3A_392 : vector<1x16xf32> to vector<16xf32>
        %get3A_394 = arith.index_cast %add3A_389 : i32 to index
        %get3A_395 = arith.constant 0 : index
        %get3A_396 = tpu.vector_load %arg9[%get3A_394, %get3A_395] {strides = array<i32>} : memref<128x128xf32, #tpu.memory_space<vmem>>, vector<1x16xf32>,
        %get3A_397 = vector.shape_cast %get3A_396 : vector<1x16xf32> to vector<16xf32>
        %mul3A_398 = arith.mulf %get3A_393, %get3A_397 : vector<16xf32>
        %get3A_399 = arith.index_cast %add3A_389 : i32 to index
        %get3A_400 = arith.constant 16 : index
        %get3A_401 = tpu.vector_load %arg8[%get3A_399, %get3A_400] {strides = array<i32>} : memref<128x128xf32, #tpu.memory_space<vmem>>, vector<1x16xf32>,
        %get3A_402 = vector.shape_cast %get3A_401 : vector<1x16xf32> to vector<16xf32>
        %get3A_403 = arith.index_cast %add3A_389 : i32 to index
        %get3A_404 = arith.constant 16 : index
        %get3A_405 = tpu.vector_load %arg9[%get3A_403, %get3A_404] {strides = array<i32>} : memref<128x128xf32, #tpu.memory_space<vmem>>, vector<1x16xf32>,
        %get3A_406 = vector.shape_cast %get3A_405 : vector<1x16xf32> to vector<16xf32>
        %mul3A_407 = arith.mulf %get3A_402, %get3A_406 : vector<16xf32>
        %add3A_408 = arith.addf %mul3A_398, %mul3A_407 : vector<16xf32>
        %get3A_409 = arith.index_cast %add3A_389 : i32 to index
        %get3A_410 = arith.constant 32 : index
        %get3A_411 = tpu.vector_load %arg8[%get3A_409, %get3A_410] {strides = array<i32>} : memref<128x128xf32, #tpu.memory_space<vmem>>, vector<1x16xf32>,
        %get3A_412 = vector.shape_cast %get3A_411 : vector<1x16xf32> to vector<16xf32>
        %get3A_413 = arith.index_cast %add3A_389 : i32 to index
        %get3A_414 = arith.constant 32 : index
        %get3A_415 = tpu.vector_load %arg9[%get3A_413, %get3A_414] {strides = array<i32>} : memref<128x128xf32, #tpu.memory_space<vmem>>, vector<1x16xf32>,
        %get3A_416 = vector.shape_cast %get3A_415 : vector<1x16xf32> to vector<16xf32>
        %mul3A_417 = arith.mulf %get3A_412, %get3A_416 : vector<16xf32>
        %add3A_418 = arith.addf %add3A_408, %mul3A_417 : vector<16xf32>
        %get3A_419 = arith.index_cast %add3A_389 : i32 to index
        %get3A_420 = arith.constant 48 : index
        %get3A_421 = tpu.vector_load %arg8[%get3A_419, %get3A_420] {strides = array<i32>} : memref<128x128xf32, #tpu.memory_space<vmem>>, vector<1x16xf32>,
        %get3A_422 = vector.shape_cast %get3A_421 : vector<1x16xf32> to vector<16xf32>
        %get3A_423 = arith.index_cast %add3A_389 : i32 to index
        %get3A_424 = arith.constant 48 : index
        %get3A_425 = tpu.vector_load %arg9[%get3A_423, %get3A_424] {strides = array<i32>} : memref<128x128xf32, #tpu.memory_space<vmem>>, vector<1x16xf32>,
        %get3A_426 = vector.shape_cast %get3A_425 : vector<1x16xf32> to vector<16xf32>
        %mul3A_427 = arith.mulf %get3A_422, %get3A_426 : vector<16xf32>
        %add3A_428 = arith.addf %add3A_418, %mul3A_427 : vector<16xf32>
        %get3A_429 = arith.index_cast %add3A_389 : i32 to index
        %get3A_430 = arith.constant 64 : index
        %get3A_431 = tpu.vector_load %arg8[%get3A_429, %get3A_430] {strides = array<i32>} : memref<128x128xf32, #tpu.memory_space<vmem>>, vector<1x16xf32>,
        %get3A_432 = vector.shape_cast %get3A_431 : vector<1x16xf32> to vector<16xf32>
        %get3A_433 = arith.index_cast %add3A_389 : i32 to index
        %get3A_434 = arith.constant 64 : index
        %get3A_435 = tpu.vector_load %arg9[%get3A_433, %get3A_434] {strides = array<i32>} : memref<128x128xf32, #tpu.memory_space<vmem>>, vector<1x16xf32>,
        %get3A_436 = vector.shape_cast %get3A_435 : vector<1x16xf32> to vector<16xf32>
        %mul3A_437 = arith.mulf %get3A_432, %get3A_436 : vector<16xf32>
        %add3A_438 = arith.addf %add3A_428, %mul3A_437 : vector<16xf32>
        %get3A_439 = arith.index_cast %add3A_389 : i32 to index
        %get3A_440 = arith.constant 80 : index
        %get3A_441 = tpu.vector_load %arg8[%get3A_439, %get3A_440] {strides = array<i32>} : memref<128x128xf32, #tpu.memory_space<vmem>>, vector<1x16xf32>,
        %get3A_442 = vector.shape_cast %get3A_441 : vector<1x16xf32> to vector<16xf32>
        %get3A_443 = arith.index_cast %add3A_389 : i32 to index
        %get3A_444 = arith.constant 80 : index
        %get3A_445 = tpu.vector_load %arg9[%get3A_443, %get3A_444] {strides = array<i32>} : memref<128x128xf32, #tpu.memory_space<vmem>>, vector<1x16xf32>,
        %get3A_446 = vector.shape_cast %get3A_445 : vector<1x16xf32> to vector<16xf32>
        %mul3A_447 = arith.mulf %get3A_442, %get3A_446 : vector<16xf32>
        %add3A_448 = arith.addf %add3A_438, %mul3A_447 : vector<16xf32>
        %get3A_449 = arith.index_cast %add3A_389 : i32 to index
        %get3A_450 = arith.constant 96 : index
        %get3A_451 = tpu.vector_load %arg8[%get3A_449, %get3A_450] {strides = array<i32>} : memref<128x128xf32, #tpu.memory_space<vmem>>, vector<1x16xf32>,
        %get3A_452 = vector.shape_cast %get3A_451 : vector<1x16xf32> to vector<16xf32>
        %get3A_453 = arith.index_cast %add3A_389 : i32 to index
        %get3A_454 = arith.constant 96 : index
        %get3A_455 = tpu.vector_load %arg9[%get3A_453, %get3A_454] {strides = array<i32>} : memref<128x128xf32, #tpu.memory_space<vmem>>, vector<1x16xf32>,
        %get3A_456 = vector.shape_cast %get3A_455 : vector<1x16xf32> to vector<16xf32>
        %mul3A_457 = arith.mulf %get3A_452, %get3A_456 : vector<16xf32>
        %add3A_458 = arith.addf %add3A_448, %mul3A_457 : vector<16xf32>
        %get3A_459 = arith.index_cast %add3A_389 : i32 to index
        %get3A_460 = arith.constant 112 : index
        %get3A_461 = tpu.vector_load %arg8[%get3A_459, %get3A_460] {strides = array<i32>} : memref<128x128xf32, #tpu.memory_space<vmem>>, vector<1x16xf32>,
        %get3A_462 = vector.shape_cast %get3A_461 : vector<1x16xf32> to vector<16xf32>
        %get3A_463 = arith.index_cast %add3A_389 : i32 to index
        %get3A_464 = arith.constant 112 : index
        %get3A_465 = tpu.vector_load %arg9[%get3A_463, %get3A_464] {strides = array<i32>} : memref<128x128xf32, #tpu.memory_space<vmem>>, vector<1x16xf32>,
        %get3A_466 = vector.shape_cast %get3A_465 : vector<1x16xf32> to vector<16xf32>
        %mul3A_467 = arith.mulf %get3A_462, %get3A_466 : vector<16xf32>
        %add3A_468 = arith.addf %add3A_458, %mul3A_467 : vector<16xf32>
        %broadcast_in_dim3A_469 = vector.shape_cast %rem3A_7 : vector<16xi32> to vector<16x1xi32>
        %gather3A_470 = vector.shape_cast %broadcast_in_dim3A_469 : vector<16x1xi32> to vector<16xi32>
        %gather3A_471 = tpu.dynamic_gather %add3A_468[%gather3A_470] in [0] : vector<16xf32>, vector<16xi32> -> vector<16xf32>
        %add3A_472 = arith.addf %add3A_468, %gather3A_471 : vector<16xf32>
        %broadcast_in_dim3A_473 = vector.shape_cast %rem3A_13 : vector<16xi32> to vector<16x1xi32>
        %gather3A_474 = vector.shape_cast %broadcast_in_dim3A_473 : vector<16x1xi32> to vector<16xi32>
        %gather3A_475 = tpu.dynamic_gather %add3A_472[%gather3A_474] in [0] : vector<16xf32>, vector<16xi32> -> vector<16xf32>
        %add3A_476 = arith.addf %add3A_472, %gather3A_475 : vector<16xf32>
        %broadcast_in_dim3A_477 = vector.shape_cast %rem3A_19 : vector<16xi32> to vector<16x1xi32>
        %gather3A_478 = vector.shape_cast %broadcast_in_dim3A_477 : vector<16x1xi32> to vector<16xi32>
        %gather3A_479 = tpu.dynamic_gather %add3A_476[%gather3A_478] in [0] : vector<16xf32>, vector<16xi32> -> vector<16xf32>
        %add3A_480 = arith.addf %add3A_476, %gather3A_479 : vector<16xf32>
        %broadcast_in_dim3A_481 = vector.shape_cast %rem3A_25 : vector<16xi32> to vector<16x1xi32>
        %gather3A_482 = vector.shape_cast %broadcast_in_dim3A_481 : vector<16x1xi32> to vector<16xi32>
        %gather3A_483 = tpu.dynamic_gather %add3A_480[%gather3A_482] in [0] : vector<16xf32>, vector<16xi32> -> vector<16xf32>
        %add3A_484 = arith.addf %add3A_480, %gather3A_483 : vector<16xf32>
        %eq3A_485 = arith.constant 3 : i32
        %eq3A_486 = vector.broadcast %eq3A_485 : i32 to vector<16xi32>
        %eq3A_487 = arith.cmpi eq, %iota3A, %eq3A_486 : vector<16xi32>
        %select_n3A_488 = arith.select %eq3A_487, %add3A_484, %select_n3A_385 : vector<16xi1>, vector<16xf32>
        %mul3A_489 = arith.constant 16 : i32
        %mul3A_490 = arith.muli %scan3A_76, %mul3A_489 : i32
        %add3A_491 = arith.constant 4 : i32
        %add3A_492 = arith.addi %mul3A_490, %add3A_491 : i32
        %get3A_493 = arith.index_cast %add3A_492 : i32 to index
        %get3A_494 = arith.constant 0 : index
        %get3A_495 = tpu.vector_load %arg8[%get3A_493, %get3A_494] {strides = array<i32>} : memref<128x128xf32, #tpu.memory_space<vmem>>, vector<1x16xf32>,
        %get3A_496 = vector.shape_cast %get3A_495 : vector<1x16xf32> to vector<16xf32>
        %get3A_497 = arith.index_cast %add3A_492 : i32 to index
        %get3A_498 = arith.constant 0 : index
        %get3A_499 = tpu.vector_load %arg9[%get3A_497, %get3A_498] {strides = array<i32>} : memref<128x128xf32, #tpu.memory_space<vmem>>, vector<1x16xf32>,
        %get3A_500 = vector.shape_cast %get3A_499 : vector<1x16xf32> to vector<16xf32>
        %mul3A_501 = arith.mulf %get3A_496, %get3A_500 : vector<16xf32>
        %get3A_502 = arith.index_cast %add3A_492 : i32 to index
        %get3A_503 = arith.constant 16 : index
        %get3A_504 = tpu.vector_load %arg8[%get3A_502, %get3A_503] {strides = array<i32>} : memref<128x128xf32, #tpu.memory_space<vmem>>, vector<1x16xf32>,
        %get3A_505 = vector.shape_cast %get3A_504 : vector<1x16xf32> to vector<16xf32>
        %get3A_506 = arith.index_cast %add3A_492 : i32 to index
        %get3A_507 = arith.constant 16 : index
        %get3A_508 = tpu.vector_load %arg9[%get3A_506, %get3A_507] {strides = array<i32>} : memref<128x128xf32, #tpu.memory_space<vmem>>, vector<1x16xf32>,
        %get3A_509 = vector.shape_cast %get3A_508 : vector<1x16xf32> to vector<16xf32>
        %mul3A_510 = arith.mulf %get3A_505, %get3A_509 : vector<16xf32>
        %add3A_511 = arith.addf %mul3A_501, %mul3A_510 : vector<16xf32>
        %get3A_512 = arith.index_cast %add3A_492 : i32 to index
        %get3A_513 = arith.constant 32 : index
        %get3A_514 = tpu.vector_load %arg8[%get3A_512, %get3A_513] {strides = array<i32>} : memref<128x128xf32, #tpu.memory_space<vmem>>, vector<1x16xf32>,
        %get3A_515 = vector.shape_cast %get3A_514 : vector<1x16xf32> to vector<16xf32>
        %get3A_516 = arith.index_cast %add3A_492 : i32 to index
        %get3A_517 = arith.constant 32 : index
        %get3A_518 = tpu.vector_load %arg9[%get3A_516, %get3A_517] {strides = array<i32>} : memref<128x128xf32, #tpu.memory_space<vmem>>, vector<1x16xf32>,
        %get3A_519 = vector.shape_cast %get3A_518 : vector<1x16xf32> to vector<16xf32>
        %mul3A_520 = arith.mulf %get3A_515, %get3A_519 : vector<16xf32>
        %add3A_521 = arith.addf %add3A_511, %mul3A_520 : vector<16xf32>
        %get3A_522 = arith.index_cast %add3A_492 : i32 to index
        %get3A_523 = arith.constant 48 : index
        %get3A_524 = tpu.vector_load %arg8[%get3A_522, %get3A_523] {strides = array<i32>} : memref<128x128xf32, #tpu.memory_space<vmem>>, vector<1x16xf32>,
        %get3A_525 = vector.shape_cast %get3A_524 : vector<1x16xf32> to vector<16xf32>
        %get3A_526 = arith.index_cast %add3A_492 : i32 to index
        %get3A_527 = arith.constant 48 : index
        %get3A_528 = tpu.vector_load %arg9[%get3A_526, %get3A_527] {strides = array<i32>} : memref<128x128xf32, #tpu.memory_space<vmem>>, vector<1x16xf32>,
        %get3A_529 = vector.shape_cast %get3A_528 : vector<1x16xf32> to vector<16xf32>
        %mul3A_530 = arith.mulf %get3A_525, %get3A_529 : vector<16xf32>
        %add3A_531 = arith.addf %add3A_521, %mul3A_530 : vector<16xf32>
        %get3A_532 = arith.index_cast %add3A_492 : i32 to index
        %get3A_533 = arith.constant 64 : index
        %get3A_534 = tpu.vector_load %arg8[%get3A_532, %get3A_533] {strides = array<i32>} : memref<128x128xf32, #tpu.memory_space<vmem>>, vector<1x16xf32>,
        %get3A_535 = vector.shape_cast %get3A_534 : vector<1x16xf32> to vector<16xf32>
        %get3A_536 = arith.index_cast %add3A_492 : i32 to index
        %get3A_537 = arith.constant 64 : index
        %get3A_538 = tpu.vector_load %arg9[%get3A_536, %get3A_537] {strides = array<i32>} : memref<128x128xf32, #tpu.memory_space<vmem>>, vector<1x16xf32>,
        %get3A_539 = vector.shape_cast %get3A_538 : vector<1x16xf32> to vector<16xf32>
        %mul3A_540 = arith.mulf %get3A_535, %get3A_539 : vector<16xf32>
        %add3A_541 = arith.addf %add3A_531, %mul3A_540 : vector<16xf32>
        %get3A_542 = arith.index_cast %add3A_492 : i32 to index
        %get3A_543 = arith.constant 80 : index
        %get3A_544 = tpu.vector_load %arg8[%get3A_542, %get3A_543] {strides = array<i32>} : memref<128x128xf32, #tpu.memory_space<vmem>>, vector<1x16xf32>,
        %get3A_545 = vector.shape_cast %get3A_544 : vector<1x16xf32> to vector<16xf32>
        %get3A_546 = arith.index_cast %add3A_492 : i32 to index
        %get3A_547 = arith.constant 80 : index
        %get3A_548 = tpu.vector_load %arg9[%get3A_546, %get3A_547] {strides = array<i32>} : memref<128x128xf32, #tpu.memory_space<vmem>>, vector<1x16xf32>,
        %get3A_549 = vector.shape_cast %get3A_548 : vector<1x16xf32> to vector<16xf32>
        %mul3A_550 = arith.mulf %get3A_545, %get3A_549 : vector<16xf32>
        %add3A_551 = arith.addf %add3A_541, %mul3A_550 : vector<16xf32>
        %get3A_552 = arith.index_cast %add3A_492 : i32 to index
        %get3A_553 = arith.constant 96 : index
        %get3A_554 = tpu.vector_load %arg8[%get3A_552, %get3A_553] {strides = array<i32>} : memref<128x128xf32, #tpu.memory_space<vmem>>, vector<1x16xf32>,
        %get3A_555 = vector.shape_cast %get3A_554 : vector<1x16xf32> to vector<16xf32>
        %get3A_556 = arith.index_cast %add3A_492 : i32 to index
        %get3A_557 = arith.constant 96 : index
        %get3A_558 = tpu.vector_load %arg9[%get3A_556, %get3A_557] {strides = array<i32>} : memref<128x128xf32, #tpu.memory_space<vmem>>, vector<1x16xf32>,
        %get3A_559 = vector.shape_cast %get3A_558 : vector<1x16xf32> to vector<16xf32>
        %mul3A_560 = arith.mulf %get3A_555, %get3A_559 : vector<16xf32>
        %add3A_561 = arith.addf %add3A_551, %mul3A_560 : vector<16xf32>
        %get3A_562 = arith.index_cast %add3A_492 : i32 to index
        %get3A_563 = arith.constant 112 : index
        %get3A_564 = tpu.vector_load %arg8[%get3A_562, %get3A_563] {strides = array<i32>} : memref<128x128xf32, #tpu.memory_space<vmem>>, vector<1x16xf32>,
        %get3A_565 = vector.shape_cast %get3A_564 : vector<1x16xf32> to vector<16xf32>
        %get3A_566 = arith.index_cast %add3A_492 : i32 to index
        %get3A_567 = arith.constant 112 : index
        %get3A_568 = tpu.vector_load %arg9[%get3A_566, %get3A_567] {strides = array<i32>} : memref<128x128xf32, #tpu.memory_space<vmem>>, vector<1x16xf32>,
        %get3A_569 = vector.shape_cast %get3A_568 : vector<1x16xf32> to vector<16xf32>
        %mul3A_570 = arith.mulf %get3A_565, %get3A_569 : vector<16xf32>
        %add3A_571 = arith.addf %add3A_561, %mul3A_570 : vector<16xf32>
        %broadcast_in_dim3A_572 = vector.shape_cast %rem3A_7 : vector<16xi32> to vector<16x1xi32>
        %gather3A_573 = vector.shape_cast %broadcast_in_dim3A_572 : vector<16x1xi32> to vector<16xi32>
        %gather3A_574 = tpu.dynamic_gather %add3A_571[%gather3A_573] in [0] : vector<16xf32>, vector<16xi32> -> vector<16xf32>
        %add3A_575 = arith.addf %add3A_571, %gather3A_574 : vector<16xf32>
        %broadcast_in_dim3A_576 = vector.shape_cast %rem3A_13 : vector<16xi32> to vector<16x1xi32>
        %gather3A_577 = vector.shape_cast %broadcast_in_dim3A_576 : vector<16x1xi32> to vector<16xi32>
        %gather3A_578 = tpu.dynamic_gather %add3A_575[%gather3A_577] in [0] : vector<16xf32>, vector<16xi32> -> vector<16xf32>
        %add3A_579 = arith.addf %add3A_575, %gather3A_578 : vector<16xf32>
        %broadcast_in_dim3A_580 = vector.shape_cast %rem3A_19 : vector<16xi32> to vector<16x1xi32>
        %gather3A_581 = vector.shape_cast %broadcast_in_dim3A_580 : vector<16x1xi32> to vector<16xi32>
        %gather3A_582 = tpu.dynamic_gather %add3A_579[%gather3A_581] in [0] : vector<16xf32>, vector<16xi32> -> vector<16xf32>
        %add3A_583 = arith.addf %add3A_579, %gather3A_582 : vector<16xf32>
        %broadcast_in_dim3A_584 = vector.shape_cast %rem3A_25 : vector<16xi32> to vector<16x1xi32>
        %gather3A_585 = vector.shape_cast %broadcast_in_dim3A_584 : vector<16x1xi32> to vector<16xi32>
        %gather3A_586 = tpu.dynamic_gather %add3A_583[%gather3A_585] in [0] : vector<16xf32>, vector<16xi32> -> vector<16xf32>
        %add3A_587 = arith.addf %add3A_583, %gather3A_586 : vector<16xf32>
        %eq3A_588 = arith.constant 4 : i32
        %eq3A_589 = vector.broadcast %eq3A_588 : i32 to vector<16xi32>
        %eq3A_590 = arith.cmpi eq, %iota3A, %eq3A_589 : vector<16xi32>
        %select_n3A_591 = arith.select %eq3A_590, %add3A_587, %select_n3A_488 : vector<16xi1>, vector<16xf32>
        %mul3A_592 = arith.constant 16 : i32
        %mul3A_593 = arith.muli %scan3A_76, %mul3A_592 : i32
        %add3A_594 = arith.constant 5 : i32
        %add3A_595 = arith.addi %mul3A_593, %add3A_594 : i32
        %get3A_596 = arith.index_cast %add3A_595 : i32 to index
        %get3A_597 = arith.constant 0 : index
        %get3A_598 = tpu.vector_load %arg8[%get3A_596, %get3A_597] {strides = array<i32>} : memref<128x128xf32, #tpu.memory_space<vmem>>, vector<1x16xf32>,
        %get3A_599 = vector.shape_cast %get3A_598 : vector<1x16xf32> to vector<16xf32>
        %get3A_600 = arith.index_cast %add3A_595 : i32 to index
        %get3A_601 = arith.constant 0 : index
        %get3A_602 = tpu.vector_load %arg9[%get3A_600, %get3A_601] {strides = array<i32>} : memref<128x128xf32, #tpu.memory_space<vmem>>, vector<1x16xf32>,
        %get3A_603 = vector.shape_cast %get3A_602 : vector<1x16xf32> to vector<16xf32>
        %mul3A_604 = arith.mulf %get3A_599, %get3A_603 : vector<16xf32>
        %get3A_605 = arith.index_cast %add3A_595 : i32 to index
        %get3A_606 = arith.constant 16 : index
        %get3A_607 = tpu.vector_load %arg8[%get3A_605, %get3A_606] {strides = array<i32>} : memref<128x128xf32, #tpu.memory_space<vmem>>, vector<1x16xf32>,
        %get3A_608 = vector.shape_cast %get3A_607 : vector<1x16xf32> to vector<16xf32>
        %get3A_609 = arith.index_cast %add3A_595 : i32 to index
        %get3A_610 = arith.constant 16 : index
        %get3A_611 = tpu.vector_load %arg9[%get3A_609, %get3A_610] {strides = array<i32>} : memref<128x128xf32, #tpu.memory_space<vmem>>, vector<1x16xf32>,
        %get3A_612 = vector.shape_cast %get3A_611 : vector<1x16xf32> to vector<16xf32>
        %mul3A_613 = arith.mulf %get3A_608, %get3A_612 : vector<16xf32>
        %add3A_614 = arith.addf %mul3A_604, %mul3A_613 : vector<16xf32>
        %get3A_615 = arith.index_cast %add3A_595 : i32 to index
        %get3A_616 = arith.constant 32 : index
        %get3A_617 = tpu.vector_load %arg8[%get3A_615, %get3A_616] {strides = array<i32>} : memref<128x128xf32, #tpu.memory_space<vmem>>, vector<1x16xf32>,
        %get3A_618 = vector.shape_cast %get3A_617 : vector<1x16xf32> to vector<16xf32>
        %get3A_619 = arith.index_cast %add3A_595 : i32 to index
        %get3A_620 = arith.constant 32 : index
        %get3A_621 = tpu.vector_load %arg9[%get3A_619, %get3A_620] {strides = array<i32>} : memref<128x128xf32, #tpu.memory_space<vmem>>, vector<1x16xf32>,
        %get3A_622 = vector.shape_cast %get3A_621 : vector<1x16xf32> to vector<16xf32>
        %mul3A_623 = arith.mulf %get3A_618, %get3A_622 : vector<16xf32>
        %add3A_624 = arith.addf %add3A_614, %mul3A_623 : vector<16xf32>
        %get3A_625 = arith.index_cast %add3A_595 : i32 to index
        %get3A_626 = arith.constant 48 : index
        %get3A_627 = tpu.vector_load %arg8[%get3A_625, %get3A_626] {strides = array<i32>} : memref<128x128xf32, #tpu.memory_space<vmem>>, vector<1x16xf32>,
        %get3A_628 = vector.shape_cast %get3A_627 : vector<1x16xf32> to vector<16xf32>
        %get3A_629 = arith.index_cast %add3A_595 : i32 to index
        %get3A_630 = arith.constant 48 : index
        %get3A_631 = tpu.vector_load %arg9[%get3A_629, %get3A_630] {strides = array<i32>} : memref<128x128xf32, #tpu.memory_space<vmem>>, vector<1x16xf32>,
        %get3A_632 = vector.shape_cast %get3A_631 : vector<1x16xf32> to vector<16xf32>
        %mul3A_633 = arith.mulf %get3A_628, %get3A_632 : vector<16xf32>
        %add3A_634 = arith.addf %add3A_624, %mul3A_633 : vector<16xf32>
        %get3A_635 = arith.index_cast %add3A_595 : i32 to index
        %get3A_636 = arith.constant 64 : index
        %get3A_637 = tpu.vector_load %arg8[%get3A_635, %get3A_636] {strides = array<i32>} : memref<128x128xf32, #tpu.memory_space<vmem>>, vector<1x16xf32>,
        %get3A_638 = vector.shape_cast %get3A_637 : vector<1x16xf32> to vector<16xf32>
        %get3A_639 = arith.index_cast %add3A_595 : i32 to index
        %get3A_640 = arith.constant 64 : index
        %get3A_641 = tpu.vector_load %arg9[%get3A_639, %get3A_640] {strides = array<i32>} : memref<128x128xf32, #tpu.memory_space<vmem>>, vector<1x16xf32>,
        %get3A_642 = vector.shape_cast %get3A_641 : vector<1x16xf32> to vector<16xf32>
        %mul3A_643 = arith.mulf %get3A_638, %get3A_642 : vector<16xf32>
        %add3A_644 = arith.addf %add3A_634, %mul3A_643 : vector<16xf32>
        %get3A_645 = arith.index_cast %add3A_595 : i32 to index
        %get3A_646 = arith.constant 80 : index
        %get3A_647 = tpu.vector_load %arg8[%get3A_645, %get3A_646] {strides = array<i32>} : memref<128x128xf32, #tpu.memory_space<vmem>>, vector<1x16xf32>,
        %get3A_648 = vector.shape_cast %get3A_647 : vector<1x16xf32> to vector<16xf32>
        %get3A_649 = arith.index_cast %add3A_595 : i32 to index
        %get3A_650 = arith.constant 80 : index
        %get3A_651 = tpu.vector_load %arg9[%get3A_649, %get3A_650] {strides = array<i32>} : memref<128x128xf32, #tpu.memory_space<vmem>>, vector<1x16xf32>,
        %get3A_652 = vector.shape_cast %get3A_651 : vector<1x16xf32> to vector<16xf32>
        %mul3A_653 = arith.mulf %get3A_648, %get3A_652 : vector<16xf32>
        %add3A_654 = arith.addf %add3A_644, %mul3A_653 : vector<16xf32>
        %get3A_655 = arith.index_cast %add3A_595 : i32 to index
        %get3A_656 = arith.constant 96 : index
        %get3A_657 = tpu.vector_load %arg8[%get3A_655, %get3A_656] {strides = array<i32>} : memref<128x128xf32, #tpu.memory_space<vmem>>, vector<1x16xf32>,
        %get3A_658 = vector.shape_cast %get3A_657 : vector<1x16xf32> to vector<16xf32>
        %get3A_659 = arith.index_cast %add3A_595 : i32 to index
        %get3A_660 = arith.constant 96 : index
        %get3A_661 = tpu.vector_load %arg9[%get3A_659, %get3A_660] {strides = array<i32>} : memref<128x128xf32, #tpu.memory_space<vmem>>, vector<1x16xf32>,
        %get3A_662 = vector.shape_cast %get3A_661 : vector<1x16xf32> to vector<16xf32>
        %mul3A_663 = arith.mulf %get3A_658, %get3A_662 : vector<16xf32>
        %add3A_664 = arith.addf %add3A_654, %mul3A_663 : vector<16xf32>
        %get3A_665 = arith.index_cast %add3A_595 : i32 to index
        %get3A_666 = arith.constant 112 : index
        %get3A_667 = tpu.vector_load %arg8[%get3A_665, %get3A_666] {strides = array<i32>} : memref<128x128xf32, #tpu.memory_space<vmem>>, vector<1x16xf32>,
        %get3A_668 = vector.shape_cast %get3A_667 : vector<1x16xf32> to vector<16xf32>
        %get3A_669 = arith.index_cast %add3A_595 : i32 to index
        %get3A_670 = arith.constant 112 : index
        %get3A_671 = tpu.vector_load %arg9[%get3A_669, %get3A_670] {strides = array<i32>} : memref<128x128xf32, #tpu.memory_space<vmem>>, vector<1x16xf32>,
        %get3A_672 = vector.shape_cast %get3A_671 : vector<1x16xf32> to vector<16xf32>
        %mul3A_673 = arith.mulf %get3A_668, %get3A_672 : vector<16xf32>
        %add3A_674 = arith.addf %add3A_664, %mul3A_673 : vector<16xf32>
        %broadcast_in_dim3A_675 = vector.shape_cast %rem3A_7 : vector<16xi32> to vector<16x1xi32>
        %gather3A_676 = vector.shape_cast %broadcast_in_dim3A_675 : vector<16x1xi32> to vector<16xi32>
        %gather3A_677 = tpu.dynamic_gather %add3A_674[%gather3A_676] in [0] : vector<16xf32>, vector<16xi32> -> vector<16xf32>
        %add3A_678 = arith.addf %add3A_674, %gather3A_677 : vector<16xf32>
        %broadcast_in_dim3A_679 = vector.shape_cast %rem3A_13 : vector<16xi32> to vector<16x1xi32>
        %gather3A_680 = vector.shape_cast %broadcast_in_dim3A_679 : vector<16x1xi32> to vector<16xi32>
        %gather3A_681 = tpu.dynamic_gather %add3A_678[%gather3A_680] in [0] : vector<16xf32>, vector<16xi32> -> vector<16xf32>
        %add3A_682 = arith.addf %add3A_678, %gather3A_681 : vector<16xf32>
        %broadcast_in_dim3A_683 = vector.shape_cast %rem3A_19 : vector<16xi32> to vector<16x1xi32>
        %gather3A_684 = vector.shape_cast %broadcast_in_dim3A_683 : vector<16x1xi32> to vector<16xi32>
        %gather3A_685 = tpu.dynamic_gather %add3A_682[%gather3A_684] in [0] : vector<16xf32>, vector<16xi32> -> vector<16xf32>
        %add3A_686 = arith.addf %add3A_682, %gather3A_685 : vector<16xf32>
        %broadcast_in_dim3A_687 = vector.shape_cast %rem3A_25 : vector<16xi32> to vector<16x1xi32>
        %gather3A_688 = vector.shape_cast %broadcast_in_dim3A_687 : vector<16x1xi32> to vector<16xi32>
        %gather3A_689 = tpu.dynamic_gather %add3A_686[%gather3A_688] in [0] : vector<16xf32>, vector<16xi32> -> vector<16xf32>
        %add3A_690 = arith.addf %add3A_686, %gather3A_689 : vector<16xf32>
        %eq3A_691 = arith.constant 5 : i32
        %eq3A_692 = vector.broadcast %eq3A_691 : i32 to vector<16xi32>
        %eq3A_693 = arith.cmpi eq, %iota3A, %eq3A_692 : vector<16xi32>
        %select_n3A_694 = arith.select %eq3A_693, %add3A_690, %select_n3A_591 : vector<16xi1>, vector<16xf32>
        %mul3A_695 = arith.constant 16 : i32
        %mul3A_696 = arith.muli %scan3A_76, %mul3A_695 : i32
        %add3A_697 = arith.constant 6 : i32
        %add3A_698 = arith.addi %mul3A_696, %add3A_697 : i32
        %get3A_699 = arith.index_cast %add3A_698 : i32 to index
        %get3A_700 = arith.constant 0 : index
        %get3A_701 = tpu.vector_load %arg8[%get3A_699, %get3A_700] {strides = array<i32>} : memref<128x128xf32, #tpu.memory_space<vmem>>, vector<1x16xf32>,
        %get3A_702 = vector.shape_cast %get3A_701 : vector<1x16xf32> to vector<16xf32>
        %get3A_703 = arith.index_cast %add3A_698 : i32 to index
        %get3A_704 = arith.constant 0 : index
        %get3A_705 = tpu.vector_load %arg9[%get3A_703, %get3A_704] {strides = array<i32>} : memref<128x128xf32, #tpu.memory_space<vmem>>, vector<1x16xf32>,
        %get3A_706 = vector.shape_cast %get3A_705 : vector<1x16xf32> to vector<16xf32>
        %mul3A_707 = arith.mulf %get3A_702, %get3A_706 : vector<16xf32>
        %get3A_708 = arith.index_cast %add3A_698 : i32 to index
        %get3A_709 = arith.constant 16 : index
        %get3A_710 = tpu.vector_load %arg8[%get3A_708, %get3A_709] {strides = array<i32>} : memref<128x128xf32, #tpu.memory_space<vmem>>, vector<1x16xf32>,
        %get3A_711 = vector.shape_cast %get3A_710 : vector<1x16xf32> to vector<16xf32>
        %get3A_712 = arith.index_cast %add3A_698 : i32 to index
        %get3A_713 = arith.constant 16 : index
        %get3A_714 = tpu.vector_load %arg9[%get3A_712, %get3A_713] {strides = array<i32>} : memref<128x128xf32, #tpu.memory_space<vmem>>, vector<1x16xf32>,
        %get3A_715 = vector.shape_cast %get3A_714 : vector<1x16xf32> to vector<16xf32>
        %mul3A_716 = arith.mulf %get3A_711, %get3A_715 : vector<16xf32>
        %add3A_717 = arith.addf %mul3A_707, %mul3A_716 : vector<16xf32>
        %get3A_718 = arith.index_cast %add3A_698 : i32 to index
        %get3A_719 = arith.constant 32 : index
        %get3A_720 = tpu.vector_load %arg8[%get3A_718, %get3A_719] {strides = array<i32>} : memref<128x128xf32, #tpu.memory_space<vmem>>, vector<1x16xf32>,
        %get3A_721 = vector.shape_cast %get3A_720 : vector<1x16xf32> to vector<16xf32>
        %get3A_722 = arith.index_cast %add3A_698 : i32 to index
        %get3A_723 = arith.constant 32 : index
        %get3A_724 = tpu.vector_load %arg9[%get3A_722, %get3A_723] {strides = array<i32>} : memref<128x128xf32, #tpu.memory_space<vmem>>, vector<1x16xf32>,
        %get3A_725 = vector.shape_cast %get3A_724 : vector<1x16xf32> to vector<16xf32>
        %mul3A_726 = arith.mulf %get3A_721, %get3A_725 : vector<16xf32>
        %add3A_727 = arith.addf %add3A_717, %mul3A_726 : vector<16xf32>
        %get3A_728 = arith.index_cast %add3A_698 : i32 to index
        %get3A_729 = arith.constant 48 : index
        %get3A_730 = tpu.vector_load %arg8[%get3A_728, %get3A_729] {strides = array<i32>} : memref<128x128xf32, #tpu.memory_space<vmem>>, vector<1x16xf32>,
        %get3A_731 = vector.shape_cast %get3A_730 : vector<1x16xf32> to vector<16xf32>
        %get3A_732 = arith.index_cast %add3A_698 : i32 to index
        %get3A_733 = arith.constant 48 : index
        %get3A_734 = tpu.vector_load %arg9[%get3A_732, %get3A_733] {strides = array<i32>} : memref<128x128xf32, #tpu.memory_space<vmem>>, vector<1x16xf32>,
        %get3A_735 = vector.shape_cast %get3A_734 : vector<1x16xf32> to vector<16xf32>
        %mul3A_736 = arith.mulf %get3A_731, %get3A_735 : vector<16xf32>
        %add3A_737 = arith.addf %add3A_727, %mul3A_736 : vector<16xf32>
        %get3A_738 = arith.index_cast %add3A_698 : i32 to index
        %get3A_739 = arith.constant 64 : index
        %get3A_740 = tpu.vector_load %arg8[%get3A_738, %get3A_739] {strides = array<i32>} : memref<128x128xf32, #tpu.memory_space<vmem>>, vector<1x16xf32>,
        %get3A_741 = vector.shape_cast %get3A_740 : vector<1x16xf32> to vector<16xf32>
        %get3A_742 = arith.index_cast %add3A_698 : i32 to index
        %get3A_743 = arith.constant 64 : index
        %get3A_744 = tpu.vector_load %arg9[%get3A_742, %get3A_743] {strides = array<i32>} : memref<128x128xf32, #tpu.memory_space<vmem>>, vector<1x16xf32>,
        %get3A_745 = vector.shape_cast %get3A_744 : vector<1x16xf32> to vector<16xf32>
        %mul3A_746 = arith.mulf %get3A_741, %get3A_745 : vector<16xf32>
        %add3A_747 = arith.addf %add3A_737, %mul3A_746 : vector<16xf32>
        %get3A_748 = arith.index_cast %add3A_698 : i32 to index
        %get3A_749 = arith.constant 80 : index
        %get3A_750 = tpu.vector_load %arg8[%get3A_748, %get3A_749] {strides = array<i32>} : memref<128x128xf32, #tpu.memory_space<vmem>>, vector<1x16xf32>,
        %get3A_751 = vector.shape_cast %get3A_750 : vector<1x16xf32> to vector<16xf32>
        %get3A_752 = arith.index_cast %add3A_698 : i32 to index
        %get3A_753 = arith.constant 80 : index
        %get3A_754 = tpu.vector_load %arg9[%get3A_752, %get3A_753] {strides = array<i32>} : memref<128x128xf32, #tpu.memory_space<vmem>>, vector<1x16xf32>,
        %get3A_755 = vector.shape_cast %get3A_754 : vector<1x16xf32> to vector<16xf32>
        %mul3A_756 = arith.mulf %get3A_751, %get3A_755 : vector<16xf32>
        %add3A_757 = arith.addf %add3A_747, %mul3A_756 : vector<16xf32>
        %get3A_758 = arith.index_cast %add3A_698 : i32 to index
        %get3A_759 = arith.constant 96 : index
        %get3A_760 = tpu.vector_load %arg8[%get3A_758, %get3A_759] {strides = array<i32>} : memref<128x128xf32, #tpu.memory_space<vmem>>, vector<1x16xf32>,
        %get3A_761 = vector.shape_cast %get3A_760 : vector<1x16xf32> to vector<16xf32>
        %get3A_762 = arith.index_cast %add3A_698 : i32 to index
        %get3A_763 = arith.constant 96 : index
        %get3A_764 = tpu.vector_load %arg9[%get3A_762, %get3A_763] {strides = array<i32>} : memref<128x128xf32, #tpu.memory_space<vmem>>, vector<1x16xf32>,
        %get3A_765 = vector.shape_cast %get3A_764 : vector<1x16xf32> to vector<16xf32>
        %mul3A_766 = arith.mulf %get3A_761, %get3A_765 : vector<16xf32>
        %add3A_767 = arith.addf %add3A_757, %mul3A_766 : vector<16xf32>
        %get3A_768 = arith.index_cast %add3A_698 : i32 to index
        %get3A_769 = arith.constant 112 : index
        %get3A_770 = tpu.vector_load %arg8[%get3A_768, %get3A_769] {strides = array<i32>} : memref<128x128xf32, #tpu.memory_space<vmem>>, vector<1x16xf32>,
        %get3A_771 = vector.shape_cast %get3A_770 : vector<1x16xf32> to vector<16xf32>
        %get3A_772 = arith.index_cast %add3A_698 : i32 to index
        %get3A_773 = arith.constant 112 : index
        %get3A_774 = tpu.vector_load %arg9[%get3A_772, %get3A_773] {strides = array<i32>} : memref<128x128xf32, #tpu.memory_space<vmem>>, vector<1x16xf32>,
        %get3A_775 = vector.shape_cast %get3A_774 : vector<1x16xf32> to vector<16xf32>
        %mul3A_776 = arith.mulf %get3A_771, %get3A_775 : vector<16xf32>
        %add3A_777 = arith.addf %add3A_767, %mul3A_776 : vector<16xf32>
        %broadcast_in_dim3A_778 = vector.shape_cast %rem3A_7 : vector<16xi32> to vector<16x1xi32>
        %gather3A_779 = vector.shape_cast %broadcast_in_dim3A_778 : vector<16x1xi32> to vector<16xi32>
        %gather3A_780 = tpu.dynamic_gather %add3A_777[%gather3A_779] in [0] : vector<16xf32>, vector<16xi32> -> vector<16xf32>
        %add3A_781 = arith.addf %add3A_777, %gather3A_780 : vector<16xf32>
        %broadcast_in_dim3A_782 = vector.shape_cast %rem3A_13 : vector<16xi32> to vector<16x1xi32>
        %gather3A_783 = vector.shape_cast %broadcast_in_dim3A_782 : vector<16x1xi32> to vector<16xi32>
        %gather3A_784 = tpu.dynamic_gather %add3A_781[%gather3A_783] in [0] : vector<16xf32>, vector<16xi32> -> vector<16xf32>
        %add3A_785 = arith.addf %add3A_781, %gather3A_784 : vector<16xf32>
        %broadcast_in_dim3A_786 = vector.shape_cast %rem3A_19 : vector<16xi32> to vector<16x1xi32>
        %gather3A_787 = vector.shape_cast %broadcast_in_dim3A_786 : vector<16x1xi32> to vector<16xi32>
        %gather3A_788 = tpu.dynamic_gather %add3A_785[%gather3A_787] in [0] : vector<16xf32>, vector<16xi32> -> vector<16xf32>
        %add3A_789 = arith.addf %add3A_785, %gather3A_788 : vector<16xf32>
        %broadcast_in_dim3A_790 = vector.shape_cast %rem3A_25 : vector<16xi32> to vector<16x1xi32>
        %gather3A_791 = vector.shape_cast %broadcast_in_dim3A_790 : vector<16x1xi32> to vector<16xi32>
        %gather3A_792 = tpu.dynamic_gather %add3A_789[%gather3A_791] in [0] : vector<16xf32>, vector<16xi32> -> vector<16xf32>
        %add3A_793 = arith.addf %add3A_789, %gather3A_792 : vector<16xf32>
        %eq3A_794 = arith.constant 6 : i32
        %eq3A_795 = vector.broadcast %eq3A_794 : i32 to vector<16xi32>
        %eq3A_796 = arith.cmpi eq, %iota3A, %eq3A_795 : vector<16xi32>
        %select_n3A_797 = arith.select %eq3A_796, %add3A_793, %select_n3A_694 : vector<16xi1>, vector<16xf32>
        %mul3A_798 = arith.constant 16 : i32
        %mul3A_799 = arith.muli %scan3A_76, %mul3A_798 : i32
        %add3A_800 = arith.constant 7 : i32
        %add3A_801 = arith.addi %mul3A_799, %add3A_800 : i32
        %get3A_802 = arith.index_cast %add3A_801 : i32 to index
        %get3A_803 = arith.constant 0 : index
        %get3A_804 = tpu.vector_load %arg8[%get3A_802, %get3A_803] {strides = array<i32>} : memref<128x128xf32, #tpu.memory_space<vmem>>, vector<1x16xf32>,
        %get3A_805 = vector.shape_cast %get3A_804 : vector<1x16xf32> to vector<16xf32>
        %get3A_806 = arith.index_cast %add3A_801 : i32 to index
        %get3A_807 = arith.constant 0 : index
        %get3A_808 = tpu.vector_load %arg9[%get3A_806, %get3A_807] {strides = array<i32>} : memref<128x128xf32, #tpu.memory_space<vmem>>, vector<1x16xf32>,
        %get3A_809 = vector.shape_cast %get3A_808 : vector<1x16xf32> to vector<16xf32>
        %mul3A_810 = arith.mulf %get3A_805, %get3A_809 : vector<16xf32>
        %get3A_811 = arith.index_cast %add3A_801 : i32 to index
        %get3A_812 = arith.constant 16 : index
        %get3A_813 = tpu.vector_load %arg8[%get3A_811, %get3A_812] {strides = array<i32>} : memref<128x128xf32, #tpu.memory_space<vmem>>, vector<1x16xf32>,
        %get3A_814 = vector.shape_cast %get3A_813 : vector<1x16xf32> to vector<16xf32>
        %get3A_815 = arith.index_cast %add3A_801 : i32 to index
        %get3A_816 = arith.constant 16 : index
        %get3A_817 = tpu.vector_load %arg9[%get3A_815, %get3A_816] {strides = array<i32>} : memref<128x128xf32, #tpu.memory_space<vmem>>, vector<1x16xf32>,
        %get3A_818 = vector.shape_cast %get3A_817 : vector<1x16xf32> to vector<16xf32>
        %mul3A_819 = arith.mulf %get3A_814, %get3A_818 : vector<16xf32>
        %add3A_820 = arith.addf %mul3A_810, %mul3A_819 : vector<16xf32>
        %get3A_821 = arith.index_cast %add3A_801 : i32 to index
        %get3A_822 = arith.constant 32 : index
        %get3A_823 = tpu.vector_load %arg8[%get3A_821, %get3A_822] {strides = array<i32>} : memref<128x128xf32, #tpu.memory_space<vmem>>, vector<1x16xf32>,
        %get3A_824 = vector.shape_cast %get3A_823 : vector<1x16xf32> to vector<16xf32>
        %get3A_825 = arith.index_cast %add3A_801 : i32 to index
        %get3A_826 = arith.constant 32 : index
        %get3A_827 = tpu.vector_load %arg9[%get3A_825, %get3A_826] {strides = array<i32>} : memref<128x128xf32, #tpu.memory_space<vmem>>, vector<1x16xf32>,
        %get3A_828 = vector.shape_cast %get3A_827 : vector<1x16xf32> to vector<16xf32>
        %mul3A_829 = arith.mulf %get3A_824, %get3A_828 : vector<16xf32>
        %add3A_830 = arith.addf %add3A_820, %mul3A_829 : vector<16xf32>
        %get3A_831 = arith.index_cast %add3A_801 : i32 to index
        %get3A_832 = arith.constant 48 : index
        %get3A_833 = tpu.vector_load %arg8[%get3A_831, %get3A_832] {strides = array<i32>} : memref<128x128xf32, #tpu.memory_space<vmem>>, vector<1x16xf32>,
        %get3A_834 = vector.shape_cast %get3A_833 : vector<1x16xf32> to vector<16xf32>
        %get3A_835 = arith.index_cast %add3A_801 : i32 to index
        %get3A_836 = arith.constant 48 : index
        %get3A_837 = tpu.vector_load %arg9[%get3A_835, %get3A_836] {strides = array<i32>} : memref<128x128xf32, #tpu.memory_space<vmem>>, vector<1x16xf32>,
        %get3A_838 = vector.shape_cast %get3A_837 : vector<1x16xf32> to vector<16xf32>
        %mul3A_839 = arith.mulf %get3A_834, %get3A_838 : vector<16xf32>
        %add3A_840 = arith.addf %add3A_830, %mul3A_839 : vector<16xf32>
        %get3A_841 = arith.index_cast %add3A_801 : i32 to index
        %get3A_842 = arith.constant 64 : index
        %get3A_843 = tpu.vector_load %arg8[%get3A_841, %get3A_842] {strides = array<i32>} : memref<128x128xf32, #tpu.memory_space<vmem>>, vector<1x16xf32>,
        %get3A_844 = vector.shape_cast %get3A_843 : vector<1x16xf32> to vector<16xf32>
        %get3A_845 = arith.index_cast %add3A_801 : i32 to index
        %get3A_846 = arith.constant 64 : index
        %get3A_847 = tpu.vector_load %arg9[%get3A_845, %get3A_846] {strides = array<i32>} : memref<128x128xf32, #tpu.memory_space<vmem>>, vector<1x16xf32>,
        %get3A_848 = vector.shape_cast %get3A_847 : vector<1x16xf32> to vector<16xf32>
        %mul3A_849 = arith.mulf %get3A_844, %get3A_848 : vector<16xf32>
        %add3A_850 = arith.addf %add3A_840, %mul3A_849 : vector<16xf32>
        %get3A_851 = arith.index_cast %add3A_801 : i32 to index
        %get3A_852 = arith.constant 80 : index
        %get3A_853 = tpu.vector_load %arg8[%get3A_851, %get3A_852] {strides = array<i32>} : memref<128x128xf32, #tpu.memory_space<vmem>>, vector<1x16xf32>,
        %get3A_854 = vector.shape_cast %get3A_853 : vector<1x16xf32> to vector<16xf32>
        %get3A_855 = arith.index_cast %add3A_801 : i32 to index
        %get3A_856 = arith.constant 80 : index
        %get3A_857 = tpu.vector_load %arg9[%get3A_855, %get3A_856] {strides = array<i32>} : memref<128x128xf32, #tpu.memory_space<vmem>>, vector<1x16xf32>,
        %get3A_858 = vector.shape_cast %get3A_857 : vector<1x16xf32> to vector<16xf32>
        %mul3A_859 = arith.mulf %get3A_854, %get3A_858 : vector<16xf32>
        %add3A_860 = arith.addf %add3A_850, %mul3A_859 : vector<16xf32>
        %get3A_861 = arith.index_cast %add3A_801 : i32 to index
        %get3A_862 = arith.constant 96 : index
        %get3A_863 = tpu.vector_load %arg8[%get3A_861, %get3A_862] {strides = array<i32>} : memref<128x128xf32, #tpu.memory_space<vmem>>, vector<1x16xf32>,
        %get3A_864 = vector.shape_cast %get3A_863 : vector<1x16xf32> to vector<16xf32>
        %get3A_865 = arith.index_cast %add3A_801 : i32 to index
        %get3A_866 = arith.constant 96 : index
        %get3A_867 = tpu.vector_load %arg9[%get3A_865, %get3A_866] {strides = array<i32>} : memref<128x128xf32, #tpu.memory_space<vmem>>, vector<1x16xf32>,
        %get3A_868 = vector.shape_cast %get3A_867 : vector<1x16xf32> to vector<16xf32>
        %mul3A_869 = arith.mulf %get3A_864, %get3A_868 : vector<16xf32>
        %add3A_870 = arith.addf %add3A_860, %mul3A_869 : vector<16xf32>
        %get3A_871 = arith.index_cast %add3A_801 : i32 to index
        %get3A_872 = arith.constant 112 : index
        %get3A_873 = tpu.vector_load %arg8[%get3A_871, %get3A_872] {strides = array<i32>} : memref<128x128xf32, #tpu.memory_space<vmem>>, vector<1x16xf32>,
        %get3A_874 = vector.shape_cast %get3A_873 : vector<1x16xf32> to vector<16xf32>
        %get3A_875 = arith.index_cast %add3A_801 : i32 to index
        %get3A_876 = arith.constant 112 : index
        %get3A_877 = tpu.vector_load %arg9[%get3A_875, %get3A_876] {strides = array<i32>} : memref<128x128xf32, #tpu.memory_space<vmem>>, vector<1x16xf32>,
        %get3A_878 = vector.shape_cast %get3A_877 : vector<1x16xf32> to vector<16xf32>
        %mul3A_879 = arith.mulf %get3A_874, %get3A_878 : vector<16xf32>
        %add3A_880 = arith.addf %add3A_870, %mul3A_879 : vector<16xf32>
        %broadcast_in_dim3A_881 = vector.shape_cast %rem3A_7 : vector<16xi32> to vector<16x1xi32>
        %gather3A_882 = vector.shape_cast %broadcast_in_dim3A_881 : vector<16x1xi32> to vector<16xi32>
        %gather3A_883 = tpu.dynamic_gather %add3A_880[%gather3A_882] in [0] : vector<16xf32>, vector<16xi32> -> vector<16xf32>
        %add3A_884 = arith.addf %add3A_880, %gather3A_883 : vector<16xf32>
        %broadcast_in_dim3A_885 = vector.shape_cast %rem3A_13 : vector<16xi32> to vector<16x1xi32>
        %gather3A_886 = vector.shape_cast %broadcast_in_dim3A_885 : vector<16x1xi32> to vector<16xi32>
        %gather3A_887 = tpu.dynamic_gather %add3A_884[%gather3A_886] in [0] : vector<16xf32>, vector<16xi32> -> vector<16xf32>
        %add3A_888 = arith.addf %add3A_884, %gather3A_887 : vector<16xf32>
        %broadcast_in_dim3A_889 = vector.shape_cast %rem3A_19 : vector<16xi32> to vector<16x1xi32>
        %gather3A_890 = vector.shape_cast %broadcast_in_dim3A_889 : vector<16x1xi32> to vector<16xi32>
        %gather3A_891 = tpu.dynamic_gather %add3A_888[%gather3A_890] in [0] : vector<16xf32>, vector<16xi32> -> vector<16xf32>
        %add3A_892 = arith.addf %add3A_888, %gather3A_891 : vector<16xf32>
        %broadcast_in_dim3A_893 = vector.shape_cast %rem3A_25 : vector<16xi32> to vector<16x1xi32>
        %gather3A_894 = vector.shape_cast %broadcast_in_dim3A_893 : vector<16x1xi32> to vector<16xi32>
        %gather3A_895 = tpu.dynamic_gather %add3A_892[%gather3A_894] in [0] : vector<16xf32>, vector<16xi32> -> vector<16xf32>
        %add3A_896 = arith.addf %add3A_892, %gather3A_895 : vector<16xf32>
        %eq3A_897 = arith.constant 7 : i32
        %eq3A_898 = vector.broadcast %eq3A_897 : i32 to vector<16xi32>
        %eq3A_899 = arith.cmpi eq, %iota3A, %eq3A_898 : vector<16xi32>
        %select_n3A_900 = arith.select %eq3A_899, %add3A_896, %select_n3A_797 : vector<16xi1>, vector<16xf32>
        %mul3A_901 = arith.constant 16 : i32
        %mul3A_902 = arith.muli %scan3A_76, %mul3A_901 : i32
        %add3A_903 = arith.constant 8 : i32
        %add3A_904 = arith.addi %mul3A_902, %add3A_903 : i32
        %get3A_905 = arith.index_cast %add3A_904 : i32 to index
        %get3A_906 = arith.constant 0 : index
        %get3A_907 = tpu.vector_load %arg8[%get3A_905, %get3A_906] {strides = array<i32>} : memref<128x128xf32, #tpu.memory_space<vmem>>, vector<1x16xf32>,
        %get3A_908 = vector.shape_cast %get3A_907 : vector<1x16xf32> to vector<16xf32>
        %get3A_909 = arith.index_cast %add3A_904 : i32 to index
        %get3A_910 = arith.constant 0 : index
        %get3A_911 = tpu.vector_load %arg9[%get3A_909, %get3A_910] {strides = array<i32>} : memref<128x128xf32, #tpu.memory_space<vmem>>, vector<1x16xf32>,
        %get3A_912 = vector.shape_cast %get3A_911 : vector<1x16xf32> to vector<16xf32>
        %mul3A_913 = arith.mulf %get3A_908, %get3A_912 : vector<16xf32>
        %get3A_914 = arith.index_cast %add3A_904 : i32 to index
        %get3A_915 = arith.constant 16 : index
        %get3A_916 = tpu.vector_load %arg8[%get3A_914, %get3A_915] {strides = array<i32>} : memref<128x128xf32, #tpu.memory_space<vmem>>, vector<1x16xf32>,
        %get3A_917 = vector.shape_cast %get3A_916 : vector<1x16xf32> to vector<16xf32>
        %get3A_918 = arith.index_cast %add3A_904 : i32 to index
        %get3A_919 = arith.constant 16 : index
        %get3A_920 = tpu.vector_load %arg9[%get3A_918, %get3A_919] {strides = array<i32>} : memref<128x128xf32, #tpu.memory_space<vmem>>, vector<1x16xf32>,
        %get3A_921 = vector.shape_cast %get3A_920 : vector<1x16xf32> to vector<16xf32>
        %mul3A_922 = arith.mulf %get3A_917, %get3A_921 : vector<16xf32>
        %add3A_923 = arith.addf %mul3A_913, %mul3A_922 : vector<16xf32>
        %get3A_924 = arith.index_cast %add3A_904 : i32 to index
        %get3A_925 = arith.constant 32 : index
        %get3A_926 = tpu.vector_load %arg8[%get3A_924, %get3A_925] {strides = array<i32>} : memref<128x128xf32, #tpu.memory_space<vmem>>, vector<1x16xf32>,
        %get3A_927 = vector.shape_cast %get3A_926 : vector<1x16xf32> to vector<16xf32>
        %get3A_928 = arith.index_cast %add3A_904 : i32 to index
        %get3A_929 = arith.constant 32 : index
        %get3A_930 = tpu.vector_load %arg9[%get3A_928, %get3A_929] {strides = array<i32>} : memref<128x128xf32, #tpu.memory_space<vmem>>, vector<1x16xf32>,
        %get3A_931 = vector.shape_cast %get3A_930 : vector<1x16xf32> to vector<16xf32>
        %mul3A_932 = arith.mulf %get3A_927, %get3A_931 : vector<16xf32>
        %add3A_933 = arith.addf %add3A_923, %mul3A_932 : vector<16xf32>
        %get3A_934 = arith.index_cast %add3A_904 : i32 to index
        %get3A_935 = arith.constant 48 : index
        %get3A_936 = tpu.vector_load %arg8[%get3A_934, %get3A_935] {strides = array<i32>} : memref<128x128xf32, #tpu.memory_space<vmem>>, vector<1x16xf32>,
        %get3A_937 = vector.shape_cast %get3A_936 : vector<1x16xf32> to vector<16xf32>
        %get3A_938 = arith.index_cast %add3A_904 : i32 to index
        %get3A_939 = arith.constant 48 : index
        %get3A_940 = tpu.vector_load %arg9[%get3A_938, %get3A_939] {strides = array<i32>} : memref<128x128xf32, #tpu.memory_space<vmem>>, vector<1x16xf32>,
        %get3A_941 = vector.shape_cast %get3A_940 : vector<1x16xf32> to vector<16xf32>
        %mul3A_942 = arith.mulf %get3A_937, %get3A_941 : vector<16xf32>
        %add3A_943 = arith.addf %add3A_933, %mul3A_942 : vector<16xf32>
        %get3A_944 = arith.index_cast %add3A_904 : i32 to index
        %get3A_945 = arith.constant 64 : index
        %get3A_946 = tpu.vector_load %arg8[%get3A_944, %get3A_945] {strides = array<i32>} : memref<128x128xf32, #tpu.memory_space<vmem>>, vector<1x16xf32>,
        %get3A_947 = vector.shape_cast %get3A_946 : vector<1x16xf32> to vector<16xf32>
        %get3A_948 = arith.index_cast %add3A_904 : i32 to index
        %get3A_949 = arith.constant 64 : index
        %get3A_950 = tpu.vector_load %arg9[%get3A_948, %get3A_949] {strides = array<i32>} : memref<128x128xf32, #tpu.memory_space<vmem>>, vector<1x16xf32>,
        %get3A_951 = vector.shape_cast %get3A_950 : vector<1x16xf32> to vector<16xf32>
        %mul3A_952 = arith.mulf %get3A_947, %get3A_951 : vector<16xf32>
        %add3A_953 = arith.addf %add3A_943, %mul3A_952 : vector<16xf32>
        %get3A_954 = arith.index_cast %add3A_904 : i32 to index
        %get3A_955 = arith.constant 80 : index
        %get3A_956 = tpu.vector_load %arg8[%get3A_954, %get3A_955] {strides = array<i32>} : memref<128x128xf32, #tpu.memory_space<vmem>>, vector<1x16xf32>,
        %get3A_957 = vector.shape_cast %get3A_956 : vector<1x16xf32> to vector<16xf32>
        %get3A_958 = arith.index_cast %add3A_904 : i32 to index
        %get3A_959 = arith.constant 80 : index
        %get3A_960 = tpu.vector_load %arg9[%get3A_958, %get3A_959] {strides = array<i32>} : memref<128x128xf32, #tpu.memory_space<vmem>>, vector<1x16xf32>,
        %get3A_961 = vector.shape_cast %get3A_960 : vector<1x16xf32> to vector<16xf32>
        %mul3A_962 = arith.mulf %get3A_957, %get3A_961 : vector<16xf32>
        %add3A_963 = arith.addf %add3A_953, %mul3A_962 : vector<16xf32>
        %get3A_964 = arith.index_cast %add3A_904 : i32 to index
        %get3A_965 = arith.constant 96 : index
        %get3A_966 = tpu.vector_load %arg8[%get3A_964, %get3A_965] {strides = array<i32>} : memref<128x128xf32, #tpu.memory_space<vmem>>, vector<1x16xf32>,
        %get3A_967 = vector.shape_cast %get3A_966 : vector<1x16xf32> to vector<16xf32>
        %get3A_968 = arith.index_cast %add3A_904 : i32 to index
        %get3A_969 = arith.constant 96 : index
        %get3A_970 = tpu.vector_load %arg9[%get3A_968, %get3A_969] {strides = array<i32>} : memref<128x128xf32, #tpu.memory_space<vmem>>, vector<1x16xf32>,
        %get3A_971 = vector.shape_cast %get3A_970 : vector<1x16xf32> to vector<16xf32>
        %mul3A_972 = arith.mulf %get3A_967, %get3A_971 : vector<16xf32>
        %add3A_973 = arith.addf %add3A_963, %mul3A_972 : vector<16xf32>
        %get3A_974 = arith.index_cast %add3A_904 : i32 to index
        %get3A_975 = arith.constant 112 : index
        %get3A_976 = tpu.vector_load %arg8[%get3A_974, %get3A_975] {strides = array<i32>} : memref<128x128xf32, #tpu.memory_space<vmem>>, vector<1x16xf32>,
        %get3A_977 = vector.shape_cast %get3A_976 : vector<1x16xf32> to vector<16xf32>
        %get3A_978 = arith.index_cast %add3A_904 : i32 to index
        %get3A_979 = arith.constant 112 : index
        %get3A_980 = tpu.vector_load %arg9[%get3A_978, %get3A_979] {strides = array<i32>} : memref<128x128xf32, #tpu.memory_space<vmem>>, vector<1x16xf32>,
        %get3A_981 = vector.shape_cast %get3A_980 : vector<1x16xf32> to vector<16xf32>
        %mul3A_982 = arith.mulf %get3A_977, %get3A_981 : vector<16xf32>
        %add3A_983 = arith.addf %add3A_973, %mul3A_982 : vector<16xf32>
        %broadcast_in_dim3A_984 = vector.shape_cast %rem3A_7 : vector<16xi32> to vector<16x1xi32>
        %gather3A_985 = vector.shape_cast %broadcast_in_dim3A_984 : vector<16x1xi32> to vector<16xi32>
        %gather3A_986 = tpu.dynamic_gather %add3A_983[%gather3A_985] in [0] : vector<16xf32>, vector<16xi32> -> vector<16xf32>
        %add3A_987 = arith.addf %add3A_983, %gather3A_986 : vector<16xf32>
        %broadcast_in_dim3A_988 = vector.shape_cast %rem3A_13 : vector<16xi32> to vector<16x1xi32>
        %gather3A_989 = vector.shape_cast %broadcast_in_dim3A_988 : vector<16x1xi32> to vector<16xi32>
        %gather3A_990 = tpu.dynamic_gather %add3A_987[%gather3A_989] in [0] : vector<16xf32>, vector<16xi32> -> vector<16xf32>
        %add3A_991 = arith.addf %add3A_987, %gather3A_990 : vector<16xf32>
        %broadcast_in_dim3A_992 = vector.shape_cast %rem3A_19 : vector<16xi32> to vector<16x1xi32>
        %gather3A_993 = vector.shape_cast %broadcast_in_dim3A_992 : vector<16x1xi32> to vector<16xi32>
        %gather3A_994 = tpu.dynamic_gather %add3A_991[%gather3A_993] in [0] : vector<16xf32>, vector<16xi32> -> vector<16xf32>
        %add3A_995 = arith.addf %add3A_991, %gather3A_994 : vector<16xf32>
        %broadcast_in_dim3A_996 = vector.shape_cast %rem3A_25 : vector<16xi32> to vector<16x1xi32>
        %gather3A_997 = vector.shape_cast %broadcast_in_dim3A_996 : vector<16x1xi32> to vector<16xi32>
        %gather3A_998 = tpu.dynamic_gather %add3A_995[%gather3A_997] in [0] : vector<16xf32>, vector<16xi32> -> vector<16xf32>
        %add3A_999 = arith.addf %add3A_995, %gather3A_998 : vector<16xf32>
        %eq3A_1000 = arith.constant 8 : i32
        %eq3A_1001 = vector.broadcast %eq3A_1000 : i32 to vector<16xi32>
        %eq3A_1002 = arith.cmpi eq, %iota3A, %eq3A_1001 : vector<16xi32>
        %select_n3A_1003 = arith.select %eq3A_1002, %add3A_999, %select_n3A_900 : vector<16xi1>, vector<16xf32>
        %mul3A_1004 = arith.constant 16 : i32
        %mul3A_1005 = arith.muli %scan3A_76, %mul3A_1004 : i32
        %add3A_1006 = arith.constant 9 : i32
        %add3A_1007 = arith.addi %mul3A_1005, %add3A_1006 : i32
        %get3A_1008 = arith.index_cast %add3A_1007 : i32 to index
        %get3A_1009 = arith.constant 0 : index
        %get3A_1010 = tpu.vector_load %arg8[%get3A_1008, %get3A_1009] {strides = array<i32>} : memref<128x128xf32, #tpu.memory_space<vmem>>, vector<1x16xf32>,
        %get3A_1011 = vector.shape_cast %get3A_1010 : vector<1x16xf32> to vector<16xf32>
        %get3A_1012 = arith.index_cast %add3A_1007 : i32 to index
        %get3A_1013 = arith.constant 0 : index
        %get3A_1014 = tpu.vector_load %arg9[%get3A_1012, %get3A_1013] {strides = array<i32>} : memref<128x128xf32, #tpu.memory_space<vmem>>, vector<1x16xf32>,
        %get3A_1015 = vector.shape_cast %get3A_1014 : vector<1x16xf32> to vector<16xf32>
        %mul3A_1016 = arith.mulf %get3A_1011, %get3A_1015 : vector<16xf32>
        %get3A_1017 = arith.index_cast %add3A_1007 : i32 to index
        %get3A_1018 = arith.constant 16 : index
        %get3A_1019 = tpu.vector_load %arg8[%get3A_1017, %get3A_1018] {strides = array<i32>} : memref<128x128xf32, #tpu.memory_space<vmem>>, vector<1x16xf32>,
        %get3A_1020 = vector.shape_cast %get3A_1019 : vector<1x16xf32> to vector<16xf32>
        %get3A_1021 = arith.index_cast %add3A_1007 : i32 to index
        %get3A_1022 = arith.constant 16 : index
        %get3A_1023 = tpu.vector_load %arg9[%get3A_1021, %get3A_1022] {strides = array<i32>} : memref<128x128xf32, #tpu.memory_space<vmem>>, vector<1x16xf32>,
        %get3A_1024 = vector.shape_cast %get3A_1023 : vector<1x16xf32> to vector<16xf32>
        %mul3A_1025 = arith.mulf %get3A_1020, %get3A_1024 : vector<16xf32>
        %add3A_1026 = arith.addf %mul3A_1016, %mul3A_1025 : vector<16xf32>
        %get3A_1027 = arith.index_cast %add3A_1007 : i32 to index
        %get3A_1028 = arith.constant 32 : index
        %get3A_1029 = tpu.vector_load %arg8[%get3A_1027, %get3A_1028] {strides = array<i32>} : memref<128x128xf32, #tpu.memory_space<vmem>>, vector<1x16xf32>,
        %get3A_1030 = vector.shape_cast %get3A_1029 : vector<1x16xf32> to vector<16xf32>
        %get3A_1031 = arith.index_cast %add3A_1007 : i32 to index
        %get3A_1032 = arith.constant 32 : index
        %get3A_1033 = tpu.vector_load %arg9[%get3A_1031, %get3A_1032] {strides = array<i32>} : memref<128x128xf32, #tpu.memory_space<vmem>>, vector<1x16xf32>,
        %get3A_1034 = vector.shape_cast %get3A_1033 : vector<1x16xf32> to vector<16xf32>
        %mul3A_1035 = arith.mulf %get3A_1030, %get3A_1034 : vector<16xf32>
        %add3A_1036 = arith.addf %add3A_1026, %mul3A_1035 : vector<16xf32>
        %get3A_1037 = arith.index_cast %add3A_1007 : i32 to index
        %get3A_1038 = arith.constant 48 : index
        %get3A_1039 = tpu.vector_load %arg8[%get3A_1037, %get3A_1038] {strides = array<i32>} : memref<128x128xf32, #tpu.memory_space<vmem>>, vector<1x16xf32>,
        %get3A_1040 = vector.shape_cast %get3A_1039 : vector<1x16xf32> to vector<16xf32>
        %get3A_1041 = arith.index_cast %add3A_1007 : i32 to index
        %get3A_1042 = arith.constant 48 : index
        %get3A_1043 = tpu.vector_load %arg9[%get3A_1041, %get3A_1042] {strides = array<i32>} : memref<128x128xf32, #tpu.memory_space<vmem>>, vector<1x16xf32>,
        %get3A_1044 = vector.shape_cast %get3A_1043 : vector<1x16xf32> to vector<16xf32>
        %mul3A_1045 = arith.mulf %get3A_1040, %get3A_1044 : vector<16xf32>
        %add3A_1046 = arith.addf %add3A_1036, %mul3A_1045 : vector<16xf32>
        %get3A_1047 = arith.index_cast %add3A_1007 : i32 to index
        %get3A_1048 = arith.constant 64 : index
        %get3A_1049 = tpu.vector_load %arg8[%get3A_1047, %get3A_1048] {strides = array<i32>} : memref<128x128xf32, #tpu.memory_space<vmem>>, vector<1x16xf32>,
        %get3A_1050 = vector.shape_cast %get3A_1049 : vector<1x16xf32> to vector<16xf32>
        %get3A_1051 = arith.index_cast %add3A_1007 : i32 to index
        %get3A_1052 = arith.constant 64 : index
        %get3A_1053 = tpu.vector_load %arg9[%get3A_1051, %get3A_1052] {strides = array<i32>} : memref<128x128xf32, #tpu.memory_space<vmem>>, vector<1x16xf32>,
        %get3A_1054 = vector.shape_cast %get3A_1053 : vector<1x16xf32> to vector<16xf32>
        %mul3A_1055 = arith.mulf %get3A_1050, %get3A_1054 : vector<16xf32>
        %add3A_1056 = arith.addf %add3A_1046, %mul3A_1055 : vector<16xf32>
        %get3A_1057 = arith.index_cast %add3A_1007 : i32 to index
        %get3A_1058 = arith.constant 80 : index
        %get3A_1059 = tpu.vector_load %arg8[%get3A_1057, %get3A_1058] {strides = array<i32>} : memref<128x128xf32, #tpu.memory_space<vmem>>, vector<1x16xf32>,
        %get3A_1060 = vector.shape_cast %get3A_1059 : vector<1x16xf32> to vector<16xf32>
        %get3A_1061 = arith.index_cast %add3A_1007 : i32 to index
        %get3A_1062 = arith.constant 80 : index
        %get3A_1063 = tpu.vector_load %arg9[%get3A_1061, %get3A_1062] {strides = array<i32>} : memref<128x128xf32, #tpu.memory_space<vmem>>, vector<1x16xf32>,
        %get3A_1064 = vector.shape_cast %get3A_1063 : vector<1x16xf32> to vector<16xf32>
        %mul3A_1065 = arith.mulf %get3A_1060, %get3A_1064 : vector<16xf32>
        %add3A_1066 = arith.addf %add3A_1056, %mul3A_1065 : vector<16xf32>
        %get3A_1067 = arith.index_cast %add3A_1007 : i32 to index
        %get3A_1068 = arith.constant 96 : index
        %get3A_1069 = tpu.vector_load %arg8[%get3A_1067, %get3A_1068] {strides = array<i32>} : memref<128x128xf32, #tpu.memory_space<vmem>>, vector<1x16xf32>,
        %get3A_1070 = vector.shape_cast %get3A_1069 : vector<1x16xf32> to vector<16xf32>
        %get3A_1071 = arith.index_cast %add3A_1007 : i32 to index
        %get3A_1072 = arith.constant 96 : index
        %get3A_1073 = tpu.vector_load %arg9[%get3A_1071, %get3A_1072] {strides = array<i32>} : memref<128x128xf32, #tpu.memory_space<vmem>>, vector<1x16xf32>,
        %get3A_1074 = vector.shape_cast %get3A_1073 : vector<1x16xf32> to vector<16xf32>
        %mul3A_1075 = arith.mulf %get3A_1070, %get3A_1074 : vector<16xf32>
        %add3A_1076 = arith.addf %add3A_1066, %mul3A_1075 : vector<16xf32>
        %get3A_1077 = arith.index_cast %add3A_1007 : i32 to index
        %get3A_1078 = arith.constant 112 : index
        %get3A_1079 = tpu.vector_load %arg8[%get3A_1077, %get3A_1078] {strides = array<i32>} : memref<128x128xf32, #tpu.memory_space<vmem>>, vector<1x16xf32>,
        %get3A_1080 = vector.shape_cast %get3A_1079 : vector<1x16xf32> to vector<16xf32>
        %get3A_1081 = arith.index_cast %add3A_1007 : i32 to index
        %get3A_1082 = arith.constant 112 : index
        %get3A_1083 = tpu.vector_load %arg9[%get3A_1081, %get3A_1082] {strides = array<i32>} : memref<128x128xf32, #tpu.memory_space<vmem>>, vector<1x16xf32>,
        %get3A_1084 = vector.shape_cast %get3A_1083 : vector<1x16xf32> to vector<16xf32>
        %mul3A_1085 = arith.mulf %get3A_1080, %get3A_1084 : vector<16xf32>
        %add3A_1086 = arith.addf %add3A_1076, %mul3A_1085 : vector<16xf32>
        %broadcast_in_dim3A_1087 = vector.shape_cast %rem3A_7 : vector<16xi32> to vector<16x1xi32>
        %gather3A_1088 = vector.shape_cast %broadcast_in_dim3A_1087 : vector<16x1xi32> to vector<16xi32>
        %gather3A_1089 = tpu.dynamic_gather %add3A_1086[%gather3A_1088] in [0] : vector<16xf32>, vector<16xi32> -> vector<16xf32>
        %add3A_1090 = arith.addf %add3A_1086, %gather3A_1089 : vector<16xf32>
        %broadcast_in_dim3A_1091 = vector.shape_cast %rem3A_13 : vector<16xi32> to vector<16x1xi32>
        %gather3A_1092 = vector.shape_cast %broadcast_in_dim3A_1091 : vector<16x1xi32> to vector<16xi32>
        %gather3A_1093 = tpu.dynamic_gather %add3A_1090[%gather3A_1092] in [0] : vector<16xf32>, vector<16xi32> -> vector<16xf32>
        %add3A_1094 = arith.addf %add3A_1090, %gather3A_1093 : vector<16xf32>
        %broadcast_in_dim3A_1095 = vector.shape_cast %rem3A_19 : vector<16xi32> to vector<16x1xi32>
        %gather3A_1096 = vector.shape_cast %broadcast_in_dim3A_1095 : vector<16x1xi32> to vector<16xi32>
        %gather3A_1097 = tpu.dynamic_gather %add3A_1094[%gather3A_1096] in [0] : vector<16xf32>, vector<16xi32> -> vector<16xf32>
        %add3A_1098 = arith.addf %add3A_1094, %gather3A_1097 : vector<16xf32>
        %broadcast_in_dim3A_1099 = vector.shape_cast %rem3A_25 : vector<16xi32> to vector<16x1xi32>
        %gather3A_1100 = vector.shape_cast %broadcast_in_dim3A_1099 : vector<16x1xi32> to vector<16xi32>
        %gather3A_1101 = tpu.dynamic_gather %add3A_1098[%gather3A_1100] in [0] : vector<16xf32>, vector<16xi32> -> vector<16xf32>
        %add3A_1102 = arith.addf %add3A_1098, %gather3A_1101 : vector<16xf32>
        %eq3A_1103 = arith.constant 9 : i32
        %eq3A_1104 = vector.broadcast %eq3A_1103 : i32 to vector<16xi32>
        %eq3A_1105 = arith.cmpi eq, %iota3A, %eq3A_1104 : vector<16xi32>
        %select_n3A_1106 = arith.select %eq3A_1105, %add3A_1102, %select_n3A_1003 : vector<16xi1>, vector<16xf32>
        %mul3A_1107 = arith.constant 16 : i32
        %mul3A_1108 = arith.muli %scan3A_76, %mul3A_1107 : i32
        %add3A_1109 = arith.constant 10 : i32
        %add3A_1110 = arith.addi %mul3A_1108, %add3A_1109 : i32
        %get3A_1111 = arith.index_cast %add3A_1110 : i32 to index
        %get3A_1112 = arith.constant 0 : index
        %get3A_1113 = tpu.vector_load %arg8[%get3A_1111, %get3A_1112] {strides = array<i32>} : memref<128x128xf32, #tpu.memory_space<vmem>>, vector<1x16xf32>,
        %get3A_1114 = vector.shape_cast %get3A_1113 : vector<1x16xf32> to vector<16xf32>
        %get3A_1115 = arith.index_cast %add3A_1110 : i32 to index
        %get3A_1116 = arith.constant 0 : index
        %get3A_1117 = tpu.vector_load %arg9[%get3A_1115, %get3A_1116] {strides = array<i32>} : memref<128x128xf32, #tpu.memory_space<vmem>>, vector<1x16xf32>,
        %get3A_1118 = vector.shape_cast %get3A_1117 : vector<1x16xf32> to vector<16xf32>
        %mul3A_1119 = arith.mulf %get3A_1114, %get3A_1118 : vector<16xf32>
        %get3A_1120 = arith.index_cast %add3A_1110 : i32 to index
        %get3A_1121 = arith.constant 16 : index
        %get3A_1122 = tpu.vector_load %arg8[%get3A_1120, %get3A_1121] {strides = array<i32>} : memref<128x128xf32, #tpu.memory_space<vmem>>, vector<1x16xf32>,
        %get3A_1123 = vector.shape_cast %get3A_1122 : vector<1x16xf32> to vector<16xf32>
        %get3A_1124 = arith.index_cast %add3A_1110 : i32 to index
        %get3A_1125 = arith.constant 16 : index
        %get3A_1126 = tpu.vector_load %arg9[%get3A_1124, %get3A_1125] {strides = array<i32>} : memref<128x128xf32, #tpu.memory_space<vmem>>, vector<1x16xf32>,
        %get3A_1127 = vector.shape_cast %get3A_1126 : vector<1x16xf32> to vector<16xf32>
        %mul3A_1128 = arith.mulf %get3A_1123, %get3A_1127 : vector<16xf32>
        %add3A_1129 = arith.addf %mul3A_1119, %mul3A_1128 : vector<16xf32>
        %get3A_1130 = arith.index_cast %add3A_1110 : i32 to index
        %get3A_1131 = arith.constant 32 : index
        %get3A_1132 = tpu.vector_load %arg8[%get3A_1130, %get3A_1131] {strides = array<i32>} : memref<128x128xf32, #tpu.memory_space<vmem>>, vector<1x16xf32>,
        %get3A_1133 = vector.shape_cast %get3A_1132 : vector<1x16xf32> to vector<16xf32>
        %get3A_1134 = arith.index_cast %add3A_1110 : i32 to index
        %get3A_1135 = arith.constant 32 : index
        %get3A_1136 = tpu.vector_load %arg9[%get3A_1134, %get3A_1135] {strides = array<i32>} : memref<128x128xf32, #tpu.memory_space<vmem>>, vector<1x16xf32>,
        %get3A_1137 = vector.shape_cast %get3A_1136 : vector<1x16xf32> to vector<16xf32>
        %mul3A_1138 = arith.mulf %get3A_1133, %get3A_1137 : vector<16xf32>
        %add3A_1139 = arith.addf %add3A_1129, %mul3A_1138 : vector<16xf32>
        %get3A_1140 = arith.index_cast %add3A_1110 : i32 to index
        %get3A_1141 = arith.constant 48 : index
        %get3A_1142 = tpu.vector_load %arg8[%get3A_1140, %get3A_1141] {strides = array<i32>} : memref<128x128xf32, #tpu.memory_space<vmem>>, vector<1x16xf32>,
        %get3A_1143 = vector.shape_cast %get3A_1142 : vector<1x16xf32> to vector<16xf32>
        %get3A_1144 = arith.index_cast %add3A_1110 : i32 to index
        %get3A_1145 = arith.constant 48 : index
        %get3A_1146 = tpu.vector_load %arg9[%get3A_1144, %get3A_1145] {strides = array<i32>} : memref<128x128xf32, #tpu.memory_space<vmem>>, vector<1x16xf32>,
        %get3A_1147 = vector.shape_cast %get3A_1146 : vector<1x16xf32> to vector<16xf32>
        %mul3A_1148 = arith.mulf %get3A_1143, %get3A_1147 : vector<16xf32>
        %add3A_1149 = arith.addf %add3A_1139, %mul3A_1148 : vector<16xf32>
        %get3A_1150 = arith.index_cast %add3A_1110 : i32 to index
        %get3A_1151 = arith.constant 64 : index
        %get3A_1152 = tpu.vector_load %arg8[%get3A_1150, %get3A_1151] {strides = array<i32>} : memref<128x128xf32, #tpu.memory_space<vmem>>, vector<1x16xf32>,
        %get3A_1153 = vector.shape_cast %get3A_1152 : vector<1x16xf32> to vector<16xf32>
        %get3A_1154 = arith.index_cast %add3A_1110 : i32 to index
        %get3A_1155 = arith.constant 64 : index
        %get3A_1156 = tpu.vector_load %arg9[%get3A_1154, %get3A_1155] {strides = array<i32>} : memref<128x128xf32, #tpu.memory_space<vmem>>, vector<1x16xf32>,
        %get3A_1157 = vector.shape_cast %get3A_1156 : vector<1x16xf32> to vector<16xf32>
        %mul3A_1158 = arith.mulf %get3A_1153, %get3A_1157 : vector<16xf32>
        %add3A_1159 = arith.addf %add3A_1149, %mul3A_1158 : vector<16xf32>
        %get3A_1160 = arith.index_cast %add3A_1110 : i32 to index
        %get3A_1161 = arith.constant 80 : index
        %get3A_1162 = tpu.vector_load %arg8[%get3A_1160, %get3A_1161] {strides = array<i32>} : memref<128x128xf32, #tpu.memory_space<vmem>>, vector<1x16xf32>,
        %get3A_1163 = vector.shape_cast %get3A_1162 : vector<1x16xf32> to vector<16xf32>
        %get3A_1164 = arith.index_cast %add3A_1110 : i32 to index
        %get3A_1165 = arith.constant 80 : index
        %get3A_1166 = tpu.vector_load %arg9[%get3A_1164, %get3A_1165] {strides = array<i32>} : memref<128x128xf32, #tpu.memory_space<vmem>>, vector<1x16xf32>,
        %get3A_1167 = vector.shape_cast %get3A_1166 : vector<1x16xf32> to vector<16xf32>
        %mul3A_1168 = arith.mulf %get3A_1163, %get3A_1167 : vector<16xf32>
        %add3A_1169 = arith.addf %add3A_1159, %mul3A_1168 : vector<16xf32>
        %get3A_1170 = arith.index_cast %add3A_1110 : i32 to index
        %get3A_1171 = arith.constant 96 : index
        %get3A_1172 = tpu.vector_load %arg8[%get3A_1170, %get3A_1171] {strides = array<i32>} : memref<128x128xf32, #tpu.memory_space<vmem>>, vector<1x16xf32>,
        %get3A_1173 = vector.shape_cast %get3A_1172 : vector<1x16xf32> to vector<16xf32>
        %get3A_1174 = arith.index_cast %add3A_1110 : i32 to index
        %get3A_1175 = arith.constant 96 : index
        %get3A_1176 = tpu.vector_load %arg9[%get3A_1174, %get3A_1175] {strides = array<i32>} : memref<128x128xf32, #tpu.memory_space<vmem>>, vector<1x16xf32>,
        %get3A_1177 = vector.shape_cast %get3A_1176 : vector<1x16xf32> to vector<16xf32>
        %mul3A_1178 = arith.mulf %get3A_1173, %get3A_1177 : vector<16xf32>
        %add3A_1179 = arith.addf %add3A_1169, %mul3A_1178 : vector<16xf32>
        %get3A_1180 = arith.index_cast %add3A_1110 : i32 to index
        %get3A_1181 = arith.constant 112 : index
        %get3A_1182 = tpu.vector_load %arg8[%get3A_1180, %get3A_1181] {strides = array<i32>} : memref<128x128xf32, #tpu.memory_space<vmem>>, vector<1x16xf32>,
        %get3A_1183 = vector.shape_cast %get3A_1182 : vector<1x16xf32> to vector<16xf32>
        %get3A_1184 = arith.index_cast %add3A_1110 : i32 to index
        %get3A_1185 = arith.constant 112 : index
        %get3A_1186 = tpu.vector_load %arg9[%get3A_1184, %get3A_1185] {strides = array<i32>} : memref<128x128xf32, #tpu.memory_space<vmem>>, vector<1x16xf32>,
        %get3A_1187 = vector.shape_cast %get3A_1186 : vector<1x16xf32> to vector<16xf32>
        %mul3A_1188 = arith.mulf %get3A_1183, %get3A_1187 : vector<16xf32>
        %add3A_1189 = arith.addf %add3A_1179, %mul3A_1188 : vector<16xf32>
        %broadcast_in_dim3A_1190 = vector.shape_cast %rem3A_7 : vector<16xi32> to vector<16x1xi32>
        %gather3A_1191 = vector.shape_cast %broadcast_in_dim3A_1190 : vector<16x1xi32> to vector<16xi32>
        %gather3A_1192 = tpu.dynamic_gather %add3A_1189[%gather3A_1191] in [0] : vector<16xf32>, vector<16xi32> -> vector<16xf32>
        %add3A_1193 = arith.addf %add3A_1189, %gather3A_1192 : vector<16xf32>
        %broadcast_in_dim3A_1194 = vector.shape_cast %rem3A_13 : vector<16xi32> to vector<16x1xi32>
        %gather3A_1195 = vector.shape_cast %broadcast_in_dim3A_1194 : vector<16x1xi32> to vector<16xi32>
        %gather3A_1196 = tpu.dynamic_gather %add3A_1193[%gather3A_1195] in [0] : vector<16xf32>, vector<16xi32> -> vector<16xf32>
        %add3A_1197 = arith.addf %add3A_1193, %gather3A_1196 : vector<16xf32>
        %broadcast_in_dim3A_1198 = vector.shape_cast %rem3A_19 : vector<16xi32> to vector<16x1xi32>
        %gather3A_1199 = vector.shape_cast %broadcast_in_dim3A_1198 : vector<16x1xi32> to vector<16xi32>
        %gather3A_1200 = tpu.dynamic_gather %add3A_1197[%gather3A_1199] in [0] : vector<16xf32>, vector<16xi32> -> vector<16xf32>
        %add3A_1201 = arith.addf %add3A_1197, %gather3A_1200 : vector<16xf32>
        %broadcast_in_dim3A_1202 = vector.shape_cast %rem3A_25 : vector<16xi32> to vector<16x1xi32>
        %gather3A_1203 = vector.shape_cast %broadcast_in_dim3A_1202 : vector<16x1xi32> to vector<16xi32>
        %gather3A_1204 = tpu.dynamic_gather %add3A_1201[%gather3A_1203] in [0] : vector<16xf32>, vector<16xi32> -> vector<16xf32>
        %add3A_1205 = arith.addf %add3A_1201, %gather3A_1204 : vector<16xf32>
        %eq3A_1206 = arith.constant 10 : i32
        %eq3A_1207 = vector.broadcast %eq3A_1206 : i32 to vector<16xi32>
        %eq3A_1208 = arith.cmpi eq, %iota3A, %eq3A_1207 : vector<16xi32>
        %select_n3A_1209 = arith.select %eq3A_1208, %add3A_1205, %select_n3A_1106 : vector<16xi1>, vector<16xf32>
        %mul3A_1210 = arith.constant 16 : i32
        %mul3A_1211 = arith.muli %scan3A_76, %mul3A_1210 : i32
        %add3A_1212 = arith.constant 11 : i32
        %add3A_1213 = arith.addi %mul3A_1211, %add3A_1212 : i32
        %get3A_1214 = arith.index_cast %add3A_1213 : i32 to index
        %get3A_1215 = arith.constant 0 : index
        %get3A_1216 = tpu.vector_load %arg8[%get3A_1214, %get3A_1215] {strides = array<i32>} : memref<128x128xf32, #tpu.memory_space<vmem>>, vector<1x16xf32>,
        %get3A_1217 = vector.shape_cast %get3A_1216 : vector<1x16xf32> to vector<16xf32>
        %get3A_1218 = arith.index_cast %add3A_1213 : i32 to index
        %get3A_1219 = arith.constant 0 : index
        %get3A_1220 = tpu.vector_load %arg9[%get3A_1218, %get3A_1219] {strides = array<i32>} : memref<128x128xf32, #tpu.memory_space<vmem>>, vector<1x16xf32>,
        %get3A_1221 = vector.shape_cast %get3A_1220 : vector<1x16xf32> to vector<16xf32>
        %mul3A_1222 = arith.mulf %get3A_1217, %get3A_1221 : vector<16xf32>
        %get3A_1223 = arith.index_cast %add3A_1213 : i32 to index
        %get3A_1224 = arith.constant 16 : index
        %get3A_1225 = tpu.vector_load %arg8[%get3A_1223, %get3A_1224] {strides = array<i32>} : memref<128x128xf32, #tpu.memory_space<vmem>>, vector<1x16xf32>,
        %get3A_1226 = vector.shape_cast %get3A_1225 : vector<1x16xf32> to vector<16xf32>
        %get3A_1227 = arith.index_cast %add3A_1213 : i32 to index
        %get3A_1228 = arith.constant 16 : index
        %get3A_1229 = tpu.vector_load %arg9[%get3A_1227, %get3A_1228] {strides = array<i32>} : memref<128x128xf32, #tpu.memory_space<vmem>>, vector<1x16xf32>,
        %get3A_1230 = vector.shape_cast %get3A_1229 : vector<1x16xf32> to vector<16xf32>
        %mul3A_1231 = arith.mulf %get3A_1226, %get3A_1230 : vector<16xf32>
        %add3A_1232 = arith.addf %mul3A_1222, %mul3A_1231 : vector<16xf32>
        %get3A_1233 = arith.index_cast %add3A_1213 : i32 to index
        %get3A_1234 = arith.constant 32 : index
        %get3A_1235 = tpu.vector_load %arg8[%get3A_1233, %get3A_1234] {strides = array<i32>} : memref<128x128xf32, #tpu.memory_space<vmem>>, vector<1x16xf32>,
        %get3A_1236 = vector.shape_cast %get3A_1235 : vector<1x16xf32> to vector<16xf32>
        %get3A_1237 = arith.index_cast %add3A_1213 : i32 to index
        %get3A_1238 = arith.constant 32 : index
        %get3A_1239 = tpu.vector_load %arg9[%get3A_1237, %get3A_1238] {strides = array<i32>} : memref<128x128xf32, #tpu.memory_space<vmem>>, vector<1x16xf32>,
        %get3A_1240 = vector.shape_cast %get3A_1239 : vector<1x16xf32> to vector<16xf32>
        %mul3A_1241 = arith.mulf %get3A_1236, %get3A_1240 : vector<16xf32>
        %add3A_1242 = arith.addf %add3A_1232, %mul3A_1241 : vector<16xf32>
        %get3A_1243 = arith.index_cast %add3A_1213 : i32 to index
        %get3A_1244 = arith.constant 48 : index
        %get3A_1245 = tpu.vector_load %arg8[%get3A_1243, %get3A_1244] {strides = array<i32>} : memref<128x128xf32, #tpu.memory_space<vmem>>, vector<1x16xf32>,
        %get3A_1246 = vector.shape_cast %get3A_1245 : vector<1x16xf32> to vector<16xf32>
        %get3A_1247 = arith.index_cast %add3A_1213 : i32 to index
        %get3A_1248 = arith.constant 48 : index
        %get3A_1249 = tpu.vector_load %arg9[%get3A_1247, %get3A_1248] {strides = array<i32>} : memref<128x128xf32, #tpu.memory_space<vmem>>, vector<1x16xf32>,
        %get3A_1250 = vector.shape_cast %get3A_1249 : vector<1x16xf32> to vector<16xf32>
        %mul3A_1251 = arith.mulf %get3A_1246, %get3A_1250 : vector<16xf32>
        %add3A_1252 = arith.addf %add3A_1242, %mul3A_1251 : vector<16xf32>
        %get3A_1253 = arith.index_cast %add3A_1213 : i32 to index
        %get3A_1254 = arith.constant 64 : index
        %get3A_1255 = tpu.vector_load %arg8[%get3A_1253, %get3A_1254] {strides = array<i32>} : memref<128x128xf32, #tpu.memory_space<vmem>>, vector<1x16xf32>,
        %get3A_1256 = vector.shape_cast %get3A_1255 : vector<1x16xf32> to vector<16xf32>
        %get3A_1257 = arith.index_cast %add3A_1213 : i32 to index
        %get3A_1258 = arith.constant 64 : index
        %get3A_1259 = tpu.vector_load %arg9[%get3A_1257, %get3A_1258] {strides = array<i32>} : memref<128x128xf32, #tpu.memory_space<vmem>>, vector<1x16xf32>,
        %get3A_1260 = vector.shape_cast %get3A_1259 : vector<1x16xf32> to vector<16xf32>
        %mul3A_1261 = arith.mulf %get3A_1256, %get3A_1260 : vector<16xf32>
        %add3A_1262 = arith.addf %add3A_1252, %mul3A_1261 : vector<16xf32>
        %get3A_1263 = arith.index_cast %add3A_1213 : i32 to index
        %get3A_1264 = arith.constant 80 : index
        %get3A_1265 = tpu.vector_load %arg8[%get3A_1263, %get3A_1264] {strides = array<i32>} : memref<128x128xf32, #tpu.memory_space<vmem>>, vector<1x16xf32>,
        %get3A_1266 = vector.shape_cast %get3A_1265 : vector<1x16xf32> to vector<16xf32>
        %get3A_1267 = arith.index_cast %add3A_1213 : i32 to index
        %get3A_1268 = arith.constant 80 : index
        %get3A_1269 = tpu.vector_load %arg9[%get3A_1267, %get3A_1268] {strides = array<i32>} : memref<128x128xf32, #tpu.memory_space<vmem>>, vector<1x16xf32>,
        %get3A_1270 = vector.shape_cast %get3A_1269 : vector<1x16xf32> to vector<16xf32>
        %mul3A_1271 = arith.mulf %get3A_1266, %get3A_1270 : vector<16xf32>
        %add3A_1272 = arith.addf %add3A_1262, %mul3A_1271 : vector<16xf32>
        %get3A_1273 = arith.index_cast %add3A_1213 : i32 to index
        %get3A_1274 = arith.constant 96 : index
        %get3A_1275 = tpu.vector_load %arg8[%get3A_1273, %get3A_1274] {strides = array<i32>} : memref<128x128xf32, #tpu.memory_space<vmem>>, vector<1x16xf32>,
        %get3A_1276 = vector.shape_cast %get3A_1275 : vector<1x16xf32> to vector<16xf32>
        %get3A_1277 = arith.index_cast %add3A_1213 : i32 to index
        %get3A_1278 = arith.constant 96 : index
        %get3A_1279 = tpu.vector_load %arg9[%get3A_1277, %get3A_1278] {strides = array<i32>} : memref<128x128xf32, #tpu.memory_space<vmem>>, vector<1x16xf32>,
        %get3A_1280 = vector.shape_cast %get3A_1279 : vector<1x16xf32> to vector<16xf32>
        %mul3A_1281 = arith.mulf %get3A_1276, %get3A_1280 : vector<16xf32>
        %add3A_1282 = arith.addf %add3A_1272, %mul3A_1281 : vector<16xf32>
        %get3A_1283 = arith.index_cast %add3A_1213 : i32 to index
        %get3A_1284 = arith.constant 112 : index
        %get3A_1285 = tpu.vector_load %arg8[%get3A_1283, %get3A_1284] {strides = array<i32>} : memref<128x128xf32, #tpu.memory_space<vmem>>, vector<1x16xf32>,
        %get3A_1286 = vector.shape_cast %get3A_1285 : vector<1x16xf32> to vector<16xf32>
        %get3A_1287 = arith.index_cast %add3A_1213 : i32 to index
        %get3A_1288 = arith.constant 112 : index
        %get3A_1289 = tpu.vector_load %arg9[%get3A_1287, %get3A_1288] {strides = array<i32>} : memref<128x128xf32, #tpu.memory_space<vmem>>, vector<1x16xf32>,
        %get3A_1290 = vector.shape_cast %get3A_1289 : vector<1x16xf32> to vector<16xf32>
        %mul3A_1291 = arith.mulf %get3A_1286, %get3A_1290 : vector<16xf32>
        %add3A_1292 = arith.addf %add3A_1282, %mul3A_1291 : vector<16xf32>
        %broadcast_in_dim3A_1293 = vector.shape_cast %rem3A_7 : vector<16xi32> to vector<16x1xi32>
        %gather3A_1294 = vector.shape_cast %broadcast_in_dim3A_1293 : vector<16x1xi32> to vector<16xi32>
        %gather3A_1295 = tpu.dynamic_gather %add3A_1292[%gather3A_1294] in [0] : vector<16xf32>, vector<16xi32> -> vector<16xf32>
        %add3A_1296 = arith.addf %add3A_1292, %gather3A_1295 : vector<16xf32>
        %broadcast_in_dim3A_1297 = vector.shape_cast %rem3A_13 : vector<16xi32> to vector<16x1xi32>
        %gather3A_1298 = vector.shape_cast %broadcast_in_dim3A_1297 : vector<16x1xi32> to vector<16xi32>
        %gather3A_1299 = tpu.dynamic_gather %add3A_1296[%gather3A_1298] in [0] : vector<16xf32>, vector<16xi32> -> vector<16xf32>
        %add3A_1300 = arith.addf %add3A_1296, %gather3A_1299 : vector<16xf32>
        %broadcast_in_dim3A_1301 = vector.shape_cast %rem3A_19 : vector<16xi32> to vector<16x1xi32>
        %gather3A_1302 = vector.shape_cast %broadcast_in_dim3A_1301 : vector<16x1xi32> to vector<16xi32>
        %gather3A_1303 = tpu.dynamic_gather %add3A_1300[%gather3A_1302] in [0] : vector<16xf32>, vector<16xi32> -> vector<16xf32>
        %add3A_1304 = arith.addf %add3A_1300, %gather3A_1303 : vector<16xf32>
        %broadcast_in_dim3A_1305 = vector.shape_cast %rem3A_25 : vector<16xi32> to vector<16x1xi32>
        %gather3A_1306 = vector.shape_cast %broadcast_in_dim3A_1305 : vector<16x1xi32> to vector<16xi32>
        %gather3A_1307 = tpu.dynamic_gather %add3A_1304[%gather3A_1306] in [0] : vector<16xf32>, vector<16xi32> -> vector<16xf32>
        %add3A_1308 = arith.addf %add3A_1304, %gather3A_1307 : vector<16xf32>
        %eq3A_1309 = arith.constant 11 : i32
        %eq3A_1310 = vector.broadcast %eq3A_1309 : i32 to vector<16xi32>
        %eq3A_1311 = arith.cmpi eq, %iota3A, %eq3A_1310 : vector<16xi32>
        %select_n3A_1312 = arith.select %eq3A_1311, %add3A_1308, %select_n3A_1209 : vector<16xi1>, vector<16xf32>
        %mul3A_1313 = arith.constant 16 : i32
        %mul3A_1314 = arith.muli %scan3A_76, %mul3A_1313 : i32
        %add3A_1315 = arith.constant 12 : i32
        %add3A_1316 = arith.addi %mul3A_1314, %add3A_1315 : i32
        %get3A_1317 = arith.index_cast %add3A_1316 : i32 to index
        %get3A_1318 = arith.constant 0 : index
        %get3A_1319 = tpu.vector_load %arg8[%get3A_1317, %get3A_1318] {strides = array<i32>} : memref<128x128xf32, #tpu.memory_space<vmem>>, vector<1x16xf32>,
        %get3A_1320 = vector.shape_cast %get3A_1319 : vector<1x16xf32> to vector<16xf32>
        %get3A_1321 = arith.index_cast %add3A_1316 : i32 to index
        %get3A_1322 = arith.constant 0 : index
        %get3A_1323 = tpu.vector_load %arg9[%get3A_1321, %get3A_1322] {strides = array<i32>} : memref<128x128xf32, #tpu.memory_space<vmem>>, vector<1x16xf32>,
        %get3A_1324 = vector.shape_cast %get3A_1323 : vector<1x16xf32> to vector<16xf32>
        %mul3A_1325 = arith.mulf %get3A_1320, %get3A_1324 : vector<16xf32>
        %get3A_1326 = arith.index_cast %add3A_1316 : i32 to index
        %get3A_1327 = arith.constant 16 : index
        %get3A_1328 = tpu.vector_load %arg8[%get3A_1326, %get3A_1327] {strides = array<i32>} : memref<128x128xf32, #tpu.memory_space<vmem>>, vector<1x16xf32>,
        %get3A_1329 = vector.shape_cast %get3A_1328 : vector<1x16xf32> to vector<16xf32>
        %get3A_1330 = arith.index_cast %add3A_1316 : i32 to index
        %get3A_1331 = arith.constant 16 : index
        %get3A_1332 = tpu.vector_load %arg9[%get3A_1330, %get3A_1331] {strides = array<i32>} : memref<128x128xf32, #tpu.memory_space<vmem>>, vector<1x16xf32>,
        %get3A_1333 = vector.shape_cast %get3A_1332 : vector<1x16xf32> to vector<16xf32>
        %mul3A_1334 = arith.mulf %get3A_1329, %get3A_1333 : vector<16xf32>
        %add3A_1335 = arith.addf %mul3A_1325, %mul3A_1334 : vector<16xf32>
        %get3A_1336 = arith.index_cast %add3A_1316 : i32 to index
        %get3A_1337 = arith.constant 32 : index
        %get3A_1338 = tpu.vector_load %arg8[%get3A_1336, %get3A_1337] {strides = array<i32>} : memref<128x128xf32, #tpu.memory_space<vmem>>, vector<1x16xf32>,
        %get3A_1339 = vector.shape_cast %get3A_1338 : vector<1x16xf32> to vector<16xf32>
        %get3A_1340 = arith.index_cast %add3A_1316 : i32 to index
        %get3A_1341 = arith.constant 32 : index
        %get3A_1342 = tpu.vector_load %arg9[%get3A_1340, %get3A_1341] {strides = array<i32>} : memref<128x128xf32, #tpu.memory_space<vmem>>, vector<1x16xf32>,
        %get3A_1343 = vector.shape_cast %get3A_1342 : vector<1x16xf32> to vector<16xf32>
        %mul3A_1344 = arith.mulf %get3A_1339, %get3A_1343 : vector<16xf32>
        %add3A_1345 = arith.addf %add3A_1335, %mul3A_1344 : vector<16xf32>
        %get3A_1346 = arith.index_cast %add3A_1316 : i32 to index
        %get3A_1347 = arith.constant 48 : index
        %get3A_1348 = tpu.vector_load %arg8[%get3A_1346, %get3A_1347] {strides = array<i32>} : memref<128x128xf32, #tpu.memory_space<vmem>>, vector<1x16xf32>,
        %get3A_1349 = vector.shape_cast %get3A_1348 : vector<1x16xf32> to vector<16xf32>
        %get3A_1350 = arith.index_cast %add3A_1316 : i32 to index
        %get3A_1351 = arith.constant 48 : index
        %get3A_1352 = tpu.vector_load %arg9[%get3A_1350, %get3A_1351] {strides = array<i32>} : memref<128x128xf32, #tpu.memory_space<vmem>>, vector<1x16xf32>,
        %get3A_1353 = vector.shape_cast %get3A_1352 : vector<1x16xf32> to vector<16xf32>
        %mul3A_1354 = arith.mulf %get3A_1349, %get3A_1353 : vector<16xf32>
        %add3A_1355 = arith.addf %add3A_1345, %mul3A_1354 : vector<16xf32>
        %get3A_1356 = arith.index_cast %add3A_1316 : i32 to index
        %get3A_1357 = arith.constant 64 : index
        %get3A_1358 = tpu.vector_load %arg8[%get3A_1356, %get3A_1357] {strides = array<i32>} : memref<128x128xf32, #tpu.memory_space<vmem>>, vector<1x16xf32>,
        %get3A_1359 = vector.shape_cast %get3A_1358 : vector<1x16xf32> to vector<16xf32>
        %get3A_1360 = arith.index_cast %add3A_1316 : i32 to index
        %get3A_1361 = arith.constant 64 : index
        %get3A_1362 = tpu.vector_load %arg9[%get3A_1360, %get3A_1361] {strides = array<i32>} : memref<128x128xf32, #tpu.memory_space<vmem>>, vector<1x16xf32>,
        %get3A_1363 = vector.shape_cast %get3A_1362 : vector<1x16xf32> to vector<16xf32>
        %mul3A_1364 = arith.mulf %get3A_1359, %get3A_1363 : vector<16xf32>
        %add3A_1365 = arith.addf %add3A_1355, %mul3A_1364 : vector<16xf32>
        %get3A_1366 = arith.index_cast %add3A_1316 : i32 to index
        %get3A_1367 = arith.constant 80 : index
        %get3A_1368 = tpu.vector_load %arg8[%get3A_1366, %get3A_1367] {strides = array<i32>} : memref<128x128xf32, #tpu.memory_space<vmem>>, vector<1x16xf32>,
        %get3A_1369 = vector.shape_cast %get3A_1368 : vector<1x16xf32> to vector<16xf32>
        %get3A_1370 = arith.index_cast %add3A_1316 : i32 to index
        %get3A_1371 = arith.constant 80 : index
        %get3A_1372 = tpu.vector_load %arg9[%get3A_1370, %get3A_1371] {strides = array<i32>} : memref<128x128xf32, #tpu.memory_space<vmem>>, vector<1x16xf32>,
        %get3A_1373 = vector.shape_cast %get3A_1372 : vector<1x16xf32> to vector<16xf32>
        %mul3A_1374 = arith.mulf %get3A_1369, %get3A_1373 : vector<16xf32>
        %add3A_1375 = arith.addf %add3A_1365, %mul3A_1374 : vector<16xf32>
        %get3A_1376 = arith.index_cast %add3A_1316 : i32 to index
        %get3A_1377 = arith.constant 96 : index
        %get3A_1378 = tpu.vector_load %arg8[%get3A_1376, %get3A_1377] {strides = array<i32>} : memref<128x128xf32, #tpu.memory_space<vmem>>, vector<1x16xf32>,
        %get3A_1379 = vector.shape_cast %get3A_1378 : vector<1x16xf32> to vector<16xf32>
        %get3A_1380 = arith.index_cast %add3A_1316 : i32 to index
        %get3A_1381 = arith.constant 96 : index
        %get3A_1382 = tpu.vector_load %arg9[%get3A_1380, %get3A_1381] {strides = array<i32>} : memref<128x128xf32, #tpu.memory_space<vmem>>, vector<1x16xf32>,
        %get3A_1383 = vector.shape_cast %get3A_1382 : vector<1x16xf32> to vector<16xf32>
        %mul3A_1384 = arith.mulf %get3A_1379, %get3A_1383 : vector<16xf32>
        %add3A_1385 = arith.addf %add3A_1375, %mul3A_1384 : vector<16xf32>
        %get3A_1386 = arith.index_cast %add3A_1316 : i32 to index
        %get3A_1387 = arith.constant 112 : index
        %get3A_1388 = tpu.vector_load %arg8[%get3A_1386, %get3A_1387] {strides = array<i32>} : memref<128x128xf32, #tpu.memory_space<vmem>>, vector<1x16xf32>,
        %get3A_1389 = vector.shape_cast %get3A_1388 : vector<1x16xf32> to vector<16xf32>
        %get3A_1390 = arith.index_cast %add3A_1316 : i32 to index
        %get3A_1391 = arith.constant 112 : index
        %get3A_1392 = tpu.vector_load %arg9[%get3A_1390, %get3A_1391] {strides = array<i32>} : memref<128x128xf32, #tpu.memory_space<vmem>>, vector<1x16xf32>,
        %get3A_1393 = vector.shape_cast %get3A_1392 : vector<1x16xf32> to vector<16xf32>
        %mul3A_1394 = arith.mulf %get3A_1389, %get3A_1393 : vector<16xf32>
        %add3A_1395 = arith.addf %add3A_1385, %mul3A_1394 : vector<16xf32>
        %broadcast_in_dim3A_1396 = vector.shape_cast %rem3A_7 : vector<16xi32> to vector<16x1xi32>
        %gather3A_1397 = vector.shape_cast %broadcast_in_dim3A_1396 : vector<16x1xi32> to vector<16xi32>
        %gather3A_1398 = tpu.dynamic_gather %add3A_1395[%gather3A_1397] in [0] : vector<16xf32>, vector<16xi32> -> vector<16xf32>
        %add3A_1399 = arith.addf %add3A_1395, %gather3A_1398 : vector<16xf32>
        %broadcast_in_dim3A_1400 = vector.shape_cast %rem3A_13 : vector<16xi32> to vector<16x1xi32>
        %gather3A_1401 = vector.shape_cast %broadcast_in_dim3A_1400 : vector<16x1xi32> to vector<16xi32>
        %gather3A_1402 = tpu.dynamic_gather %add3A_1399[%gather3A_1401] in [0] : vector<16xf32>, vector<16xi32> -> vector<16xf32>
        %add3A_1403 = arith.addf %add3A_1399, %gather3A_1402 : vector<16xf32>
        %broadcast_in_dim3A_1404 = vector.shape_cast %rem3A_19 : vector<16xi32> to vector<16x1xi32>
        %gather3A_1405 = vector.shape_cast %broadcast_in_dim3A_1404 : vector<16x1xi32> to vector<16xi32>
        %gather3A_1406 = tpu.dynamic_gather %add3A_1403[%gather3A_1405] in [0] : vector<16xf32>, vector<16xi32> -> vector<16xf32>
        %add3A_1407 = arith.addf %add3A_1403, %gather3A_1406 : vector<16xf32>
        %broadcast_in_dim3A_1408 = vector.shape_cast %rem3A_25 : vector<16xi32> to vector<16x1xi32>
        %gather3A_1409 = vector.shape_cast %broadcast_in_dim3A_1408 : vector<16x1xi32> to vector<16xi32>
        %gather3A_1410 = tpu.dynamic_gather %add3A_1407[%gather3A_1409] in [0] : vector<16xf32>, vector<16xi32> -> vector<16xf32>
        %add3A_1411 = arith.addf %add3A_1407, %gather3A_1410 : vector<16xf32>
        %eq3A_1412 = arith.constant 12 : i32
        %eq3A_1413 = vector.broadcast %eq3A_1412 : i32 to vector<16xi32>
        %eq3A_1414 = arith.cmpi eq, %iota3A, %eq3A_1413 : vector<16xi32>
        %select_n3A_1415 = arith.select %eq3A_1414, %add3A_1411, %select_n3A_1312 : vector<16xi1>, vector<16xf32>
        %mul3A_1416 = arith.constant 16 : i32
        %mul3A_1417 = arith.muli %scan3A_76, %mul3A_1416 : i32
        %add3A_1418 = arith.constant 13 : i32
        %add3A_1419 = arith.addi %mul3A_1417, %add3A_1418 : i32
        %get3A_1420 = arith.index_cast %add3A_1419 : i32 to index
        %get3A_1421 = arith.constant 0 : index
        %get3A_1422 = tpu.vector_load %arg8[%get3A_1420, %get3A_1421] {strides = array<i32>} : memref<128x128xf32, #tpu.memory_space<vmem>>, vector<1x16xf32>,
        %get3A_1423 = vector.shape_cast %get3A_1422 : vector<1x16xf32> to vector<16xf32>
        %get3A_1424 = arith.index_cast %add3A_1419 : i32 to index
        %get3A_1425 = arith.constant 0 : index
        %get3A_1426 = tpu.vector_load %arg9[%get3A_1424, %get3A_1425] {strides = array<i32>} : memref<128x128xf32, #tpu.memory_space<vmem>>, vector<1x16xf32>,
        %get3A_1427 = vector.shape_cast %get3A_1426 : vector<1x16xf32> to vector<16xf32>
        %mul3A_1428 = arith.mulf %get3A_1423, %get3A_1427 : vector<16xf32>
        %get3A_1429 = arith.index_cast %add3A_1419 : i32 to index
        %get3A_1430 = arith.constant 16 : index
        %get3A_1431 = tpu.vector_load %arg8[%get3A_1429, %get3A_1430] {strides = array<i32>} : memref<128x128xf32, #tpu.memory_space<vmem>>, vector<1x16xf32>,
        %get3A_1432 = vector.shape_cast %get3A_1431 : vector<1x16xf32> to vector<16xf32>
        %get3A_1433 = arith.index_cast %add3A_1419 : i32 to index
        %get3A_1434 = arith.constant 16 : index
        %get3A_1435 = tpu.vector_load %arg9[%get3A_1433, %get3A_1434] {strides = array<i32>} : memref<128x128xf32, #tpu.memory_space<vmem>>, vector<1x16xf32>,
        %get3A_1436 = vector.shape_cast %get3A_1435 : vector<1x16xf32> to vector<16xf32>
        %mul3A_1437 = arith.mulf %get3A_1432, %get3A_1436 : vector<16xf32>
        %add3A_1438 = arith.addf %mul3A_1428, %mul3A_1437 : vector<16xf32>
        %get3A_1439 = arith.index_cast %add3A_1419 : i32 to index
        %get3A_1440 = arith.constant 32 : index
        %get3A_1441 = tpu.vector_load %arg8[%get3A_1439, %get3A_1440] {strides = array<i32>} : memref<128x128xf32, #tpu.memory_space<vmem>>, vector<1x16xf32>,
        %get3A_1442 = vector.shape_cast %get3A_1441 : vector<1x16xf32> to vector<16xf32>
        %get3A_1443 = arith.index_cast %add3A_1419 : i32 to index
        %get3A_1444 = arith.constant 32 : index
        %get3A_1445 = tpu.vector_load %arg9[%get3A_1443, %get3A_1444] {strides = array<i32>} : memref<128x128xf32, #tpu.memory_space<vmem>>, vector<1x16xf32>,
        %get3A_1446 = vector.shape_cast %get3A_1445 : vector<1x16xf32> to vector<16xf32>
        %mul3A_1447 = arith.mulf %get3A_1442, %get3A_1446 : vector<16xf32>
        %add3A_1448 = arith.addf %add3A_1438, %mul3A_1447 : vector<16xf32>
        %get3A_1449 = arith.index_cast %add3A_1419 : i32 to index
        %get3A_1450 = arith.constant 48 : index
        %get3A_1451 = tpu.vector_load %arg8[%get3A_1449, %get3A_1450] {strides = array<i32>} : memref<128x128xf32, #tpu.memory_space<vmem>>, vector<1x16xf32>,
        %get3A_1452 = vector.shape_cast %get3A_1451 : vector<1x16xf32> to vector<16xf32>
        %get3A_1453 = arith.index_cast %add3A_1419 : i32 to index
        %get3A_1454 = arith.constant 48 : index
        %get3A_1455 = tpu.vector_load %arg9[%get3A_1453, %get3A_1454] {strides = array<i32>} : memref<128x128xf32, #tpu.memory_space<vmem>>, vector<1x16xf32>,
        %get3A_1456 = vector.shape_cast %get3A_1455 : vector<1x16xf32> to vector<16xf32>
        %mul3A_1457 = arith.mulf %get3A_1452, %get3A_1456 : vector<16xf32>
        %add3A_1458 = arith.addf %add3A_1448, %mul3A_1457 : vector<16xf32>
        %get3A_1459 = arith.index_cast %add3A_1419 : i32 to index
        %get3A_1460 = arith.constant 64 : index
        %get3A_1461 = tpu.vector_load %arg8[%get3A_1459, %get3A_1460] {strides = array<i32>} : memref<128x128xf32, #tpu.memory_space<vmem>>, vector<1x16xf32>,
        %get3A_1462 = vector.shape_cast %get3A_1461 : vector<1x16xf32> to vector<16xf32>
        %get3A_1463 = arith.index_cast %add3A_1419 : i32 to index
        %get3A_1464 = arith.constant 64 : index
        %get3A_1465 = tpu.vector_load %arg9[%get3A_1463, %get3A_1464] {strides = array<i32>} : memref<128x128xf32, #tpu.memory_space<vmem>>, vector<1x16xf32>,
        %get3A_1466 = vector.shape_cast %get3A_1465 : vector<1x16xf32> to vector<16xf32>
        %mul3A_1467 = arith.mulf %get3A_1462, %get3A_1466 : vector<16xf32>
        %add3A_1468 = arith.addf %add3A_1458, %mul3A_1467 : vector<16xf32>
        %get3A_1469 = arith.index_cast %add3A_1419 : i32 to index
        %get3A_1470 = arith.constant 80 : index
        %get3A_1471 = tpu.vector_load %arg8[%get3A_1469, %get3A_1470] {strides = array<i32>} : memref<128x128xf32, #tpu.memory_space<vmem>>, vector<1x16xf32>,
        %get3A_1472 = vector.shape_cast %get3A_1471 : vector<1x16xf32> to vector<16xf32>
        %get3A_1473 = arith.index_cast %add3A_1419 : i32 to index
        %get3A_1474 = arith.constant 80 : index
        %get3A_1475 = tpu.vector_load %arg9[%get3A_1473, %get3A_1474] {strides = array<i32>} : memref<128x128xf32, #tpu.memory_space<vmem>>, vector<1x16xf32>,
        %get3A_1476 = vector.shape_cast %get3A_1475 : vector<1x16xf32> to vector<16xf32>
        %mul3A_1477 = arith.mulf %get3A_1472, %get3A_1476 : vector<16xf32>
        %add3A_1478 = arith.addf %add3A_1468, %mul3A_1477 : vector<16xf32>
        %get3A_1479 = arith.index_cast %add3A_1419 : i32 to index
        %get3A_1480 = arith.constant 96 : index
        %get3A_1481 = tpu.vector_load %arg8[%get3A_1479, %get3A_1480] {strides = array<i32>} : memref<128x128xf32, #tpu.memory_space<vmem>>, vector<1x16xf32>,
        %get3A_1482 = vector.shape_cast %get3A_1481 : vector<1x16xf32> to vector<16xf32>
        %get3A_1483 = arith.index_cast %add3A_1419 : i32 to index
        %get3A_1484 = arith.constant 96 : index
        %get3A_1485 = tpu.vector_load %arg9[%get3A_1483, %get3A_1484] {strides = array<i32>} : memref<128x128xf32, #tpu.memory_space<vmem>>, vector<1x16xf32>,
        %get3A_1486 = vector.shape_cast %get3A_1485 : vector<1x16xf32> to vector<16xf32>
        %mul3A_1487 = arith.mulf %get3A_1482, %get3A_1486 : vector<16xf32>
        %add3A_1488 = arith.addf %add3A_1478, %mul3A_1487 : vector<16xf32>
        %get3A_1489 = arith.index_cast %add3A_1419 : i32 to index
        %get3A_1490 = arith.constant 112 : index
        %get3A_1491 = tpu.vector_load %arg8[%get3A_1489, %get3A_1490] {strides = array<i32>} : memref<128x128xf32, #tpu.memory_space<vmem>>, vector<1x16xf32>,
        %get3A_1492 = vector.shape_cast %get3A_1491 : vector<1x16xf32> to vector<16xf32>
        %get3A_1493 = arith.index_cast %add3A_1419 : i32 to index
        %get3A_1494 = arith.constant 112 : index
        %get3A_1495 = tpu.vector_load %arg9[%get3A_1493, %get3A_1494] {strides = array<i32>} : memref<128x128xf32, #tpu.memory_space<vmem>>, vector<1x16xf32>,
        %get3A_1496 = vector.shape_cast %get3A_1495 : vector<1x16xf32> to vector<16xf32>
        %mul3A_1497 = arith.mulf %get3A_1492, %get3A_1496 : vector<16xf32>
        %add3A_1498 = arith.addf %add3A_1488, %mul3A_1497 : vector<16xf32>
        %broadcast_in_dim3A_1499 = vector.shape_cast %rem3A_7 : vector<16xi32> to vector<16x1xi32>
        %gather3A_1500 = vector.shape_cast %broadcast_in_dim3A_1499 : vector<16x1xi32> to vector<16xi32>
        %gather3A_1501 = tpu.dynamic_gather %add3A_1498[%gather3A_1500] in [0] : vector<16xf32>, vector<16xi32> -> vector<16xf32>
        %add3A_1502 = arith.addf %add3A_1498, %gather3A_1501 : vector<16xf32>
        %broadcast_in_dim3A_1503 = vector.shape_cast %rem3A_13 : vector<16xi32> to vector<16x1xi32>
        %gather3A_1504 = vector.shape_cast %broadcast_in_dim3A_1503 : vector<16x1xi32> to vector<16xi32>
        %gather3A_1505 = tpu.dynamic_gather %add3A_1502[%gather3A_1504] in [0] : vector<16xf32>, vector<16xi32> -> vector<16xf32>
        %add3A_1506 = arith.addf %add3A_1502, %gather3A_1505 : vector<16xf32>
        %broadcast_in_dim3A_1507 = vector.shape_cast %rem3A_19 : vector<16xi32> to vector<16x1xi32>
        %gather3A_1508 = vector.shape_cast %broadcast_in_dim3A_1507 : vector<16x1xi32> to vector<16xi32>
        %gather3A_1509 = tpu.dynamic_gather %add3A_1506[%gather3A_1508] in [0] : vector<16xf32>, vector<16xi32> -> vector<16xf32>
        %add3A_1510 = arith.addf %add3A_1506, %gather3A_1509 : vector<16xf32>
        %broadcast_in_dim3A_1511 = vector.shape_cast %rem3A_25 : vector<16xi32> to vector<16x1xi32>
        %gather3A_1512 = vector.shape_cast %broadcast_in_dim3A_1511 : vector<16x1xi32> to vector<16xi32>
        %gather3A_1513 = tpu.dynamic_gather %add3A_1510[%gather3A_1512] in [0] : vector<16xf32>, vector<16xi32> -> vector<16xf32>
        %add3A_1514 = arith.addf %add3A_1510, %gather3A_1513 : vector<16xf32>
        %eq3A_1515 = arith.constant 13 : i32
        %eq3A_1516 = vector.broadcast %eq3A_1515 : i32 to vector<16xi32>
        %eq3A_1517 = arith.cmpi eq, %iota3A, %eq3A_1516 : vector<16xi32>
        %select_n3A_1518 = arith.select %eq3A_1517, %add3A_1514, %select_n3A_1415 : vector<16xi1>, vector<16xf32>
        %mul3A_1519 = arith.constant 16 : i32
        %mul3A_1520 = arith.muli %scan3A_76, %mul3A_1519 : i32
        %add3A_1521 = arith.constant 14 : i32
        %add3A_1522 = arith.addi %mul3A_1520, %add3A_1521 : i32
        %get3A_1523 = arith.index_cast %add3A_1522 : i32 to index
        %get3A_1524 = arith.constant 0 : index
        %get3A_1525 = tpu.vector_load %arg8[%get3A_1523, %get3A_1524] {strides = array<i32>} : memref<128x128xf32, #tpu.memory_space<vmem>>, vector<1x16xf32>,
        %get3A_1526 = vector.shape_cast %get3A_1525 : vector<1x16xf32> to vector<16xf32>
        %get3A_1527 = arith.index_cast %add3A_1522 : i32 to index
        %get3A_1528 = arith.constant 0 : index
        %get3A_1529 = tpu.vector_load %arg9[%get3A_1527, %get3A_1528] {strides = array<i32>} : memref<128x128xf32, #tpu.memory_space<vmem>>, vector<1x16xf32>,
        %get3A_1530 = vector.shape_cast %get3A_1529 : vector<1x16xf32> to vector<16xf32>
        %mul3A_1531 = arith.mulf %get3A_1526, %get3A_1530 : vector<16xf32>
        %get3A_1532 = arith.index_cast %add3A_1522 : i32 to index
        %get3A_1533 = arith.constant 16 : index
        %get3A_1534 = tpu.vector_load %arg8[%get3A_1532, %get3A_1533] {strides = array<i32>} : memref<128x128xf32, #tpu.memory_space<vmem>>, vector<1x16xf32>,
        %get3A_1535 = vector.shape_cast %get3A_1534 : vector<1x16xf32> to vector<16xf32>
        %get3A_1536 = arith.index_cast %add3A_1522 : i32 to index
        %get3A_1537 = arith.constant 16 : index
        %get3A_1538 = tpu.vector_load %arg9[%get3A_1536, %get3A_1537] {strides = array<i32>} : memref<128x128xf32, #tpu.memory_space<vmem>>, vector<1x16xf32>,
        %get3A_1539 = vector.shape_cast %get3A_1538 : vector<1x16xf32> to vector<16xf32>
        %mul3A_1540 = arith.mulf %get3A_1535, %get3A_1539 : vector<16xf32>
        %add3A_1541 = arith.addf %mul3A_1531, %mul3A_1540 : vector<16xf32>
        %get3A_1542 = arith.index_cast %add3A_1522 : i32 to index
        %get3A_1543 = arith.constant 32 : index
        %get3A_1544 = tpu.vector_load %arg8[%get3A_1542, %get3A_1543] {strides = array<i32>} : memref<128x128xf32, #tpu.memory_space<vmem>>, vector<1x16xf32>,
        %get3A_1545 = vector.shape_cast %get3A_1544 : vector<1x16xf32> to vector<16xf32>
        %get3A_1546 = arith.index_cast %add3A_1522 : i32 to index
        %get3A_1547 = arith.constant 32 : index
        %get3A_1548 = tpu.vector_load %arg9[%get3A_1546, %get3A_1547] {strides = array<i32>} : memref<128x128xf32, #tpu.memory_space<vmem>>, vector<1x16xf32>,
        %get3A_1549 = vector.shape_cast %get3A_1548 : vector<1x16xf32> to vector<16xf32>
        %mul3A_1550 = arith.mulf %get3A_1545, %get3A_1549 : vector<16xf32>
        %add3A_1551 = arith.addf %add3A_1541, %mul3A_1550 : vector<16xf32>
        %get3A_1552 = arith.index_cast %add3A_1522 : i32 to index
        %get3A_1553 = arith.constant 48 : index
        %get3A_1554 = tpu.vector_load %arg8[%get3A_1552, %get3A_1553] {strides = array<i32>} : memref<128x128xf32, #tpu.memory_space<vmem>>, vector<1x16xf32>,
        %get3A_1555 = vector.shape_cast %get3A_1554 : vector<1x16xf32> to vector<16xf32>
        %get3A_1556 = arith.index_cast %add3A_1522 : i32 to index
        %get3A_1557 = arith.constant 48 : index
        %get3A_1558 = tpu.vector_load %arg9[%get3A_1556, %get3A_1557] {strides = array<i32>} : memref<128x128xf32, #tpu.memory_space<vmem>>, vector<1x16xf32>,
        %get3A_1559 = vector.shape_cast %get3A_1558 : vector<1x16xf32> to vector<16xf32>
        %mul3A_1560 = arith.mulf %get3A_1555, %get3A_1559 : vector<16xf32>
        %add3A_1561 = arith.addf %add3A_1551, %mul3A_1560 : vector<16xf32>
        %get3A_1562 = arith.index_cast %add3A_1522 : i32 to index
        %get3A_1563 = arith.constant 64 : index
        %get3A_1564 = tpu.vector_load %arg8[%get3A_1562, %get3A_1563] {strides = array<i32>} : memref<128x128xf32, #tpu.memory_space<vmem>>, vector<1x16xf32>,
        %get3A_1565 = vector.shape_cast %get3A_1564 : vector<1x16xf32> to vector<16xf32>
        %get3A_1566 = arith.index_cast %add3A_1522 : i32 to index
        %get3A_1567 = arith.constant 64 : index
        %get3A_1568 = tpu.vector_load %arg9[%get3A_1566, %get3A_1567] {strides = array<i32>} : memref<128x128xf32, #tpu.memory_space<vmem>>, vector<1x16xf32>,
        %get3A_1569 = vector.shape_cast %get3A_1568 : vector<1x16xf32> to vector<16xf32>
        %mul3A_1570 = arith.mulf %get3A_1565, %get3A_1569 : vector<16xf32>
        %add3A_1571 = arith.addf %add3A_1561, %mul3A_1570 : vector<16xf32>
        %get3A_1572 = arith.index_cast %add3A_1522 : i32 to index
        %get3A_1573 = arith.constant 80 : index
        %get3A_1574 = tpu.vector_load %arg8[%get3A_1572, %get3A_1573] {strides = array<i32>} : memref<128x128xf32, #tpu.memory_space<vmem>>, vector<1x16xf32>,
        %get3A_1575 = vector.shape_cast %get3A_1574 : vector<1x16xf32> to vector<16xf32>
        %get3A_1576 = arith.index_cast %add3A_1522 : i32 to index
        %get3A_1577 = arith.constant 80 : index
        %get3A_1578 = tpu.vector_load %arg9[%get3A_1576, %get3A_1577] {strides = array<i32>} : memref<128x128xf32, #tpu.memory_space<vmem>>, vector<1x16xf32>,
        %get3A_1579 = vector.shape_cast %get3A_1578 : vector<1x16xf32> to vector<16xf32>
        %mul3A_1580 = arith.mulf %get3A_1575, %get3A_1579 : vector<16xf32>
        %add3A_1581 = arith.addf %add3A_1571, %mul3A_1580 : vector<16xf32>
        %get3A_1582 = arith.index_cast %add3A_1522 : i32 to index
        %get3A_1583 = arith.constant 96 : index
        %get3A_1584 = tpu.vector_load %arg8[%get3A_1582, %get3A_1583] {strides = array<i32>} : memref<128x128xf32, #tpu.memory_space<vmem>>, vector<1x16xf32>,
        %get3A_1585 = vector.shape_cast %get3A_1584 : vector<1x16xf32> to vector<16xf32>
        %get3A_1586 = arith.index_cast %add3A_1522 : i32 to index
        %get3A_1587 = arith.constant 96 : index
        %get3A_1588 = tpu.vector_load %arg9[%get3A_1586, %get3A_1587] {strides = array<i32>} : memref<128x128xf32, #tpu.memory_space<vmem>>, vector<1x16xf32>,
        %get3A_1589 = vector.shape_cast %get3A_1588 : vector<1x16xf32> to vector<16xf32>
        %mul3A_1590 = arith.mulf %get3A_1585, %get3A_1589 : vector<16xf32>
        %add3A_1591 = arith.addf %add3A_1581, %mul3A_1590 : vector<16xf32>
        %get3A_1592 = arith.index_cast %add3A_1522 : i32 to index
        %get3A_1593 = arith.constant 112 : index
        %get3A_1594 = tpu.vector_load %arg8[%get3A_1592, %get3A_1593] {strides = array<i32>} : memref<128x128xf32, #tpu.memory_space<vmem>>, vector<1x16xf32>,
        %get3A_1595 = vector.shape_cast %get3A_1594 : vector<1x16xf32> to vector<16xf32>
        %get3A_1596 = arith.index_cast %add3A_1522 : i32 to index
        %get3A_1597 = arith.constant 112 : index
        %get3A_1598 = tpu.vector_load %arg9[%get3A_1596, %get3A_1597] {strides = array<i32>} : memref<128x128xf32, #tpu.memory_space<vmem>>, vector<1x16xf32>,
        %get3A_1599 = vector.shape_cast %get3A_1598 : vector<1x16xf32> to vector<16xf32>
        %mul3A_1600 = arith.mulf %get3A_1595, %get3A_1599 : vector<16xf32>
        %add3A_1601 = arith.addf %add3A_1591, %mul3A_1600 : vector<16xf32>
        %broadcast_in_dim3A_1602 = vector.shape_cast %rem3A_7 : vector<16xi32> to vector<16x1xi32>
        %gather3A_1603 = vector.shape_cast %broadcast_in_dim3A_1602 : vector<16x1xi32> to vector<16xi32>
        %gather3A_1604 = tpu.dynamic_gather %add3A_1601[%gather3A_1603] in [0] : vector<16xf32>, vector<16xi32> -> vector<16xf32>
        %add3A_1605 = arith.addf %add3A_1601, %gather3A_1604 : vector<16xf32>
        %broadcast_in_dim3A_1606 = vector.shape_cast %rem3A_13 : vector<16xi32> to vector<16x1xi32>
        %gather3A_1607 = vector.shape_cast %broadcast_in_dim3A_1606 : vector<16x1xi32> to vector<16xi32>
        %gather3A_1608 = tpu.dynamic_gather %add3A_1605[%gather3A_1607] in [0] : vector<16xf32>, vector<16xi32> -> vector<16xf32>
        %add3A_1609 = arith.addf %add3A_1605, %gather3A_1608 : vector<16xf32>
        %broadcast_in_dim3A_1610 = vector.shape_cast %rem3A_19 : vector<16xi32> to vector<16x1xi32>
        %gather3A_1611 = vector.shape_cast %broadcast_in_dim3A_1610 : vector<16x1xi32> to vector<16xi32>
        %gather3A_1612 = tpu.dynamic_gather %add3A_1609[%gather3A_1611] in [0] : vector<16xf32>, vector<16xi32> -> vector<16xf32>
        %add3A_1613 = arith.addf %add3A_1609, %gather3A_1612 : vector<16xf32>
        %broadcast_in_dim3A_1614 = vector.shape_cast %rem3A_25 : vector<16xi32> to vector<16x1xi32>
        %gather3A_1615 = vector.shape_cast %broadcast_in_dim3A_1614 : vector<16x1xi32> to vector<16xi32>
        %gather3A_1616 = tpu.dynamic_gather %add3A_1613[%gather3A_1615] in [0] : vector<16xf32>, vector<16xi32> -> vector<16xf32>
        %add3A_1617 = arith.addf %add3A_1613, %gather3A_1616 : vector<16xf32>
        %eq3A_1618 = arith.constant 14 : i32
        %eq3A_1619 = vector.broadcast %eq3A_1618 : i32 to vector<16xi32>
        %eq3A_1620 = arith.cmpi eq, %iota3A, %eq3A_1619 : vector<16xi32>
        %select_n3A_1621 = arith.select %eq3A_1620, %add3A_1617, %select_n3A_1518 : vector<16xi1>, vector<16xf32>
        %mul3A_1622 = arith.constant 16 : i32
        %mul3A_1623 = arith.muli %scan3A_76, %mul3A_1622 : i32
        %add3A_1624 = arith.constant 15 : i32
        %add3A_1625 = arith.addi %mul3A_1623, %add3A_1624 : i32
        %get3A_1626 = arith.index_cast %add3A_1625 : i32 to index
        %get3A_1627 = arith.constant 0 : index
        %get3A_1628 = tpu.vector_load %arg8[%get3A_1626, %get3A_1627] {strides = array<i32>} : memref<128x128xf32, #tpu.memory_space<vmem>>, vector<1x16xf32>,
        %get3A_1629 = vector.shape_cast %get3A_1628 : vector<1x16xf32> to vector<16xf32>
        %get3A_1630 = arith.index_cast %add3A_1625 : i32 to index
        %get3A_1631 = arith.constant 0 : index
        %get3A_1632 = tpu.vector_load %arg9[%get3A_1630, %get3A_1631] {strides = array<i32>} : memref<128x128xf32, #tpu.memory_space<vmem>>, vector<1x16xf32>,
        %get3A_1633 = vector.shape_cast %get3A_1632 : vector<1x16xf32> to vector<16xf32>
        %mul3A_1634 = arith.mulf %get3A_1629, %get3A_1633 : vector<16xf32>
        %get3A_1635 = arith.index_cast %add3A_1625 : i32 to index
        %get3A_1636 = arith.constant 16 : index
        %get3A_1637 = tpu.vector_load %arg8[%get3A_1635, %get3A_1636] {strides = array<i32>} : memref<128x128xf32, #tpu.memory_space<vmem>>, vector<1x16xf32>,
        %get3A_1638 = vector.shape_cast %get3A_1637 : vector<1x16xf32> to vector<16xf32>
        %get3A_1639 = arith.index_cast %add3A_1625 : i32 to index
        %get3A_1640 = arith.constant 16 : index
        %get3A_1641 = tpu.vector_load %arg9[%get3A_1639, %get3A_1640] {strides = array<i32>} : memref<128x128xf32, #tpu.memory_space<vmem>>, vector<1x16xf32>,
        %get3A_1642 = vector.shape_cast %get3A_1641 : vector<1x16xf32> to vector<16xf32>
        %mul3A_1643 = arith.mulf %get3A_1638, %get3A_1642 : vector<16xf32>
        %add3A_1644 = arith.addf %mul3A_1634, %mul3A_1643 : vector<16xf32>
        %get3A_1645 = arith.index_cast %add3A_1625 : i32 to index
        %get3A_1646 = arith.constant 32 : index
        %get3A_1647 = tpu.vector_load %arg8[%get3A_1645, %get3A_1646] {strides = array<i32>} : memref<128x128xf32, #tpu.memory_space<vmem>>, vector<1x16xf32>,
        %get3A_1648 = vector.shape_cast %get3A_1647 : vector<1x16xf32> to vector<16xf32>
        %get3A_1649 = arith.index_cast %add3A_1625 : i32 to index
        %get3A_1650 = arith.constant 32 : index
        %get3A_1651 = tpu.vector_load %arg9[%get3A_1649, %get3A_1650] {strides = array<i32>} : memref<128x128xf32, #tpu.memory_space<vmem>>, vector<1x16xf32>,
        %get3A_1652 = vector.shape_cast %get3A_1651 : vector<1x16xf32> to vector<16xf32>
        %mul3A_1653 = arith.mulf %get3A_1648, %get3A_1652 : vector<16xf32>
        %add3A_1654 = arith.addf %add3A_1644, %mul3A_1653 : vector<16xf32>
        %get3A_1655 = arith.index_cast %add3A_1625 : i32 to index
        %get3A_1656 = arith.constant 48 : index
        %get3A_1657 = tpu.vector_load %arg8[%get3A_1655, %get3A_1656] {strides = array<i32>} : memref<128x128xf32, #tpu.memory_space<vmem>>, vector<1x16xf32>,
        %get3A_1658 = vector.shape_cast %get3A_1657 : vector<1x16xf32> to vector<16xf32>
        %get3A_1659 = arith.index_cast %add3A_1625 : i32 to index
        %get3A_1660 = arith.constant 48 : index
        %get3A_1661 = tpu.vector_load %arg9[%get3A_1659, %get3A_1660] {strides = array<i32>} : memref<128x128xf32, #tpu.memory_space<vmem>>, vector<1x16xf32>,
        %get3A_1662 = vector.shape_cast %get3A_1661 : vector<1x16xf32> to vector<16xf32>
        %mul3A_1663 = arith.mulf %get3A_1658, %get3A_1662 : vector<16xf32>
        %add3A_1664 = arith.addf %add3A_1654, %mul3A_1663 : vector<16xf32>
        %get3A_1665 = arith.index_cast %add3A_1625 : i32 to index
        %get3A_1666 = arith.constant 64 : index
        %get3A_1667 = tpu.vector_load %arg8[%get3A_1665, %get3A_1666] {strides = array<i32>} : memref<128x128xf32, #tpu.memory_space<vmem>>, vector<1x16xf32>,
        %get3A_1668 = vector.shape_cast %get3A_1667 : vector<1x16xf32> to vector<16xf32>
        %get3A_1669 = arith.index_cast %add3A_1625 : i32 to index
        %get3A_1670 = arith.constant 64 : index
        %get3A_1671 = tpu.vector_load %arg9[%get3A_1669, %get3A_1670] {strides = array<i32>} : memref<128x128xf32, #tpu.memory_space<vmem>>, vector<1x16xf32>,
        %get3A_1672 = vector.shape_cast %get3A_1671 : vector<1x16xf32> to vector<16xf32>
        %mul3A_1673 = arith.mulf %get3A_1668, %get3A_1672 : vector<16xf32>
        %add3A_1674 = arith.addf %add3A_1664, %mul3A_1673 : vector<16xf32>
        %get3A_1675 = arith.index_cast %add3A_1625 : i32 to index
        %get3A_1676 = arith.constant 80 : index
        %get3A_1677 = tpu.vector_load %arg8[%get3A_1675, %get3A_1676] {strides = array<i32>} : memref<128x128xf32, #tpu.memory_space<vmem>>, vector<1x16xf32>,
        %get3A_1678 = vector.shape_cast %get3A_1677 : vector<1x16xf32> to vector<16xf32>
        %get3A_1679 = arith.index_cast %add3A_1625 : i32 to index
        %get3A_1680 = arith.constant 80 : index
        %get3A_1681 = tpu.vector_load %arg9[%get3A_1679, %get3A_1680] {strides = array<i32>} : memref<128x128xf32, #tpu.memory_space<vmem>>, vector<1x16xf32>,
        %get3A_1682 = vector.shape_cast %get3A_1681 : vector<1x16xf32> to vector<16xf32>
        %mul3A_1683 = arith.mulf %get3A_1678, %get3A_1682 : vector<16xf32>
        %add3A_1684 = arith.addf %add3A_1674, %mul3A_1683 : vector<16xf32>
        %get3A_1685 = arith.index_cast %add3A_1625 : i32 to index
        %get3A_1686 = arith.constant 96 : index
        %get3A_1687 = tpu.vector_load %arg8[%get3A_1685, %get3A_1686] {strides = array<i32>} : memref<128x128xf32, #tpu.memory_space<vmem>>, vector<1x16xf32>,
        %get3A_1688 = vector.shape_cast %get3A_1687 : vector<1x16xf32> to vector<16xf32>
        %get3A_1689 = arith.index_cast %add3A_1625 : i32 to index
        %get3A_1690 = arith.constant 96 : index
        %get3A_1691 = tpu.vector_load %arg9[%get3A_1689, %get3A_1690] {strides = array<i32>} : memref<128x128xf32, #tpu.memory_space<vmem>>, vector<1x16xf32>,
        %get3A_1692 = vector.shape_cast %get3A_1691 : vector<1x16xf32> to vector<16xf32>
        %mul3A_1693 = arith.mulf %get3A_1688, %get3A_1692 : vector<16xf32>
        %add3A_1694 = arith.addf %add3A_1684, %mul3A_1693 : vector<16xf32>
        %get3A_1695 = arith.index_cast %add3A_1625 : i32 to index
        %get3A_1696 = arith.constant 112 : index
        %get3A_1697 = tpu.vector_load %arg8[%get3A_1695, %get3A_1696] {strides = array<i32>} : memref<128x128xf32, #tpu.memory_space<vmem>>, vector<1x16xf32>,
        %get3A_1698 = vector.shape_cast %get3A_1697 : vector<1x16xf32> to vector<16xf32>
        %get3A_1699 = arith.index_cast %add3A_1625 : i32 to index
        %get3A_1700 = arith.constant 112 : index
        %get3A_1701 = tpu.vector_load %arg9[%get3A_1699, %get3A_1700] {strides = array<i32>} : memref<128x128xf32, #tpu.memory_space<vmem>>, vector<1x16xf32>,
        %get3A_1702 = vector.shape_cast %get3A_1701 : vector<1x16xf32> to vector<16xf32>
        %mul3A_1703 = arith.mulf %get3A_1698, %get3A_1702 : vector<16xf32>
        %add3A_1704 = arith.addf %add3A_1694, %mul3A_1703 : vector<16xf32>
        %broadcast_in_dim3A_1705 = vector.shape_cast %rem3A_7 : vector<16xi32> to vector<16x1xi32>
        %gather3A_1706 = vector.shape_cast %broadcast_in_dim3A_1705 : vector<16x1xi32> to vector<16xi32>
        %gather3A_1707 = tpu.dynamic_gather %add3A_1704[%gather3A_1706] in [0] : vector<16xf32>, vector<16xi32> -> vector<16xf32>
        %add3A_1708 = arith.addf %add3A_1704, %gather3A_1707 : vector<16xf32>
        %broadcast_in_dim3A_1709 = vector.shape_cast %rem3A_13 : vector<16xi32> to vector<16x1xi32>
        %gather3A_1710 = vector.shape_cast %broadcast_in_dim3A_1709 : vector<16x1xi32> to vector<16xi32>
        %gather3A_1711 = tpu.dynamic_gather %add3A_1708[%gather3A_1710] in [0] : vector<16xf32>, vector<16xi32> -> vector<16xf32>
        %add3A_1712 = arith.addf %add3A_1708, %gather3A_1711 : vector<16xf32>
        %broadcast_in_dim3A_1713 = vector.shape_cast %rem3A_19 : vector<16xi32> to vector<16x1xi32>
        %gather3A_1714 = vector.shape_cast %broadcast_in_dim3A_1713 : vector<16x1xi32> to vector<16xi32>
        %gather3A_1715 = tpu.dynamic_gather %add3A_1712[%gather3A_1714] in [0] : vector<16xf32>, vector<16xi32> -> vector<16xf32>
        %add3A_1716 = arith.addf %add3A_1712, %gather3A_1715 : vector<16xf32>
        %broadcast_in_dim3A_1717 = vector.shape_cast %rem3A_25 : vector<16xi32> to vector<16x1xi32>
        %gather3A_1718 = vector.shape_cast %broadcast_in_dim3A_1717 : vector<16x1xi32> to vector<16xi32>
        %gather3A_1719 = tpu.dynamic_gather %add3A_1716[%gather3A_1718] in [0] : vector<16xf32>, vector<16xi32> -> vector<16xf32>
        %add3A_1720 = arith.addf %add3A_1716, %gather3A_1719 : vector<16xf32>
        %eq3A_1721 = arith.constant 15 : i32
        %eq3A_1722 = vector.broadcast %eq3A_1721 : i32 to vector<16xi32>
        %eq3A_1723 = arith.cmpi eq, %iota3A, %eq3A_1722 : vector<16xi32>
        %select_n3A_1724 = arith.select %eq3A_1723, %add3A_1720, %select_n3A_1621 : vector<16xi1>, vector<16xf32>
        %mul3A_1725 = arith.constant 5.000000e-01 : f32
        %mul3A_1726 = vector.broadcast %mul3A_1725 : f32 to vector<16xf32>
        %mul3A_1727 = arith.mulf %select_n3A_1724, %mul3A_1726 : vector<16xf32>
        %add3A_1728 = arith.constant 5.000000e-01 : f32
        %add3A_1729 = vector.broadcast %add3A_1728 : f32 to vector<16xf32>
        %add3A_1730 = arith.addf %mul3A_1727, %add3A_1729 : vector<16xf32>
        %swap3A = arith.index_cast %scan3A_76 : i32 to index
        %swap3A_1731 = arith.constant 0 : index
        %swap3A_1732 = tpu.vector_load %arg10[%swap3A, %swap3A_1731] {strides = array<i32>} : memref<8x16xf32, #tpu.memory_space<vmem>>, vector<1x16xf32>,
        %swap3A_1733 = vector.shape_cast %swap3A_1732 : vector<1x16xf32> to vector<16xf32>
        %swap3A_1734 = vector.shape_cast %add3A_1730 : vector<16xf32> to vector<1x16xf32>
        tpu.vector_store %arg10[%swap3A, %swap3A_1731], %swap3A_1734 {strides = array<i32>} : memref<8x16xf32, #tpu.memory_space<vmem>>, vector<1x16xf32>,
        %scan3A_1735 = arith.constant 0 : i32
        scf.yield %scan3A_1735 : i32
      }
      %scan3A_53 = arith.constant 8 : i32
      %mul3A_54 = arith.constant 128 : i32
      %mul3A_55 = arith.muli %scan3A_32, %mul3A_54 : i32
      %add3A_56 = arith.addi %mul3A_2, %mul3A_55 : i32
      %jit3A = arith.constant 16 : i32
      %div3A = arith.divsi %add3A_56, %jit3A : i32
      %sign3A = arith.constant 0 : i32
      %sign3A_57 = arith.cmpi sgt, %add3A_56, %sign3A : i32
      %sign3A_58 = arith.extui %sign3A_57 : i1 to i32
      %sign3A_59 = arith.constant 0 : i32
      %sign3A_60 = arith.cmpi slt, %add3A_56, %sign3A_59 : i32
      %sign3A_61 = arith.extui %sign3A_60 : i1 to i32
      %sign3A_62 = arith.subi %sign3A_58, %sign3A_61 : i32
      %sign3A_63 = arith.constant 0 : i32
      %sign3A_64 = arith.cmpi sgt, %jit3A, %sign3A_63 : i32
      %sign3A_65 = arith.extui %sign3A_64 : i1 to i32
      %sign3A_66 = arith.constant 0 : i32
      %sign3A_67 = arith.cmpi slt, %jit3A, %sign3A_66 : i32
      %sign3A_68 = arith.extui %sign3A_67 : i1 to i32
      %sign3A_69 = arith.subi %sign3A_65, %sign3A_68 : i32
      %ne3A = arith.cmpi ne, %sign3A_62, %sign3A_69 : i32
      %rem3A_70 = arith.remsi %add3A_56, %jit3A : i32
      %ne3A_71 = arith.constant 0 : i32
      %ne3A_72 = arith.cmpi ne, %rem3A_70, %ne3A_71 : i32
      %and3A = arith.andi %ne3A, %ne3A_72 : i1
      %sub3A = arith.constant 1 : i32
      %sub3A_73 = arith.subi %div3A, %sub3A : i32
      %select_n3A = arith.select %and3A, %sub3A_73, %div3A : i32
      %multiple_of3A_74 = tpu.assume_multiple %select_n3A, 8 : i32
      "tpu.region"() ({
        %run_scoped3A = tpu.sem_alloc : memref<!tpu.dma_semaphore, #tpu.memory_space<semaphore_mem>>
        %dma_start3A_76 = arith.constant 0 : i32
        %dma_start3A_77 = tpu.memref_slice %arg5[%multiple_of3A_74, %dma_start3A_76] : memref<20224x16xf32, #tpu.memory_space<hbm>> -> memref<8x16xf32, #tpu.memory_space<hbm>>
        %dma_start3A_78 = arith.constant 0 : i32
        %dma_start3A_79 = tpu.memref_slice %arg5[%multiple_of3A_74, %dma_start3A_78] : memref<20224x16xf32, #tpu.memory_space<hbm>> -> memref<8x16xf32, #tpu.memory_space<hbm>>
        tpu.enqueue_dma source(%arg10 : memref<8x16xf32, #tpu.memory_space<vmem>>) target(%dma_start3A_79 : memref<8x16xf32, #tpu.memory_space<hbm>>) target_semaphore(%run_scoped3A : memref<!tpu.dma_semaphore, #tpu.memory_space<semaphore_mem>>)
        %dma_wait3A_80 = arith.constant 0 : i32
        %dma_wait3A_81 = tpu.memref_slice %arg5[%multiple_of3A_74, %dma_wait3A_80] : memref<20224x16xf32, #tpu.memory_space<hbm>> -> memref<8x16xf32, #tpu.memory_space<hbm>>
        %dma_wait3A_82 = arith.constant 0 : i32
        %dma_wait3A_83 = tpu.memref_slice %arg5[%multiple_of3A_74, %dma_wait3A_82] : memref<20224x16xf32, #tpu.memory_space<hbm>> -> memref<8x16xf32, #tpu.memory_space<hbm>>
        tpu.wait_dma2 semaphore(%run_scoped3A : memref<!tpu.dma_semaphore, #tpu.memory_space<semaphore_mem>>) src(%arg10 : memref<8x16xf32, #tpu.memory_space<vmem>>) dst(%dma_wait3A_83 : memref<8x16xf32, #tpu.memory_space<hbm>>)
        tpu.yield
      }) : () -> ()
      %scan3A_75 = arith.constant 0 : i32
      scf.yield %scan3A_75 : i32
    }
    %scan3A_31 = arith.constant 79 : i32
    return
  }
}

module attributes {stable_mosaic.version = 14 : i64} {
  func.func @_k2_body(%arg0: i32, %arg1: memref<1000x128xf32, #tpu.memory_space<vmem>>, %arg2: memref<1000x128xf32, #tpu.memory_space<vmem>>, %arg3: memref<1000x128xf32, #tpu.memory_space<vmem>>, %arg4: memref<1000x16xf32, #tpu.memory_space<vmem>>, %arg5: memref<1000x16xf32, #tpu.memory_space<vmem>>, %arg6: memref<128x128xf32, #tpu.memory_space<vmem>>, %arg7: memref<1000x128xf32, #tpu.memory_space<vmem>>) attributes {dimension_semantics = [#tpu.dimension_semantics<arbitrary>], iteration_bounds = array<i64: 10>, scalar_prefetch = 0 : i64, scratch_operands = 0 : i64, tpu.core_type = #tpu.core_type<tc>, window_params = [{transform_indices = @transform_0, window_bounds = array<i64: 1000, 128>}, {transform_indices = @transform_1, window_bounds = array<i64: 1000, 128>}, {transform_indices = @transform_2, window_bounds = array<i64: 1000, 128>}, {transform_indices = @transform_3, window_bounds = array<i64: 1000, 16>}, {transform_indices = @transform_4, window_bounds = array<i64: 1000, 16>}, {pipeline_mode = #tpu.pipeline_mode<synchronous>, transform_indices = @transform_5, window_bounds = array<i64: 128, 128>}, {transform_indices = @transform_6, window_bounds = array<i64: 1000, 128>}]} {
    %get3A = arith.constant 0 : index
    %get3A_0 = arith.constant 0 : index
    %get3A_1 = vector.load %arg4[%get3A, %get3A_0] : memref<1000x16xf32, #tpu.memory_space<vmem>>, vector<1000x1xf32>
    %get3A_2 = arith.constant 0 : index
    %get3A_3 = arith.constant 0 : index
    %get3A_4 = vector.load %arg5[%get3A_2, %get3A_3] : memref<1000x16xf32, #tpu.memory_space<vmem>>, vector<1000x1xf32>
    %add3A = arith.addf %get3A_1, %get3A_4 : vector<1000x1xf32>
    %get3A_5 = arith.constant 0 : index
    %get3A_6 = arith.constant 0 : index
    %get3A_7 = vector.load %arg1[%get3A_5, %get3A_6] : memref<1000x128xf32, #tpu.memory_space<vmem>>, vector<1000x128xf32>
    %get3A_8 = arith.constant 0 : index
    %get3A_9 = arith.constant 0 : index
    %get3A_10 = vector.load %arg2[%get3A_8, %get3A_9] : memref<1000x128xf32, #tpu.memory_space<vmem>>, vector<1000x128xf32>
    %get3A_11 = arith.constant 0 : index
    %get3A_12 = arith.constant 0 : index
    %get3A_13 = vector.load %arg3[%get3A_11, %get3A_12] : memref<1000x128xf32, #tpu.memory_space<vmem>>, vector<1000x128xf32>
    %add3A_14 = arith.addf %get3A_10, %get3A_13 : vector<1000x128xf32>
    %max3A = arith.constant 1.000000e+00 : f32
    %max3A_15 = vector.broadcast %max3A : f32 to vector<1000x1xf32>
    %max3A_16 = arith.maximumf %add3A, %max3A_15 : vector<1000x1xf32>
    %div3A = vector.broadcast %max3A_16 : vector<1000x1xf32> to vector<1000x128xf32>
    %div3A_17 = arith.divf %add3A_14, %div3A : vector<1000x128xf32>
    %add3A_18 = arith.addf %get3A_7, %div3A_17 : vector<1000x128xf32>
    %get3A_19 = arith.constant 0 : index
    %get3A_20 = arith.constant 0 : index
    %get3A_21 = vector.load %arg6[%get3A_19, %get3A_20] : memref<128x128xf32, #tpu.memory_space<vmem>>, vector<128x128xf32>
    %dot_general3A = arith.constant dense<0.000000e+00> : vector<1000x128xf32>
    %dot_general3A_22 = tpu.matmul %add3A_18, %get3A_21, %dot_general3A {dimension_numbers = #tpu.dot_dimension_numbers<[1], [0], [0], [1], [0, 0, 1, 1], [], []>, transpose_lhs_hint = false} : vector<1000x128xf32>, vector<128x128xf32>, vector<1000x128xf32> -> vector<1000x128xf32>
    %mul3A = arith.mulf %dot_general3A_22, %dot_general3A_22 : vector<1000x128xf32>
    %reduce_sum3A = arith.constant dense<0.000000e+00> : vector<1000xf32>
    %reduce_sum3A_23 = vector.multi_reduction <add>, %mul3A, %reduce_sum3A [1] : vector<1000x128xf32> to vector<1000xf32>
    %broadcast_in_dim3A = vector.shape_cast %reduce_sum3A_23 : vector<1000xf32> to vector<1000x1xf32>
    %sqrt3A = math.sqrt %broadcast_in_dim3A : vector<1000x1xf32>
    %max3A_24 = arith.constant 9.99999993E-9 : f32
    %max3A_25 = vector.broadcast %max3A_24 : f32 to vector<1000x1xf32>
    %max3A_26 = arith.maximumf %sqrt3A, %max3A_25 : vector<1000x1xf32>
    %div3A_27 = vector.broadcast %max3A_26 : vector<1000x1xf32> to vector<1000x128xf32>
    %div3A_28 = arith.divf %dot_general3A_22, %div3A_27 : vector<1000x128xf32>
    %swap3A = arith.constant 0 : index
    %swap3A_29 = arith.constant 0 : index
    %swap3A_30 = vector.load %arg7[%swap3A, %swap3A_29] : memref<1000x128xf32, #tpu.memory_space<vmem>>, vector<1000x128xf32>
    tpu.vector_store %arg7[%swap3A, %swap3A_29], %div3A_28 {strides = array<i32>} : memref<1000x128xf32, #tpu.memory_space<vmem>>, vector<1000x128xf32>,
    return
  }
  func.func @transform_0(%arg0: i32) -> (i32, i32) {
    %c0_i32 = arith.constant 0 : i32
    %c0_i32_0 = arith.constant 0 : i32
    return %arg0, %c0_i32 : i32, i32
  }
  func.func @transform_1(%arg0: i32) -> (i32, i32) {
    %c0_i32 = arith.constant 0 : i32
    %c0_i32_0 = arith.constant 0 : i32
    return %arg0, %c0_i32 : i32, i32
  }
  func.func @transform_2(%arg0: i32) -> (i32, i32) {
    %c0_i32 = arith.constant 0 : i32
    %c0_i32_0 = arith.constant 0 : i32
    return %arg0, %c0_i32 : i32, i32
  }
  func.func @transform_3(%arg0: i32) -> (i32, i32) {
    %c0_i32 = arith.constant 0 : i32
    %c0_i32_0 = arith.constant 0 : i32
    return %arg0, %c0_i32 : i32, i32
  }
  func.func @transform_4(%arg0: i32) -> (i32, i32) {
    %c0_i32 = arith.constant 0 : i32
    %c0_i32_0 = arith.constant 0 : i32
    return %arg0, %c0_i32 : i32, i32
  }
  func.func @transform_5(%arg0: i32) -> (i32, i32) {
    %c0_i32 = arith.constant 0 : i32
    %c0_i32_0 = arith.constant 0 : i32
    %c0_i32_1 = arith.constant 0 : i32
    return %c0_i32, %c0_i32_0 : i32, i32
  }
  func.func @transform_6(%arg0: i32) -> (i32, i32) {
    %c0_i32 = arith.constant 0 : i32
    %c0_i32_0 = arith.constant 0 : i32
    return %arg0, %c0_i32 : i32, i32
  }
}

</mosaic_0001>

<sc_bundles>
// kernel: kernel.5.cloned.1.call-start
scs
__scs_entry_jumppad:
0x0: {  	(pc) =	sbr.rel $0x88, $3  }
0x1: {  	(tag) =	ssettag $0x0;
	lr =	simm.s32 $0x1  }
0x2: {  	[smem:$0x3F9C] =	sst lr;
	_ =	strace $0xD0000000  }
0x3: {  	_ = 	snop  }
0x4: {  	_ = 	snop  }
0x5: {  	_ = 	snop  }
0x6: {  	_ = 	snop  }
0x7: {  	_ = 	snop  }
__scs_overlays_trampoline_lowered:
0x8: {  	[smem:$0x3FAB] =	sst s0  }
0x9: {  	[smem:$0x3FAC] =	sst s1  }
0xa: {  	[smem:$0x3FAD] =	sst s2  }
0xb: {  	[smem:$0x3FAE] =	sst s3  }
0xc: {  	[smem:$0x3FAF] =	sst s4  }
0xd: {  	[smem:$0x3FB0] =	sst s5  }
0xe: {  	[smem:$0x3FB1] =	sst s6  }
0xf: {  	[smem:$0x3FB2] =	sst s7  }
0x10: {  	[smem:$0x3FB3] =	sst s8  }
0x11: {  	[smem:$0x3FB4] =	sst s9;
	s0 =	simm.s32 @!p0 $0x0  }
0x12: {  	s1 =	sld [smem:$0x3F9A];
	s0 =	simm.s32 @p0 $0x1  }
0x13: {  	[smem:$0x3FB5] =	sst s0;
	s0 =	simm.s32 @!p1 $0x0  }
0x14: {  	s2 =	sld [smem:$0x3F99];
	s0 =	simm.s32 @p1 $0x1  }
0x15: {  	[smem:$0x3FB6] =	sst s0;
	s0 =	simm.s32 @!p2 $0x0  }
0x16: {  	s3 =	sld [smem:$0x3FDB];
	s0 =	simm.s32 @p2 $0x1  }
0x17: {  	s4 =	simm.s32 $0x1BF5;
	[smem:$0x3FB8] =	sst s0  }
0x18: {  	s0 =	sld [smem:$0x3F9B];
	_ =	swait.ge [sflag:s4], $0x0  }
0x19: {  	s7 =	sld [smem:$0x3F9C]  }
0x1a: {  	s8 =	sadd.s32 $0xFFFFE003, lr  }
0x1b: {  	s9 =	sadd.s32 $0xFFFFFEF7, lr;
	s5 =	simm.s32 $0xFFFFFFFF;
	p2 =	slt.u32 s8, $0xFFFFF086  }
0x1c: {  	p1 =	slt.u32 s9, $0xF7A;
	s5 =	simm.s32 @!p2 $0x0  }
0x1d: {  	s5 =	simm.s32 @p1 $0x1;
	p0 =	seq.s32 s7, s2  }
0x1e: {  	s7 =	smul.u32 @!p0 $0xF7A, s2;
	p2 =	seq.s32 @!p0 s5, $0x0  }
0x1f: {  	s9 =	smul.u32 $0xF7A, s1;
	s8 =	simm.s32 @!p0 $0x1BF5;
	p2 =	por !p2, p0  }
0x20: {  	[sflag:s8] =	ssyncset.s32 @!p0 $0xFFFFF086;
	s6 =	sadd.s32 @!p0 s3, s7;
	s7 =	simm.s32 @!p0 $0x108  }
0x21: {  	s3 =	sadd.s32 s3, s9;
	s6 =	sadd.s32 @!p0 $0x88, s6;
	s7 =	simm.s32 @p2 $0x1082  }
0x22: {  	[simem:s7], [sflag:s8] =	dma.local @!p0 [hbm:s6], $0xF7A  }
0x23: {  	s9 =	sor.u32 $0xD0000000, s2;
	s6 =	simm.s32 $0x108;
	_ =	swait.ge @!p0 [sflag:s8], $0x0  }
0x24: {  	s3 =	sadd.s32 $0x88, s3;
	s6 =	simm.s32 @!p1 $0x1082;
	[sflag:s4] =	ssyncset.s32 $0xFFFFF086  }
0x25: {  	[simem:s6], [sflag:s4] =	dma.local [hbm:s3], $0xF7A  }
0x26: {  	[smem:$0x3F9C] =	sst s1;
	(tag) =	ssettag s2;
	_ =	strace s9  }
0x27: {  	s1 =	sld [smem:$0x3FAC]  }
0x28: {  	s2 =	sld [smem:$0x3FAD]  }
0x29: {  	s4 =	sld [smem:$0x3FAF]  }
0x2a: {  	p0 =	seq.s32 s5, $0x0;
	s5 =	sld [smem:$0x3FB0]  }
0x2b: {  	s6 =	sld [smem:$0x3FB1]  }
0x2c: {  	s7 =	sld [smem:$0x3FB2]  }
0x2d: {  	s3 =	simm.s32 $0x108;
	s8 =	sld [smem:$0x3FB3]  }
0x2e: {  	s3 =	simm.s32 @!p0 $0x1082;
	s9 =	sld [smem:$0x3FB4]  }
0x2f: {  	lr =	sadd.s32 s0, s3;
	s0 =	sld [smem:$0x3FAB]  }
0x30: {  	s3 =	sld [smem:$0x3FAE]  }
0x31: {  	[smem:$0x3FB7] =	sst s10  }
0x32: {  	s10 =	sld [smem:$0x3FB5];
	_ =	sdelay $0x3  }
0x33: {  	p0 =	seq.s32 s10, $0x1;
	s10 =	sld [smem:$0x3FB7];
	_ =	sdelay $0x3  }
0x34: {  	[smem:$0x3FB7] =	sst s10  }
0x35: {  	s10 =	sld [smem:$0x3FB6];
	_ =	sdelay $0x3  }
0x36: {  	p1 =	seq.s32 s10, $0x1;
	s10 =	sld [smem:$0x3FB7];
	_ =	sdelay $0x3  }
0x37: {  	[smem:$0x3FB7] =	sst s10  }
0x38: {  	s10 =	sld [smem:$0x3FB8]  }
0x39: {  	_ = 	snop;
	(pc) =	sbr.ind lr, $3  }
0x3a: {  	_ = 	snop  }
0x3b: {  	_ = 	snop  }
0x3c: {  	p2 =	seq.s32 s10, $0x1;
	s10 =	sld [smem:$0x3FB7]  }
0x3d: {  	_ =	shalt  }
0x3e: {  	_ =	shalt  }
0x3f: {  	_ =	shalt  }
0x40: {  	_ =	shalt  }
0x41: {  	_ =	shalt  }
0x42: {  	_ =	shalt  }
0x43: {  	_ =	shalt  }
0x44: {  	_ =	shalt  }
0x45: {  	_ =	shalt  }
0x46: {  	_ =	shalt  }
0x47: {  	_ =	shalt  }
0x48: {  	_ =	shalt  }
0x49: {  	_ =	shalt  }
0x4a: {  	_ =	shalt  }
0x4b: {  	_ =	shalt  }
0x4c: {  	_ =	shalt  }
0x4d: {  	_ =	shalt  }
0x4e: {  	_ =	shalt  }
0x4f: {  	_ =	shalt  }
0x50: {  	_ =	shalt  }
0x51: {  	_ =	shalt  }
0x52: {  	_ =	shalt  }
0x53: {  	_ =	shalt  }
0x54: {  	_ =	shalt  }
0x55: {  	_ =	shalt  }
0x56: {  	_ =	shalt  }
0x57: {  	_ =	shalt  }
0x58: {  	_ =	shalt  }
0x59: {  	_ =	shalt  }
0x5a: {  	_ =	shalt  }
0x5b: {  	_ =	shalt  }
0x5c: {  	_ =	shalt  }
0x5d: {  	_ =	shalt  }
0x5e: {  	_ =	shalt  }
0x5f: {  	_ =	shalt  }
0x60: {  	_ =	shalt  }
0x61: {  	_ =	shalt  }
0x62: {  	_ =	shalt  }
0x63: {  	_ =	shalt  }
0x64: {  	_ =	shalt  }
0x65: {  	_ =	shalt  }
0x66: {  	_ =	shalt  }
0x67: {  	_ =	shalt  }
0x68: {  	_ =	shalt  }
0x69: {  	_ =	shalt  }
0x6a: {  	_ =	shalt  }
0x6b: {  	_ =	shalt  }
0x6c: {  	_ =	shalt  }
0x6d: {  	_ =	shalt  }
0x6e: {  	_ =	shalt  }
0x6f: {  	_ =	shalt  }
0x70: {  	_ =	shalt  }
0x71: {  	_ =	shalt  }
0x72: {  	_ =	shalt  }
0x73: {  	_ =	shalt  }
0x74: {  	_ =	shalt  }
0x75: {  	_ =	shalt  }
0x76: {  	_ =	shalt  }
0x77: {  	_ =	shalt  }
0x78: {  	_ =	shalt  }
0x79: {  	_ =	shalt  }
0x7a: {  	_ =	shalt  }
0x7b: {  	_ =	shalt  }
0x7c: {  	_ =	shalt  }
0x7d: {  	_ =	shalt  }
0x7e: {  	_ =	shalt  }
0x7f: {  	_ =	shalt  }
0x80: {  	_ =	shalt  }
0x81: {  	_ =	shalt  }
0x82: {  	_ =	shalt  }
0x83: {  	_ =	shalt  }
0x84: {  	_ =	shalt  }
0x85: {  	_ =	shalt  }
0x86: {  	_ =	shalt  }
0x87: {  	_ =	shalt  }
.Lfunc_end0:
.L_simem_size_0:
called_computation.1_lowered:
.L_overlay_start_0:
0x88: {  	s2 =	sld [smem:$0x3FD9]  }
0x89: {  	s3 =	sld [smem:$0x3FFE];
	_ =	sdelay $0x1  }
0x8a: {  	s1 =	srdreg.scid  }
0x8b: {  	s0 =	sand.u32 $0x1, s1  }
0x8c: {  	s17 =	sshll.u32 s0, $0xA;
	s2 =	sadd.s32 s3, s2  }
0x8d: {  	s2 =	sadd.s32 s2, s17  }
0x8e: {  	[smem:$0x3FC3] =	sst s2  }
0x8f: {  	_ = 	snop  }
0x90: {  	s2 =	sld [smem:$0x3FC9];
	(tm) =	ssettm $0x1  }
0x91: {  	s18 =	sld [smem:$0x3FFB];
	_ =	sdelay $0x3  }
0x92: {  	_ =	strace s18  }
0x93: {  	s3 =	sld [smem:$0x3FFC];
	_ =	sdelay $0x3  }
0x94: {  	_ =	strace s3  }
0x95: {  	s3 =	sld [smem:$0x3FFD];
	_ =	sdelay $0x3  }
0x96: {  	_ =	strace s3  }
0x97: {  	_ =	strace $0x8FFFFFFF  }
0x98: {  	s19 =	sld [smem:$0x3FDB];
	_ =	sdelay $0x1  }
0x99: {  	s4 =	simm.s32 $_scs_section_size  }
0x9a: {  	s5 =	simm.s32 $_size__tile_overlayer_lowered;
	s6 =	simm.s32 $_tile_overlayer_lowered  }
0x9b: {  	s22 =	simm.s32 $0x1BFF;
	s21 =	sshll.u32 s6, $0x1;
	s3 =	sadd.s32 s4, s19  }
0x9c: {  	s7 =	simm.s32 $0x0;
	s20 =	sshll.u32 s5, $0x1;
	s5 =	sadd.s32 s21, s3  }
0x9d: {  	[timem:s7], [sflag:s22] =	dma.local [hbm:s5], s20  }
0x9e: {  	_ =	swait.ge [sflag:s22], s20  }
0x9f: {  	s4 =	ssub.s32 $0x0, s20;
	[sflag:s22] =	ssyncset.done $0x0  }
0xa0: {  	[sflag:s22] =	ssyncadd.s32 s4;
	_ =	sdelay $0x1  }
0xa1: {  	s23 =	simm.s32 $0x1B8B  }
0xa2: {  	_ =	swait.ge [sflag:s23], $0x1  }
0xa3: {  	[sflag:s23] =	ssyncset.done $0x0  }
0xa4: {  	s25 =	simm.s32 $0x1B8E;
	s24 =	sld [smem:$0x3FFE];
	[sflag:s23] =	ssyncadd.s32 $0xFFFFFFFF  }
0xa5: {  	s26 =	simm.s32 $execute0_lowered;
	[smem:$0x3FD2] =	sst s25  }
0xa6: {  	s5 =	sshll.u32 s26, $0x1;
	_ =	strace $0x80000046;
	[dreg:$0x1] =	wrdreg $0xFFFFFFFF  }
0xa7: {  	s28 =	simm.s32 $_size_execute0_lowered;
	s3 =	sadd.s32 s3, s5;
	[dreg:$0x0] =	wrdreg $0x0  }
0xa8: {  	s5 =	sshll.u32 s28, $0x1;
	[dreg:$0x2] =	wrdreg s3  }
0xa9: {  	[dreg:$0x3] =	wrdreg s5  }
0xaa: {  	[dreg:$0x4] =	wrdreg $0xC0  }
0xab: {  	_ =	task [dreg:s7], $0x5FFFF  }
0xac: {  	[dreg:$0x1] =	wrdreg $0xFFFFFFFF  }
0xad: {  	[dreg:$0x0] =	wrdreg $0x60  }
0xae: {  	[dreg:$0x2] =	wrdreg s2  }
0xaf: {  	[dreg:$0x3] =	wrdreg s24  }
0xb0: {  	[dreg:$0x4] =	wrdreg $0x41800  }
0xb1: {  	[dreg:$0x5] =	wrdreg $0x9  }
0xb2: {  	_ =	task.clear_ibuf [dreg:s7], $0x6FFFF;
	_ =	strace $0x90000046  }
0xb3: {  	s29 =	simm.s32 $0x9;
	_ =	strace $0x80000048  }
0xb4: {  	_ =	swait.ge [sflag:s29], $0x1  }
0xb5: {  	[sflag:s29] =	ssyncadd.s32 $0xFFFFFFFF  }
0xb6: {  	_ =	strace $0x90000048  }
0xb7: {  	_ =	sfence  }
0xb8: {  	s30 =	sld [smem:$0x0];
	_ =	sdelay $0x2  }
0xb9: {  	s31 =	sshll.u32 s1, $0xD;
	s1 =	sshrl.u32 s1, $0x2  }
0xba: {  	s3 =	sand.u32 $0x4000, s31;
	s1 =	sadd.s32 s1, s30  }
0xbb: {  	s0 =	sor.u32 s3, s0;
	s1 =	sshll.u32 s1, $0x11  }
0xbc: {  	s0 =	sor.u32 s1, s0  }
0xbd: {  	s0 =	sadd.s32 $0x8F2B, s0  }
0xbe: {  	[sflag:s0] =	ssyncadd.remote.s32 $0x1  }
0xbf: {  	_ =	sfence.sel $0xFFFF  }
0xc0: {  	[dreg:$0x0] =	wrdreg $0xFFFFFFFF;
	(pc) =	sbr.abs _section_cstart, $3  }
0xc1: {  	[dreg:$0x1] =	wrdreg $0xFFFFFFFF  }
0xc2: {  	_ =	task.clear_ibuf [dreg:s7], $0x2FFFF;
	_ =	strace $0x9FFFFFFF  }
0xc3: {  	(tm) =	ssettm $0x7FFFFFFF  }
tec
execute0_lowered:
.L_overlay_start_1:
0x0: {  	(tag) =	ssettag $0x1  }
0x1: {  	s1 =	rddreg [dreg:$0x0]  }
0x2: {  	s0 =	rddreg [dreg:$0x1];
	s4 =	srdreg.scid  }
0x3: {  	s2 =	rddreg [dreg:$0x2];
	s3 =	simm.s32 $0x0;
	s6 =	sand.u32 $0x1, s4  }
0x4: {  	s28 =	simm.s32 $0x80;
	s4 =	stileid.u32;
	s5 =	smul.u32 $0x4F00, s6  }
0x5: {  	s29 =	simm.s32 $0x1;
	s30 =	simm.s32 $0x0;
	s18 =	smul.u32 $0x280, s4  }
0x6: {  	[smem:$0x7FF] =	sst s3;
	s23 =	sadd.s32 $0x14A00, s0;
	s19 =	smul.u32 $0x140000, s6  }
0x7: {  	s20 =	sadd.s32 $0x14400, s0;
	_ =	strace $0x80000047;
	s8 =	smul.u32 $0x50, s4  }
0x8: {  	[dreg:$0x4] =	wrdreg s23;
	s7 =	ssub.s32 $0x2, s6;
	s11 =	smul.u32 $0x14000, s4  }
0x9: {  	s24 =	sshrl.u32 s7, $0x1;
	s21 =	sadd.s32 s5, s0;
	s0 =	sadd.s32 $0x15200, s0  }
0xa: {  	s7 =	ssub.s32 s7, s24;
	s25 =	sshrl.u32 s18, $0x3;
	s8 =	sadd.s32 s20, s8  }
0xb: {  	s12 =	sadd.s32 s19, s11;
	s14 =	sadd.s32 $0x80, s18;
	s16 =	sadd.s32 $0x100, s18  }
0xc: {  	s22 =	sadd.s32 $0x180, s18;
	s24 =	sadd.s32 $0x200, s18;
	s26 =	sadd.s32 s20, s25  }
0xd: {  	s7 =	smax.u32 s7, $0x1;
	s9 =	sadd.s32 $0x10, s8;
	s10 =	sadd.s32 $0x20, s8  }
0xe: {  	s11 =	sadd.s32 $0x30, s8;
	s13 =	sshrl.u32 s12, $0x3;
	s12 =	sadd.s32 $0x40, s8  }
0xf: {  	s15 =	sshll.u32 s14, $0x7;
	s14 =	sshrl.u32 s14, $0x3;
	s17 =	sshll.u32 s16, $0x7  }
0x10: {  	s16 =	sshrl.u32 s16, $0x3;
	s23 =	sshll.u32 s22, $0x7;
	s31 =	sshrl.u32 s22, $0x3  }
0x11: {  	s6 =	sshll.u32 s24, $0x7;
	s25 =	smul.u32 $0x4F0, s4;
	s24 =	sshrl.u32 s24, $0x3  }
0x12: {  	[dreg:$0x5] =	wrdreg s26;
	s13 =	sadd.s32 s0, s13;
	s15 =	sadd.s32 s19, s15  }
0x13: {  	s14 =	sadd.s32 s20, s14;
	s17 =	sadd.s32 s19, s17;
	s16 =	sadd.s32 s20, s16  }
0x14: {  	s5 =	sadd.s32 s19, s23;
	s23 =	sadd.s32 s19, s6;
	s18 =	sadd.s32 s20, s31  }
0x15: {  	s20 =	sadd.s32 s20, s24;
	s24 =	simm.s32 $0x180;
	s15 =	sshrl.u32 s15, $0x3  }
0x16: {  	s17 =	sshrl.u32 s17, $0x3;
	s22 =	sshrl.u32 s5, $0x3;
	s26 =	sshrl.u32 s23, $0x3  }
0x17: {  	s31 =	sadd.s32 s25, s21;
	s25 =	simm.s32 $0x2;
	s15 =	sadd.s32 s0, s15  }
0x18: {  	s17 =	sadd.s32 s0, s17;
	s19 =	sadd.s32 s0, s22;
	s21 =	sadd.s32 s0, s26  }
0x19: {  	s22 =	sadd.s32 $0xA600, s31;
	s23 =	sadd.s32 $0x800, s31;
	s26 =	simm.s32 $0x100  }
.LBB2_1:
0x1a: {  	s0 =	rddreg [dreg:$0x4]  }
0x1b: {  	[tilespmem:s24], [sflag:$0x2] =	stream.linear.gather [hbm4b:s0+s3], $0x4000, $0x38;
	[tilespmem:$0x17D80] =	vst v63  }
0x1c: {  	_ =	swait.ge [sflag:s25], $0x4000  }
0x1d: {  	[sflag:s25] =	ssyncset.done $0x0  }
0x1e: {  	[sflag:s25] =	ssyncadd.s32 $0xFFFFC000  }
0x1f: {  	[tilespmem:s26], [sflag:$0x2] =	stream.linear.gather [hbm4b:s8+s3], $0x80, $0x38;
	[tilespmem:$0x17D80] =	vst v63  }
0x20: {  	_ =	swait.ge [sflag:s25], $0x80  }
0x21: {  	[sflag:s25] =	ssyncset.done $0x0  }
0x22: {  	[sflag:s25] =	ssyncadd.s32 $0xFFFFFF80  }
0x23: {  	[spmem:s2] =	stream.indirect.scatter [tilespmem:s24], [sflag:$0x2], $0x80, s26, s28, $0xb8;
	[tilespmem:$0x17D80] =	vst v63  }
0x24: {  	_ =	swait.ge [sflag:s25], $0x4000  }
0x25: {  	[sflag:s25] =	ssyncset.done $0x0  }
0x26: {  	[sflag:s25] =	ssyncadd.s32 $0xFFFFC000  }
0x27: {  	[tilespmem:s26], [sflag:$0x2] =	stream.linear.gather [hbm4b:s9+s3], $0x80, $0x38;
	[tilespmem:$0x17D80] =	vst v63  }
0x28: {  	_ =	swait.ge [sflag:s25], $0x80  }
0x29: {  	[sflag:s25] =	ssyncset.done $0x0  }
0x2a: {  	[sflag:s25] =	ssyncadd.s32 $0xFFFFFF80  }
0x2b: {  	[spmem:s2] =	stream.indirect.scatter [tilespmem:s24], [sflag:$0x2], $0x80, s26, s28, $0xb8;
	[tilespmem:$0x17D80] =	vst v63  }
0x2c: {  	_ =	swait.ge [sflag:s25], $0x4000  }
0x2d: {  	[sflag:s25] =	ssyncset.done $0x0  }
0x2e: {  	[sflag:s25] =	ssyncadd.s32 $0xFFFFC000  }
0x2f: {  	[tilespmem:s26], [sflag:$0x2] =	stream.linear.gather [hbm4b:s10+s3], $0x80, $0x38;
	[tilespmem:$0x17D80] =	vst v63  }
0x30: {  	_ =	swait.ge [sflag:s25], $0x80  }
0x31: {  	[sflag:s25] =	ssyncset.done $0x0  }
0x32: {  	[sflag:s25] =	ssyncadd.s32 $0xFFFFFF80  }
0x33: {  	[spmem:s2] =	stream.indirect.scatter [tilespmem:s24], [sflag:$0x2], $0x80, s26, s28, $0xb8;
	[tilespmem:$0x17D80] =	vst v63  }
0x34: {  	_ =	swait.ge [sflag:s25], $0x4000  }
0x35: {  	[sflag:s25] =	ssyncset.done $0x0  }
0x36: {  	[sflag:s25] =	ssyncadd.s32 $0xFFFFC000  }
0x37: {  	[tilespmem:s26], [sflag:$0x2] =	stream.linear.gather [hbm4b:s11+s3], $0x80, $0x38;
	[tilespmem:$0x17D80] =	vst v63  }
0x38: {  	_ =	swait.ge [sflag:s25], $0x80  }
0x39: {  	[sflag:s25] =	ssyncset.done $0x0  }
0x3a: {  	[sflag:s25] =	ssyncadd.s32 $0xFFFFFF80  }
0x3b: {  	[spmem:s2] =	stream.indirect.scatter [tilespmem:s24], [sflag:$0x2], $0x80, s26, s28, $0xb8;
	[tilespmem:$0x17D80] =	vst v63  }
0x3c: {  	_ =	swait.ge [sflag:s25], $0x4000  }
0x3d: {  	[sflag:s25] =	ssyncset.done $0x0  }
0x3e: {  	[sflag:s25] =	ssyncadd.s32 $0xFFFFC000  }
0x3f: {  	[tilespmem:s26], [sflag:$0x2] =	stream.linear.gather [hbm4b:s12+s3], $0x80, $0x38;
	[tilespmem:$0x17D80] =	vst v63  }
0x40: {  	_ =	swait.ge [sflag:s25], $0x80  }
0x41: {  	[sflag:s25] =	ssyncset.done $0x0  }
0x42: {  	[sflag:s25] =	ssyncadd.s32 $0xFFFFFF80  }
0x43: {  	[spmem:s2] =	stream.indirect.scatter [tilespmem:s24], [sflag:$0x2], $0x80, s26, s28, $0xb8;
	[tilespmem:$0x17D80] =	vst v63  }
0x44: {  	_ =	swait.ge [sflag:s25], $0x4000  }
0x45: {  	[sflag:s25] =	ssyncset.done $0x0  }
0x46: {  	[sflag:s25] =	ssyncadd.s32 $0xFFFFC000  }
0x47: {  	s5 =	sadd.s32 $0x0, s23;
	[bflag:$0x0] =	sbarrier.arrive $0xFFFF  }
0x48: {  	[tilespmem:s3], [sflag:$0x2] =	stream.linear.gather [hbm4b:s5+s3], $0x80, $0x38;
	[tilespmem:$0x17D80] =	vst v63  }
0x49: {  	_ =	swait.ge [sflag:s25], $0x80  }
0x4a: {  	[sflag:s25] =	ssyncset.done $0x0  }
0x4b: {  	s6 =	sadd.s32 $0x0, s22;
	[sflag:s25] =	ssyncadd.s32 $0xFFFFFF80  }
0x4c: {  	[tilespmem:s28], [sflag:$0x2] =	stream.linear.gather [hbm4b:s6+s3], $0x80, $0x38;
	[tilespmem:$0x17D80] =	vst v63  }
0x4d: {  	_ =	swait.ge [sflag:s25], $0x80  }
0x4e: {  	[sflag:s25] =	ssyncset.done $0x0  }
0x4f: {  	[sflag:s25] =	ssyncadd.s32 $0xFFFFFF80  }
0x50: {  	[tilespmem:s24], [sflag:$0x1] =	stream.indirect.gather [hbm4b:s1+s28], $0x80, s3, s28, $0xb8;
	[tilespmem:$0x17D80] =	vst v63  }
0x51: {  	_ =	swait.ge [sflag:s29], $0x4000  }
0x52: {  	[sflag:s29] =	ssyncset.done $0x0  }
0x53: {  	[sflag:s29] =	ssyncadd.s32 $0xFFFFC000  }
0x54: {  	[spmem:s2] =	stream.indirect.scatter.add.f32 [tilespmem:s24], [sflag:$0x2], $0x80, s28, s28, $0xb8;
	[tilespmem:$0x17D80] =	vst v63  }
0x55: {  	_ =	swait.ge [sflag:s25], $0x4000  }
0x56: {  	s31 =	simm.s32 $0x10;
	s0 =	simm.s32 $0x20;
	[sflag:s25] =	ssyncset.done $0x0  }
.LBB2_2:
0x57: {  	s4 =	sadd.s32 s31, s23  }
0x58: {  	[sflag:s25] =	ssyncadd.s32 $0xFFFFC000;
	s5 =	smov.u32 s0;
	s6 =	sadd.s32 $0x10, s0  }
0x59: {  	[tilespmem:s3], [sflag:$0x2] =	stream.linear.gather [hbm4b:s4+s3], $0x80, $0x38;
	[tilespmem:$0x17D80] =	vst v63  }
0x5a: {  	p0 =	sne.s32 s0, $0x4E0;
	_ =	swait.ge [sflag:s25], $0x80  }
0x5b: {  	[sflag:s25] =	ssyncset.done $0x0  }
0x5c: {  	s0 =	sadd.s32 s31, s22;
	s31 =	smov.u32 s5;
	[sflag:s25] =	ssyncadd.s32 $0xFFFFFF80  }
0x5d: {  	[tilespmem:s28], [sflag:$0x2] =	stream.linear.gather [hbm4b:s0+s3], $0x80, $0x38;
	[tilespmem:$0x17D80] =	vst v63  }
0x5e: {  	_ =	swait.ge [sflag:s25], $0x80  }
0x5f: {  	[sflag:s25] =	ssyncset.done $0x0  }
0x60: {  	[sflag:s25] =	ssyncadd.s32 $0xFFFFFF80  }
0x61: {  	[tilespmem:s24], [sflag:$0x1] =	stream.indirect.gather [hbm4b:s1+s28], $0x80, s3, s28, $0xb8;
	[tilespmem:$0x17D80] =	vst v63  }
0x62: {  	_ =	swait.ge [sflag:s29], $0x4000  }
.Ltmp0:
0x63: {  	[sflag:s29] =	ssyncset.done $0x0;
	(pc) =	sbr.rel @p0 .LBB2_2-.Ltmp0, $4  }
0x64: {  	[sflag:s29] =	ssyncadd.s32 $0xFFFFC000  }
0x65: {  	[spmem:s2] =	stream.indirect.scatter.add.f32 [tilespmem:s24], [sflag:$0x2], $0x80, s28, s28, $0xb8;
	[tilespmem:$0x17D80] =	vst v63  }
0x66: {  	_ =	swait.ge [sflag:s25], $0x4000  }
0x67: {  	s0 =	smov.u32 s6;
	[sflag:s25] =	ssyncset.done $0x0  }
0x68: {  	s0 =	sadd.s32 s31, s23;
	[sflag:s25] =	ssyncadd.s32 $0xFFFFC000  }
0x69: {  	[tilespmem:s3], [sflag:$0x2] =	stream.linear.gather [hbm4b:s0+s3], $0x80, $0x38;
	[tilespmem:$0x17D80] =	vst v63  }
0x6a: {  	_ =	swait.ge [sflag:s25], $0x80  }
0x6b: {  	[sflag:s25] =	ssyncset.done $0x0  }
0x6c: {  	s6 =	sadd.s32 s31, s22;
	[sflag:s25] =	ssyncadd.s32 $0xFFFFFF80  }
0x6d: {  	[tilespmem:s28], [sflag:$0x2] =	stream.linear.gather [hbm4b:s6+s3], $0x80, $0x38;
	[tilespmem:$0x17D80] =	vst v63  }
0x6e: {  	_ =	swait.ge [sflag:s25], $0x80  }
0x6f: {  	[sflag:s25] =	ssyncset.done $0x0  }
0x70: {  	[sflag:s25] =	ssyncadd.s32 $0xFFFFFF80  }
0x71: {  	[tilespmem:s24], [sflag:$0x1] =	stream.indirect.gather [hbm4b:s1+s28], $0x80, s3, s28, $0xb8;
	[tilespmem:$0x17D80] =	vst v63  }
0x72: {  	_ =	swait.ge [sflag:s29], $0x4000  }
0x73: {  	[sflag:s29] =	ssyncset.done $0x0  }
0x74: {  	[sflag:s29] =	ssyncadd.s32 $0xFFFFC000  }
0x75: {  	[spmem:s2] =	stream.indirect.scatter.add.f32 [tilespmem:s24], [sflag:$0x2], $0x80, s28, s28, $0xb8;
	[tilespmem:$0x17D80] =	vst v63  }
0x76: {  	_ =	swait.ge [sflag:s25], $0x4000  }
0x77: {  	[sflag:s25] =	ssyncset.done $0x0  }
0x78: {  	[sflag:s25] =	ssyncadd.s32 $0xFFFFC000  }
0x79: {  	[bflag:$0x0] =	sbarrier.arrive $0xFFFF  }
0x7a: {  	s31 =	rddreg [dreg:$0x5]  }
0x7b: {  	[tilespmem:s26], [sflag:$0x2] =	stream.linear.gather [hbm4b:s31+s3], $0x80, $0x38;
	[tilespmem:$0x17D80] =	vst v63  }
0x7c: {  	_ =	swait.ge [sflag:s25], $0x80  }
0x7d: {  	[sflag:s25] =	ssyncset.done $0x0  }
0x7e: {  	[sflag:s25] =	ssyncadd.s32 $0xFFFFFF80  }
0x7f: {  	[tilespmem:s24], [sflag:$0x1] =	stream.indirect.gather [spmem:s2], $0x80, s26, s28, $0xb8;
	[tilespmem:$0x17D80] =	vst v63  }
0x80: {  	_ =	swait.ge [sflag:s29], $0x4000  }
0x81: {  	[sflag:s29] =	ssyncset.done $0x0  }
0x82: {  	[sflag:s29] =	ssyncadd.s32 $0xFFFFC000  }
0x83: {  	[hbm4b:s13+s3] =	stream.linear.scatter [tilespmem:s24], [sflag:$0x2], $0x4000, $0x38;
	[tilespmem:$0x17D80] =	vst v63  }
0x84: {  	_ =	swait.ge [sflag:s25], $0x4000  }
0x85: {  	[sflag:s25] =	ssyncset.done $0x0  }
0x86: {  	[sflag:s25] =	ssyncadd.s32 $0xFFFFC000  }
0x87: {  	[tilespmem:s26], [sflag:$0x2] =	stream.linear.gather [hbm4b:s14+s3], $0x80, $0x38;
	[tilespmem:$0x17D80] =	vst v63  }
0x88: {  	_ =	swait.ge [sflag:s25], $0x80  }
0x89: {  	[sflag:s25] =	ssyncset.done $0x0  }
0x8a: {  	[sflag:s25] =	ssyncadd.s32 $0xFFFFFF80  }
0x8b: {  	[tilespmem:s24], [sflag:$0x1] =	stream.indirect.gather [spmem:s2], $0x80, s26, s28, $0xb8;
	[tilespmem:$0x17D80] =	vst v63  }
0x8c: {  	_ =	swait.ge [sflag:s29], $0x4000  }
0x8d: {  	[sflag:s29] =	ssyncset.done $0x0  }
0x8e: {  	[sflag:s29] =	ssyncadd.s32 $0xFFFFC000  }
0x8f: {  	[hbm4b:s15+s3] =	stream.linear.scatter [tilespmem:s24], [sflag:$0x2], $0x4000, $0x38;
	[tilespmem:$0x17D80] =	vst v63  }
0x90: {  	_ =	swait.ge [sflag:s25], $0x4000  }
0x91: {  	[sflag:s25] =	ssyncset.done $0x0  }
0x92: {  	[sflag:s25] =	ssyncadd.s32 $0xFFFFC000  }
0x93: {  	[tilespmem:s26], [sflag:$0x2] =	stream.linear.gather [hbm4b:s16+s3], $0x80, $0x38;
	[tilespmem:$0x17D80] =	vst v63  }
0x94: {  	_ =	swait.ge [sflag:s25], $0x80  }
0x95: {  	[sflag:s25] =	ssyncset.done $0x0  }
0x96: {  	[sflag:s25] =	ssyncadd.s32 $0xFFFFFF80  }
0x97: {  	[tilespmem:s24], [sflag:$0x1] =	stream.indirect.gather [spmem:s2], $0x80, s26, s28, $0xb8;
	[tilespmem:$0x17D80] =	vst v63  }
0x98: {  	_ =	swait.ge [sflag:s29], $0x4000  }
0x99: {  	[sflag:s29] =	ssyncset.done $0x0  }
0x9a: {  	[sflag:s29] =	ssyncadd.s32 $0xFFFFC000  }
0x9b: {  	[hbm4b:s17+s3] =	stream.linear.scatter [tilespmem:s24], [sflag:$0x2], $0x4000, $0x38;
	[tilespmem:$0x17D80] =	vst v63  }
0x9c: {  	_ =	swait.ge [sflag:s25], $0x4000  }
0x9d: {  	[sflag:s25] =	ssyncset.done $0x0  }
0x9e: {  	[sflag:s25] =	ssyncadd.s32 $0xFFFFC000  }
0x9f: {  	[tilespmem:s26], [sflag:$0x2] =	stream.linear.gather [hbm4b:s18+s3], $0x80, $0x38;
	[tilespmem:$0x17D80] =	vst v63  }
0xa0: {  	_ =	swait.ge [sflag:s25], $0x80  }
0xa1: {  	[sflag:s25] =	ssyncset.done $0x0  }
0xa2: {  	[sflag:s25] =	ssyncadd.s32 $0xFFFFFF80  }
0xa3: {  	[tilespmem:s24], [sflag:$0x1] =	stream.indirect.gather [spmem:s2], $0x80, s26, s28, $0xb8;
	[tilespmem:$0x17D80] =	vst v63  }
0xa4: {  	_ =	swait.ge [sflag:s29], $0x4000  }
0xa5: {  	[sflag:s29] =	ssyncset.done $0x0  }
0xa6: {  	[sflag:s29] =	ssyncadd.s32 $0xFFFFC000  }
0xa7: {  	[hbm4b:s19+s3] =	stream.linear.scatter [tilespmem:s24], [sflag:$0x2], $0x4000, $0x38;
	[tilespmem:$0x17D80] =	vst v63  }
0xa8: {  	_ =	swait.ge [sflag:s25], $0x4000  }
0xa9: {  	[sflag:s25] =	ssyncset.done $0x0  }
0xaa: {  	[sflag:s25] =	ssyncadd.s32 $0xFFFFC000  }
0xab: {  	[tilespmem:s26], [sflag:$0x2] =	stream.linear.gather [hbm4b:s20+s3], $0x80, $0x38;
	[tilespmem:$0x17D80] =	vst v63  }
0xac: {  	_ =	swait.ge [sflag:s25], $0x80  }
0xad: {  	[sflag:s25] =	ssyncset.done $0x0  }
0xae: {  	[sflag:s25] =	ssyncadd.s32 $0xFFFFFF80  }
0xaf: {  	[tilespmem:s24], [sflag:$0x1] =	stream.indirect.gather [spmem:s2], $0x80, s26, s28, $0xb8;
	[tilespmem:$0x17D80] =	vst v63  }
0xb0: {  	s30 =	sadd.s32 $0x1, s30;
	_ =	swait.ge [sflag:s29], $0x4000  }
0xb1: {  	p0 =	sne.s32 s30, s7;
	[sflag:s29] =	ssyncset.done $0x0  }
.Ltmp1:
0xb2: {  	[sflag:s29] =	ssyncadd.s32 $0xFFFFC000;
	(pc) =	sbr.rel @p0 .LBB2_1-.Ltmp1, $4  }
0xb3: {  	[hbm4b:s21+s3] =	stream.linear.scatter [tilespmem:s24], [sflag:$0x2], $0x4000, $0x38;
	[tilespmem:$0x17D80] =	vst v63  }
0xb4: {  	_ =	swait.ge [sflag:s25], $0x4000  }
0xb5: {  	[sflag:s25] =	ssyncset.done $0x0  }
0xb6: {  	[sflag:s25] =	ssyncadd.s32 $0xFFFFC000  }
0xb7: {  	_ =	sfence.sel $0x180000  }
0xb8: {  	[bflag:$0x0] =	sbarrier.arrive $0xFFFF  }
0xb9: {  	_ =	strace $0x90000047  }
0xba: {  	s0 =	stileid.u32;
	[bflag:$0x2] =	sbarrier.arrive $0xFFFF  }
0xbb: {  	p0 =	sne.s32 s0, $0x0;
	s0 =	rddreg [dreg:$0x3]  }
0xbc: {  	s0 =	sadd.s32 @!p0 $0x100000, s0  }
0xbd: {  	[sflag:s0] =	ssyncadd.tile.s32 @!p0 $0x1;
	_ =	shalt  }
.Lfunc_end2:
_tile_overlayer_lowered:
.L_overlay_start_2:
0xbe: {  	(tag) =	ssettag $0x2  }
0xbf: {  	s0 =	rddreg [dreg:$0x0];
	s2 =	stileid.u32  }
0xc0: {  	s1 =	rddreg [dreg:$0x1];
	p0 =	sne.s32 s2, $0x0  }
0xc1: {  	s3 =	rddreg [dreg:$0x2];
	[bflag:$0x3] =	sbarrier.arrive $0xFFFF;
	s2 =	simm.s32 @!p0 $0x1C02  }
0xc2: {  	[timem:s3], [sflag:s2] =	dma.local @!p0 [hbm:s0], s1  }
0xc3: {  	s0 =	simm.s32 @!p0 $0x2  }
0xc4: {  	_ =	swait.ge @!p0 [sflag:s0], s1  }
0xc5: {  	s1 =	ssub.s32 @!p0 $0x0, s1;
	[sflag:s0] =	ssyncset.done @!p0 $0x0  }
0xc6: {  	[sflag:s0] =	ssyncadd.s32 @!p0 s1  }
0xc7: {  	[bflag:$0x3] =	sbarrier.arrive $0xFFFF  }
0xc8: {  	_ =	shalt  }

// kernel: kernel.8.cloned.1.call-start
scs
__scs_entry_jumppad:
0x0: {  	(pc) =	sbr.rel $0x88, $3  }
0x1: {  	(tag) =	ssettag $0x0;
	lr =	simm.s32 $0x1  }
0x2: {  	[smem:$0x3F9C] =	sst lr;
	_ =	strace $0xD0000000  }
0x3: {  	_ = 	snop  }
0x4: {  	_ = 	snop  }
0x5: {  	_ = 	snop  }
0x6: {  	_ = 	snop  }
0x7: {  	_ = 	snop  }
__scs_overlays_trampoline_lowered:
0x8: {  	[smem:$0x3FAB] =	sst s0  }
0x9: {  	[smem:$0x3FAC] =	sst s1  }
0xa: {  	[smem:$0x3FAD] =	sst s2  }
0xb: {  	[smem:$0x3FAE] =	sst s3  }
0xc: {  	[smem:$0x3FAF] =	sst s4  }
0xd: {  	[smem:$0x3FB0] =	sst s5  }
0xe: {  	[smem:$0x3FB1] =	sst s6  }
0xf: {  	[smem:$0x3FB2] =	sst s7  }
0x10: {  	[smem:$0x3FB3] =	sst s8  }
0x11: {  	[smem:$0x3FB4] =	sst s9;
	s0 =	simm.s32 @!p0 $0x0  }
0x12: {  	s1 =	sld [smem:$0x3F9A];
	s0 =	simm.s32 @p0 $0x1  }
0x13: {  	[smem:$0x3FB5] =	sst s0;
	s0 =	simm.s32 @!p1 $0x0  }
0x14: {  	s2 =	sld [smem:$0x3F99];
	s0 =	simm.s32 @p1 $0x1  }
0x15: {  	[smem:$0x3FB6] =	sst s0;
	s0 =	simm.s32 @!p2 $0x0  }
0x16: {  	s3 =	sld [smem:$0x3FDB];
	s0 =	simm.s32 @p2 $0x1  }
0x17: {  	s4 =	simm.s32 $0x1BF5;
	[smem:$0x3FB8] =	sst s0  }
0x18: {  	s0 =	sld [smem:$0x3F9B];
	_ =	swait.ge [sflag:s4], $0x0  }
0x19: {  	s7 =	sld [smem:$0x3F9C]  }
0x1a: {  	s8 =	sadd.s32 $0xFFFFE003, lr  }
0x1b: {  	s9 =	sadd.s32 $0xFFFFFEF7, lr;
	s5 =	simm.s32 $0xFFFFFFFF;
	p2 =	slt.u32 s8, $0xFFFFF086  }
0x1c: {  	p1 =	slt.u32 s9, $0xF7A;
	s5 =	simm.s32 @!p2 $0x0  }
0x1d: {  	s5 =	simm.s32 @p1 $0x1;
	p0 =	seq.s32 s7, s2  }
0x1e: {  	s7 =	smul.u32 @!p0 $0xF7A, s2;
	p2 =	seq.s32 @!p0 s5, $0x0  }
0x1f: {  	s9 =	smul.u32 $0xF7A, s1;
	s8 =	simm.s32 @!p0 $0x1BF5;
	p2 =	por !p2, p0  }
0x20: {  	[sflag:s8] =	ssyncset.s32 @!p0 $0xFFFFF086;
	s6 =	sadd.s32 @!p0 s3, s7;
	s7 =	simm.s32 @!p0 $0x108  }
0x21: {  	s3 =	sadd.s32 s3, s9;
	s6 =	sadd.s32 @!p0 $0x88, s6;
	s7 =	simm.s32 @p2 $0x1082  }
0x22: {  	[simem:s7], [sflag:s8] =	dma.local @!p0 [hbm:s6], $0xF7A  }
0x23: {  	s9 =	sor.u32 $0xD0000000, s2;
	s6 =	simm.s32 $0x108;
	_ =	swait.ge @!p0 [sflag:s8], $0x0  }
0x24: {  	s3 =	sadd.s32 $0x88, s3;
	s6 =	simm.s32 @!p1 $0x1082;
	[sflag:s4] =	ssyncset.s32 $0xFFFFF086  }
0x25: {  	[simem:s6], [sflag:s4] =	dma.local [hbm:s3], $0xF7A  }
0x26: {  	[smem:$0x3F9C] =	sst s1;
	(tag) =	ssettag s2;
	_ =	strace s9  }
0x27: {  	s1 =	sld [smem:$0x3FAC]  }
0x28: {  	s2 =	sld [smem:$0x3FAD]  }
0x29: {  	s4 =	sld [smem:$0x3FAF]  }
0x2a: {  	p0 =	seq.s32 s5, $0x0;
	s5 =	sld [smem:$0x3FB0]  }
0x2b: {  	s6 =	sld [smem:$0x3FB1]  }
0x2c: {  	s7 =	sld [smem:$0x3FB2]  }
0x2d: {  	s3 =	simm.s32 $0x108;
	s8 =	sld [smem:$0x3FB3]  }
0x2e: {  	s3 =	simm.s32 @!p0 $0x1082;
	s9 =	sld [smem:$0x3FB4]  }
0x2f: {  	lr =	sadd.s32 s0, s3;
	s0 =	sld [smem:$0x3FAB]  }
0x30: {  	s3 =	sld [smem:$0x3FAE]  }
0x31: {  	[smem:$0x3FB7] =	sst s10  }
0x32: {  	s10 =	sld [smem:$0x3FB5];
	_ =	sdelay $0x3  }
0x33: {  	p0 =	seq.s32 s10, $0x1;
	s10 =	sld [smem:$0x3FB7];
	_ =	sdelay $0x3  }
0x34: {  	[smem:$0x3FB7] =	sst s10  }
0x35: {  	s10 =	sld [smem:$0x3FB6];
	_ =	sdelay $0x3  }
0x36: {  	p1 =	seq.s32 s10, $0x1;
	s10 =	sld [smem:$0x3FB7];
	_ =	sdelay $0x3  }
0x37: {  	[smem:$0x3FB7] =	sst s10  }
0x38: {  	s10 =	sld [smem:$0x3FB8]  }
0x39: {  	_ = 	snop;
	(pc) =	sbr.ind lr, $3  }
0x3a: {  	_ = 	snop  }
0x3b: {  	_ = 	snop  }
0x3c: {  	p2 =	seq.s32 s10, $0x1;
	s10 =	sld [smem:$0x3FB7]  }
0x3d: {  	_ =	shalt  }
0x3e: {  	_ =	shalt  }
0x3f: {  	_ =	shalt  }
0x40: {  	_ =	shalt  }
0x41: {  	_ =	shalt  }
0x42: {  	_ =	shalt  }
0x43: {  	_ =	shalt  }
0x44: {  	_ =	shalt  }
0x45: {  	_ =	shalt  }
0x46: {  	_ =	shalt  }
0x47: {  	_ =	shalt  }
0x48: {  	_ =	shalt  }
0x49: {  	_ =	shalt  }
0x4a: {  	_ =	shalt  }
0x4b: {  	_ =	shalt  }
0x4c: {  	_ =	shalt  }
0x4d: {  	_ =	shalt  }
0x4e: {  	_ =	shalt  }
0x4f: {  	_ =	shalt  }
0x50: {  	_ =	shalt  }
0x51: {  	_ =	shalt  }
0x52: {  	_ =	shalt  }
0x53: {  	_ =	shalt  }
0x54: {  	_ =	shalt  }
0x55: {  	_ =	shalt  }
0x56: {  	_ =	shalt  }
0x57: {  	_ =	shalt  }
0x58: {  	_ =	shalt  }
0x59: {  	_ =	shalt  }
0x5a: {  	_ =	shalt  }
0x5b: {  	_ =	shalt  }
0x5c: {  	_ =	shalt  }
0x5d: {  	_ =	shalt  }
0x5e: {  	_ =	shalt  }
0x5f: {  	_ =	shalt  }
0x60: {  	_ =	shalt  }
0x61: {  	_ =	shalt  }
0x62: {  	_ =	shalt  }
0x63: {  	_ =	shalt  }
0x64: {  	_ =	shalt  }
0x65: {  	_ =	shalt  }
0x66: {  	_ =	shalt  }
0x67: {  	_ =	shalt  }
0x68: {  	_ =	shalt  }
0x69: {  	_ =	shalt  }
0x6a: {  	_ =	shalt  }
0x6b: {  	_ =	shalt  }
0x6c: {  	_ =	shalt  }
0x6d: {  	_ =	shalt  }
0x6e: {  	_ =	shalt  }
0x6f: {  	_ =	shalt  }
0x70: {  	_ =	shalt  }
0x71: {  	_ =	shalt  }
0x72: {  	_ =	shalt  }
0x73: {  	_ =	shalt  }
0x74: {  	_ =	shalt  }
0x75: {  	_ =	shalt  }
0x76: {  	_ =	shalt  }
0x77: {  	_ =	shalt  }
0x78: {  	_ =	shalt  }
0x79: {  	_ =	shalt  }
0x7a: {  	_ =	shalt  }
0x7b: {  	_ =	shalt  }
0x7c: {  	_ =	shalt  }
0x7d: {  	_ =	shalt  }
0x7e: {  	_ =	shalt  }
0x7f: {  	_ =	shalt  }
0x80: {  	_ =	shalt  }
0x81: {  	_ =	shalt  }
0x82: {  	_ =	shalt  }
0x83: {  	_ =	shalt  }
0x84: {  	_ =	shalt  }
0x85: {  	_ =	shalt  }
0x86: {  	_ =	shalt  }
0x87: {  	_ =	shalt  }
.Lfunc_end0:
.L_simem_size_0:
called_computation.2_lowered:
.L_overlay_start_0:
0x88: {  	s2 =	sld [smem:$0x3FD9]  }
0x89: {  	s3 =	sld [smem:$0x3FFE];
	_ =	sdelay $0x1  }
0x8a: {  	s1 =	srdreg.scid  }
0x8b: {  	s0 =	sand.u32 $0x1, s1  }
0x8c: {  	s16 =	sshll.u32 s0, $0xA;
	s2 =	sadd.s32 s3, s2  }
0x8d: {  	s2 =	sadd.s32 s2, s16  }
0x8e: {  	[smem:$0x3FC3] =	sst s2  }
0x8f: {  	_ = 	snop  }
0x90: {  	(tm) =	ssettm $0x1  }
0x91: {  	s17 =	sld [smem:$0x3FFB];
	_ =	sdelay $0x3  }
0x92: {  	_ =	strace s17  }
0x93: {  	s2 =	sld [smem:$0x3FFC];
	_ =	sdelay $0x3  }
0x94: {  	_ =	strace s2  }
0x95: {  	s2 =	sld [smem:$0x3FFD];
	_ =	sdelay $0x3  }
0x96: {  	_ =	strace s2  }
0x97: {  	_ =	strace $0x8FFFFFFF  }
0x98: {  	s18 =	sld [smem:$0x3FDB];
	_ =	sdelay $0x1  }
0x99: {  	s19 =	simm.s32 $_scs_section_size  }
0x9a: {  	s4 =	simm.s32 $_size__tile_overlayer_lowered;
	s5 =	simm.s32 $_tile_overlayer_lowered  }
0x9b: {  	s22 =	simm.s32 $0x1BFF;
	s21 =	sshll.u32 s5, $0x1;
	s2 =	sadd.s32 s19, s18  }
0x9c: {  	s6 =	simm.s32 $0x0;
	s20 =	sshll.u32 s4, $0x1;
	s4 =	sadd.s32 s21, s2  }
0x9d: {  	[timem:s6], [sflag:s22] =	dma.local [hbm:s4], s20  }
0x9e: {  	_ =	swait.ge [sflag:s22], s20  }
0x9f: {  	s3 =	ssub.s32 $0x0, s20;
	[sflag:s22] =	ssyncset.done $0x0  }
0xa0: {  	[sflag:s22] =	ssyncadd.s32 s3;
	_ =	sdelay $0x1  }
0xa1: {  	s23 =	simm.s32 $0x1B8B  }
0xa2: {  	_ =	swait.ge [sflag:s23], $0x1  }
0xa3: {  	[sflag:s23] =	ssyncset.done $0x0  }
0xa4: {  	s25 =	simm.s32 $0x1B8E;
	s24 =	sld [smem:$0x3FFE];
	[sflag:s23] =	ssyncadd.s32 $0xFFFFFFFF  }
0xa5: {  	s26 =	simm.s32 $execute0_lowered;
	[smem:$0x3FD2] =	sst s25  }
0xa6: {  	s4 =	sshll.u32 s26, $0x1;
	_ =	strace $0x8000004C;
	[dreg:$0x1] =	wrdreg $0xFFFFFFFF  }
0xa7: {  	s28 =	simm.s32 $_size_execute0_lowered;
	s2 =	sadd.s32 s2, s4;
	[dreg:$0x0] =	wrdreg $0x0  }
0xa8: {  	s4 =	sshll.u32 s28, $0x1;
	[dreg:$0x2] =	wrdreg s2  }
0xa9: {  	[dreg:$0x3] =	wrdreg s4  }
0xaa: {  	[dreg:$0x4] =	wrdreg $0xC0  }
0xab: {  	_ =	task [dreg:s6], $0x5FFFF  }
0xac: {  	[dreg:$0x1] =	wrdreg $0xFFFFFFFF  }
0xad: {  	[dreg:$0x0] =	wrdreg $0x60  }
0xae: {  	[dreg:$0x2] =	wrdreg s24  }
0xaf: {  	[dreg:$0x3] =	wrdreg $0x9  }
0xb0: {  	_ =	task.clear_ibuf [dreg:s6], $0x4FFFF;
	_ =	strace $0x9000004C  }
0xb1: {  	s29 =	simm.s32 $0x9;
	_ =	strace $0x8000004E  }
0xb2: {  	_ =	swait.ge [sflag:s29], $0x1  }
0xb3: {  	[sflag:s29] =	ssyncadd.s32 $0xFFFFFFFF  }
0xb4: {  	_ =	strace $0x9000004E  }
0xb5: {  	_ =	sfence  }
0xb6: {  	s30 =	sld [smem:$0x0];
	_ =	sdelay $0x2  }
0xb7: {  	s31 =	sshll.u32 s1, $0xD;
	s1 =	sshrl.u32 s1, $0x2  }
0xb8: {  	s3 =	sand.u32 $0x4000, s31;
	s1 =	sadd.s32 s1, s30  }
0xb9: {  	s0 =	sor.u32 s3, s0;
	s1 =	sshll.u32 s1, $0x11  }
0xba: {  	s0 =	sor.u32 s1, s0  }
0xbb: {  	s0 =	sadd.s32 $0x8F2B, s0  }
0xbc: {  	[sflag:s0] =	ssyncadd.remote.s32 $0x1  }
0xbd: {  	_ =	sfence.sel $0xFFFF  }
0xbe: {  	[dreg:$0x0] =	wrdreg $0xFFFFFFFF;
	(pc) =	sbr.abs _section_cstart, $3  }
0xbf: {  	[dreg:$0x1] =	wrdreg $0xFFFFFFFF  }
0xc0: {  	_ =	task.clear_ibuf [dreg:s6], $0x2FFFF;
	_ =	strace $0x9FFFFFFF  }
0xc1: {  	(tm) =	ssettm $0x7FFFFFFF  }
tec
execute0_lowered:
.L_overlay_start_1:
0x0: {  	(tag) =	ssettag $0x1  }
0x1: {  	v0 =	vimm.s32 $0xFEDCBA98;
	v1 =	vimm.s32 $0x76543210  }
0x2: {  	v2 =	vimm.s32 $0x3210FEDC;
	v3 =	vimm.s32 $0xBA987654;
	v4 =	vimm.s32 $0x10FEDCBA  }
0x3: {  	v5 =	vimm.s32 $0x98765432;
	v6 =	vimm.s32 $0xFEDCBA9;
	v7 =	vimm.s32 $0x87654321  }
0x4: {  	vm0 =	vmmov $0x1;
	vm1 =	vmmov $0x3;
	vm2 =	vmmov $0x7  }
0x5: {  	vm3 =	vmmov $0xf;
	vm4 =	vmmov $0x1f;
	vm5 =	vmmov $0x3f  }
0x6: {  	v0 =	vunpack.c.l.s4.s8 v0;
	v2 =	vunpack.c.l.s4.s8 v2;
	v3 =	vunpack.c.l.s4.s8 v3  }
0x7: {  	s6 =	rddreg [dreg:$0x0];
	v1 =	vunpack.c.l.s4.s8 v1;
	v4 =	vunpack.c.l.s4.s8 v4;
	v5 =	vunpack.c.l.s4.s8 v5  }
0x8: {  	s0 =	rddreg [dreg:$0x1];
	s1 =	simm.s32 $0x0;
	v6 =	vunpack.c.l.s4.s8 v6;
	v2 =	vunpack.c.0.s8.s32 v2;
	v3 =	vunpack.c.0.s8.s32 v3  }
0x9: {  	s2 =	srdreg.scid;
	s10 =	simm.s32 $0x80;
	s11 =	simm.s32 $0x100;
	v7 =	vunpack.c.l.s4.s8 v7;
	v0 =	vunpack.c.0.s8.s32 v0;
	v4 =	vunpack.c.0.s8.s32 v4  }
0xa: {  	s12 =	simm.s32 $0x4100;
	s13 =	simm.s32 $0x1;
	s14 =	simm.s32 $0x2;
	v5 =	vunpack.c.0.s8.s32 v5;
	v1 =	vunpack.c.0.s8.s32 v1;
	v2 =	vcombine.low v3, v2  }
0xb: {  	s15 =	simm.s32 $0x8100;
	s16 =	simm.s32 $0x0;
	[smem:$0x7FF] =	sst s1;
	v6 =	vunpack.c.0.s8.s32 v6;
	v7 =	vunpack.c.0.s8.s32 v7;
	v0 =	vand.u32 $0xF, v0  }
0xc: {  	s3 =	sadd.s32 $0x800, s6;
	s4 =	sadd.s32 $0x6F000, s6;
	s5 =	sand.u32 $0x1, s2;
	v3 =	vcombine.low v5, v4;
	v0 =	vcombine.low v0, v1;
	v42 =	vand.u32 $0xF, v2  }
0xd: {  	vm6 =	vmmov $0x7f;
	vm7 =	vmmov $0xff;
	s2 =	stileid.u32;
	_ =	strace $0x8000004D;
	s7 =	ssub.s32 $0x2, s5;
	v63 =	vcombine.low v7, v6;
	[tilespmem:$0x1FFC0] =	vst v42  }
0xe: {  	vm8 =	vmmov $0x1ff;
	vm9 =	vmmov $0x3ff;
	s8 =	sshll.u32 s5, $0x4;
	s5 =	sadd.s32 $0x78E00, s6;
	s9 =	sshrl.u32 s7, $0x1;
	v1 =	vand.u32 $0xF, v3;
	[tilespmem:$0x1FFD0] =	vst v0  }
0xf: {  	vm10 =	vmmov $0x7ff;
	vm11 =	vmmov $0xfff;
	s6 =	sadd.s32 $0x82C00, s6;
	s8 =	sor.u32 s2, s8;
	s9 =	ssub.s32 s7, s9;
	v2 =	vand.u32 $0xF, v63;
	[tilespmem:$0x1FFE0] =	vst v1  }
0x10: {  	vm12 =	vmmov $0x1fff;
	vm13 =	vmmov $0x3fff;
	vm14 =	vmmov $0x7fff;
	s7 =	smul.u32 $0x2780, s8;
	s8 =	smax.u32 s9, $0x1;
	s9 =	simm.s32 $0x3;
	[tilespmem:$0x1FFF0] =	vst v2  }
.LBB2_1:
0x11: {  	s17 =	simm.s32 $0x0  }
.LBB2_2:
0x12: {  	s18 =	sshll.u32 s17, $0x7  }
0x13: {  	s18 =	sadd.s32 s7, s18  }
0x14: {  	s20 =	sshrl.u32 s18, $0x3  }
0x15: {  	s19 =	simm.s32 $0x0;
	s21 =	sadd.s32 s4, s20  }
0x16: {  	[tilespmem:s19], [sflag:$0x3] =	stream.linear.gather [hbm4b:s21+s19], $0x80, $0x38;
	[tilespmem:$0x8500] =	vst v63  }
0x17: {  	_ =	swait.ge [sflag:s9], $0x80  }
0x18: {  	[sflag:s9] =	ssyncset.done $0x0  }
0x19: {  	s20 =	sadd.s32 s5, s20;
	[sflag:s9] =	ssyncadd.s32 $0xFFFFFF80  }
0x1a: {  	[tilespmem:s10], [sflag:$0x3] =	stream.linear.gather [hbm4b:s20+s19], $0x80, $0x38;
	[tilespmem:$0x8500] =	vst v63  }
0x1b: {  	_ =	swait.ge [sflag:s9], $0x80  }
0x1c: {  	[sflag:s9] =	ssyncset.done $0x0  }
0x1d: {  	[sflag:s9] =	ssyncadd.s32 $0xFFFFFF80  }
0x1e: {  	[tilespmem:s11], [sflag:$0x1] =	stream.indirect.gather [hbm4b:s3+s10], $0x80, s19, s10, $0xb8;
	[tilespmem:$0x8500] =	vst v63  }
0x1f: {  	_ = 	snop  }
0x20: {  	[tilespmem:s12], [sflag:$0x2] =	stream.indirect.gather [hbm4b:s3+s10], $0x80, s10, s10, $0xb8;
	[tilespmem:$0x8500] =	vst v63  }
0x21: {  	_ =	swait.ge [sflag:s13], $0x4000  }
0x22: {  	[sflag:s13] =	ssyncset.done $0x0  }
0x23: {  	[sflag:s13] =	ssyncadd.s32 $0xFFFFC000  }
0x24: {  	_ =	swait.ge [sflag:s14], $0x4000  }
0x25: {  	[sflag:s14] =	ssyncset.done $0x0  }
0x26: {  	s20 =	simm.s32 $0x0;
	[sflag:s14] =	ssyncadd.s32 $0xFFFFC000  }
0x27: {  	v2 =	vld [tilespmem:s20+$0x8C0];
	_ =	sdelay $0x4  }
0x28: {  	[tilespmem:$0x1F840] =	vst v2;
	v2 =	vld [tilespmem:s20+$0x760];
	_ =	sdelay $0x4  }
0x29: {  	[tilespmem:$0x1F850] =	vst v2;
	v2 =	vld [tilespmem:s20+$0x4760];
	_ =	sdelay $0x4  }
0x2a: {  	[tilespmem:$0x1F860] =	vst v2;
	v2 =	vld [tilespmem:s20+$0x7D0];
	_ =	sdelay $0x4  }
0x2b: {  	[tilespmem:$0x1F870] =	vst v2;
	v2 =	vld [tilespmem:s20+$0x47D0];
	_ =	sdelay $0x4  }
0x2c: {  	[tilespmem:$0x1F880] =	vst v2;
	v2 =	vld [tilespmem:s20+$0x840];
	_ =	sdelay $0x4  }
0x2d: {  	[tilespmem:$0x1F8B0] =	vst v2;
	v2 =	vld [tilespmem:s20+$0x4840];
	_ =	sdelay $0x4  }
0x2e: {  	[tilespmem:$0x1F8C0] =	vst v2;
	v2 =	vld [tilespmem:s20+$0x6E0];
	_ =	sdelay $0x4  }
0x2f: {  	[tilespmem:$0x1F900] =	vst v2;
	v2 =	vld [tilespmem:s20+$0x46E0];
	_ =	sdelay $0x4  }
0x30: {  	[tilespmem:$0x1F910] =	vst v2;
	v2 =	vld [tilespmem:s20+$0x750];
	_ =	sdelay $0x4  }
0x31: {  	[tilespmem:$0x1F940] =	vst v2;
	v2 =	vld [tilespmem:s20+$0x4750];
	_ =	sdelay $0x4  }
0x32: {  	[tilespmem:$0x1F950] =	vst v2;
	v2 =	vld [tilespmem:s20+$0x7C0];
	_ =	sdelay $0x4  }
0x33: {  	[tilespmem:$0x1F8E0] =	vst v2;
	v2 =	vld [tilespmem:s20+$0x47C0];
	_ =	sdelay $0x4  }
0x34: {  	[tilespmem:$0x1F8F0] =	vst v2;
	v2 =	vld [tilespmem:s20+$0x830];
	_ =	sdelay $0x4  }
0x35: {  	[tilespmem:$0x1F8D0] =	vst v2;
	v2 =	vld [tilespmem:s20+$0x5F0];
	_ =	sdelay $0x4  }
0x36: {  	[tilespmem:$0x1F960] =	vst v2;
	v2 =	vld [tilespmem:s20+$0x45F0];
	_ =	sdelay $0x4  }
0x37: {  	[tilespmem:$0x1F970] =	vst v2;
	v2 =	vld [tilespmem:s20+$0x660];
	_ =	sdelay $0x4  }
0x38: {  	[tilespmem:$0x1F980] =	vst v2;
	v2 =	vld [tilespmem:s20+$0x4660];
	_ =	sdelay $0x4  }
0x39: {  	[tilespmem:$0x1F990] =	vst v2;
	v2 =	vld [tilespmem:s20+$0x6D0];
	_ =	sdelay $0x4  }
0x3a: {  	[tilespmem:$0x1F9B0] =	vst v2;
	v2 =	vld [tilespmem:s20+$0x46D0];
	_ =	sdelay $0x4  }
0x3b: {  	[tilespmem:$0x1F9C0] =	vst v2;
	v2 =	vld [tilespmem:s20+$0x740];
	_ =	sdelay $0x4  }
0x3c: {  	[tilespmem:$0x1F920] =	vst v2;
	v2 =	vld [tilespmem:s20+$0x4740];
	_ =	sdelay $0x4  }
0x3d: {  	[tilespmem:$0x1F930] =	vst v2;
	v2 =	vld [tilespmem:s20+$0x570];
	_ =	sdelay $0x4  }
0x3e: {  	[tilespmem:$0x1FA00] =	vst v2;
	v2 =	vld [tilespmem:s20+$0x4570];
	_ =	sdelay $0x4  }
0x3f: {  	[tilespmem:$0x1FA10] =	vst v2;
	v2 =	vld [tilespmem:s20+$0x5E0];
	_ =	sdelay $0x4  }
0x40: {  	[tilespmem:$0x1FA40] =	vst v2;
	v2 =	vld [tilespmem:s20+$0x45E0];
	_ =	sdelay $0x4  }
0x41: {  	[tilespmem:$0x1FA50] =	vst v2;
	v2 =	vld [tilespmem:s20+$0x650];
	_ =	sdelay $0x4  }
0x42: {  	[tilespmem:$0x1FA60] =	vst v2;
	v2 =	vld [tilespmem:s20+$0x4650];
	_ =	sdelay $0x4  }
0x43: {  	[tilespmem:$0x1FA70] =	vst v2;
	v2 =	vld [tilespmem:s20+$0x6C0];
	_ =	sdelay $0x4  }
0x44: {  	[tilespmem:$0x1FA20] =	vst v2;
	v2 =	vld [tilespmem:s20+$0x46C0];
	_ =	sdelay $0x4  }
0x45: {  	[tilespmem:$0x1FA30] =	vst v2;
	v2 =	vld [tilespmem:s20+$0x4F0];
	_ =	sdelay $0x4  }
0x46: {  	[tilespmem:$0x1FA80] =	vst v2;
	v2 =	vld [tilespmem:s20+$0x44F0];
	_ =	sdelay $0x4  }
0x47: {  	[tilespmem:$0x1FA90] =	vst v2;
	v2 =	vld [tilespmem:s20+$0x560];
	_ =	sdelay $0x4  }
0x48: {  	[tilespmem:$0x1FAA0] =	vst v2;
	v2 =	vld [tilespmem:s20+$0x4560];
	_ =	sdelay $0x4  }
0x49: {  	[tilespmem:$0x1FAB0] =	vst v2;
	v2 =	vld [tilespmem:s20+$0x5D0];
	_ =	sdelay $0x4  }
0x4a: {  	[tilespmem:$0x1FAC0] =	vst v2;
	v2 =	vld [tilespmem:s20+$0x45D0];
	_ =	sdelay $0x4  }
0x4b: {  	[tilespmem:$0x1FAD0] =	vst v2;
	v2 =	vld [tilespmem:s20+$0x640];
	_ =	sdelay $0x4  }
0x4c: {  	[tilespmem:$0x1FAE0] =	vst v2;
	v2 =	vld [tilespmem:s20+$0x4640];
	_ =	sdelay $0x4  }
0x4d: {  	[tilespmem:$0x1FAF0] =	vst v2;
	v2 =	vld [tilespmem:s20+$0x6B0];
	_ =	sdelay $0x4  }
0x4e: {  	[tilespmem:$0x1F9E0] =	vst v2;
	v2 =	vld [tilespmem:s20+$0x46B0];
	_ =	sdelay $0x4  }
0x4f: {  	[tilespmem:$0x1F9F0] =	vst v2;
	v2 =	vld [tilespmem:s20+$0x3F0];
	_ =	sdelay $0x4  }
0x50: {  	[tilespmem:$0x1FBA0] =	vst v2;
	v2 =	vld [tilespmem:s20+$0x43F0];
	_ =	sdelay $0x4  }
0x51: {  	[tilespmem:$0x1FBB0] =	vst v2;
	v2 =	vld [tilespmem:s20+$0x460];
	_ =	sdelay $0x4  }
0x52: {  	[tilespmem:$0x1FC20] =	vst v2;
	v2 =	vld [tilespmem:s20+$0x4460];
	_ =	sdelay $0x4  }
0x53: {  	[tilespmem:$0x1FC30] =	vst v2;
	v2 =	vld [tilespmem:s20+$0x4D0];
	_ =	sdelay $0x4  }
0x54: {  	[tilespmem:$0x1FC50] =	vst v2;
	v2 =	vld [tilespmem:s20+$0x44D0];
	_ =	sdelay $0x4  }
0x55: {  	[tilespmem:$0x1FC60] =	vst v2;
	v2 =	vld [tilespmem:s20+$0x540];
	_ =	sdelay $0x4  }
0x56: {  	[tilespmem:$0x1FD50] =	vst v2;
	v2 =	vld [tilespmem:s20+$0x4540];
	_ =	sdelay $0x4  }
0x57: {  	[tilespmem:$0x1FD60] =	vst v2;
	v2 =	vld [tilespmem:s20+$0x5B0];
	_ =	sdelay $0x4  }
0x58: {  	[tilespmem:$0x1FD10] =	vst v2;
	v2 =	vld [tilespmem:s20+$0x45B0];
	_ =	sdelay $0x4  }
0x59: {  	[tilespmem:$0x1FD20] =	vst v2;
	v2 =	vld [tilespmem:s20+$0x620];
	_ =	sdelay $0x4  }
0x5a: {  	[tilespmem:$0x1FC70] =	vst v2;
	v2 =	vld [tilespmem:s20+$0x4620];
	_ =	sdelay $0x4  }
0x5b: {  	[tilespmem:$0x1FC80] =	vst v2;
	v2 =	vld [tilespmem:s20+$0x370];
	_ =	sdelay $0x4  }
0x5c: {  	[tilespmem:$0x1FD70] =	vst v2;
	v2 =	vld [tilespmem:s20+$0x4370];
	_ =	sdelay $0x4  }
0x5d: {  	[tilespmem:$0x1FD80] =	vst v2;
	v2 =	vld [tilespmem:s20+$0x3E0];
	_ =	sdelay $0x4  }
0x5e: {  	[tilespmem:$0x1FD90] =	vst v2;
	v2 =	vld [tilespmem:s20+$0x43E0];
	_ =	sdelay $0x4  }
0x5f: {  	[tilespmem:$0x1FDA0] =	vst v2;
	v2 =	vld [tilespmem:s20+$0x4450];
	_ =	sdelay $0x4  }
0x60: {  	[tilespmem:$0x1FE30] =	vst v2;
	v2 =	vld [tilespmem:s20+$0x4C0];
	_ =	sdelay $0x4  }
0x61: {  	[tilespmem:$0x1FDD0] =	vst v2;
	v2 =	vld [tilespmem:s20+$0x44C0];
	_ =	sdelay $0x4  }
0x62: {  	[tilespmem:$0x1FDE0] =	vst v2;
	v2 =	vld [tilespmem:s20+$0x530];
	_ =	sdelay $0x4  }
0x63: {  	[tilespmem:$0x1FD30] =	vst v2;
	v2 =	vld [tilespmem:s20+$0x4530];
	_ =	sdelay $0x4  }
0x64: {  	[tilespmem:$0x1FD40] =	vst v2;
	v2 =	vld [tilespmem:s20+$0x5A0];
	_ =	sdelay $0x4  }
0x65: {  	[tilespmem:$0x1FCD0] =	vst v2;
	v2 =	vld [tilespmem:s20+$0x45A0];
	_ =	sdelay $0x4  }
0x66: {  	[tilespmem:$0x1FCE0] =	vst v2;
	v2 =	vld [tilespmem:s20+$0x600];
	_ =	sdelay $0x4  }
0x67: {  	[tilespmem:$0x1FBD0] =	vst v2;
	v2 =	vld [tilespmem:s20+$0x4600];
	_ =	sdelay $0x4  }
0x68: {  	[tilespmem:$0x1FBE0] =	vst v2;
	v2 =	vld [tilespmem:s20+$0x610];
	_ =	sdelay $0x4  }
0x69: {  	[tilespmem:$0x1FBF0] =	vst v2;
	v2 =	vld [tilespmem:s20+$0x4610];
	_ =	sdelay $0x4  }
0x6a: {  	[tilespmem:$0x1FC00] =	vst v2;
	v2 =	vld [tilespmem:s20+$0x2F0];
	_ =	sdelay $0x4  }
0x6b: {  	[tilespmem:$0x1F820] =	vst v2;
	v2 =	vld [tilespmem:s20+$0x360];
	_ =	sdelay $0x4  }
0x6c: {  	[tilespmem:$0x1FE40] =	vst v2;
	v2 =	vld [tilespmem:s20+$0x4360];
	_ =	sdelay $0x4  }
0x6d: {  	[tilespmem:$0x1FE50] =	vst v2;
	v2 =	vld [tilespmem:s20+$0x3D0];
	_ =	sdelay $0x4  }
0x6e: {  	[tilespmem:$0x1FE60] =	vst v2;
	v2 =	vld [tilespmem:s20+$0x43D0];
	_ =	sdelay $0x4  }
0x6f: {  	[tilespmem:$0x1FE70] =	vst v2;
	v2 =	vld [tilespmem:s20+$0x440];
	_ =	sdelay $0x4  }
0x70: {  	[tilespmem:$0x1FE10] =	vst v2;
	v2 =	vld [tilespmem:s20+$0x4440];
	_ =	sdelay $0x4  }
0x71: {  	[tilespmem:$0x1FE20] =	vst v2;
	v2 =	vld [tilespmem:s20+$0x4B0];
	_ =	sdelay $0x4  }
0x72: {  	[tilespmem:$0x1FDB0] =	vst v2;
	v2 =	vld [tilespmem:s20+$0x44B0];
	_ =	sdelay $0x4  }
0x73: {  	[tilespmem:$0x1FDC0] =	vst v2;
	v2 =	vld [tilespmem:s20+$0x520];
	_ =	sdelay $0x4  }
0x74: {  	[tilespmem:$0x1FCF0] =	vst v2;
	v2 =	vld [tilespmem:s20+$0x4520];
	_ =	sdelay $0x4  }
0x75: {  	[tilespmem:$0x1FD00] =	vst v2;
	v2 =	vld [tilespmem:s20+$0x580];
	_ =	sdelay $0x4  }
0x76: {  	[tilespmem:$0x1FC90] =	vst v2;
	v2 =	vld [tilespmem:s20+$0x4580];
	_ =	sdelay $0x4  }
0x77: {  	[tilespmem:$0x1FCA0] =	vst v2;
	v2 =	vld [tilespmem:s20+$0x590];
	_ =	sdelay $0x4  }
0x78: {  	[tilespmem:$0x1FCB0] =	vst v2;
	v2 =	vld [tilespmem:s20+$0x4590];
	_ =	sdelay $0x4  }
0x79: {  	[tilespmem:$0x1FCC0] =	vst v2;
	v2 =	vld [tilespmem:s20+$0x270];
	_ =	sdelay $0x4  }
0x7a: {  	[tilespmem:$0x1F830] =	vst v2;
	v2 =	vld [tilespmem:s20+$0x2E0];
	_ =	sdelay $0x4  }
0x7b: {  	[tilespmem:$0x1FE80] =	vst v2;
	v2 =	vld [tilespmem:s20+$0x42E0];
	_ =	sdelay $0x4  }
0x7c: {  	[tilespmem:$0x1FE90] =	vst v2;
	v2 =	vld [tilespmem:s20+$0x350];
	_ =	sdelay $0x4  }
0x7d: {  	[tilespmem:$0x1FEA0] =	vst v2;
	v2 =	vld [tilespmem:s20+$0x4350];
	_ =	sdelay $0x4  }
0x7e: {  	[tilespmem:$0x1FEB0] =	vst v2;
	v2 =	vld [tilespmem:s20+$0x3C0];
	_ =	sdelay $0x4  }
0x7f: {  	[tilespmem:$0x1FEC0] =	vst v2;
	v2 =	vld [tilespmem:s20+$0x43C0];
	_ =	sdelay $0x3  }
0x80: {  	v60 =	vld [tilespmem:s20+$0x860]  }
0x81: {  	[tilespmem:$0x1FED0] =	vst v2;
	v2 =	vld [tilespmem:s20+$0x430]  }
0x82: {  	v41 =	vld [tilespmem:s20+$0x4860]  }
0x83: {  	v57 =	vld [tilespmem:s20+$0x48C0]  }
0x84: {  	v9 =	vld [tilespmem:s20+$0x880]  }
0x85: {  	v8 =	vld [tilespmem:s20+$0x4880]  }
0x86: {  	[tilespmem:$0x1FDF0] =	vst v2;
	v2 =	vld [tilespmem:s20+$0x4430]  }
0x87: {  	v7 =	vld [tilespmem:s20+$0x890]  }
0x88: {  	v6 =	vld [tilespmem:s20+$0x4890]  }
0x89: {  	v24 =	vld [tilespmem:s20+$0x8A0]  }
0x8a: {  	v23 =	vld [tilespmem:s20+$0x48A0]  }
0x8b: {  	[tilespmem:$0x1FE00] =	vst v2;
	v2 =	vld [tilespmem:$0x1F840];
	_ =	sdelay $0x1  }
0x8c: {  	v63 =	vld [tilespmem:s20+$0x7E0];
	v8 =	vmul.f32 v8, v9;
	v6 =	vmul.f32 v6, v7  }
0x8d: {  	v16 =	vld [tilespmem:s20+$0x810]  }
0x8e: {  	v15 =	vld [tilespmem:s20+$0x4810];
	v6 =	vadd.f32 v6, v8;
	v8 =	vmul.f32 v23, v24  }
0x8f: {  	v23 =	vmul.f32 v41, v60;
	v60 =	vmul.f32 v57, v2;
	v2 =	vld [tilespmem:s20+$0x4170]  }
0x90: {  	v61 =	vld [tilespmem:s20+$0x47E0]  }
0x91: {  	v31 =	vld [tilespmem:s20+$0x8B0]  }
0x92: {  	v30 =	vld [tilespmem:s20+$0x48B0]  }
0x93: {  	v16 =	vmul.f32 v15, v16;
	v15 =	vld [tilespmem:$0x1F860]  }
0x94: {  	[tilespmem:$0x1FEE0] =	vst v2;
	v2 =	vld [tilespmem:$0x1F850];
	_ =	sdelay $0x3  }
0x95: {  	v30 =	vmul.f32 v30, v31  }
0x96: {  	v31 =	vmul.f32 v61, v63;
	v61 =	vmul.f32 v15, v2;
	v2 =	vld [tilespmem:$0x1F870]  }
0x97: {  	v15 =	vld [tilespmem:$0x1F880];
	_ =	sdelay $0x2  }
0x98: {  	v18 =	vmov v0;
	v0 =	vld [tilespmem:s20+$0x470];
	v8 =	vadd.f32 v8, v6;
	_ =	sdelay $0x1  }
0x99: {  	v8 =	vadd.f32 v30, v8;
	v30 =	vmul.f32 v15, v2;
	v2 =	vld [tilespmem:s20+$0x1F0];
	_ =	sdelay $0x2  }
0x9a: {  	[tilespmem:$0x1FB00] =	vst v0;
	v0 =	vld [tilespmem:s20+$0x4470]  }
0x9b: {  	v58 =	vld [tilespmem:s20+$0x4830]  }
0x9c: {  	[tilespmem:$0x1F890] =	vst v2;
	v2 =	vld [tilespmem:s20+$0x260]  }
0x9d: {  	v29 =	vld [tilespmem:s20+$0x820]  }
0x9e: {  	v12 =	vld [tilespmem:s20+$0x790]  }
0x9f: {  	[tilespmem:$0x1FB10] =	vst v0;
	v0 =	vld [tilespmem:s20+$0x4E0]  }
0xa0: {  	v11 =	vld [tilespmem:s20+$0x4790]  }
0xa1: {  	[tilespmem:$0x1F8A0] =	vst v2;
	v2 =	vld [tilespmem:s20+$0x2D0]  }
0xa2: {  	v28 =	vld [tilespmem:s20+$0x4820]  }
0xa3: {  	v36 =	vld [tilespmem:s20+$0x800]  }
0xa4: {  	[tilespmem:$0x1FB20] =	vst v0;
	v0 =	vld [tilespmem:s20+$0x44E0]  }
0xa5: {  	v11 =	vmul.f32 v11, v12;
	v12 =	vld [tilespmem:$0x1F8C0]  }
0xa6: {  	[tilespmem:$0x1FEF0] =	vst v2;
	v2 =	vld [tilespmem:$0x1F8B0]  }
0xa7: {  	v17 =	vld [tilespmem:s20+$0x4800]  }
0xa8: {  	v14 =	vld [tilespmem:s20+$0x780]  }
0xa9: {  	[tilespmem:$0x1FB30] =	vst v0;
	v0 =	vld [tilespmem:s20+$0x550]  }
0xaa: {  	v13 =	vld [tilespmem:s20+$0x4780]  }
0xab: {  	v12 =	vmul.f32 v12, v2;
	v2 =	vld [tilespmem:$0x1F8D0]  }
0xac: {  	v17 =	vmul.f32 v17, v36;
	_ =	sdelay $0x1  }
0xad: {  	v16 =	vadd.f32 v16, v17;
	v17 =	vmul.f32 v28, v29;
	[tilespmem:$0x1FB40] =	vst v0;
	v0 =	vld [tilespmem:s20+$0x4550];
	_ =	sdelay $0x1  }
0xae: {  	v13 =	vmul.f32 v13, v14;
	v14 =	vadd.f32 v17, v16;
	v16 =	vmul.f32 v58, v2;
	v2 =	vld [tilespmem:s20+$0x42D0];
	_ =	sdelay $0x1  }
0xaf: {  	v51 =	vld [tilespmem:s20+$0x8F0]  }
0xb0: {  	[tilespmem:$0x1FB50] =	vst v0;
	v0 =	vld [tilespmem:s20+$0x5C0]  }
0xb1: {  	v33 =	vld [tilespmem:s20+$0x48F0]  }
0xb2: {  	[tilespmem:$0x1FF00] =	vst v2;
	v2 =	vld [tilespmem:s20+$0x340]  }
0xb3: {  	v44 =	vld [tilespmem:s20+$0x8E0]  }
0xb4: {  	v39 =	vld [tilespmem:s20+$0x48E0]  }
0xb5: {  	[tilespmem:$0x1FB60] =	vst v0;
	v0 =	vld [tilespmem:s20+$0x45C0]  }
0xb6: {  	v49 =	vld [tilespmem:s20+$0x8D0]  }
0xb7: {  	[tilespmem:$0x1FF10] =	vst v2;
	v2 =	vld [tilespmem:s20+$0x4340]  }
0xb8: {  	v48 =	vld [tilespmem:s20+$0x48D0]  }
0xb9: {  	v46 =	vld [tilespmem:s20+$0x7B0]  }
0xba: {  	[tilespmem:$0x1FB70] =	vst v0;
	v0 =	vld [tilespmem:s20+$0x630]  }
0xbb: {  	v47 =	vld [tilespmem:s20+$0x47B0]  }
0xbc: {  	[tilespmem:$0x1FF20] =	vst v2;
	v2 =	vld [tilespmem:s20+$0x3B0]  }
0xbd: {  	v27 =	vld [tilespmem:s20+$0x7A0]  }
0xbe: {  	v26 =	vld [tilespmem:s20+$0x47A0]  }
0xbf: {  	v41 =	vmul.f32 v48, v49;
	[tilespmem:$0x1FB80] =	vst v0;
	v0 =	vld [tilespmem:s20+$0x4630];
	v8 =	vadd.f32 v60, v8  }
0xc0: {  	v10 =	vld [tilespmem:s20+$0x700]  }
0xc1: {  	v7 =	vmul.f32 v39, v44;
	v8 =	vadd.f32 v41, v8;
	[tilespmem:$0x1FF30] =	vst v2;
	v2 =	vld [tilespmem:s20+$0x43B0]  }
0xc2: {  	v4 =	vld [tilespmem:s20+$0x4700];
	v33 =	vmul.f32 v33, v51  }
0xc3: {  	v5 =	vld [tilespmem:s20+$0x710];
	v11 =	vadd.f32 v11, v13;
	v13 =	vmul.f32 v26, v27;
	v7 =	vadd.f32 v7, v8  }
0xc4: {  	[tilespmem:$0x1FB90] =	vst v0;
	v0 =	vld [tilespmem:s20+$0x4710]  }
0xc5: {  	v8 =	vadd.f32 v13, v11;
	v11 =	vadd.f32 v33, v7;
	v7 =	vld [tilespmem:$0x1F8F0]  }
0xc6: {  	[tilespmem:$0x1FF40] =	vst v2;
	v2 =	vld [tilespmem:$0x1F8E0];
	_ =	sdelay $0x2  }
0xc7: {  	v62 =	vld [tilespmem:s20+$0x720];
	v4 =	vmul.f32 v4, v10;
	v10 =	vmul.f32 v47, v46  }
0xc8: {  	v0 =	vmul.f32 v0, v5;
	v5 =	vadd.f32 v16, v14;
	v14 =	vld [tilespmem:$0x1F910]  }
0xc9: {  	v8 =	vadd.f32 v10, v8;
	v10 =	vmul.f32 v7, v2;
	v2 =	vld [tilespmem:$0x1F900]  }
0xca: {  	v25 =	vld [tilespmem:s20+$0x4720]  }
0xcb: {  	v59 =	vld [tilespmem:s20+$0x730];
	v5 =	vadd.f32 v12, v5;
	v12 =	vperm.xlane v11, v18  }
0xcc: {  	v35 =	vld [tilespmem:s20+$0x4730]  }
0xcd: {  	v8 =	vadd.f32 v10, v8;
	v10 =	vadd.f32 v11, v12;
	v11 =	vld [tilespmem:$0x1F930]  }
0xce: {  	v14 =	vmul.f32 v14, v2;
	v2 =	vld [tilespmem:$0x1F920]  }
0xcf: {  	v0 =	vadd.f32 v0, v4;
	v4 =	vmul.f32 v25, v62;
	_ =	sdelay $0x1  }
0xd0: {  	v0 =	vadd.f32 v4, v0;
	v13 =	vmul.f32 v35, v59;
	_ =	sdelay $0x1  }
0xd1: {  	v0 =	vadd.f32 v13, v0;
	v13 =	vmul.f32 v11, v2;
	v2 =	vld [tilespmem:$0x1F940]  }
0xd2: {  	v11 =	vld [tilespmem:$0x1F950];
	_ =	sdelay $0x1  }
0xd3: {  	v56 =	vld [tilespmem:s20+$0x850]  }
0xd4: {  	v52 =	vld [tilespmem:s20+$0x4850]  }
0xd5: {  	v42 =	vld [tilespmem:s20+$0x6F0]  }
0xd6: {  	v16 =	vmul.f32 v11, v2;
	v2 =	vld [tilespmem:$0x1F960]  }
0xd7: {  	v11 =	vld [tilespmem:$0x1F970]  }
0xd8: {  	v37 =	vld [tilespmem:s20+$0x46F0]  }
0xd9: {  	v20 =	vld [tilespmem:s20+$0x690];
	v0 =	vadd.f32 v13, v0  }
0xda: {  	v19 =	vld [tilespmem:s20+$0x4690]  }
0xdb: {  	v16 =	vadd.f32 v16, v0;
	v0 =	vld [tilespmem:s20+$0x4160]  }
0xdc: {  	v11 =	vmul.f32 v11, v2;
	v2 =	vld [tilespmem:s20+$0x160]  }
0xdd: {  	v22 =	vld [tilespmem:s20+$0x680]  }
0xde: {  	v21 =	vld [tilespmem:s20+$0x4680]  }
0xdf: {  	v19 =	vmul.f32 v19, v20;
	v20 =	vld [tilespmem:$0x1F990]  }
0xe0: {  	[tilespmem:$0x1FF70] =	vst v0;
	v0 =	vld [tilespmem:s20+$0x1E0]  }
0xe1: {  	[tilespmem:$0x1FF60] =	vst v2;
	v2 =	vld [tilespmem:$0x1F980];
	_ =	sdelay $0x2  }
0xe2: {  	v37 =	vmul.f32 v37, v42;
	v42 =	vld [tilespmem:$0x1FFC0]  }
0xe3: {  	v56 =	vmul.f32 v52, v56;
	[tilespmem:$0x1F9A0] =	vst v0;
	v0 =	vld [tilespmem:$0x1F9B0]  }
0xe4: {  	v21 =	vmul.f32 v21, v22;
	v22 =	vmul.f32 v20, v2;
	v2 =	vld [tilespmem:$0x1F9C0]  }
0xe5: {  	v5 =	vadd.f32 v56, v5  }
0xe6: {  	v34 =	vld [tilespmem:s20+$0x6A0]  }
0xe7: {  	v32 =	vld [tilespmem:s20+$0x46A0];
	v5 =	vadd.f32 v23, v5;
	v23 =	vperm.xlane v10, v42;
	_ =	sdelay $0x1  }
0xe8: {  	v10 =	vadd.f32 v10, v23;
	v23 =	vmul.f32 v2, v0;
	v0 =	vld [tilespmem:s20+$0x250];
	_ =	sdelay $0x2  }
0xe9: {  	v19 =	vadd.f32 v19, v21;
	v20 =	vmul.f32 v32, v34  }
0xea: {  	v2 =	vld [tilespmem:$0x1F9E0]  }
0xeb: {  	[tilespmem:$0x1F9D0] =	vst v0;
	v0 =	vadd.f32 v20, v19;
	v19 =	vld [tilespmem:$0x1F9F0];
	_ =	sdelay $0x4  }
0xec: {  	v19 =	vmul.f32 v19, v2;
	v2 =	vld [tilespmem:s20+$0x2C0];
	_ =	sdelay $0x3  }
0xed: {  	v20 =	vld [tilespmem:$0x1FA10]  }
0xee: {  	[tilespmem:$0x1FF80] =	vst v2;
	v2 =	vld [tilespmem:$0x1FA00];
	_ =	sdelay $0x4  }
0xef: {  	v33 =	vmul.f32 v20, v2;
	v2 =	vld [tilespmem:s20+$0x42C0];
	_ =	sdelay $0x1  }
0xf0: {  	v40 =	vld [tilespmem:s20+$0x7F0]  }
0xf1: {  	v38 =	vld [tilespmem:s20+$0x47F0]  }
0xf2: {  	v0 =	vadd.f32 v19, v0;
	v19 =	vld [tilespmem:$0x1FA30]  }
0xf3: {  	[tilespmem:$0x1FF90] =	vst v2;
	v2 =	vld [tilespmem:$0x1FA20]  }
0xf4: {  	v8 =	vadd.f32 v30, v8;
	_ =	sdelay $0x1  }
0xf5: {  	v40 =	vmul.f32 v38, v40;
	v8 =	vadd.f32 v31, v8;
	_ =	sdelay $0x1  }
0xf6: {  	v8 =	vadd.f32 v40, v8;
	v19 =	vmul.f32 v19, v2;
	v2 =	vld [tilespmem:s20+$0x330];
	_ =	sdelay $0x1  }
0xf7: {  	v55 =	vld [tilespmem:s20+$0x870];
	v20 =	vperm.xlane v8, v18  }
0xf8: {  	v53 =	vld [tilespmem:s20+$0x4870]  }
0xf9: {  	v26 =	vadd.f32 v8, v20;
	v8 =	vld [tilespmem:$0x1FA50]  }
0xfa: {  	[tilespmem:$0x1FFA0] =	vst v2;
	v2 =	vld [tilespmem:$0x1FA40];
	_ =	sdelay $0x4  }
0xfb: {  	v53 =	vmul.f32 v53, v55;
	v35 =	vmul.f32 v8, v2;
	v2 =	vld [tilespmem:$0x1FA60]  }
0xfc: {  	v8 =	vld [tilespmem:$0x1FA70]  }
0xfd: {  	v5 =	vadd.f32 v53, v5;
	_ =	sdelay $0x1  }
0xfe: {  	v21 =	vperm.xlane v5, v18;
	_ =	sdelay $0x1  }
0xff: {  	v5 =	vadd.f32 v5, v21;
	v28 =	vmul.f32 v8, v2;
	v2 =	vld [tilespmem:s20+$0x4330];
	_ =	sdelay $0x1  }
0x100: {  	v21 =	vperm.xlane v5, v42;
	_ =	sdelay $0x1  }
0x101: {  	v27 =	vadd.f32 v5, v21;
	v5 =	vld [tilespmem:$0x1FA90]  }
0x102: {  	[tilespmem:$0x1FFB0] =	vst v2;
	v2 =	vld [tilespmem:$0x1FA80];
	_ =	sdelay $0x4  }
0x103: {  	v8 =	vmul.f32 v5, v2;
	v2 =	vld [tilespmem:s20+$0x3A0];
	_ =	sdelay $0x3  }
0x104: {  	v5 =	vld [tilespmem:$0x1FAB0]  }
0x105: {  	[tilespmem:$0x1FF50] =	vst v2;
	v2 =	vld [tilespmem:$0x1FAA0];
	_ =	sdelay $0x4  }
0x106: {  	v0 =	vadd.f32 v19, v0;
	v19 =	vmul.f32 v5, v2;
	v2 =	vld [tilespmem:$0x1FAC0]  }
0x107: {  	v5 =	vld [tilespmem:$0x1FAD0];
	_ =	sdelay $0x4  }
0x108: {  	v34 =	vmul.f32 v5, v2;
	v2 =	vld [tilespmem:$0x1FAE0]  }
0x109: {  	v5 =	vld [tilespmem:$0x1FAF0];
	_ =	sdelay $0x4  }
0x10a: {  	v32 =	vmul.f32 v5, v2;
	v2 =	vld [tilespmem:$0x1FB00]  }
0x10b: {  	v5 =	vld [tilespmem:$0x1FB10];
	_ =	sdelay $0x4  }
0x10c: {  	v16 =	vadd.f32 v61, v16;
	v61 =	vmul.f32 v5, v2;
	v2 =	vld [tilespmem:$0x1FB20]  }
0x10d: {  	v5 =	vld [tilespmem:$0x1FB30]  }
0x10e: {  	v50 =	vld [tilespmem:s20+$0x770]  }
0x10f: {  	v45 =	vld [tilespmem:s20+$0x4770]  }
0x110: {  	v54 =	vld [tilespmem:s20+$0x670]  }
0x111: {  	v43 =	vld [tilespmem:s20+$0x4670]  }
0x112: {  	v60 =	vmul.f32 v5, v2;
	v2 =	vld [tilespmem:$0x1FB40]  }
0x113: {  	v5 =	vld [tilespmem:$0x1FB50];
	_ =	sdelay $0x1  }
0x114: {  	v0 =	vadd.f32 v23, v0;
	_ =	sdelay $0x1  }
0x115: {  	v55 =	vmul.f32 v45, v50;
	v14 =	vadd.f32 v14, v0;
	v0 =	vld [tilespmem:$0x1FB60]  }
0x116: {  	v15 =	vmul.f32 v43, v54;
	v43 =	vmul.f32 v5, v2;
	v2 =	vld [tilespmem:$0x1FB70]  }
0x117: {  	v16 =	vadd.f32 v55, v16;
	_ =	sdelay $0x1  }
0x118: {  	v20 =	vperm.xlane v16, v18;
	_ =	sdelay $0x1  }
0x119: {  	v16 =	vadd.f32 v16, v20;
	v20 =	vmul.f32 v2, v0;
	v0 =	vld [tilespmem:$0x1FB80]  }
0x11a: {  	v2 =	vld [tilespmem:$0x1FB90];
	_ =	sdelay $0x4  }
0x11b: {  	v52 =	vmul.f32 v2, v0;
	v0 =	vld [tilespmem:$0x1FBA0]  }
0x11c: {  	v2 =	vld [tilespmem:$0x1FBB0];
	_ =	sdelay $0x4  }
0x11d: {  	v0 =	vmul.f32 v2, v0  }
0x11e: {  	v2 =	vld [tilespmem:$0x1FBE0]  }
0x11f: {  	[tilespmem:$0x1FBC0] =	vst v0;
	v0 =	vld [tilespmem:$0x1FBD0];
	_ =	sdelay $0x4  }
0x120: {  	v21 =	vperm.xlane v26, v42;
	v30 =	vmul.f32 v2, v0;
	v0 =	vld [tilespmem:$0x1FBF0]  }
0x121: {  	v2 =	vld [tilespmem:$0x1FC00]  }
0x122: {  	v26 =	vadd.f32 v26, v21;
	v21 =	vperm.xlane v16, v42;
	_ =	sdelay $0x1  }
0x123: {  	v5 =	vadd.f32 v16, v21;
	v16 =	vperm.xlane v10, v1;
	_ =	sdelay $0x1  }
0x124: {  	v41 =	vadd.f32 v10, v16;
	v10 =	vmul.f32 v2, v0;
	v2 =	vld [tilespmem:s20+$0x1D0];
	_ =	sdelay $0x3  }
0x125: {  	v16 =	vld [tilespmem:$0x1FC30]  }
0x126: {  	[tilespmem:$0x1FC10] =	vst v2;
	v2 =	vld [tilespmem:$0x1FC20];
	_ =	sdelay $0x4  }
0x127: {  	v14 =	vadd.f32 v37, v14;
	v37 =	vmul.f32 v16, v2;
	v2 =	vld [tilespmem:s20+$0x240];
	_ =	sdelay $0x3  }
0x128: {  	v16 =	vld [tilespmem:$0x1FC60]  }
0x129: {  	[tilespmem:$0x1FC40] =	vst v2;
	v2 =	vld [tilespmem:$0x1FC50];
	_ =	sdelay $0x1  }
0x12a: {  	v0 =	vperm.xlane v26, v1;
	_ =	sdelay $0x1  }
0x12b: {  	v53 =	vadd.f32 v26, v0;
	v0 =	vld [tilespmem:$0x1FC70]  }
0x12c: {  	v56 =	vmul.f32 v16, v2;
	v2 =	vld [tilespmem:$0x1FC80];
	_ =	sdelay $0x4  }
0x12d: {  	v62 =	vmul.f32 v2, v0;
	v0 =	vld [tilespmem:$0x1FC90]  }
0x12e: {  	v2 =	vld [tilespmem:$0x1FCA0];
	_ =	sdelay $0x2  }
0x12f: {  	v63 =	vperm.xlane v27, v1;
	_ =	sdelay $0x1  }
0x130: {  	v46 =	vadd.f32 v27, v63;
	v63 =	vmul.f32 v2, v0;
	v0 =	vld [tilespmem:$0x1FCB0]  }
0x131: {  	v2 =	vld [tilespmem:$0x1FCC0];
	_ =	sdelay $0x2  }
0x132: {  	v36 =	vperm.xlane v14, v18;
	_ =	sdelay $0x1  }
0x133: {  	v14 =	vadd.f32 v14, v36;
	v36 =	vmul.f32 v2, v0;
	v0 =	vld [tilespmem:$0x1FCD0]  }
0x134: {  	v2 =	vld [tilespmem:$0x1FCE0]  }
0x135: {  	v38 =	vld [tilespmem:s20+$0x500]  }
0x136: {  	v39 =	vld [tilespmem:s20+$0x510]  }
0x137: {  	v24 =	vld [tilespmem:s20+$0x4500];
	v26 =	vperm.xlane v5, v1  }
0x138: {  	v6 =	vld [tilespmem:s20+$0x4510]  }
0x139: {  	v59 =	vadd.f32 v5, v26;
	v26 =	vmul.f32 v2, v0;
	v0 =	vld [tilespmem:$0x1FCF0]  }
0x13a: {  	v2 =	vld [tilespmem:$0x1FD00];
	_ =	sdelay $0x2  }
0x13b: {  	v24 =	vmul.f32 v24, v38;
	v6 =	vmul.f32 v6, v39;
	_ =	sdelay $0x1  }
0x13c: {  	v6 =	vadd.f32 v6, v24;
	v24 =	vmul.f32 v2, v0;
	v0 =	vld [tilespmem:$0x1FD10]  }
0x13d: {  	v2 =	vld [tilespmem:$0x1FD20];
	_ =	sdelay $0x3  }
0x13e: {  	v5 =	vld [tilespmem:$0x1FD40]  }
0x13f: {  	v54 =	vmul.f32 v2, v0;
	v2 =	vld [tilespmem:$0x1FD30];
	_ =	sdelay $0x2  }
0x140: {  	v17 =	vld [tilespmem:s20+$0x4480];
	v45 =	vperm.xlane v14, v42;
	v38 =	vadd.f32 v36, v63  }
0x141: {  	v12 =	vld [tilespmem:s20+$0x480]  }
0x142: {  	v0 =	vadd.f32 v14, v45;
	v14 =	vadd.f32 v26, v38;
	v26 =	vmul.f32 v5, v2;
	v2 =	vld [tilespmem:$0x1FD50]  }
0x143: {  	v5 =	vld [tilespmem:$0x1FD60];
	_ =	sdelay $0x4  }
0x144: {  	v12 =	vmul.f32 v17, v12;
	v17 =	vmul.f32 v5, v2;
	v2 =	vld [tilespmem:$0x1FD70]  }
0x145: {  	v5 =	vld [tilespmem:$0x1FD80];
	_ =	sdelay $0x2  }
0x146: {  	v10 =	vadd.f32 v10, v30;
	_ =	sdelay $0x1  }
0x147: {  	v10 =	vadd.f32 v62, v10;
	v36 =	vmul.f32 v5, v2;
	v2 =	vld [tilespmem:$0x1FD90]  }
0x148: {  	v5 =	vld [tilespmem:$0x1FDA0]  }
0x149: {  	v25 =	vld [tilespmem:s20+$0x490];
	v10 =	vadd.f32 v52, v10  }
0x14a: {  	v13 =	vld [tilespmem:s20+$0x4490]  }
0x14b: {  	v51 =	vld [tilespmem:s20+$0x4A0];
	v10 =	vadd.f32 v32, v10  }
0x14c: {  	v9 =	vld [tilespmem:s20+$0x44A0]  }
0x14d: {  	v10 =	vadd.f32 v28, v10;
	v28 =	vmul.f32 v5, v2;
	v2 =	vld [tilespmem:$0x1FDB0]  }
0x14e: {  	v5 =	vld [tilespmem:$0x1FDC0]  }
0x14f: {  	v13 =	vmul.f32 v13, v25;
	_ =	sdelay $0x1  }
0x150: {  	v9 =	vmul.f32 v9, v51;
	v12 =	vadd.f32 v13, v12;
	_ =	sdelay $0x1  }
0x151: {  	v9 =	vadd.f32 v9, v12;
	v12 =	vmul.f32 v5, v2;
	v2 =	vld [tilespmem:$0x1FDD0]  }
0x152: {  	v5 =	vld [tilespmem:$0x1FDE0]  }
0x153: {  	v44 =	vld [tilespmem:s20+$0x400]  }
0x154: {  	v50 =	vld [tilespmem:s20+$0x410]  }
0x155: {  	v49 =	vld [tilespmem:s20+$0x4400];
	v24 =	vadd.f32 v24, v6  }
0x156: {  	v55 =	vld [tilespmem:s20+$0x4410]  }
0x157: {  	v10 =	vadd.f32 v22, v10;
	v24 =	vadd.f32 v26, v24;
	v22 =	vmul.f32 v5, v2;
	v2 =	vld [tilespmem:$0x1FDF0]  }
0x158: {  	v5 =	vld [tilespmem:$0x1FE00]  }
0x159: {  	v13 =	vadd.f32 v17, v24  }
0x15a: {  	v4 =	vld [tilespmem:s20+$0x4420];
	v10 =	vadd.f32 v15, v10  }
0x15b: {  	v7 =	vld [tilespmem:s20+$0x420];
	v15 =	vmul.f32 v49, v44;
	v17 =	vmul.f32 v55, v50;
	v13 =	vadd.f32 v43, v13  }
0x15c: {  	v14 =	vadd.f32 v54, v14;
	v9 =	vadd.f32 v12, v9  }
0x15d: {  	v12 =	vadd.f32 v19, v13;
	v13 =	vadd.f32 v17, v15;
	v17 =	vmul.f32 v5, v2;
	v2 =	vld [tilespmem:$0x1FE10]  }
0x15e: {  	v14 =	vadd.f32 v20, v14;
	v5 =	vld [tilespmem:$0x1FE20];
	_ =	sdelay $0x1  }
0x15f: {  	v4 =	vmul.f32 v4, v7;
	v14 =	vadd.f32 v34, v14  }
0x160: {  	v7 =	vadd.f32 v22, v9;
	v9 =	vadd.f32 v33, v12;
	v12 =	vperm.xlane v10, v18  }
0x161: {  	v3 =	vld [tilespmem:s20+$0x450]  }
0x162: {  	v14 =	vadd.f32 v35, v14;
	v22 =	vadd.f32 v10, v12;
	v12 =	vmul.f32 v5, v2;
	v2 =	vld [tilespmem:$0x1FE30];
	_ =	sdelay $0x1  }
0x163: {  	v11 =	vadd.f32 v11, v14  }
0x164: {  	v47 =	vld [tilespmem:s20+$0x320];
	v7 =	vadd.f32 v56, v7  }
0x165: {  	v48 =	vld [tilespmem:s20+$0x170];
	v19 =	vperm.xlane v11, v18  }
0x166: {  	v4 =	vadd.f32 v4, v13;
	v7 =	vadd.f32 v60, v7;
	v60 =	vmul.f32 v2, v3;
	v2 =	vld [tilespmem:$0x1FE40]  }
0x167: {  	v3 =	vld [tilespmem:$0x1FE50]  }
0x168: {  	v29 =	vld [tilespmem:s20+$0x4390];
	v11 =	vadd.f32 v11, v19;
	v4 =	vadd.f32 v17, v4  }
0x169: {  	v51 =	vld [tilespmem:s20+$0x4290]  }
0x16a: {  	v57 =	vld [tilespmem:s20+$0x120];
	v19 =	vadd.f32 v12, v4;
	v4 =	vperm.xlane v11, v42  }
0x16b: {  	v58 =	vld [tilespmem:s20+$0x4310]  }
0x16c: {  	v49 =	vadd.f32 v11, v4;
	v4 =	vmul.f32 v3, v2;
	v2 =	vld [tilespmem:$0x1FE60]  }
0x16d: {  	v3 =	vld [tilespmem:$0x1FE70]  }
0x16e: {  	v27 =	vld [tilespmem:s20+$0x2B0]  }
0x16f: {  	v31 =	vld [tilespmem:s20+$0x4320]  }
0x170: {  	v40 =	vld [tilespmem:s20+$0x43A0]  }
0x171: {  	v25 =	vld [tilespmem:s20+$0x1C0]  }
0x172: {  	v10 =	vperm.xlane v9, v18;
	v50 =	vmul.f32 v3, v2;
	v2 =	vld [tilespmem:$0x1FE80]  }
0x173: {  	v3 =	vld [tilespmem:$0x1FE90]  }
0x174: {  	v23 =	vld [tilespmem:s20+$0x4150];
	v9 =	vadd.f32 v9, v10  }
0x175: {  	v21 =	vld [tilespmem:s20+$0x150]  }
0x176: {  	v30 =	vld [tilespmem:s20+$0x42B0];
	v8 =	vadd.f32 v8, v7;
	v7 =	vperm.xlane v9, v42  }
0x177: {  	v16 =	vld [tilespmem:$0x1FF40]  }
0x178: {  	v17 =	vperm.xlane v22, v42;
	v9 =	vadd.f32 v9, v7;
	v7 =	vmul.f32 v3, v2;
	v2 =	vld [tilespmem:$0x1FEA0]  }
0x179: {  	v3 =	vld [tilespmem:$0x1FEB0]  }
0x17a: {  	v62 =	vld [tilespmem:s20+$0x390];
	v22 =	vadd.f32 v22, v17  }
0x17b: {  	v52 =	vld [tilespmem:s20+$0x4380];
	v17 =	vperm.xlane v8, v18;
	v11 =	vadd.f32 v60, v19;
	v19 =	vperm.xlane v0, v1  }
0x17c: {  	v32 =	vld [tilespmem:s20+$0x230]  }
0x17d: {  	v20 =	vadd.f32 v8, v17;
	v17 =	vadd.f32 v0, v19;
	v0 =	vld [tilespmem:$0x1FEE0]  }
0x17e: {  	v39 =	vmul.f32 v3, v2;
	v2 =	vld [tilespmem:$0x1FEC0]  }
0x17f: {  	v3 =	vld [tilespmem:$0x1FED0]  }
0x180: {  	v63 =	vld [tilespmem:s20+$0x380]  }
0x181: {  	v6 =	vld [tilespmem:s20+$0x140]  }
0x182: {  	v45 =	vld [tilespmem:s20+$0x4300]  }
0x183: {  	v8 =	vmul.f32 v0, v48;
	v0 =	vld [tilespmem:$0x1FEF0]  }
0x184: {  	v44 =	vmul.f32 v3, v2;
	v3 =	vld [tilespmem:$0x1FF00]  }
0x185: {  	v38 =	vld [tilespmem:s20+$0x1B0]  }
0x186: {  	v34 =	vld [tilespmem:s20+$0x2A0]  }
0x187: {  	v26 =	vld [tilespmem:s20+$0x4140];
	v11 =	vadd.f32 v37, v11  }
0x188: {  	v5 =	vld [tilespmem:$0x1FF20]  }
0x189: {  	v2 =	vadd.f32 v61, v11;
	v11 =	vmul.f32 v3, v0;
	v3 =	vld [tilespmem:$0x1FF10]  }
0x18a: {  	v35 =	vld [tilespmem:s20+$0x290]  }
0x18b: {  	v14 =	vld [tilespmem:s20+$0x4130]  }
0x18c: {  	v24 =	vld [tilespmem:s20+$0x300]  }
0x18d: {  	v55 =	vld [tilespmem:s20+$0x200];
	v0 =	vperm.xlane v20, v42  }
0x18e: {  	v43 =	vld [tilespmem:s20+$0x42A0];
	v19 =	vperm.xlane v22, v1;
	v56 =	vmul.f32 v5, v3  }
0x18f: {  	v15 =	vld [tilespmem:s20+$0x310];
	v0 =	vadd.f32 v20, v0;
	v5 =	vmul.f32 v52, v63;
	v52 =	vperm.xlane v9, v1  }
0x190: {  	v19 =	vadd.f32 v22, v19;
	v3 =	vld [tilespmem:$0x1FF30]  }
0x191: {  	v22 =	vperm.xlane v49, v1;
	v48 =	vadd.f32 v9, v52;
	v9 =	vperm.xlane v0, v1;
	v1 =	vld [tilespmem:$0x1FF50]  }
0x192: {  	v13 =	vld [tilespmem:s20+$0x130]  }
0x193: {  	v33 =	vld [tilespmem:s20+$0x4280]  }
0x194: {  	v29 =	vmul.f32 v29, v62;
	v58 =	vmul.f32 v58, v15;
	v15 =	vld [tilespmem:s20+$0x180]  }
0x195: {  	v54 =	vmul.f32 v16, v3;
	v3 =	vadd.f32 v0, v9;
	v0 =	vld [tilespmem:$0x1FF60]  }
0x196: {  	v5 =	vadd.f32 v29, v5;
	v29 =	vmul.f32 v40, v1;
	v1 =	vld [tilespmem:$0x1FF70]  }
0x197: {  	v10 =	vld [tilespmem:s20+$0x220]  }
0x198: {  	v12 =	vld [tilespmem:s20+$0x280]  }
0x199: {  	v60 =	vld [tilespmem:s20+$0x4120]  }
0x19a: {  	v16 =	vld [tilespmem:$0x1FF90]  }
0x19b: {  	v9 =	vmul.f32 v1, v0;
	v1 =	vld [tilespmem:$0x1FF80]  }
0x19c: {  	v37 =	vld [tilespmem:s20+$0x1A0];
	v62 =	vperm.xlane v2, v18  }
0x19d: {  	v61 =	vld [tilespmem:s20+$0x4200]  }
0x19e: {  	v2 =	vadd.f32 v2, v62;
	v62 =	vld [tilespmem:s20+$0x110]  }
0x19f: {  	v20 =	vadd.f32 v49, v22;
	v49 =	vld [tilespmem:s20+$0x4100]  }
0x1a0: {  	v0 =	vadd.f32 v29, v5;
	v29 =	vmul.f32 v16, v1;
	v1 =	vld [tilespmem:$0x1FFA0]  }
0x1a1: {  	v16 =	vld [tilespmem:$0x1FFB0]  }
0x1a2: {  	v63 =	vld [tilespmem:s20+$0x210]  }
0x1a3: {  	v52 =	vld [tilespmem:s20+$0x100];
	v40 =	vmul.f32 v45, v24  }
0x1a4: {  	v45 =	vld [tilespmem:s20+$0x4110];
	v5 =	vperm.xlane v2, v42  }
0x1a5: {  	v58 =	vadd.f32 v58, v40;
	v40 =	vmul.f32 v31, v47;
	v47 =	vld [tilespmem:s20+$0x4180]  }
0x1a6: {  	s21 =	simm.s32 $0x1;
	v54 =	vadd.f32 v54, v0;
	v5 =	vadd.f32 v2, v5;
	v0 =	vld [tilespmem:s20+$0x190];
	v31 =	vmul.f32 v16, v1  }
.LBB2_3:
0x1a7: {  	v21 =	vmul.f32 v23, v21;
	v23 =	vld [tilespmem:s20+$0x4190];
	_ =	sdelay $0x4  }
0x1a8: {  	v1 =	vld [tilespmem:$0x1FC40];
	v15 =	vmul.f32 v47, v15;
	v0 =	vmul.f32 v23, v0  }
0x1a9: {  	v6 =	vmul.f32 v26, v6;
	v26 =	vld [tilespmem:s20+$0x4210]  }
0x1aa: {  	v27 =	vmul.f32 v30, v27;
	v30 =	vadd.f32 v40, v58;
	v0 =	vadd.f32 v0, v15;
	v15 =	vld [tilespmem:s20+$0x4240]  }
0x1ab: {  	v44 =	vadd.f32 v44, v54;
	v54 =	vmul.f32 v49, v52  }
0x1ac: {  	v30 =	vadd.f32 v31, v30;
	v31 =	vmul.f32 v60, v57;
	v57 =	vmul.f32 v45, v62  }
0x1ad: {  	v12 =	vmul.f32 v33, v12;
	v33 =	vld [tilespmem:s20+$0x4220]  }
0x1ae: {  	v34 =	vmul.f32 v43, v34;
	v43 =	vld [tilespmem:s20+$0x41D0];
	v26 =	vmul.f32 v26, v63;
	v63 =	vadd.f32 v57, v54  }
0x1af: {  	v15 =	vmul.f32 v15, v1;
	v1 =	vld [tilespmem:$0x1FC10]  }
0x1b0: {  	v13 =	vmul.f32 v14, v13;
	v23 =	vld [tilespmem:s20+$0x4230];
	v31 =	vadd.f32 v31, v63  }
0x1b1: {  	v14 =	vld [tilespmem:s20+$0x41A0];
	v62 =	vmul.f32 v61, v55  }
0x1b2: {  	v58 =	vld [tilespmem:s20+$0x41B0];
	v13 =	vadd.f32 v13, v31  }
0x1b3: {  	v40 =	vadd.f32 v50, v44;
	v44 =	vld [tilespmem:s20+$0x4250];
	v10 =	vmul.f32 v33, v10;
	v26 =	vadd.f32 v26, v62  }
0x1b4: {  	v6 =	vadd.f32 v6, v13;
	v13 =	vmul.f32 v43, v1;
	v1 =	vld [tilespmem:$0x1F9D0]  }
0x1b5: {  	v60 =	vld [tilespmem:s20+$0x41C0];
	v23 =	vmul.f32 v23, v32;
	v10 =	vadd.f32 v10, v26  }
0x1b6: {  	v14 =	vmul.f32 v14, v37  }
0x1b7: {  	v10 =	vadd.f32 v23, v10  }
0x1b8: {  	v45 =	vld [tilespmem:s20+$0x41E0];
	v0 =	vadd.f32 v14, v0;
	v14 =	vmul.f32 v58, v38  }
0x1b9: {  	v10 =	vadd.f32 v15, v10;
	v15 =	vmul.f32 v44, v1;
	v1 =	vld [tilespmem:$0x1F9A0]  }
0x1ba: {  	v0 =	vadd.f32 v14, v0;
	v14 =	vmul.f32 v60, v25;
	_ =	sdelay $0x1  }
0x1bb: {  	v0 =	vadd.f32 v14, v0  }
0x1bc: {  	v25 =	vld [tilespmem:s20+$0x4260]  }
0x1bd: {  	v0 =	vadd.f32 v13, v0;
	v13 =	vmul.f32 v45, v1;
	v1 =	vld [tilespmem:$0x1F8A0];
	_ =	sdelay $0x1  }
0x1be: {  	v16 =	vld [tilespmem:s20+$0x42F0]  }
0x1bf: {  	v26 =	vld [tilespmem:s20+$0x41F0]  }
0x1c0: {  	v14 =	vld [tilespmem:s20+$0x4270]  }
0x1c1: {  	v35 =	vmul.f32 v51, v35;
	v10 =	vadd.f32 v15, v10;
	v15 =	vmul.f32 v25, v1;
	v1 =	vld [tilespmem:$0x1F890];
	_ =	sdelay $0x1  }
0x1c2: {  	v12 =	vadd.f32 v35, v12  }
0x1c3: {  	v6 =	vadd.f32 v21, v6  }
0x1c4: {  	v12 =	vadd.f32 v34, v12  }
0x1c5: {  	v6 =	vadd.f32 v9, v6;
	v9 =	vmul.f32 v26, v1;
	v1 =	vld [tilespmem:$0x1F830]  }
0x1c6: {  	v12 =	vadd.f32 v27, v12;
	_ =	sdelay $0x1  }
0x1c7: {  	v12 =	vadd.f32 v29, v12  }
0x1c8: {  	v22 =	vld [tilespmem:$0x1FFD0]  }
0x1c9: {  	v11 =	vadd.f32 v11, v12;
	v12 =	vmul.f32 v14, v1;
	v1 =	vld [tilespmem:$0x1F820]  }
0x1ca: {  	v30 =	vadd.f32 v56, v30;
	_ =	sdelay $0x1  }
0x1cb: {  	v30 =	vadd.f32 v39, v30;
	v6 =	vadd.f32 v8, v6  }
0x1cc: {  	v7 =	vadd.f32 v7, v11;
	v0 =	vadd.f32 v13, v0  }
0x1cd: {  	v10 =	vadd.f32 v15, v10;
	v11 =	vperm.xlane v6, v22;
	v8 =	vmul.f32 v16, v1;
	v1 =	vld [tilespmem:$0x1FBC0]  }
0x1ce: {  	v4 =	vadd.f32 v4, v30;
	v24 =	vld [tilespmem:$0x1FFE0];
	v0 =	vadd.f32 v9, v0  }
0x1cf: {  	v6 =	vadd.f32 v6, v11;
	v9 =	vadd.f32 v12, v10  }
0x1d0: {  	v28 =	vadd.f32 v28, v40;
	v12 =	vperm.xlane v0, v22;
	v7 =	vadd.f32 v8, v7  }
0x1d1: {  	v4 =	vadd.f32 v36, v4;
	v14 =	vperm.xlane v6, v42;
	v8 =	vperm.xlane v9, v22  }
0x1d2: {  	v0 =	vadd.f32 v0, v12;
	v11 =	vperm.xlane v7, v22;
	v13 =	vadd.f32 v1, v28  }
0x1d3: {  	v10 =	vperm.xlane v5, v24;
	v8 =	vadd.f32 v9, v8;
	v9 =	vperm.xlane v4, v22  }
0x1d4: {  	v15 =	vperm.xlane v0, v42;
	v7 =	vadd.f32 v7, v11;
	v12 =	vperm.xlane v13, v22  }
0x1d5: {  	v6 =	vadd.f32 v6, v14;
	v11 =	vperm.xlane v8, v42;
	v4 =	vadd.f32 v4, v9  }
0x1d6: {  	v0 =	vadd.f32 v0, v15;
	v1 =	vld [tilespmem:$0x1FFF0];
	v9 =	vadd.f32 v13, v12;
	v12 =	vperm.xlane v7, v42  }
0x1d7: {  	v14 =	vperm.xlane v6, v24;
	v8 =	vadd.f32 v8, v11;
	v11 =	vperm.xlane v4, v42  }
0x1d8: {  	v15 =	vperm.xlane v0, v24;
	v13 =	vperm.xlane v9, v42;
	v7 =	vadd.f32 v7, v12  }
0x1d9: {  	v6 =	vadd.f32 v6, v14;
	v4 =	vadd.f32 v4, v11;
	v12 =	vperm.xlane v8, v24  }
0x1da: {  	v0 =	vadd.f32 v0, v15;
	v9 =	vadd.f32 v9, v13;
	v11 =	vperm.xlane v7, v24  }
0x1db: {  	v14 =	vperm.xlane v6, v1;
	v8 =	vadd.f32 v8, v12;
	v12 =	vperm.xlane v4, v24  }
0x1dc: {  	v15 =	vperm.xlane v0, v1;
	v13 =	vperm.xlane v9, v24;
	v7 =	vadd.f32 v7, v11  }
0x1dd: {  	v6 =	vadd.f32 v6, v14;
	v11 =	vperm.xlane v8, v1;
	v4 =	vadd.f32 v4, v12  }
0x1de: {  	v0 =	vadd.f32 v0, v15;
	v9 =	vadd.f32 v9, v13;
	v12 =	vperm.xlane v7, v1  }
0x1df: {  	v5 =	vadd.f32 v5, v10;
	v8 =	vadd.f32 v8, v11;
	v11 =	vperm.xlane v4, v1  }
0x1e0: {  	v0 =	vsel vm0, v6, v0;
	v6 =	vadd.f32 v7, v12;
	v7 =	vperm.xlane v9, v1  }
0x1e1: {  	v0 =	vsel vm1, v0, v8;
	v4 =	vadd.f32 v4, v11;
	v8 =	vperm.xlane v5, v1  }
0x1e2: {  	v0 =	vsel vm2, v0, v6;
	v6 =	vadd.f32 v9, v7;
	v7 =	vperm.xlane v3, v1  }
0x1e3: {  	v0 =	vsel vm3, v0, v4;
	v4 =	vadd.f32 v5, v8;
	v5 =	vperm.xlane v48, v1  }
0x1e4: {  	v0 =	vsel vm4, v0, v6;
	v6 =	vadd.f32 v3, v7;
	v7 =	vperm.xlane v20, v1  }
0x1e5: {  	v0 =	vsel vm5, v0, v4;
	v4 =	vadd.f32 v48, v5;
	v5 =	vperm.xlane v19, v1  }
0x1e6: {  	v0 =	vsel vm6, v0, v6;
	v6 =	vadd.f32 v20, v7;
	v7 =	vperm.xlane v17, v1  }
0x1e7: {  	v0 =	vsel vm7, v0, v4;
	v4 =	vadd.f32 v19, v5;
	v5 =	vperm.xlane v59, v1  }
0x1e8: {  	v0 =	vsel vm8, v0, v6;
	v6 =	vadd.f32 v17, v7;
	v7 =	vperm.xlane v53, v1  }
0x1e9: {  	v0 =	vsel vm9, v0, v4;
	v4 =	vadd.f32 v59, v5;
	v5 =	vperm.xlane v46, v1  }
0x1ea: {  	v0 =	vsel vm10, v0, v6;
	v6 =	vadd.f32 v53, v7;
	v7 =	vperm.xlane v41, v1  }
0x1eb: {  	v0 =	vsel vm11, v0, v4;
	v4 =	vadd.f32 v46, v5  }
0x1ec: {  	v0 =	vsel vm12, v0, v6;
	v5 =	vadd.f32 v41, v7  }
0x1ed: {  	v0 =	vsel vm13, v0, v4  }
0x1ee: {  	v0 =	vsel vm14, v0, v5  }
0x1ef: {  	v0 =	vmul.f32 $5.000000000e-01, v0;
	_ =	sdelay $0x1  }
0x1f0: {  	s31 =	sshll.u32 s19, $0x7;
	v0 =	vadd.f32 $5.000000000e-01, v0  }
0x1f1: {  	s22 =	sand.u32 $0x3FFFFF80, s31  }
0x1f2: {  	s20 =	sshll.u32 s21, $0xB;
	[tilespmem:s22+$0x8100] =	vst v0  }
0x1f3: {  	v1 =	vld [tilespmem:s20+$0x570];
	_ =	sdelay $0x4  }
0x1f4: {  	[tilespmem:$0x1F340] =	vst v1;
	v1 =	vld [tilespmem:s20+$0x4570];
	_ =	sdelay $0x4  }
0x1f5: {  	[tilespmem:$0x1F350] =	vst v1;
	v1 =	vld [tilespmem:s20+$0x5E0];
	_ =	sdelay $0x4  }
0x1f6: {  	[tilespmem:$0x1F380] =	vst v1;
	v1 =	vld [tilespmem:s20+$0x45E0];
	_ =	sdelay $0x4  }
0x1f7: {  	[tilespmem:$0x1F390] =	vst v1;
	v1 =	vld [tilespmem:s20+$0x650];
	_ =	sdelay $0x4  }
0x1f8: {  	[tilespmem:$0x1F3A0] =	vst v1;
	v1 =	vld [tilespmem:s20+$0x4650];
	_ =	sdelay $0x4  }
0x1f9: {  	[tilespmem:$0x1F3B0] =	vst v1;
	v1 =	vld [tilespmem:s20+$0x6C0];
	_ =	sdelay $0x4  }
0x1fa: {  	[tilespmem:$0x1F360] =	vst v1;
	v1 =	vld [tilespmem:s20+$0x46C0];
	_ =	sdelay $0x4  }
0x1fb: {  	[tilespmem:$0x1F370] =	vst v1;
	v1 =	vld [tilespmem:s20+$0x4F0];
	_ =	sdelay $0x4  }
0x1fc: {  	[tilespmem:$0x1F3C0] =	vst v1;
	v1 =	vld [tilespmem:s20+$0x44F0];
	_ =	sdelay $0x4  }
0x1fd: {  	[tilespmem:$0x1F3D0] =	vst v1;
	v1 =	vld [tilespmem:s20+$0x560];
	_ =	sdelay $0x4  }
0x1fe: {  	[tilespmem:$0x1F3E0] =	vst v1;
	v1 =	vld [tilespmem:s20+$0x4560];
	_ =	sdelay $0x4  }
0x1ff: {  	[tilespmem:$0x1F3F0] =	vst v1;
	v1 =	vld [tilespmem:s20+$0x5D0];
	_ =	sdelay $0x4  }
0x200: {  	[tilespmem:$0x1F400] =	vst v1;
	v1 =	vld [tilespmem:s20+$0x45D0];
	_ =	sdelay $0x4  }
0x201: {  	[tilespmem:$0x1F410] =	vst v1;
	v1 =	vld [tilespmem:s20+$0x640];
	_ =	sdelay $0x4  }
0x202: {  	[tilespmem:$0x1F420] =	vst v1;
	v1 =	vld [tilespmem:s20+$0x4640];
	_ =	sdelay $0x4  }
0x203: {  	[tilespmem:$0x1F430] =	vst v1;
	v1 =	vld [tilespmem:s20+$0x470];
	_ =	sdelay $0x4  }
0x204: {  	[tilespmem:$0x1F440] =	vst v1;
	v1 =	vld [tilespmem:s20+$0x4470];
	_ =	sdelay $0x4  }
0x205: {  	[tilespmem:$0x1F450] =	vst v1;
	v1 =	vld [tilespmem:s20+$0x4E0];
	_ =	sdelay $0x4  }
0x206: {  	[tilespmem:$0x1F460] =	vst v1;
	v1 =	vld [tilespmem:s20+$0x44E0];
	_ =	sdelay $0x4  }
0x207: {  	[tilespmem:$0x1F470] =	vst v1;
	v1 =	vld [tilespmem:s20+$0x550];
	_ =	sdelay $0x4  }
0x208: {  	[tilespmem:$0x1F480] =	vst v1;
	v1 =	vld [tilespmem:s20+$0x4550];
	_ =	sdelay $0x4  }
0x209: {  	[tilespmem:$0x1F490] =	vst v1;
	v1 =	vld [tilespmem:s20+$0x5C0];
	_ =	sdelay $0x4  }
0x20a: {  	[tilespmem:$0x1F4A0] =	vst v1;
	v1 =	vld [tilespmem:s20+$0x45C0];
	_ =	sdelay $0x4  }
0x20b: {  	[tilespmem:$0x1F4B0] =	vst v1;
	v1 =	vld [tilespmem:s20+$0x630];
	_ =	sdelay $0x3  }
0x20c: {  	v0 =	vld [tilespmem:s20+$0x4860]  }
0x20d: {  	[tilespmem:$0x1F4C0] =	vst v1;
	v1 =	vld [tilespmem:s20+$0x4630];
	_ =	sdelay $0x3  }
0x20e: {  	[tilespmem:$0x1F0E0] =	vst v0;
	v0 =	vld [tilespmem:s20+$0x48D0]  }
0x20f: {  	[tilespmem:$0x1F4D0] =	vst v1;
	v1 =	vld [tilespmem:s20+$0x3F0];
	_ =	sdelay $0x3  }
0x210: {  	[tilespmem:$0x1F0F0] =	vst v0;
	v0 =	vld [tilespmem:s20+$0x770]  }
0x211: {  	[tilespmem:$0x1F4E0] =	vst v1;
	v1 =	vld [tilespmem:s20+$0x43F0];
	_ =	sdelay $0x3  }
0x212: {  	[tilespmem:$0x1F100] =	vst v0;
	v0 =	vld [tilespmem:s20+$0x4770]  }
0x213: {  	[tilespmem:$0x1F4F0] =	vst v1;
	v1 =	vld [tilespmem:s20+$0x460];
	_ =	sdelay $0x3  }
0x214: {  	[tilespmem:$0x1F110] =	vst v0;
	v0 =	vld [tilespmem:s20+$0x7E0]  }
0x215: {  	[tilespmem:$0x1F500] =	vst v1;
	v1 =	vld [tilespmem:s20+$0x4460];
	_ =	sdelay $0x3  }
0x216: {  	[tilespmem:$0x1F120] =	vst v0;
	v0 =	vld [tilespmem:s20+$0x47E0]  }
0x217: {  	[tilespmem:$0x1F510] =	vst v1;
	v1 =	vld [tilespmem:s20+$0x4D0];
	_ =	sdelay $0x3  }
0x218: {  	[tilespmem:$0x1F130] =	vst v0;
	v0 =	vld [tilespmem:s20+$0x850]  }
0x219: {  	[tilespmem:$0x1F520] =	vst v1;
	v1 =	vld [tilespmem:s20+$0x44D0];
	_ =	sdelay $0x3  }
0x21a: {  	[tilespmem:$0x1F140] =	vst v0;
	v0 =	vld [tilespmem:s20+$0x4850]  }
0x21b: {  	[tilespmem:$0x1F530] =	vst v1;
	v1 =	vld [tilespmem:s20+$0x540];
	_ =	sdelay $0x3  }
0x21c: {  	[tilespmem:$0x1F150] =	vst v0;
	v0 =	vld [tilespmem:s20+$0x8C0]  }
0x21d: {  	[tilespmem:$0x1F580] =	vst v1;
	v1 =	vld [tilespmem:s20+$0x4540];
	_ =	sdelay $0x3  }
0x21e: {  	[tilespmem:$0x1F180] =	vst v0;
	v0 =	vld [tilespmem:s20+$0x48C0]  }
0x21f: {  	[tilespmem:$0x1F590] =	vst v1;
	v1 =	vld [tilespmem:s20+$0x5B0];
	_ =	sdelay $0x3  }
0x220: {  	[tilespmem:$0x1F190] =	vst v0;
	v0 =	vld [tilespmem:s20+$0x6F0]  }
0x221: {  	[tilespmem:$0x1F560] =	vst v1;
	v1 =	vld [tilespmem:s20+$0x45B0];
	_ =	sdelay $0x3  }
0x222: {  	[tilespmem:$0x1F160] =	vst v0;
	v0 =	vld [tilespmem:s20+$0x46F0]  }
0x223: {  	[tilespmem:$0x1F570] =	vst v1;
	v1 =	vld [tilespmem:s20+$0x620];
	_ =	sdelay $0x3  }
0x224: {  	[tilespmem:$0x1F170] =	vst v0;
	v0 =	vld [tilespmem:s20+$0x760]  }
0x225: {  	[tilespmem:$0x1F540] =	vst v1;
	v1 =	vld [tilespmem:s20+$0x4620];
	_ =	sdelay $0x3  }
0x226: {  	[tilespmem:$0x1F1A0] =	vst v0;
	v0 =	vld [tilespmem:s20+$0x4760]  }
0x227: {  	[tilespmem:$0x1F550] =	vst v1;
	v1 =	vld [tilespmem:s20+$0x370];
	_ =	sdelay $0x3  }
0x228: {  	[tilespmem:$0x1F1B0] =	vst v0;
	v0 =	vld [tilespmem:s20+$0x7D0]  }
0x229: {  	[tilespmem:$0x1F5C0] =	vst v1;
	v1 =	vld [tilespmem:s20+$0x4370];
	_ =	sdelay $0x3  }
0x22a: {  	[tilespmem:$0x1F1C0] =	vst v0;
	v0 =	vld [tilespmem:s20+$0x47D0]  }
0x22b: {  	[tilespmem:$0x1F5D0] =	vst v1;
	v1 =	vld [tilespmem:s20+$0x3E0];
	_ =	sdelay $0x3  }
0x22c: {  	[tilespmem:$0x1F1D0] =	vst v0;
	v0 =	vld [tilespmem:s20+$0x840]  }
0x22d: {  	[tilespmem:$0x1F5E0] =	vst v1;
	v1 =	vld [tilespmem:s20+$0x43E0];
	_ =	sdelay $0x3  }
0x22e: {  	[tilespmem:$0x1F200] =	vst v0;
	v0 =	vld [tilespmem:s20+$0x4840]  }
0x22f: {  	[tilespmem:$0x1F5F0] =	vst v1;
	v1 =	vld [tilespmem:s20+$0x450];
	_ =	sdelay $0x3  }
0x230: {  	[tilespmem:$0x1F210] =	vst v0;
	v0 =	vld [tilespmem:s20+$0x670]  }
0x231: {  	[tilespmem:$0x1F680] =	vst v1;
	v1 =	vld [tilespmem:s20+$0x4450];
	_ =	sdelay $0x3  }
0x232: {  	[tilespmem:$0x1F1E0] =	vst v0;
	v0 =	vld [tilespmem:s20+$0x4670]  }
0x233: {  	[tilespmem:$0x1F690] =	vst v1;
	v1 =	vld [tilespmem:s20+$0x4C0];
	_ =	sdelay $0x3  }
0x234: {  	[tilespmem:$0x1F1F0] =	vst v0;
	v0 =	vld [tilespmem:s20+$0x6E0]  }
0x235: {  	[tilespmem:$0x1F620] =	vst v1;
	v1 =	vld [tilespmem:s20+$0x44C0];
	_ =	sdelay $0x3  }
0x236: {  	[tilespmem:$0x1F220] =	vst v0;
	v0 =	vld [tilespmem:s20+$0x46E0]  }
0x237: {  	[tilespmem:$0x1F630] =	vst v1;
	v1 =	vld [tilespmem:s20+$0x530];
	_ =	sdelay $0x3  }
0x238: {  	[tilespmem:$0x1F230] =	vst v0;
	v0 =	vld [tilespmem:s20+$0x750]  }
0x239: {  	[tilespmem:$0x1F5A0] =	vst v1;
	v1 =	vld [tilespmem:s20+$0x4530];
	_ =	sdelay $0x3  }
0x23a: {  	[tilespmem:$0x1F240] =	vst v0;
	v0 =	vld [tilespmem:s20+$0x4750]  }
0x23b: {  	[tilespmem:$0x1F5B0] =	vst v1;
	v1 =	vld [tilespmem:s20+$0x2F0];
	_ =	sdelay $0x3  }
0x23c: {  	[tilespmem:$0x1F250] =	vst v0;
	v0 =	vld [tilespmem:s20+$0x7C0]  }
0x23d: {  	[tilespmem:$0x1F820] =	vst v1;
	v1 =	vld [tilespmem:s20+$0x360];
	_ =	sdelay $0x3  }
0x23e: {  	[tilespmem:$0x1F2A0] =	vst v0;
	v0 =	vld [tilespmem:s20+$0x47C0]  }
0x23f: {  	[tilespmem:$0x1F6A0] =	vst v1;
	v1 =	vld [tilespmem:s20+$0x4360];
	_ =	sdelay $0x3  }
0x240: {  	[tilespmem:$0x1F2B0] =	vst v0;
	v0 =	vld [tilespmem:s20+$0x830]  }
0x241: {  	[tilespmem:$0x1F6B0] =	vst v1;
	v1 =	vld [tilespmem:s20+$0x3D0];
	_ =	sdelay $0x3  }
0x242: {  	[tilespmem:$0x1F260] =	vst v0;
	v0 =	vld [tilespmem:s20+$0x4830]  }
0x243: {  	[tilespmem:$0x1F6C0] =	vst v1;
	v1 =	vld [tilespmem:s20+$0x43D0];
	_ =	sdelay $0x3  }
0x244: {  	[tilespmem:$0x1F270] =	vst v0;
	v0 =	vld [tilespmem:s20+$0x5F0]  }
0x245: {  	[tilespmem:$0x1F6D0] =	vst v1;
	v1 =	vld [tilespmem:s20+$0x440];
	_ =	sdelay $0x3  }
0x246: {  	[tilespmem:$0x1F2C0] =	vst v0;
	v0 =	vld [tilespmem:s20+$0x45F0]  }
0x247: {  	[tilespmem:$0x1F660] =	vst v1;
	v1 =	vld [tilespmem:s20+$0x4440];
	_ =	sdelay $0x3  }
0x248: {  	[tilespmem:$0x1F2D0] =	vst v0;
	v0 =	vld [tilespmem:s20+$0x660]  }
0x249: {  	[tilespmem:$0x1F670] =	vst v1;
	v1 =	vld [tilespmem:s20+$0x4B0];
	_ =	sdelay $0x3  }
0x24a: {  	[tilespmem:$0x1F300] =	vst v0;
	v0 =	vld [tilespmem:s20+$0x4660]  }
0x24b: {  	[tilespmem:$0x1F600] =	vst v1;
	v1 =	vld [tilespmem:s20+$0x44B0];
	_ =	sdelay $0x3  }
0x24c: {  	[tilespmem:$0x1F310] =	vst v0;
	v0 =	vld [tilespmem:s20+$0x6D0]  }
0x24d: {  	[tilespmem:$0x1F610] =	vst v1;
	v1 =	vld [tilespmem:s20+$0x270];
	_ =	sdelay $0x3  }
0x24e: {  	[tilespmem:$0x1F320] =	vst v0;
	v0 =	vld [tilespmem:s20+$0x46D0]  }
0x24f: {  	[tilespmem:$0x1F830] =	vst v1;
	v1 =	vld [tilespmem:s20+$0x2E0];
	_ =	sdelay $0x3  }
0x250: {  	[tilespmem:$0x1F330] =	vst v0;
	v0 =	vld [tilespmem:s20+$0x740]  }
0x251: {  	[tilespmem:$0x1F6E0] =	vst v1;
	v1 =	vld [tilespmem:s20+$0x42E0];
	_ =	sdelay $0x3  }
0x252: {  	[tilespmem:$0x1F2E0] =	vst v0;
	v0 =	vld [tilespmem:s20+$0x4740]  }
0x253: {  	[tilespmem:$0x1F6F0] =	vst v1;
	v1 =	vld [tilespmem:s20+$0x350];
	_ =	sdelay $0x3  }
0x254: {  	[tilespmem:$0x1F2F0] =	vst v0;
	v0 =	vld [tilespmem:s20+$0x7B0]  }
0x255: {  	[tilespmem:$0x1F700] =	vst v1;
	v1 =	vld [tilespmem:s20+$0x4350];
	_ =	sdelay $0x2  }
0x256: {  	v2 =	vld [tilespmem:s20+$0x8F0]  }
0x257: {  	[tilespmem:$0x1F280] =	vst v0;
	v0 =	vld [tilespmem:s20+$0x47B0]  }
0x258: {  	[tilespmem:$0x1F710] =	vst v1;
	v1 =	vld [tilespmem:s20+$0x3C0]  }
0x259: {  	v41 =	vld [tilespmem:s20+$0x48F0]  }
0x25a: {  	v18 =	vld [tilespmem:s20+$0x870]  }
0x25b: {  	v16 =	vld [tilespmem:s20+$0x4880]  }
0x25c: {  	[tilespmem:$0x1F290] =	vst v0;
	v0 =	vld [tilespmem:s20+$0x880]  }
0x25d: {  	[tilespmem:$0x1F720] =	vst v1;
	v1 =	vld [tilespmem:s20+$0x43C0]  }
0x25e: {  	v37 =	vld [tilespmem:s20+$0x4870]  }
0x25f: {  	v42 =	vld [tilespmem:s20+$0x8E0]  }
0x260: {  	v46 =	vld [tilespmem:s20+$0x860]  }
0x261: {  	v16 =	vmul.f32 v16, v0;
	v0 =	vld [tilespmem:$0x1F0E0]  }
0x262: {  	[tilespmem:$0x1F730] =	vst v1;
	v1 =	vld [tilespmem:s20+$0x430]  }
0x263: {  	v63 =	vld [tilespmem:s20+$0x48E0]  }
0x264: {  	v3 =	vld [tilespmem:s20+$0x7F0]  }
0x265: {  	v59 =	vld [tilespmem:s20+$0x8D0]  }
0x266: {  	v46 =	vmul.f32 v0, v46;
	v0 =	vld [tilespmem:$0x1F0F0]  }
0x267: {  	[tilespmem:$0x1F640] =	vst v1;
	v1 =	vld [tilespmem:s20+$0x4430]  }
0x268: {  	v36 =	vld [tilespmem:s20+$0x47F0]  }
0x269: {  	v55 =	vld [tilespmem:s20+$0x8B0]  }
0x26a: {  	v52 =	vld [tilespmem:s20+$0x48B0]  }
0x26b: {  	v59 =	vmul.f32 v0, v59;
	v0 =	vld [tilespmem:$0x1F100]  }
0x26c: {  	[tilespmem:$0x1F650] =	vst v1;
	v1 =	vld [tilespmem:$0x1F110]  }
0x26d: {  	v34 =	vld [tilespmem:s20+$0x8A0]  }
0x26e: {  	v28 =	vld [tilespmem:s20+$0x48A0]  }
0x26f: {  	v44 =	vld [tilespmem:s20+$0x820]  }
0x270: {  	v13 =	vld [tilespmem:s20+$0x890];
	v48 =	vmul.f32 v63, v42  }
0x271: {  	v42 =	vmul.f32 v36, v3;
	v36 =	vmul.f32 v1, v0;
	v0 =	vld [tilespmem:$0x1F120]  }
0x272: {  	v1 =	vld [tilespmem:$0x1F130]  }
0x273: {  	v12 =	vld [tilespmem:s20+$0x4890]  }
0x274: {  	v19 =	vld [tilespmem:s20+$0x800]  }
0x275: {  	v17 =	vld [tilespmem:s20+$0x4800]  }
0x276: {  	v15 =	vld [tilespmem:s20+$0x810];
	v53 =	vmul.f32 v41, v2  }
0x277: {  	v41 =	vmul.f32 v37, v18;
	v18 =	vmul.f32 v1, v0;
	v0 =	vld [tilespmem:$0x1F140]  }
0x278: {  	v1 =	vld [tilespmem:$0x1F150]  }
0x279: {  	v11 =	vld [tilespmem:s20+$0x780]  }
0x27a: {  	v9 =	vld [tilespmem:s20+$0x4780]  }
0x27b: {  	v14 =	vld [tilespmem:s20+$0x4810]  }
0x27c: {  	v2 =	vld [tilespmem:$0x1F170]  }
0x27d: {  	v1 =	vmul.f32 v1, v0;
	v0 =	vld [tilespmem:$0x1F160]  }
0x27e: {  	v49 =	vld [tilespmem:s20+$0x790];
	v12 =	vmul.f32 v12, v13  }
0x27f: {  	v9 =	vmul.f32 v9, v11;
	v11 =	vld [tilespmem:s20+$0x42D0]  }
0x280: {  	v8 =	vld [tilespmem:s20+$0x4790];
	v34 =	vmul.f32 v28, v34;
	v16 =	vadd.f32 v12, v16  }
0x281: {  	v39 =	vld [tilespmem:s20+$0x4820]  }
0x282: {  	v34 =	vadd.f32 v34, v16;
	v16 =	vmul.f32 v2, v0;
	v0 =	vld [tilespmem:$0x1F180]  }
0x283: {  	v2 =	vld [tilespmem:$0x1F190]  }
0x284: {  	v17 =	vmul.f32 v17, v19;
	[tilespmem:$0x1F770] =	vst v11;
	v11 =	vld [tilespmem:$0x1F240]  }
0x285: {  	v14 =	vmul.f32 v14, v15;
	v8 =	vmul.f32 v8, v49;
	v49 =	vld [tilespmem:$0x1F250]  }
0x286: {  	v55 =	vmul.f32 v52, v55  }
0x287: {  	v14 =	vadd.f32 v14, v17;
	v17 =	vmul.f32 v39, v44  }
0x288: {  	v34 =	vadd.f32 v55, v34;
	v2 =	vmul.f32 v2, v0  }
0x289: {  	v14 =	vadd.f32 v17, v14;
	v17 =	vld [tilespmem:$0x1F270]  }
0x28a: {  	v2 =	vadd.f32 v2, v34;
	v34 =	vmul.f32 v49, v11;
	v11 =	vld [tilespmem:$0x1F260];
	_ =	sdelay $0x4  }
0x28b: {  	v17 =	vmul.f32 v17, v11;
	v11 =	vld [tilespmem:s20+$0x340];
	_ =	sdelay $0x3  }
0x28c: {  	v32 =	vld [tilespmem:s20+$0x7A0]  }
0x28d: {  	[tilespmem:$0x1F780] =	vst v11;
	v11 =	vld [tilespmem:s20+$0x4340]  }
0x28e: {  	v29 =	vld [tilespmem:s20+$0x47A0]  }
0x28f: {  	v15 =	vld [tilespmem:s20+$0x1F0];
	_ =	sdelay $0x2  }
0x290: {  	[tilespmem:$0x1F790] =	vst v11;
	v11 =	vld [tilespmem:s20+$0x3B0];
	_ =	sdelay $0x1  }
0x291: {  	v8 =	vadd.f32 v8, v9;
	v9 =	vmul.f32 v29, v32;
	[tilespmem:$0x1F890] =	vst v15;
	v15 =	vld [tilespmem:$0x1F1E0];
	v2 =	vadd.f32 v59, v2  }
0x292: {  	v19 =	vld [tilespmem:$0x1F1F0]  }
0x293: {  	v8 =	vadd.f32 v9, v8;
	v9 =	vld [tilespmem:$0x1F280];
	v2 =	vadd.f32 v48, v2  }
0x294: {  	[tilespmem:$0x1F7A0] =	vst v11;
	v11 =	vld [tilespmem:$0x1F290]  }
0x295: {  	v53 =	vadd.f32 v53, v2;
	v2 =	vld [tilespmem:s20+$0x43B0];
	_ =	sdelay $0x2  }
0x296: {  	v55 =	vmul.f32 v19, v15;
	v15 =	vld [tilespmem:$0x1F200]  }
0x297: {  	v19 =	vld [tilespmem:$0x1F210];
	v9 =	vmul.f32 v11, v9  }
0x298: {  	[tilespmem:$0x1F7B0] =	vst v2;
	v2 =	vld [tilespmem:$0x1F2A0]  }
0x299: {  	v8 =	vadd.f32 v9, v8;
	v9 =	vld [tilespmem:$0x1F2B0];
	_ =	sdelay $0x2  }
0x29a: {  	v21 =	vld [tilespmem:s20+$0x720];
	v15 =	vmul.f32 v19, v15;
	v14 =	vadd.f32 v17, v14  }
0x29b: {  	v4 =	vld [tilespmem:s20+$0x700]  }
0x29c: {  	v14 =	vadd.f32 v15, v14;
	v15 =	vmul.f32 v9, v2;
	v2 =	vld [tilespmem:$0x1F2C0]  }
0x29d: {  	v9 =	vld [tilespmem:$0x1F2D0]  }
0x29e: {  	v60 =	vld [tilespmem:s20+$0x4700]  }
0x29f: {  	v61 =	vld [tilespmem:s20+$0x710]  }
0x2a0: {  	v51 =	vld [tilespmem:s20+$0x4710]  }
0x2a1: {  	v1 =	vadd.f32 v1, v14;
	v14 =	vld [tilespmem:$0x1F2F0]  }
0x2a2: {  	v9 =	vmul.f32 v9, v2;
	v2 =	vld [tilespmem:$0x1F2E0]  }
0x2a3: {  	v20 =	vld [tilespmem:s20+$0x4720]  }
0x2a4: {  	v54 =	vld [tilespmem:s20+$0x730]  }
0x2a5: {  	v43 =	vld [tilespmem:s20+$0x4730]  }
0x2a6: {  	v4 =	vmul.f32 v60, v4;
	v29 =	vmul.f32 v51, v61;
	v0 =	vld [tilespmem:s20+$0x170]  }
0x2a7: {  	v8 =	vadd.f32 v15, v8;
	v15 =	vmul.f32 v14, v2;
	v2 =	vld [tilespmem:$0x1F300]  }
0x2a8: {  	v4 =	vadd.f32 v29, v4;
	v17 =	vmul.f32 v20, v21;
	v14 =	vld [tilespmem:$0x1F310];
	_ =	sdelay $0x1  }
0x2a9: {  	v3 =	vld [tilespmem:$0x1F1B0];
	v21 =	vmul.f32 v43, v54;
	v4 =	vadd.f32 v17, v4  }
0x2aa: {  	[tilespmem:$0x1F740] =	vst v0;
	v0 =	vld [tilespmem:$0x1F1A0]  }
0x2ab: {  	v4 =	vadd.f32 v21, v4;
	v21 =	vld [tilespmem:$0x1F330]  }
0x2ac: {  	v14 =	vmul.f32 v14, v2;
	v2 =	vld [tilespmem:$0x1F320];
	_ =	sdelay $0x1  }
0x2ad: {  	v47 =	vld [tilespmem:$0x1F1D0]  }
0x2ae: {  	v3 =	vmul.f32 v3, v0;
	v0 =	vld [tilespmem:$0x1F1C0];
	_ =	sdelay $0x1  }
0x2af: {  	v21 =	vmul.f32 v21, v2;
	v2 =	vld [tilespmem:$0x1FFC0]  }
0x2b0: {  	v20 =	vperm.xlane v53, v22;
	_ =	sdelay $0x1  }
0x2b1: {  	v20 =	vadd.f32 v53, v20;
	v0 =	vmul.f32 v47, v0;
	_ =	sdelay $0x1  }
0x2b2: {  	v0 =	vadd.f32 v0, v8;
	v8 =	vperm.xlane v20, v2;
	v2 =	vld [tilespmem:s20+$0x160];
	_ =	sdelay $0x4  }
0x2b3: {  	[tilespmem:$0x1F7C0] =	vst v2;
	v2 =	vld [tilespmem:s20+$0x4160];
	_ =	sdelay $0x4  }
0x2b4: {  	[tilespmem:$0x1F7D0] =	vst v2;
	v2 =	vld [tilespmem:s20+$0x1E0];
	_ =	sdelay $0x2  }
0x2b5: {  	v10 =	vld [tilespmem:s20+$0x680]  }
0x2b6: {  	v7 =	vld [tilespmem:s20+$0x4680]  }
0x2b7: {  	[tilespmem:$0x1F9A0] =	vst v2;
	v2 =	vld [tilespmem:s20+$0x250]  }
0x2b8: {  	v6 =	vld [tilespmem:s20+$0x690]  }
0x2b9: {  	v5 =	vld [tilespmem:s20+$0x4690];
	_ =	sdelay $0x2  }
0x2ba: {  	[tilespmem:$0x1F9D0] =	vst v2;
	v2 =	vld [tilespmem:s20+$0x2C0];
	_ =	sdelay $0x1  }
0x2bb: {  	v7 =	vmul.f32 v7, v10;
	v5 =	vmul.f32 v5, v6;
	_ =	sdelay $0x1  }
0x2bc: {  	v7 =	vadd.f32 v5, v7;
	v5 =	vld [tilespmem:$0x1F350]  }
0x2bd: {  	[tilespmem:$0x1F7E0] =	vst v2;
	v2 =	vld [tilespmem:$0x1F340];
	_ =	sdelay $0x1  }
0x2be: {  	v1 =	vadd.f32 v46, v1;
	_ =	sdelay $0x1  }
0x2bf: {  	v1 =	vadd.f32 v41, v1  }
0x2c0: {  	v10 =	vadd.f32 v20, v8;
	v20 =	vmul.f32 v5, v2;
	v2 =	vld [tilespmem:$0x1FFC0]  }
0x2c1: {  	v6 =	vperm.xlane v1, v22;
	_ =	sdelay $0x1  }
0x2c2: {  	v1 =	vadd.f32 v1, v6  }
0x2c3: {  	v30 =	vld [tilespmem:s20+$0x6A0]  }
0x2c4: {  	v0 =	vadd.f32 v18, v0;
	v18 =	vperm.xlane v1, v2;
	v2 =	vld [tilespmem:s20+$0x330]  }
0x2c5: {  	v23 =	vld [tilespmem:s20+$0x46A0]  }
0x2c6: {  	v58 =	vld [tilespmem:s20+$0x6B0]  }
0x2c7: {  	v57 =	vld [tilespmem:s20+$0x46B0]  }
0x2c8: {  	v4 =	vadd.f32 v15, v4;
	v5 =	vld [tilespmem:$0x1F370]  }
0x2c9: {  	[tilespmem:$0x1F7F0] =	vst v2;
	v2 =	vld [tilespmem:$0x1F360]  }
0x2ca: {  	v4 =	vadd.f32 v34, v4;
	v8 =	vmul.f32 v23, v30;
	_ =	sdelay $0x1  }
0x2cb: {  	v3 =	vadd.f32 v3, v4;
	v4 =	vadd.f32 v8, v7;
	v7 =	vmul.f32 v57, v58;
	_ =	sdelay $0x1  }
0x2cc: {  	v4 =	vadd.f32 v7, v4;
	v7 =	vmul.f32 v5, v2;
	v2 =	vld [tilespmem:s20+$0x4330];
	_ =	sdelay $0x3  }
0x2cd: {  	v5 =	vld [tilespmem:$0x1F390]  }
0x2ce: {  	[tilespmem:$0x1F800] =	vst v2;
	v2 =	vld [tilespmem:$0x1F380];
	_ =	sdelay $0x4  }
0x2cf: {  	v44 =	vmul.f32 v5, v2;
	v2 =	vld [tilespmem:$0x1F3A0]  }
0x2d0: {  	v5 =	vld [tilespmem:$0x1F3B0];
	_ =	sdelay $0x3  }
0x2d1: {  	v0 =	vadd.f32 v42, v0  }
0x2d2: {  	v1 =	vadd.f32 v1, v18;
	v18 =	vmul.f32 v5, v2;
	v2 =	vld [tilespmem:$0x1FFC0]  }
0x2d3: {  	v8 =	vperm.xlane v0, v22;
	_ =	sdelay $0x1  }
0x2d4: {  	v0 =	vadd.f32 v0, v8  }
0x2d5: {  	v7 =	vadd.f32 v7, v4;
	v4 =	vld [tilespmem:$0x1F3D0]  }
0x2d6: {  	v23 =	vperm.xlane v0, v2;
	v2 =	vld [tilespmem:$0x1F3C0];
	_ =	sdelay $0x3  }
0x2d7: {  	v5 =	vld [tilespmem:$0x1F3F0]  }
0x2d8: {  	v4 =	vmul.f32 v4, v2;
	v2 =	vld [tilespmem:$0x1F3E0];
	_ =	sdelay $0x4  }
0x2d9: {  	v57 =	vmul.f32 v5, v2;
	v2 =	vld [tilespmem:$0x1F400]  }
0x2da: {  	v5 =	vld [tilespmem:$0x1F410];
	_ =	sdelay $0x3  }
0x2db: {  	v3 =	vadd.f32 v36, v3  }
0x2dc: {  	v41 =	vmul.f32 v5, v2;
	v2 =	vld [tilespmem:$0x1FFC0]  }
0x2dd: {  	v8 =	vperm.xlane v3, v22;
	_ =	sdelay $0x1  }
0x2de: {  	v3 =	vadd.f32 v3, v8  }
0x2df: {  	v5 =	vld [tilespmem:$0x1F430]  }
0x2e0: {  	v7 =	vadd.f32 v21, v7;
	v21 =	vperm.xlane v3, v2;
	v2 =	vld [tilespmem:$0x1F420];
	_ =	sdelay $0x4  }
0x2e1: {  	v36 =	vmul.f32 v5, v2;
	v2 =	vld [tilespmem:$0x1F440]  }
0x2e2: {  	v5 =	vld [tilespmem:$0x1F450];
	_ =	sdelay $0x4  }
0x2e3: {  	v8 =	vmul.f32 v5, v2;
	v2 =	vld [tilespmem:$0x1F460]  }
0x2e4: {  	v5 =	vld [tilespmem:$0x1F470];
	_ =	sdelay $0x4  }
0x2e5: {  	v60 =	vmul.f32 v5, v2;
	v2 =	vld [tilespmem:$0x1F480]  }
0x2e6: {  	v5 =	vld [tilespmem:$0x1F490];
	_ =	sdelay $0x1  }
0x2e7: {  	v19 =	vld [tilespmem:s20+$0x260]  }
0x2e8: {  	v47 =	vld [tilespmem:s20+$0x4170];
	_ =	sdelay $0x1  }
0x2e9: {  	v59 =	vmul.f32 v5, v2;
	v2 =	vld [tilespmem:$0x1F4A0]  }
0x2ea: {  	v5 =	vld [tilespmem:$0x1F4B0]  }
0x2eb: {  	[tilespmem:$0x1F8A0] =	vst v19;
	v19 =	vld [tilespmem:$0x1F220]  }
0x2ec: {  	[tilespmem:$0x1F750] =	vst v47;
	v47 =	vld [tilespmem:$0x1F230];
	_ =	sdelay $0x2  }
0x2ed: {  	v46 =	vmul.f32 v5, v2;
	v2 =	vld [tilespmem:$0x1F4C0]  }
0x2ee: {  	v5 =	vld [tilespmem:$0x1F4D0]  }
0x2ef: {  	v19 =	vmul.f32 v47, v19;
	_ =	sdelay $0x1  }
0x2f0: {  	v7 =	vadd.f32 v19, v7;
	_ =	sdelay $0x1  }
0x2f1: {  	v7 =	vadd.f32 v16, v7;
	v16 =	vmul.f32 v5, v2;
	v5 =	vld [tilespmem:s20+$0x1D0];
	_ =	sdelay $0x3  }
0x2f2: {  	v3 =	vadd.f32 v3, v21;
	v21 =	vld [tilespmem:$0x1F4F0]  }
0x2f3: {  	[tilespmem:$0x1FC10] =	vst v5;
	v5 =	vld [tilespmem:$0x1F4E0];
	_ =	sdelay $0x4  }
0x2f4: {  	v6 =	vperm.xlane v10, v24;
	v5 =	vmul.f32 v21, v5;
	_ =	sdelay $0x1  }
0x2f5: {  	v40 =	vld [tilespmem:s20+$0x600];
	[tilespmem:$0x1FBC0] =	vst v5;
	v5 =	vadd.f32 v10, v6  }
0x2f6: {  	v38 =	vld [tilespmem:s20+$0x4600]  }
0x2f7: {  	[tilespmem:$0x1F810] =	vst v5;
	v5 =	vld [tilespmem:s20+$0x240];
	_ =	sdelay $0x1  }
0x2f8: {  	v34 =	vperm.xlane v1, v24;
	_ =	sdelay $0x1  }
0x2f9: {  	v6 =	vmul.f32 v38, v40;
	v40 =	vadd.f32 v1, v34;
	v1 =	vld [tilespmem:$0x1F500]  }
0x2fa: {  	[tilespmem:$0x1FC40] =	vst v5;
	v5 =	vld [tilespmem:$0x1F510];
	_ =	sdelay $0x2  }
0x2fb: {  	v33 =	vld [tilespmem:s20+$0x610]  }
0x2fc: {  	v27 =	vld [tilespmem:s20+$0x4610]  }
0x2fd: {  	v61 =	vmul.f32 v5, v1;
	v1 =	vld [tilespmem:$0x1F520]  }
0x2fe: {  	v5 =	vld [tilespmem:$0x1F530];
	_ =	sdelay $0x2  }
0x2ff: {  	v35 =	vld [tilespmem:s20+$0x580]  }
0x300: {  	v31 =	vld [tilespmem:s20+$0x4580]  }
0x301: {  	v10 =	vmul.f32 v27, v33;
	v33 =	vmul.f32 v5, v1;
	v1 =	vld [tilespmem:$0x1F540]  }
0x302: {  	v5 =	vld [tilespmem:$0x1F550]  }
0x303: {  	v26 =	vld [tilespmem:s20+$0x590]  }
0x304: {  	v25 =	vld [tilespmem:s20+$0x4590];
	v0 =	vadd.f32 v0, v23  }
0x305: {  	v13 =	vld [tilespmem:s20+$0x500]  }
0x306: {  	v28 =	vld [tilespmem:s20+$0x510];
	v19 =	vperm.xlane v0, v24  }
0x307: {  	v21 =	vperm.xlane v7, v22;
	v6 =	vadd.f32 v10, v6;
	v10 =	vmul.f32 v5, v1;
	v1 =	vld [tilespmem:$0x1FFC0]  }
0x308: {  	v52 =	vld [tilespmem:s20+$0x4510];
	v0 =	vadd.f32 v0, v19  }
0x309: {  	v12 =	vld [tilespmem:s20+$0x4500];
	v19 =	vmul.f32 v31, v35;
	v7 =	vadd.f32 v7, v21;
	v21 =	vmul.f32 v25, v26;
	_ =	sdelay $0x1  }
0x30a: {  	v19 =	vadd.f32 v21, v19;
	v21 =	vld [tilespmem:$0x1F570]  }
0x30b: {  	v6 =	vadd.f32 v10, v6;
	v10 =	vperm.xlane v7, v1;
	v1 =	vld [tilespmem:$0x1F560]  }
0x30c: {  	v50 =	vld [tilespmem:s20+$0x520]  }
0x30d: {  	v45 =	vld [tilespmem:s20+$0x4520];
	v12 =	vmul.f32 v12, v13;
	v13 =	vmul.f32 v52, v28  }
0x30e: {  	v6 =	vadd.f32 v16, v6  }
0x30f: {  	v16 =	vadd.f32 v7, v10;
	v7 =	vadd.f32 v13, v12;
	v12 =	vld [tilespmem:$0x1F590]  }
0x310: {  	v21 =	vmul.f32 v21, v1;
	v1 =	vld [tilespmem:$0x1F580]  }
0x311: {  	v56 =	vld [tilespmem:s20+$0x5A0]  }
0x312: {  	v62 =	vld [tilespmem:s20+$0x45A0];
	v10 =	vmul.f32 v45, v50  }
0x313: {  	v63 =	vld [tilespmem:s20+$0x4A0]  }
0x314: {  	v7 =	vadd.f32 v10, v7;
	v10 =	vld [tilespmem:$0x1F5B0]  }
0x315: {  	v12 =	vmul.f32 v12, v1;
	v1 =	vld [tilespmem:$0x1F5A0]  }
0x316: {  	v37 =	vld [tilespmem:s20+$0x44A0]  }
0x317: {  	v32 =	vld [tilespmem:s20+$0x4480];
	v13 =	vadd.f32 v36, v6  }
0x318: {  	v51 =	vld [tilespmem:s20+$0x4490]  }
0x319: {  	v13 =	vadd.f32 v18, v13;
	v18 =	vld [tilespmem:$0x1F5D0]  }
0x31a: {  	v10 =	vmul.f32 v10, v1;
	v1 =	vld [tilespmem:$0x1F5C0]  }
0x31b: {  	v49 =	vld [tilespmem:s20+$0x400]  }
0x31c: {  	v43 =	vld [tilespmem:s20+$0x490]  }
0x31d: {  	v17 =	vld [tilespmem:s20+$0x480]  }
0x31e: {  	v2 =	vperm.xlane v3, v24;
	v13 =	vadd.f32 v14, v13;
	v14 =	vld [tilespmem:$0x1F5F0]  }
0x31f: {  	v36 =	vmul.f32 v18, v1;
	v1 =	vld [tilespmem:$0x1F5E0]  }
0x320: {  	v48 =	vld [tilespmem:s20+$0x410];
	v23 =	vadd.f32 v3, v2;
	v2 =	vmul.f32 v62, v56  }
0x321: {  	v53 =	vld [tilespmem:s20+$0x4400];
	v7 =	vadd.f32 v10, v7  }
0x322: {  	v42 =	vld [tilespmem:s20+$0x4410];
	v2 =	vadd.f32 v2, v19  }
0x323: {  	v17 =	vmul.f32 v32, v17;
	v7 =	vadd.f32 v12, v7;
	v12 =	vld [tilespmem:$0x1F610]  }
0x324: {  	v2 =	vadd.f32 v21, v2;
	v21 =	vmul.f32 v51, v43;
	v28 =	vmul.f32 v14, v1;
	v1 =	vld [tilespmem:$0x1F600]  }
0x325: {  	v39 =	vld [tilespmem:s20+$0x420]  }
0x326: {  	v11 =	vld [tilespmem:s20+$0x4420];
	v10 =	vadd.f32 v21, v17;
	v17 =	vmul.f32 v37, v63;
	_ =	sdelay $0x1  }
0x327: {  	v10 =	vadd.f32 v17, v10;
	v17 =	vmul.f32 v53, v49;
	v14 =	vadd.f32 v55, v13;
	v13 =	vld [tilespmem:$0x1F630]  }
0x328: {  	v55 =	vmul.f32 v42, v48;
	v12 =	vmul.f32 v12, v1;
	v1 =	vld [tilespmem:$0x1F620];
	_ =	sdelay $0x1  }
0x329: {  	v11 =	vmul.f32 v11, v39;
	v10 =	vadd.f32 v12, v10;
	v12 =	vadd.f32 v55, v17;
	_ =	sdelay $0x1  }
0x32a: {  	v11 =	vadd.f32 v11, v12;
	v12 =	vld [tilespmem:$0x1F650]  }
0x32b: {  	v2 =	vadd.f32 v46, v2;
	v13 =	vmul.f32 v13, v1;
	v1 =	vld [tilespmem:$0x1F640];
	_ =	sdelay $0x1  }
0x32c: {  	v2 =	vadd.f32 v41, v2;
	_ =	sdelay $0x1  }
0x32d: {  	v2 =	vadd.f32 v44, v2  }
0x32e: {  	v12 =	vmul.f32 v12, v1;
	v1 =	vld [tilespmem:$0x1FFC0]  }
0x32f: {  	v2 =	vadd.f32 v9, v2;
	v9 =	vperm.xlane v14, v22;
	_ =	sdelay $0x1  }
0x330: {  	v9 =	vadd.f32 v14, v9;
	v17 =	vperm.xlane v2, v22  }
0x331: {  	v11 =	vadd.f32 v12, v11;
	v12 =	vld [tilespmem:$0x1F670]  }
0x332: {  	v2 =	vadd.f32 v2, v17;
	v17 =	vperm.xlane v9, v1;
	v1 =	vld [tilespmem:$0x1F660];
	_ =	sdelay $0x2  }
0x333: {  	v7 =	vadd.f32 v59, v7;
	_ =	sdelay $0x1  }
0x334: {  	v7 =	vadd.f32 v57, v7;
	v57 =	vmul.f32 v12, v1;
	v1 =	vld [tilespmem:$0x1FFC0];
	_ =	sdelay $0x3  }
0x335: {  	v9 =	vadd.f32 v9, v17;
	v17 =	vld [tilespmem:$0x1F690]  }
0x336: {  	v59 =	vperm.xlane v2, v1;
	v1 =	vld [tilespmem:$0x1F680]  }
0x337: {  	v47 =	vld [tilespmem:s20+$0x2D0];
	_ =	sdelay $0x1  }
0x338: {  	v29 =	vld [tilespmem:s20+$0x43A0];
	v10 =	vadd.f32 v13, v10  }
0x339: {  	v52 =	vld [tilespmem:s20+$0x4380];
	v7 =	vadd.f32 v20, v7  }
0x33a: {  	v20 =	vadd.f32 v33, v10;
	v17 =	vmul.f32 v17, v1;
	v1 =	vld [tilespmem:$0x1FFC0]  }
0x33b: {  	[tilespmem:$0x1F760] =	vst v47;
	v47 =	vld [tilespmem:s20+$0x3A0];
	v56 =	vperm.xlane v7, v22  }
0x33c: {  	v54 =	vld [tilespmem:s20+$0x150];
	v20 =	vadd.f32 v60, v20  }
0x33d: {  	v32 =	vld [tilespmem:s20+$0x230];
	v7 =	vadd.f32 v7, v56  }
0x33e: {  	v20 =	vadd.f32 v4, v20;
	v4 =	vld [tilespmem:$0x1F6B0]  }
0x33f: {  	v60 =	vperm.xlane v7, v1;
	v1 =	vld [tilespmem:$0x1F6A0]  }
0x340: {  	v29 =	vmul.f32 v29, v47;
	v47 =	vld [tilespmem:s20+$0x4180]  }
0x341: {  	v15 =	vld [tilespmem:s20+$0x4150]  }
0x342: {  	v30 =	vld [tilespmem:s20+$0x42B0]  }
0x343: {  	v63 =	vld [tilespmem:$0x1F6D0]  }
0x344: {  	v4 =	vmul.f32 v4, v1;
	v1 =	vld [tilespmem:$0x1F6C0]  }
0x345: {  	v58 =	vld [tilespmem:s20+$0x42C0]  }
0x346: {  	v31 =	vld [tilespmem:s20+$0x4320]  }
0x347: {  	v35 =	vld [tilespmem:s20+$0x290]  }
0x348: {  	v48 =	vadd.f32 v7, v60;
	v7 =	vld [tilespmem:$0x1F6F0]  }
0x349: {  	v11 =	vadd.f32 v57, v11;
	v50 =	vmul.f32 v63, v1;
	v1 =	vld [tilespmem:$0x1F6E0]  }
0x34a: {  	v3 =	vld [tilespmem:s20+$0x380]  }
0x34b: {  	v62 =	vld [tilespmem:s20+$0x390];
	v11 =	vadd.f32 v17, v11;
	v17 =	vperm.xlane v20, v22  }
0x34c: {  	v27 =	vld [tilespmem:s20+$0x2B0]  }
0x34d: {  	v20 =	vadd.f32 v20, v17;
	v17 =	vld [tilespmem:$0x1F710]  }
0x34e: {  	v7 =	vmul.f32 v7, v1;
	v1 =	vld [tilespmem:$0x1F700]  }
0x34f: {  	v26 =	vld [tilespmem:s20+$0x4140]  }
0x350: {  	v25 =	vld [tilespmem:s20+$0x1C0]  }
0x351: {  	v34 =	vld [tilespmem:s20+$0x2A0]  }
0x352: {  	v38 =	vld [tilespmem:s20+$0x1B0]  }
0x353: {  	v39 =	vmul.f32 v17, v1;
	v1 =	vld [tilespmem:$0x1F720]  }
0x354: {  	v17 =	vld [tilespmem:$0x1F730]  }
0x355: {  	v5 =	vld [tilespmem:s20+$0x320]  }
0x356: {  	v45 =	vld [tilespmem:s20+$0x4390]  }
0x357: {  	v6 =	vld [tilespmem:s20+$0x140]  }
0x358: {  	v43 =	vld [tilespmem:s20+$0x42A0]  }
0x359: {  	v44 =	vmul.f32 v17, v1;
	v1 =	vld [tilespmem:$0x1FFC0]  }
0x35a: {  	v51 =	vld [tilespmem:s20+$0x4290]  }
0x35b: {  	v19 =	vperm.xlane v16, v24;
	v45 =	vmul.f32 v45, v62;
	v62 =	vld [tilespmem:s20+$0x110];
	v11 =	vadd.f32 v61, v11  }
0x35c: {  	v41 =	vld [tilespmem:s20+$0x310]  }
0x35d: {  	v17 =	vadd.f32 v16, v19;
	v16 =	vadd.f32 v8, v11;
	v8 =	vld [tilespmem:$0x1F750]  }
0x35e: {  	v49 =	vperm.xlane v20, v1;
	v1 =	vld [tilespmem:$0x1F740]  }
0x35f: {  	v21 =	vld [tilespmem:s20+$0x4300]  }
0x360: {  	v37 =	vld [tilespmem:s20+$0x1A0]  }
0x361: {  	v18 =	vld [tilespmem:s20+$0x300]  }
0x362: {  	v11 =	vld [tilespmem:$0x1F770]  }
0x363: {  	v8 =	vmul.f32 v8, v1;
	v1 =	vld [tilespmem:$0x1F760]  }
0x364: {  	v42 =	vld [tilespmem:s20+$0x4310]  }
0x365: {  	v14 =	vld [tilespmem:s20+$0x4130];
	v46 =	vperm.xlane v9, v24  }
0x366: {  	v55 =	vld [tilespmem:s20+$0x200]  }
0x367: {  	v19 =	vadd.f32 v9, v46;
	v9 =	vld [tilespmem:$0x1F790]  }
0x368: {  	v2 =	vadd.f32 v2, v59;
	v11 =	vmul.f32 v11, v1;
	v1 =	vld [tilespmem:$0x1F780]  }
0x369: {  	v13 =	vld [tilespmem:s20+$0x130]  }
0x36a: {  	v10 =	vld [tilespmem:s20+$0x220];
	v53 =	vperm.xlane v2, v24  }
0x36b: {  	v33 =	vld [tilespmem:s20+$0x4280]  }
0x36c: {  	v12 =	vld [tilespmem:s20+$0x280]  }
0x36d: {  	v57 =	vld [tilespmem:s20+$0x120];
	v56 =	vmul.f32 v9, v1;
	v9 =	vperm.xlane v16, v22  }
0x36e: {  	v46 =	vadd.f32 v20, v49;
	v20 =	vadd.f32 v2, v53;
	v53 =	vmov v0;
	v0 =	vld [tilespmem:$0x1F7C0]  }
0x36f: {  	v16 =	vadd.f32 v16, v9;
	v9 =	vld [tilespmem:$0x1F7D0]  }
0x370: {  	v61 =	vld [tilespmem:s20+$0x4200]  }
0x371: {  	v60 =	vld [tilespmem:s20+$0x4120];
	v59 =	vperm.xlane v48, v24  }
0x372: {  	v2 =	vld [tilespmem:$0x1F7A0]  }
0x373: {  	v1 =	vmul.f32 v52, v3;
	v3 =	vld [tilespmem:$0x1F7B0]  }
0x374: {  	v9 =	vmul.f32 v9, v0;
	v0 =	vld [tilespmem:$0x1F7E0]  }
0x375: {  	v48 =	vadd.f32 v48, v59;
	v59 =	vmov v23;
	v23 =	vmov v15;
	v15 =	vld [tilespmem:s20+$0x180]  }
0x376: {  	v63 =	vld [tilespmem:s20+$0x210];
	v22 =	vperm.xlane v46, v24  }
0x377: {  	v18 =	vmul.f32 v21, v18;
	v24 =	vmul.f32 v42, v41;
	v42 =	vld [tilespmem:$0x1FFC0];
	v1 =	vadd.f32 v45, v1  }
0x378: {  	v2 =	vmul.f32 v3, v2;
	v3 =	vadd.f32 v46, v22;
	v46 =	vmovc v40;
	v40 =	vmul.f32 v31, v5;
	v5 =	vld [tilespmem:$0x1F7F0]  }
0x379: {  	p0 =	sne.s32 s21, $0x7;
	v1 =	vadd.f32 v29, v1;
	v29 =	vmul.f32 v58, v0;
	v58 =	vadd.f32 v24, v18;
	v18 =	vld [tilespmem:$0x1F800]  }
.Ltmp0:
0x37a: {  	v49 =	vld [tilespmem:s20+$0x4100];
	(pc) =	sbr.rel @p0 .LBB2_3-.Ltmp0, $4  }
0x37b: {  	v52 =	vld [tilespmem:s20+$0x100]  }
0x37c: {  	v45 =	vld [tilespmem:s20+$0x4110];
	v41 =	vperm.xlane v16, v42  }
0x37d: {  	v0 =	vld [tilespmem:s20+$0x190]  }
0x37e: {  	s19 =	smov.u32 s21;
	s21 =	sadd.s32 $0x1, s21;
	v21 =	vmovc v54;
	v54 =	vadd.f32 v2, v1;
	v31 =	vmul.f32 v18, v5;
	v5 =	vadd.f32 v16, v41;
	v41 =	vld [tilespmem:$0x1F810]  }
0x37f: {  	v18 =	vld [tilespmem:s20+$0x4190]  }
0x380: {  	v1 =	vmul.f32 v23, v21;
	v23 =	vld [tilespmem:s20+$0x4210]  }
0x381: {  	v2 =	vmul.f32 v30, v27;
	v27 =	vmul.f32 v60, v57;
	v60 =	vld [tilespmem:s20+$0x41B0]  }
0x382: {  	v15 =	vmul.f32 v47, v15;
	v47 =	vld [tilespmem:s20+$0x4240]  }
0x383: {  	v24 =	vmul.f32 v61, v55;
	v55 =	vld [tilespmem:s20+$0x4260]  }
0x384: {  	v61 =	vld [tilespmem:s20+$0x4270]  }
0x385: {  	v22 =	vld [tilespmem:$0x1F830]  }
0x386: {  	v44 =	vadd.f32 v44, v54;
	v54 =	vld [tilespmem:s20+$0x4220]  }
0x387: {  	v16 =	vadd.f32 v40, v58;
	v57 =	vmul.f32 v49, v52;
	v49 =	vld [tilespmem:s20+$0x41D0]  }
0x388: {  	v21 =	vmul.f32 v43, v34;
	v52 =	vld [tilespmem:s20+$0x41E0]  }
0x389: {  	v12 =	vmul.f32 v33, v12;
	v51 =	vmul.f32 v51, v35;
	v43 =	vadd.f32 v31, v16;
	v16 =	vld [tilespmem:s20+$0x41A0]  }
0x38a: {  	v6 =	vmul.f32 v26, v6;
	v58 =	vmul.f32 v45, v62;
	v62 =	vld [tilespmem:s20+$0x4230]  }
0x38b: {  	v13 =	vmul.f32 v14, v13;
	v12 =	vadd.f32 v51, v12;
	v51 =	vld [tilespmem:s20+$0x4250];
	v26 =	vadd.f32 v50, v44  }
0x38c: {  	v44 =	vld [tilespmem:s20+$0x41C0];
	v14 =	vadd.f32 v56, v43;
	v0 =	vmul.f32 v18, v0;
	v23 =	vmul.f32 v23, v63  }
0x38d: {  	v33 =	vadd.f32 v58, v57;
	v12 =	vadd.f32 v21, v12;
	v56 =	vld [tilespmem:$0x1FC40];
	v10 =	vmul.f32 v54, v10  }
0x38e: {  	v57 =	vld [tilespmem:$0x1FC10];
	v0 =	vadd.f32 v0, v15;
	v45 =	vmul.f32 v16, v37;
	v23 =	vadd.f32 v23, v24  }
0x38f: {  	v58 =	vld [tilespmem:s20+$0x41F0];
	v50 =	vmul.f32 v60, v38;
	v14 =	vadd.f32 v39, v14;
	v27 =	vadd.f32 v27, v33  }
0x390: {  	v60 =	vld [tilespmem:$0x1F9D0];
	v18 =	vmul.f32 v62, v32;
	v0 =	vadd.f32 v45, v0;
	v10 =	vadd.f32 v10, v23  }
0x391: {  	v63 =	vld [tilespmem:$0x1F9A0];
	v2 =	vadd.f32 v2, v12;
	v13 =	vadd.f32 v13, v27  }
0x392: {  	v54 =	vmul.f32 v44, v25;
	v0 =	vadd.f32 v50, v0;
	v10 =	vadd.f32 v18, v10;
	v18 =	vld [tilespmem:$0x1F8A0]  }
0x393: {  	v21 =	vld [tilespmem:$0x1F890];
	v24 =	vadd.f32 v28, v26;
	v2 =	vadd.f32 v29, v2;
	v16 =	vmul.f32 v47, v56  }
0x394: {  	v62 =	vld [tilespmem:s20+$0x42F0];
	v12 =	vmul.f32 v49, v57;
	v6 =	vadd.f32 v6, v13;
	v0 =	vadd.f32 v54, v0  }
0x395: {  	v4 =	vadd.f32 v4, v14;
	v23 =	vld [tilespmem:$0x1F820];
	v15 =	vmul.f32 v51, v60;
	v10 =	vadd.f32 v16, v10  }
0x396: {  	v39 =	vld [tilespmem:$0x1FFE0];
	v1 =	vadd.f32 v1, v6;
	v0 =	vadd.f32 v12, v0;
	v12 =	vmul.f32 v52, v63  }
0x397: {  	v26 =	vld [tilespmem:$0x1FFD0];
	v2 =	vadd.f32 v11, v2;
	v10 =	vadd.f32 v15, v10;
	v15 =	vmul.f32 v55, v18  }
0x398: {  	v29 =	vld [tilespmem:$0x1FBC0];
	v1 =	vadd.f32 v9, v1;
	v9 =	vmul.f32 v58, v21;
	v0 =	vadd.f32 v12, v0  }
0x399: {  	v11 =	vmul.f32 v61, v22;
	v2 =	vadd.f32 v7, v2;
	v10 =	vadd.f32 v15, v10  }
0x39a: {  	v6 =	vmul.f32 v62, v23;
	v1 =	vadd.f32 v8, v1;
	v0 =	vadd.f32 v9, v0  }
0x39b: {  	v4 =	vadd.f32 v36, v4;
	v25 =	vadd.f32 v11, v10  }
0x39c: {  	v2 =	vadd.f32 v6, v2;
	v27 =	vperm.xlane v1, v26;
	v28 =	vperm.xlane v0, v26  }
0x39d: {  	v50 =	vperm.xlane v5, v39;
	v7 =	vadd.f32 v29, v24;
	v10 =	vperm.xlane v25, v26  }
0x39e: {  	v30 =	vperm.xlane v2, v26;
	v1 =	vadd.f32 v1, v27;
	v0 =	vadd.f32 v0, v28  }
0x39f: {  	v31 =	vperm.xlane v4, v26;
	v32 =	vperm.xlane v7, v26;
	v8 =	vadd.f32 v25, v10  }
0x3a0: {  	v2 =	vadd.f32 v2, v30;
	v33 =	vperm.xlane v1, v42;
	v34 =	vperm.xlane v0, v42  }
0x3a1: {  	v4 =	vadd.f32 v4, v31;
	v7 =	vadd.f32 v7, v32;
	v35 =	vperm.xlane v8, v42  }
0x3a2: {  	v36 =	vperm.xlane v2, v42;
	v1 =	vadd.f32 v1, v33;
	v0 =	vadd.f32 v0, v34  }
0x3a3: {  	v47 =	vld [tilespmem:$0x1FFF0];
	v37 =	vperm.xlane v4, v42;
	v38 =	vperm.xlane v7, v42;
	v8 =	vadd.f32 v8, v35  }
0x3a4: {  	v2 =	vadd.f32 v2, v36;
	v11 =	vperm.xlane v1, v39;
	v40 =	vperm.xlane v0, v39  }
0x3a5: {  	v4 =	vadd.f32 v4, v37;
	v7 =	vadd.f32 v7, v38;
	v42 =	vperm.xlane v8, v39  }
0x3a6: {  	v43 =	vperm.xlane v2, v39;
	v1 =	vadd.f32 v1, v11;
	v0 =	vadd.f32 v0, v40  }
0x3a7: {  	v44 =	vperm.xlane v4, v39;
	v45 =	vperm.xlane v7, v39;
	v8 =	vadd.f32 v8, v42  }
0x3a8: {  	v2 =	vadd.f32 v2, v43;
	v11 =	vperm.xlane v1, v47;
	v49 =	vperm.xlane v0, v47  }
0x3a9: {  	v4 =	vadd.f32 v4, v44;
	v7 =	vadd.f32 v7, v45;
	v51 =	vperm.xlane v8, v47  }
0x3aa: {  	v52 =	vperm.xlane v2, v47;
	v1 =	vadd.f32 v1, v11;
	v0 =	vadd.f32 v0, v49  }
0x3ab: {  	v5 =	vadd.f32 v5, v50;
	v54 =	vperm.xlane v4, v47;
	v8 =	vadd.f32 v8, v51  }
0x3ac: {  	v0 =	vsel vm0, v1, v0;
	v1 =	vadd.f32 v2, v52;
	v2 =	vperm.xlane v7, v47  }
0x3ad: {  	v55 =	vperm.xlane v5, v47;
	v4 =	vadd.f32 v4, v54;
	v0 =	vsel vm1, v0, v8  }
0x3ae: {  	v0 =	vsel vm2, v0, v1;
	v1 =	vadd.f32 v7, v2;
	v2 =	vperm.xlane v3, v47  }
0x3af: {  	v57 =	vperm.xlane v48, v47;
	v56 =	vadd.f32 v5, v55;
	v0 =	vsel vm3, v0, v4  }
0x3b0: {  	v0 =	vsel vm4, v0, v1;
	v1 =	vadd.f32 v3, v2;
	v2 =	vperm.xlane v20, v47  }
0x3b1: {  	v60 =	vperm.xlane v19, v47;
	v58 =	vadd.f32 v48, v57;
	v0 =	vsel vm5, v0, v56  }
0x3b2: {  	v0 =	vsel vm6, v0, v1;
	v1 =	vadd.f32 v20, v2;
	v2 =	vperm.xlane v17, v47  }
0x3b3: {  	v62 =	vperm.xlane v59, v47;
	v61 =	vadd.f32 v19, v60;
	v0 =	vsel vm7, v0, v58  }
0x3b4: {  	v0 =	vsel vm8, v0, v1;
	v1 =	vadd.f32 v17, v2;
	v2 =	vperm.xlane v53, v47  }
0x3b5: {  	v63 =	vperm.xlane v46, v47;
	v3 =	vadd.f32 v59, v62;
	v0 =	vsel vm9, v0, v61  }
0x3b6: {  	v0 =	vsel vm10, v0, v1;
	v1 =	vadd.f32 v53, v2;
	v2 =	vperm.xlane v41, v47  }
0x3b7: {  	v0 =	vsel vm11, v0, v3;
	v3 =	vadd.f32 v46, v63  }
0x3b8: {  	v0 =	vsel vm12, v0, v1;
	v1 =	vadd.f32 v41, v2  }
0x3b9: {  	v0 =	vsel vm13, v0, v3  }
0x3ba: {  	v0 =	vsel vm14, v0, v1  }
0x3bb: {  	v0 =	vmul.f32 $5.000000000e-01, v0;
	_ =	sdelay $0x1  }
0x3bc: {  	s19 =	sshll.u32 s19, $0x7;
	s17 =	sadd.s32 $0x1, s17;
	v0 =	vadd.f32 $5.000000000e-01, v0  }
0x3bd: {  	s19 =	sand.u32 $0x3FFFFF80, s19;
	p0 =	sne.s32 s17, $0x4F  }
.Ltmp1:
0x3be: {  	s18 =	sadd.s32 s6, s18;
	[tilespmem:s19+$0x8100] =	vst v0;
	(pc) =	sbr.rel @p0 .LBB2_2-.Ltmp1, $4  }
0x3bf: {  	[hbm4b:s18+s1] =	stream.linear.scatter [tilespmem:s15], [sflag:$0x3], $0x400, $0x38;
	[tilespmem:$0x8500] =	vst v63  }
0x3c0: {  	_ =	swait.ge [sflag:s9], $0x400  }
0x3c1: {  	[sflag:s9] =	ssyncset.done $0x0  }
0x3c2: {  	v1 =	vmov v39;
	v0 =	vmov v26;
	[sflag:s9] =	ssyncadd.s32 $0xFFFFFC00  }
0x3c3: {  	s16 =	sadd.s32 $0x1, s16  }
0x3c4: {  	p0 =	sne.s32 s16, s8  }
.Ltmp2:
0x3c5: {  	_ = 	snop;
	(pc) =	sbr.rel @p0 .LBB2_1-.Ltmp2, $1  }
0x3c6: {  	_ =	sdelay $0x3  }
0x3c7: {  	_ =	sfence.sel $0x180000  }
0x3c8: {  	[bflag:$0x0] =	sbarrier.arrive $0xFFFF  }
0x3c9: {  	p0 =	sne.s32 s2, $0x0;
	_ =	strace $0x9000004D  }
0x3ca: {  	s0 =	sadd.s32 @!p0 $0x100000, s0;
	[bflag:$0x2] =	sbarrier.arrive $0xFFFF  }
0x3cb: {  	[sflag:s0] =	ssyncadd.tile.s32 @!p0 $0x1;
	_ =	shalt  }
.Lfunc_end2:
_tile_overlayer_lowered:
.L_overlay_start_2:
0x3cc: {  	(tag) =	ssettag $0x2  }
0x3cd: {  	s0 =	rddreg [dreg:$0x0];
	s2 =	stileid.u32  }
0x3ce: {  	s1 =	rddreg [dreg:$0x1];
	p0 =	sne.s32 s2, $0x0  }
0x3cf: {  	s3 =	rddreg [dreg:$0x2];
	[bflag:$0x3] =	sbarrier.arrive $0xFFFF;
	s2 =	simm.s32 @!p0 $0x1C03  }
0x3d0: {  	[timem:s3], [sflag:s2] =	dma.local @!p0 [hbm:s0], s1  }
0x3d1: {  	s0 =	simm.s32 @!p0 $0x3  }
0x3d2: {  	_ =	swait.ge @!p0 [sflag:s0], s1  }
0x3d3: {  	s1 =	ssub.s32 @!p0 $0x0, s1;
	[sflag:s0] =	ssyncset.done @!p0 $0x0  }
0x3d4: {  	[sflag:s0] =	ssyncadd.s32 @!p0 s1  }
0x3d5: {  	[bflag:$0x3] =	sbarrier.arrive $0xFFFF  }
0x3d6: {  	_ =	shalt  }

// kernel: scatter_offload_async_start
scs
__scs_entry_jumppad:
0x0: {  	(pc) =	sbr.rel $0x88, $3  }
0x1: {  	(tag) =	ssettag $0x0;
	lr =	simm.s32 $0x1  }
0x2: {  	[smem:$0x3F9C] =	sst lr;
	_ =	strace $0xD0000000  }
0x3: {  	_ = 	snop  }
0x4: {  	_ = 	snop  }
0x5: {  	_ = 	snop  }
0x6: {  	_ = 	snop  }
0x7: {  	_ = 	snop  }
__scs_overlays_trampoline_lowered:
0x8: {  	[smem:$0x3FAB] =	sst s0  }
0x9: {  	[smem:$0x3FAC] =	sst s1  }
0xa: {  	[smem:$0x3FAD] =	sst s2  }
0xb: {  	[smem:$0x3FAE] =	sst s3  }
0xc: {  	[smem:$0x3FAF] =	sst s4  }
0xd: {  	[smem:$0x3FB0] =	sst s5  }
0xe: {  	[smem:$0x3FB1] =	sst s6  }
0xf: {  	[smem:$0x3FB2] =	sst s7  }
0x10: {  	[smem:$0x3FB3] =	sst s8  }
0x11: {  	[smem:$0x3FB4] =	sst s9;
	s0 =	simm.s32 @!p0 $0x0  }
0x12: {  	s1 =	sld [smem:$0x3F9A];
	s0 =	simm.s32 @p0 $0x1  }
0x13: {  	[smem:$0x3FB5] =	sst s0;
	s0 =	simm.s32 @!p1 $0x0  }
0x14: {  	s2 =	sld [smem:$0x3F99];
	s0 =	simm.s32 @p1 $0x1  }
0x15: {  	[smem:$0x3FB6] =	sst s0;
	s0 =	simm.s32 @!p2 $0x0  }
0x16: {  	s3 =	sld [smem:$0x3FDB];
	s0 =	simm.s32 @p2 $0x1  }
0x17: {  	s4 =	simm.s32 $0x1BF5;
	[smem:$0x3FB8] =	sst s0  }
0x18: {  	s0 =	sld [smem:$0x3F9B];
	_ =	swait.ge [sflag:s4], $0x0  }
0x19: {  	s7 =	sld [smem:$0x3F9C]  }
0x1a: {  	s8 =	sadd.s32 $0xFFFFE003, lr  }
0x1b: {  	s9 =	sadd.s32 $0xFFFFFEF7, lr;
	s5 =	simm.s32 $0xFFFFFFFF;
	p2 =	slt.u32 s8, $0xFFFFF086  }
0x1c: {  	p1 =	slt.u32 s9, $0xF7A;
	s5 =	simm.s32 @!p2 $0x0  }
0x1d: {  	s5 =	simm.s32 @p1 $0x1;
	p0 =	seq.s32 s7, s2  }
0x1e: {  	s7 =	smul.u32 @!p0 $0xF7A, s2;
	p2 =	seq.s32 @!p0 s5, $0x0  }
0x1f: {  	s9 =	smul.u32 $0xF7A, s1;
	s8 =	simm.s32 @!p0 $0x1BF5;
	p2 =	por !p2, p0  }
0x20: {  	[sflag:s8] =	ssyncset.s32 @!p0 $0xFFFFF086;
	s6 =	sadd.s32 @!p0 s3, s7;
	s7 =	simm.s32 @!p0 $0x108  }
0x21: {  	s3 =	sadd.s32 s3, s9;
	s6 =	sadd.s32 @!p0 $0x88, s6;
	s7 =	simm.s32 @p2 $0x1082  }
0x22: {  	[simem:s7], [sflag:s8] =	dma.local @!p0 [hbm:s6], $0xF7A  }
0x23: {  	s9 =	sor.u32 $0xD0000000, s2;
	s6 =	simm.s32 $0x108;
	_ =	swait.ge @!p0 [sflag:s8], $0x0  }
0x24: {  	s3 =	sadd.s32 $0x88, s3;
	s6 =	simm.s32 @!p1 $0x1082;
	[sflag:s4] =	ssyncset.s32 $0xFFFFF086  }
0x25: {  	[simem:s6], [sflag:s4] =	dma.local [hbm:s3], $0xF7A  }
0x26: {  	[smem:$0x3F9C] =	sst s1;
	(tag) =	ssettag s2;
	_ =	strace s9  }
0x27: {  	s1 =	sld [smem:$0x3FAC]  }
0x28: {  	s2 =	sld [smem:$0x3FAD]  }
0x29: {  	s4 =	sld [smem:$0x3FAF]  }
0x2a: {  	p0 =	seq.s32 s5, $0x0;
	s5 =	sld [smem:$0x3FB0]  }
0x2b: {  	s6 =	sld [smem:$0x3FB1]  }
0x2c: {  	s7 =	sld [smem:$0x3FB2]  }
0x2d: {  	s3 =	simm.s32 $0x108;
	s8 =	sld [smem:$0x3FB3]  }
0x2e: {  	s3 =	simm.s32 @!p0 $0x1082;
	s9 =	sld [smem:$0x3FB4]  }
0x2f: {  	lr =	sadd.s32 s0, s3;
	s0 =	sld [smem:$0x3FAB]  }
0x30: {  	s3 =	sld [smem:$0x3FAE]  }
0x31: {  	[smem:$0x3FB7] =	sst s10  }
0x32: {  	s10 =	sld [smem:$0x3FB5];
	_ =	sdelay $0x3  }
0x33: {  	p0 =	seq.s32 s10, $0x1;
	s10 =	sld [smem:$0x3FB7];
	_ =	sdelay $0x3  }
0x34: {  	[smem:$0x3FB7] =	sst s10  }
0x35: {  	s10 =	sld [smem:$0x3FB6];
	_ =	sdelay $0x3  }
0x36: {  	p1 =	seq.s32 s10, $0x1;
	s10 =	sld [smem:$0x3FB7];
	_ =	sdelay $0x3  }
0x37: {  	[smem:$0x3FB7] =	sst s10  }
0x38: {  	s10 =	sld [smem:$0x3FB8]  }
0x39: {  	_ = 	snop;
	(pc) =	sbr.ind lr, $3  }
0x3a: {  	_ = 	snop  }
0x3b: {  	_ = 	snop  }
0x3c: {  	p2 =	seq.s32 s10, $0x1;
	s10 =	sld [smem:$0x3FB7]  }
0x3d: {  	_ =	shalt  }
0x3e: {  	_ =	shalt  }
0x3f: {  	_ =	shalt  }
0x40: {  	_ =	shalt  }
0x41: {  	_ =	shalt  }
0x42: {  	_ =	shalt  }
0x43: {  	_ =	shalt  }
0x44: {  	_ =	shalt  }
0x45: {  	_ =	shalt  }
0x46: {  	_ =	shalt  }
0x47: {  	_ =	shalt  }
0x48: {  	_ =	shalt  }
0x49: {  	_ =	shalt  }
0x4a: {  	_ =	shalt  }
0x4b: {  	_ =	shalt  }
0x4c: {  	_ =	shalt  }
0x4d: {  	_ =	shalt  }
0x4e: {  	_ =	shalt  }
0x4f: {  	_ =	shalt  }
0x50: {  	_ =	shalt  }
0x51: {  	_ =	shalt  }
0x52: {  	_ =	shalt  }
0x53: {  	_ =	shalt  }
0x54: {  	_ =	shalt  }
0x55: {  	_ =	shalt  }
0x56: {  	_ =	shalt  }
0x57: {  	_ =	shalt  }
0x58: {  	_ =	shalt  }
0x59: {  	_ =	shalt  }
0x5a: {  	_ =	shalt  }
0x5b: {  	_ =	shalt  }
0x5c: {  	_ =	shalt  }
0x5d: {  	_ =	shalt  }
0x5e: {  	_ =	shalt  }
0x5f: {  	_ =	shalt  }
0x60: {  	_ =	shalt  }
0x61: {  	_ =	shalt  }
0x62: {  	_ =	shalt  }
0x63: {  	_ =	shalt  }
0x64: {  	_ =	shalt  }
0x65: {  	_ =	shalt  }
0x66: {  	_ =	shalt  }
0x67: {  	_ =	shalt  }
0x68: {  	_ =	shalt  }
0x69: {  	_ =	shalt  }
0x6a: {  	_ =	shalt  }
0x6b: {  	_ =	shalt  }
0x6c: {  	_ =	shalt  }
0x6d: {  	_ =	shalt  }
0x6e: {  	_ =	shalt  }
0x6f: {  	_ =	shalt  }
0x70: {  	_ =	shalt  }
0x71: {  	_ =	shalt  }
0x72: {  	_ =	shalt  }
0x73: {  	_ =	shalt  }
0x74: {  	_ =	shalt  }
0x75: {  	_ =	shalt  }
0x76: {  	_ =	shalt  }
0x77: {  	_ =	shalt  }
0x78: {  	_ =	shalt  }
0x79: {  	_ =	shalt  }
0x7a: {  	_ =	shalt  }
0x7b: {  	_ =	shalt  }
0x7c: {  	_ =	shalt  }
0x7d: {  	_ =	shalt  }
0x7e: {  	_ =	shalt  }
0x7f: {  	_ =	shalt  }
0x80: {  	_ =	shalt  }
0x81: {  	_ =	shalt  }
0x82: {  	_ =	shalt  }
0x83: {  	_ =	shalt  }
0x84: {  	_ =	shalt  }
0x85: {  	_ =	shalt  }
0x86: {  	_ =	shalt  }
0x87: {  	_ =	shalt  }
.Lfunc_end0:
.L_simem_size_0:
called_computation_lowered:
.L_overlay_start_0:
0x88: {  	s0 =	sld [smem:$0x3FD9]  }
0x89: {  	s1 =	sld [smem:$0x3FFE];
	_ =	sdelay $0x3  }
0x8a: {  	s0 =	sadd.s32 s1, s0  }
0x8b: {  	[smem:$0x3FC3] =	sst s0  }
0x8c: {  	_ = 	snop  }
0x8d: {  	s0 =	sld [smem:$0x3FD0];
	(tm) =	ssettm $0x1  }
0x8e: {  	s16 =	sld [smem:$0x3FFB];
	_ =	sdelay $0x3  }
0x8f: {  	_ =	strace s16  }
0x90: {  	s1 =	sld [smem:$0x3FFC];
	_ =	sdelay $0x3  }
0x91: {  	_ =	strace s1  }
0x92: {  	s1 =	sld [smem:$0x3FFD];
	_ =	sdelay $0x3  }
0x93: {  	_ =	strace s1  }
0x94: {  	_ =	strace $0x8FFFFFFF  }
0x95: {  	s17 =	sld [smem:$0x3FDB];
	_ =	sdelay $0x1  }
0x96: {  	s2 =	simm.s32 $_scs_section_size  }
0x97: {  	s3 =	simm.s32 $_size__tile_overlayer_lowered;
	s4 =	simm.s32 $_tile_overlayer_lowered  }
0x98: {  	s20 =	simm.s32 $0x1BFF;
	s19 =	sshll.u32 s4, $0x1;
	s1 =	sadd.s32 s2, s17  }
0x99: {  	s5 =	simm.s32 $0x0;
	s18 =	sshll.u32 s3, $0x1;
	s3 =	sadd.s32 s19, s1  }
0x9a: {  	[timem:s5], [sflag:s20] =	dma.local [hbm:s3], s18  }
0x9b: {  	_ =	swait.ge [sflag:s20], s18  }
0x9c: {  	s2 =	ssub.s32 $0x0, s18;
	[sflag:s20] =	ssyncset.done $0x0  }
0x9d: {  	[sflag:s20] =	ssyncadd.s32 s2;
	_ =	sdelay $0x1  }
0x9e: {  	s21 =	simm.s32 $0x1B8B  }
0x9f: {  	_ =	swait.ge [sflag:s21], $0x1  }
0xa0: {  	[sflag:s21] =	ssyncset.done $0x0  }
0xa1: {  	s23 =	simm.s32 $0x1B8E;
	s22 =	sld [smem:$0x3FFE];
	[sflag:s21] =	ssyncadd.s32 $0xFFFFFFFF  }
0xa2: {  	s24 =	simm.s32 $execute0_lowered;
	[smem:$0x3FD2] =	sst s23  }
0xa3: {  	s3 =	sshll.u32 s24, $0x1;
	_ =	strace $0x80000049;
	[dreg:$0x1] =	wrdreg $0xFFFFFFFF  }
0xa4: {  	s25 =	simm.s32 $_size_execute0_lowered;
	s1 =	sadd.s32 s1, s3;
	[dreg:$0x0] =	wrdreg $0x0  }
0xa5: {  	s3 =	sshll.u32 s25, $0x1;
	[dreg:$0x2] =	wrdreg s1  }
0xa6: {  	[dreg:$0x3] =	wrdreg s3  }
0xa7: {  	[dreg:$0x4] =	wrdreg $0xC0  }
0xa8: {  	_ =	task [dreg:s5], $0x5FFFF  }
0xa9: {  	[dreg:$0x1] =	wrdreg $0xFFFFFFFF  }
0xaa: {  	[dreg:$0x0] =	wrdreg $0x60  }
0xab: {  	[dreg:$0x2] =	wrdreg s22  }
0xac: {  	[dreg:$0x3] =	wrdreg s0  }
0xad: {  	[dreg:$0x4] =	wrdreg $0x9  }
0xae: {  	_ =	task.clear_ibuf [dreg:s5], $0x5FFFF;
	_ =	strace $0x90000049  }
0xaf: {  	s26 =	simm.s32 $0x9;
	_ =	strace $0x8000004B  }
0xb0: {  	_ =	swait.ge [sflag:s26], $0x1  }
0xb1: {  	[sflag:s26] =	ssyncadd.s32 $0xFFFFFFFF  }
0xb2: {  	_ =	strace $0x9000004B  }
0xb3: {  	_ =	sfence  }
0xb4: {  	s28 =	sld [smem:$0x0];
	_ =	sdelay $0x1  }
0xb5: {  	s29 =	srdreg.scid  }
0xb6: {  	s30 =	sshll.u32 s29, $0xD;
	s31 =	sshrl.u32 s29, $0x2  }
0xb7: {  	s2 =	sand.u32 $0x4000, s30;
	s1 =	sand.u32 $0x1, s29;
	s0 =	sadd.s32 s31, s28  }
0xb8: {  	s1 =	sor.u32 s2, s1;
	s0 =	sshll.u32 s0, $0x11  }
0xb9: {  	s0 =	sor.u32 s0, s1  }
0xba: {  	s0 =	sadd.s32 $0x8F2B, s0  }
0xbb: {  	[sflag:s0] =	ssyncadd.remote.s32 $0x1  }
0xbc: {  	_ =	sfence.sel $0xFFFF  }
0xbd: {  	[dreg:$0x0] =	wrdreg $0xFFFFFFFF;
	(pc) =	sbr.abs _section_cstart, $3  }
0xbe: {  	[dreg:$0x1] =	wrdreg $0xFFFFFFFF  }
0xbf: {  	_ =	task.clear_ibuf [dreg:s5], $0x2FFFF;
	_ =	strace $0x9FFFFFFF  }
0xc0: {  	(tm) =	ssettm $0x7FFFFFFF  }
0xc1: {  	_ =	shalt  }
tec
execute0_lowered:
.L_overlay_start_1:
0x0: {  	(tag) =	ssettag $0x1  }
0x1: {  	s0 =	rddreg [dreg:$0x0]  }
0x2: {  	s3 =	rddreg [dreg:$0x1];
	_ =	strace $0x8000004A;
	s15 =	stileid.u32  }
0x3: {  	s2 =	simm.s32 $0x1;
	s1 =	smin.u32 s15, $0x8;
	s4 =	sshll.u32 s15, $0x1  }
0x4: {  	v1 =	vimm.s32 $0xFFFFFFFF;
	[sflag:s2] =	ssyncpa.u1 $0x0;
	s1 =	sadd.s32 s1, s4  }
0x5: {  	p0 =	slt.u32 s15, $0x8;
	[tilespmem:$0x10] =	vst v1;
	s5 =	smul.u32 $0x1F40, s1;
	s1 =	simm.s32 $0x5DC0  }
0x6: {  	v0 =	vimm.f32 $0.0e+00;
	[tilespmem:$0x20] =	vst v1;
	s1 =	simm.s32 @!p0 $0x3E80  }
0x7: {  	[tilespmem:$0x30] =	vst v0;
	s1 =	sadd.s32 s1, s5  }
0x8: {  	[tilespmem:$0x40] =	vst v0;
	s6 =	smin.u32 s1, $0x4E200  }
0x9: {  	s7 =	simm.s32 $0x2;
	[tilespmem:$0x50] =	vst v0;
	s9 =	ssub.s32 s6, s5  }
0xa: {  	s8 =	simm.s32 $0x8;
	s31 =	simm.s32 $0x9;
	[tilespmem:$0x60] =	vst v1;
	p0 =	sgt.s32 s9, $0x0  }
0xb: {  	s16 =	simm.s32 $0x0;
	s17 =	simm.s32 $0xF0;
	[tilespmem:$0x70] =	vst v1;
	s9 =	simm.s32 @!p0 $0x0  }
0xc: {  	s18 =	simm.s32 $0xFFFFFFFF;
	s19 =	simm.s32 $0xFFFFC280;
	[tilespmem:$0x80] =	vst v1;
	s30 =	smulhi.u32 $0x10624DD3, s9  }
0xd: {  	s20 =	simm.s32 $0xFFFFFFFE;
	s21 =	simm.s32 $0xF;
	s25 =	simm.s32 $0x0;
	v1 =	vimm.s32 $0x0;
	[tilespmem:$0xB0] =	vst v0  }
0xe: {  	s24 =	simm.s32 $0x0;
	s15 =	sshllo.u32 s15, $0x1;
	[tilespmem:$0x90] =	vst v1;
	s10 =	sshrl.u32 s30, $0x9  }
0xf: {  	[tilespmem:$0xA0] =	vst v1;
	[sflag:s7] =	ssyncpa.u1 $0x0;
	s7 =	simm.s32 $0x7;
	s11 =	smul.u32 $0x1F40, s10  }
.Ltmp0:
0x10: {  	s13 =	sor.u32 $0x80, s4;
	[sflag:s7] =	ssyncpa.u1 $0x0;
	(pc) =	sbr.rel .LBB2_1-.Ltmp0, $4  }
0x11: {  	s14 =	sor.u32 $0x81, s4;
	[sflag:s8] =	ssyncpa.u1 $0x0;
	p0 =	sne.s32 s9, s11  }
0x12: {  	s23 =	smov.u32 s5;
	s1 =	sadd.s32 $0x800, s0;
	s2 =	simm.s32 @!p0 $0x0  }
0x13: {  	vm0 =	vmmov $0xffff;
	v2 =	vlaneseq.u32;
	[sflag:s31] =	ssyncpa.u1 $0x0;
	s9 =	sadd.s32 $0x65200, s0;
	s10 =	sadd.s32 s2, s10  }
0x14: {  	vm1 =	vmxor vm1, vm1;
	vm2 =	vmmov $0x1;
	vm3 =	vcmask $0x3F3C;
	p0 =	por $0x0, $0x0;
	s11 =	sadd.s32 $0x1, s10;
	s12 =	sadd.s32 $0x2, s10  }
.LBB2_9:
0x15: {  	p1 =	slt.u32 s24, $0x3  }
0x16: {  	s0 =	simm.s32 @!p1 $0x2  }
0x17: {  	_ =	swait.ge @!p1 [sflag:s0], $0x1F40  }
0x18: {  	[sflag:s0] =	ssyncset.done @!p1 $0x0  }
0x19: {  	[sflag:s0] =	ssyncadd.s32 @!p1 $0xFFFFE0C0;
	s0 =	simm.s32 @!p1 $0x9  }
0x1a: {  	_ =	swait.ge @!p1 [sflag:s0], $0x10  }
0x1b: {  	[sflag:s0] =	ssyncset.done @!p1 $0x0  }
0x1c: {  	[sflag:s0] =	ssyncadd.s32 @!p1 $0xFFFFFFF0;
	p1 =	sne.s32 s24, s12  }
.Ltmp1:
0x1d: {  	s2 =	sadd.s32 $0x1F40, s23;
	(pc) =	sbr.rel @!p1 .LBB2_10-.Ltmp1, $4  }
0x1e: {  	s22 =	smov.u32 s5;
	s31 =	sadd.s32 $0x1, s24;
	s17 =	sadd.s32 $0x1F40, s17  }
0x1f: {  	s18 =	sadd.s32 $0x1, s18;
	s25 =	smov.u32 s23;
	p2 =	slt.s32 s2, s6  }
0x20: {  	p0 =	por !p0, !p0;
	s19 =	sadd.s32 $0x1F40, s19;
	s22 =	smov.u32 @p2 s2  }
0x21: {  	s20 =	sadd.s32 $0x1, s20;
	s23 =	smov.u32 s22;
	s24 =	smov.u32 s31  }
.LBB2_1:
0x22: {  	p1 =	sge.u32 s24, s10  }
0x23: {  	s0 =	smulhi.u32 @!p1 $0xAAAAAAAB, s24;
	_ =	sdelay $0x1  }
0x24: {  	s0 =	sshrl.u32 @!p1 s0, $0x1  }
0x25: {  	s0 =	smul.u32 @!p1 $0x3, s0;
	_ =	sdelay $0x1  }
0x26: {  	s0 =	ssub.s32 @!p1 s24, s0  }
0x27: {  	s0 =	smul.u32 @!p1 $0x7D00, s0;
	_ =	sdelay $0x1  }
0x28: {  	s2 =	sshrl.u32 @!p1 s23, $0x3;
	s0 =	sshrl.u32 @!p1 s0, $0x2  }
0x29: {  	s22 =	sand.u32 @!p1 $0x7, s23;
	s2 =	sadd.s32 @!p1 s3, s2;
	s0 =	sadd.s32 @!p1 $0x100, s0  }
0x2a: {  	[tilespmem:s0], [sflag:$0x7] =	stream.linear.gather @!p1 [hbm4b:s2+s22], $0x1F40, $0x38;
	[tilespmem:$0x11A60] =	vst v63  }
0x2b: {  	s0 =	sadd.s32 $0xFFFFFFFF, s24  }
0x2c: {  	p1 =	sge.u32 s0, s10  }
.Ltmp2:
0x2d: {  	_ = 	snop;
	(pc) =	sbr.rel @p1 .LBB2_5-.Ltmp2, $1  }
0x2e: {  	_ =	sdelay $0x3  }
0x2f: {  	s2 =	smulhi.u32 $0xAAAAAAAB, s0;
	_ =	sdelay $0x1  }
0x30: {  	s2 =	sshrl.u32 s2, $0x1  }
0x31: {  	s2 =	smul.u32 $0x3, s2;
	_ =	sdelay $0x1  }
0x32: {  	s2 =	ssub.s32 s0, s2  }
0x33: {  	s2 =	smul.u32 $0x7D00, s2  }
0x34: {  	_ =	swait.ge [sflag:s7], $0x1F40  }
0x35: {  	[sflag:s7] =	ssyncset.done $0x0;
	s2 =	sshrl.u32 s2, $0x2  }
0x36: {  	[sflag:s7] =	ssyncadd.s32 $0xFFFFE0C0;
	(ifvalue) =	ssetifvalue $0xFFFFFFFF;
	v3 =	vld.msk [tilespmem:s2+$0x100 ss:$0x1], $0xffff;
	_ =	sdelay $0x2  }
0x37: {  	s30 =	smulhi.u32 $0xAAAAAAAB, s18;
	p1 =	sne.s32 s24, $0x1  }
0x38: {  	v4 =	vimm.s32 @!p1 $0x0  }
0x39: {  	s2 =	sshrl.u32 s30, $0x1;
	v4 =	vperm.xlane @!p1 v3, v4  }
0x3a: {  	s22 =	sshll.u32 s24, $0x4;
	s2 =	smul.u32 $0xFFFE8900, s2;
	vm4 =	vlt.u32 v3, $0x2800  }
0x3b: {  	s22 =	sand.u32 $0x10, s22;
	v3 =	vnsel vm4, $0xFFFFFFFE, v3;
	vm4 =	vlt.u32 @!p1 v4, $0x2800  }
0x3c: {  	s2 =	sshra.s32 s2, $0x2;
	[tilespmem:s22+$0x60] =	vst v3;
	v3 =	vnsel @!p1 vm4, $0xFFFFFFFE, v4  }
0x3d: {  	s28 =	sadd.s32 s2, s17;
	[tilespmem:$0x80] =	vst @!p1 v3  }
0x3e: {  	v3 =	vld.msk [tilespmem:s28+$0x0 ss:$0x1], $0xffff;
	_ =	sdelay $0x4  }
0x3f: {  	(xrf1) =	vunique.msk.u32 $0xffff, v3;
	_ =	sdelay $0xd  }
0x40: {  	v4 =	vimm.s32 $0xFFFFFFFF;
	v5, _, _ =	vpop (xrf1)  }
0x41: {  	vm5 =	vne.s32 v3, v4;
	vm4 =	veq.s32 v5, v2  }
0x42: {  	vm6 =	vlt.u32 v3, $0x2800;
	vm4 =	vmand vm5, vm4  }
0x43: {  	vm4 =	vmand vm6, vm4  }
0x44: {  	v4 =	vnsel vm4, $0xFFFFFFFF, v3  }
0x45: {  	s31 =	sand.u32 $0x1, s0  }
0x46: {  	s0 =	simm.s32 $0x1F40;
	p1 =	seq.s32 s31, $0x1  }
0x47: {  	s0 =	simm.s32 @!p1 $0x0  }
0x48: {  	s26 =	sadd.s32 $0x7DF0, s0;
	(ifvalue) =	ssetifvalue $0xFFFFFFFF  }
0x49: {  	v3 =	vperm.xlane v3, v1;
	[tilespmem:s26], [sflag:$0x8] =	stream.indirect_vreg.gather [hbm4b:s1+s16], $0x1, v4, vm0, $0x4038;
	v4 =	vnsel vm6, $0xFFFFFFFE, v4;
	[tilespmem:$0x11A60] =	vst v63  }
0x4a: {  	s2 =	simm.s32 $0x0;
	s22 =	sadd.s32 $0xFFFFFFF0, s28;
	[tilespmem:s28+$0x0] =	vst v4  }
.LBB2_3:
0x4b: {  	v4 =	vld.msk [tilespmem:s22+$0x0 ss:$0x1], $0xffff;
	s2 =	sadd.s32 $0x10, s2;
	v5 =	vmov v3;
	s28 =	smov.u32 s22  }
0x4c: {  	p1 =	slt.u32 s2, $0x1F30;
	_ =	sdelay $0x4  }
0x4d: {  	v3 =	vperm.xlane v4, v1;
	(xrf1) =	vunique.msk.u32 $0xffff, v4;
	_ =	sdelay $0xd  }
0x4e: {  	v6, _, _ =	vpop (xrf1)  }
0x4f: {  	vm5 =	vne.s32 v4, v5;
	vm4 =	veq.s32 v6, v2  }
0x50: {  	vm6 =	vlt.u32 v4, $0x2800;
	vm4 =	vmand vm5, vm4  }
0x51: {  	vm4 =	vmand vm6, vm4  }
0x52: {  	v4 =	vnsel vm4, $0xFFFFFFFF, v4  }
.Ltmp3:
0x53: {  	v5 =	vnsel vm6, $0xFFFFFFFE, v4;
	(pc) =	sbr.rel @p1 .LBB2_3-.Ltmp3, $3  }
0x54: {  	_ =	sdelay $0x1  }
0x55: {  	s22 =	sadd.s32 $0xFFFFFFF0, s22;
	s26 =	sadd.s32 $0xFFFFFFF0, s26;
	(ifvalue) =	ssetifvalue $0xFFFFFFFF  }
0x56: {  	[tilespmem:s26], [sflag:$0x8] =	stream.indirect_vreg.gather [hbm4b:s1+s16], $0x1, v4, vm0, $0x4038;
	[tilespmem:s28+$0x0] =	vst v5  }
0x57: {  	s2 =	sshrl.u32 s25, $0x3  }
0x58: {  	s0 =	sadd.s32 $0x9D40, s0;
	s2 =	sadd.s32 s9, s2  }
0x59: {  	[tilespmem:s0], [sflag:$0x8] =	stream.linear.gather [hbm:s2], $0x1F40, $0x38;
	[tilespmem:$0x11A60] =	vst v63  }
.LBB2_5:
0x5a: {  	p1 =	slt.u32 s24, $0x2  }
0x5b: {  	p2 =	sge.u32 @!p1 s24, s12  }
0x5c: {  	p1 =	por p1, p2  }
.Ltmp4:
0x5d: {  	_ = 	snop;
	(pc) =	sbr.rel @p1 .LBB2_9-.Ltmp4, $1  }
0x5e: {  	_ =	sdelay $0x3  }
0x5f: {  	s0 =	sadd.s32 $0xFFFFFFFE, s24  }
0x60: {  	s2 =	smulhi.u32 $0xAAAAAAAB, s0;
	_ =	sdelay $0x1  }
0x61: {  	s2 =	sshrl.u32 s2, $0x1  }
0x62: {  	s2 =	smul.u32 $0x3, s2;
	_ =	sdelay $0x1  }
0x63: {  	s0 =	ssub.s32 s0, s2  }
0x64: {  	_ =	swait.ge [sflag:s8], $0x3E80;
	s0 =	smul.u32 $0x1F40, s0  }
0x65: {  	p1 =	sne.s32 s24, s11;
	[sflag:s8] =	ssyncset.done $0x0  }
0x66: {  	[sflag:s8] =	ssyncadd.s32 $0xFFFFC180;
	s2 =	sadd.s32 @!p1 $0x203F, s0  }
0x67: {  	[spmem:s14] =	stream.linear.scatter @!p1 [tilespmem:s2], [sflag:$0x1], $0x1, $0x38;
	[tilespmem:$0x11A60] =	vst v63  }
0x68: {  	s2 =	simm.s32 @!p1 $0x1  }
0x69: {  	_ =	swait.ge @!p1 [sflag:s2], $0x1  }
0x6a: {  	s22 =	sshll.u32 s24, $0x4;
	[sflag:s2] =	ssyncset.done @!p1 $0x0  }
0x6b: {  	s25 =	sand.u32 $0x10, s22;
	[sflag:s2] =	ssyncadd.s32 @!p1 $0xFFFFFFFF  }
0x6c: {  	s2 =	sxor.u32 $0x10, s25;
	v4 =	vld [tilespmem:s25+$0x10]  }
0x6d: {  	v5 =	vld [tilespmem:s2+$0x60]  }
0x6e: {  	v3 =	vld [tilespmem:$0x80];
	_ =	sdelay $0x2  }
0x6f: {  	(v2sf) =	vpush v4, $0x0  }
0x70: {  	(v2sf) =	vpush v5, $0x0  }
0x71: {  	(v2sf) =	vpush v3, $0x0;
	_ =	sdelay $0xc  }
0x72: {  	s22 =	spop (v2sf)  }
0x73: {  	s26 =	spop (v2sf)  }
0x74: {  	s28 =	spop (v2sf)  }
0x75: {  	p2 =	seq.s32 s22, s26;
	p3 =	seq.s32 s28, s22  }
0x76: {  	p3 =	por p2, p3  }
0x77: {  	s26 =	sand.u32 $0x1, s24;
	v4 =	vpsel p3, $0xFFFFFFFF, v4  }
0x78: {  	s29 =	smul.u32 $0x1F40, s26;
	[tilespmem:s25+$0x10] =	vst.msk $0x1, v4  }
0x79: {  	v4 =	vld [tilespmem:$0x30]  }
0x7a: {  	v5 =	vld [tilespmem:s29+$0x9D40]  }
0x7b: {  	v6 =	vld [tilespmem:s25+$0x40];
	_ =	sdelay $0x3  }
0x7c: {  	vm4 =	vmmov vm1;
	v5 =	vadd.f32 v5, v4  }
0x7d: {  	vm5 =	vmmov vm2;
	vm4 =	vmmov @p2 vm2;
	s22 =	sshll.u32 s26, $0x4;
	v4 =	vadd.f32 v6, v4  }
0x7e: {  	s26 =	sor.u32 $0x11A40, s22;
	vm5 =	vmmov @p3 vm1;
	[tilespmem:s29+$0x9D40] =	vst.msk vm4, v5  }
0x7f: {  	[tilespmem:s26+$0x0] =	vst.msk vm5, v4  }
0x80: {  	v4 =	vld [tilespmem:s29+$0x7DF0];
	_ =	sdelay $0x3  }
0x81: {  	v5 =	vimm.f32 $0.0e+00  }
0x82: {  	v4 =	vshift.insert v4, v5, s21  }
0x83: {  	s22 =	sor.u32 $0x40, s2  }
0x84: {  	[tilespmem:s22+$0x0] =	vst.msk $0x1, v4  }
0x85: {  	[tilespmem:s29+$0x7DFF] =	vst.msk $0x1, v5  }
0x86: {  	v4 =	vld [tilespmem:s0+$0x2030];
	_ =	sdelay $0x1  }
0x87: {  	s22 =	smulhi.u32 $0xAAAAAAAB, s20;
	s0 =	simm.s32 $0x1  }
0x88: {  	s0 =	simm.s32 @!p0 $0x0  }
0x89: {  	s22 =	sshrl.u32 s22, $0x1;
	s0 =	smul.u32 $0x7D00, s0  }
0x8a: {  	s22 =	smul.u32 $0xFFFE8900, s22;
	v4 =	vshift.insert v4, v1, s21  }
0x8b: {  	s0 =	sshrl.u32 s0, $0x2  }
0x8c: {  	s22 =	sshra.s32 s22, $0x2;
	s30 =	sadd.s32 $0x9D40, s0;
	[tilespmem:s2+$0x10] =	vst.msk $0x1, v4  }
0x8d: {  	s22 =	sadd.s32 s22, s19;
	v6 =	vld [tilespmem:s30+$0x0]  }
0x8e: {  	v7 =	vld [tilespmem:s22+$0x0];
	_ =	sdelay $0x3  }
0x8f: {  	v5 =	vadd.f32 v6, v5  }
0x90: {  	vm4 =	vne.s32 v7, $0xFFFFFFFF  }
0x91: {  	(xrf2) =	vadd.seg.scan.f32 vm4, v5;
	_ =	sdelay $0x3  }
0x92: {  	s31 =	sadd.s32 $0x5EC0, s0;
	v5 =	vperm.xlane v4, v1  }
0x93: {  	v6 =	vld [tilespmem:s31+$0x0]  }
0x94: {  	vm5 =	veq.s32 v7, v3;
	vm6 =	veq.s32 v7, v5  }
0x95: {  	vm7 =	vgt.u32 v7, $0xFFFFFFFD;
	vm6 =	vmor vm6, vm5  }
0x96: {  	vm6 =	vmor vm6, vm7  }
0x97: {  	v9 =	vld [tilespmem:$0xA0];
	v7 =	vsel vm6, $0xFFFFFFFF, v7  }
0x98: {  	v10 =	vld [tilespmem:$0x90];
	v6 =	vsel vm5, $0x0, v6;
	v8, _, _ =	vpop (xrf2)  }
0x99: {  	v6 =	vadd.f32 v8, v6  }
0x9a: {  	s0 =	sadd.s32 $0xDBC0, s0  }
0x9b: {  	vm4 =	vmand vm4, vm3;
	[tilespmem:s0+$0x0] =	vst v6;
	(ifvalue) =	ssetifvalue $0xFFFFFFFF  }
0x9c: {  	vm6 =	veq.s32 v9, $0x1;
	[hbm4b:s1+s16] =	stream.indirect_vreg.scatter [tilespmem:s0], [sflag:$0x2], $0x1, v7, vm0, $0x4038;
	v7 =	vsel vm4, $0x0, v8;
	[tilespmem:$0x11A60] =	vst v63  }
0x9d: {  	s2 =	simm.s32 $0x0;
	s22 =	sadd.s32 $0x10, s22;
	vm4 =	vmor vm6, vm5;
	v6 =	vsel vm5, v8, v10;
	v7 =	vshift.insert v7, v0, s21  }
.LBB2_7:
0x9e: {  	v8 =	vld [tilespmem:s22+$0x0];
	s30 =	sadd.s32 $0x10, s30  }
0x9f: {  	s31 =	sadd.s32 $0x10, s31;
	v9 =	vld [tilespmem:s30+$0x0]  }
0xa0: {  	s2 =	sadd.s32 $0x10, s2;
	v10 =	vld [tilespmem:s31+$0x0]  }
0xa1: {  	p2 =	slt.u32 s2, $0x1F30;
	_ =	sdelay $0x2  }
0xa2: {  	v7 =	vadd.f32 v9, v7  }
0xa3: {  	vm5 =	vne.s32 v8, $0xFFFFFFFF  }
0xa4: {  	vm6 =	vmand vm5, vm3;
	(xrf2) =	vadd.seg.scan.f32 vm5, v7;
	_ =	sdelay $0x5  }
0xa5: {  	vm7 =	veq.s32 v8, v5;
	vm5 =	veq.s32 v8, v3  }
0xa6: {  	vm8 =	vgt.u32 v8, $0xFFFFFFFD;
	vm4 =	vmor vm4, vm5;
	vm7 =	vmor vm7, vm5  }
0xa7: {  	vm7 =	vmor vm7, vm8  }
0xa8: {  	v8 =	vsel vm7, $0xFFFFFFFF, v8  }
.Ltmp5:
0xa9: {  	v7 =	vsel vm5, $0x0, v10;
	v9, _, _ =	vpop (xrf2);
	(pc) =	sbr.rel @p2 .LBB2_7-.Ltmp5, $4  }
0xaa: {  	v6 =	vsel vm5, v9, v6;
	v10 =	vadd.f32 v9, v7;
	v7 =	vsel vm6, $0x0, v9  }
0xab: {  	s0 =	sadd.s32 $0x10, s0;
	v7 =	vshift.insert v7, v0, s21  }
0xac: {  	s22 =	sadd.s32 $0x10, s22;
	[tilespmem:s0+$0x0] =	vst v10;
	(ifvalue) =	ssetifvalue $0xFFFFFFFF  }
0xad: {  	[hbm4b:s1+s16] =	stream.indirect_vreg.scatter [tilespmem:s0], [sflag:$0x2], $0x1, v8, vm0, $0x4038;
	[tilespmem:$0x11A60] =	vst v63  }
0xae: {  	v3 =	vld [tilespmem:s29+$0xFAF0];
	_ =	sdelay $0x4  }
0xaf: {  	v3 =	vshift.insert v3, v0, s21  }
0xb0: {  	s0 =	simm.s32 $0x30  }
0xb1: {  	[tilespmem:s0+$0x0] =	vst.msk $0x1, v3  }
0xb2: {  	v3 =	vsel vm4, $0x1, v1;
	[tilespmem:$0x90] =	vst v6  }
0xb3: {  	s0 =	sadd.s32 @!p1 $0xFAFF, s29;
	[tilespmem:$0xA0] =	vst v3  }
0xb4: {  	[spmem:s15] =	stream.linear.scatter @!p1 [tilespmem:s0], [sflag:$0x1], $0x1, $0x38;
	[tilespmem:$0x11A60] =	vst v63  }
0xb5: {  	s0 =	simm.s32 @!p1 $0x1  }
0xb6: {  	v3 =	vmctz.xlane @!p1 vm4;
	_ =	swait.ge @!p1 [sflag:s0], $0x1  }
0xb7: {  	(v2sf) =	vpush @!p1 v4, $0x0  }
0xb8: {  	(v2sf) =	vpush @!p1 v3, $0x0;
	_ =	sdelay $0xd  }
0xb9: {  	s2 =	spop @!p1 (v2sf)  }
0xba: {  	s22 =	spop @!p1 (v2sf)  }
0xbb: {  	p2 =	sne.s32 @!p1 s28, s2;
	p3 =	slt.s32 @!p1 s22, $0xF  }
0xbc: {  	[sflag:s0] =	ssyncset.done @!p1 $0x0;
	p2 =	por p2, p1;
	p3 =	por !p3, p1  }
0xbd: {  	[sflag:s0] =	ssyncadd.s32 @!p1 $0xFFFFFFFF;
	v3 =	vimm.s32 @!p2 $0xFFFFFFFF;
	s22 =	simm.s32 @p3 $0xF  }
0xbe: {  	[tilespmem:$0x80] =	vst @!p2 v3;
	s2 =	sadd.s32 @!p1 $0x90, s22  }
0xbf: {  	[spmem:s4] =	stream.linear.scatter @!p1 [tilespmem:s2], [sflag:$0x1], $0x1, $0x38;
	[tilespmem:$0x11A60] =	vst v63  }
0xc0: {  	_ =	swait.ge @!p1 [sflag:s0], $0x1  }
0xc1: {  	[sflag:s0] =	ssyncset.done @!p1 $0x0  }
0xc2: {  	s2 =	simm.s32 @!p1 $0x80;
	[sflag:s0] =	ssyncadd.s32 @!p1 $0xFFFFFFFF  }
0xc3: {  	[spmem:s13] =	stream.linear.scatter @!p1 [tilespmem:s2], [sflag:$0x1], $0x1, $0x38;
	[tilespmem:$0x11A60] =	vst v63  }
0xc4: {  	_ =	swait.ge @!p1 [sflag:s0], $0x1  }
0xc5: {  	[sflag:s0] =	ssyncset.done @!p1 $0x0  }
0xc6: {  	[sflag:s0] =	ssyncadd.s32 @!p1 $0xFFFFFFFF;
	(ifvalue) =	ssetifvalue $0xFFFFFFFF;
	v3 =	vld [tilespmem:s25+$0x10];
	_ =	sdelay $0x3  }
.Ltmp6:
0xc7: {  	_ = 	snop;
	(pc) =	sbr.rel .LBB2_9-.Ltmp6, $3  }
0xc8: {  	_ =	sdelay $0x1  }
0xc9: {  	(ifvalue) =	ssetifvalue $0xFFFFFFFF  }
0xca: {  	[hbm4b:s1+s16] =	stream.indirect_vreg.scatter [tilespmem:s26], [sflag:$0x9], $0x1, v3, vm0, $0x4038;
	[tilespmem:$0x11A60] =	vst v63  }
.LBB2_10:
0xcb: {  	_ =	sfence.sel $0x180000  }
0xcc: {  	s0 =	simm.s32 $0x7;
	[bflag:$0x0] =	sbarrier.arrive $0xFFFF  }
0xcd: {  	s26 =	simm.s32 $0x8;
	[sflag:s0] =	ssyncpa.u1 $0x1  }
0xce: {  	s28 =	simm.s32 $0x9;
	[sflag:s26] =	ssyncpa.u1 $0x1  }
0xcf: {  	[sflag:s28] =	ssyncpa.u1 $0x1  }
0xd0: {  	_ =	sfence.stream.spmem  }
0xd1: {  	s29 =	simm.s32 $0x3;
	[bflag:$0x0] =	sbarrier.arrive $0xFFFF  }
0xd2: {  	s30 =	simm.s32 $0x4;
	[sflag:s29] =	ssyncpa.u1 $0x1  }
0xd3: {  	s31 =	simm.s32 $0x3C;
	s2 =	stileid.u32;
	[sflag:s30] =	ssyncpa.u1 $0x1  }
0xd4: {  	p0 =	sne.s32 s2, $0x0;
	[sflag:s31] =	ssyncpa.u1 $0x1  }
0xd5: {  	s0 =	simm.s32 @p0 $0x1;
	_ =	sfence @p0  }
0xd6: {  	[sflag:s0] =	ssyncpa.u1 @p0 $0x1;
	s0 =	simm.s32 @p0 $0x2  }
0xd7: {  	[sflag:s0] =	ssyncpa.u1 @p0 $0x1  }
0xd8: {  	_ =	strace @p0 $0x9000004A  }
0xd9: {  	[bflag:$0x2] =	sbarrier.arrive @p0 $0xFFFF  }
0xda: {  	_ =	shalt @p0  }
.LBB2_11:
0xdb: {  	_ =	sfence.stream.spmem;
	s0 =	simm.s32 $0x5  }
0xdc: {  	s2 =	simm.s32 $0x80;
	s3 =	simm.s32 $0xC0;
	[sflag:s0] =	ssyncpa.u1 $0x0  }
0xdd: {  	[tilespmem:s3], [sflag:$0x5] =	stream.linear.gather [spmem:s2], $0x20, $0x38;
	[tilespmem:$0x11A60] =	vst v63  }
0xde: {  	s2 =	simm.s32 $0x0;
	s3 =	simm.s32 $0xE0  }
0xdf: {  	[tilespmem:s3], [sflag:$0x5] =	stream.linear.gather [spmem:s2], $0x20, $0x38;
	[tilespmem:$0x11A60] =	vst v63  }
.Ltmp7:
0xe0: {  	_ = 	snop;
	(pc) =	sbr.rel .LBB2_12-.Ltmp7, $4  }
0xe1: {  	_ =	swait.ge [sflag:s0], $0x40  }
0xe2: {  	[sflag:s0] =	ssyncset.done $0x0  }
0xe3: {  	s31 =	simm.s32 $0x6;
	[sflag:s0] =	ssyncadd.s32 $0xFFFFFFC0  }
0xe4: {  	s4 =	simm.s32 $0x0;
	[sflag:s31] =	ssyncpa.u1 $0x0  }
.LBB2_17:
0xe5: {  	p0 =	sgt.u32 s5, $0x27FF  }
0xe6: {  	s0 =	sshrl.u32 @!p0 s5, $0x3  }
0xe7: {  	s5 =	sand.u32 @!p0 $0x7, s5;
	s6 =	simm.s32 @!p0 $0xB0;
	s0 =	sadd.s32 @!p0 s1, s0  }
0xe8: {  	[tilespmem:s6], [sflag:$0x6] =	stream.linear.gather @!p0 [hbm4b:s0+s5], $0x1, $0x38;
	[tilespmem:$0x11A60] =	vst v63  }
0xe9: {  	s0 =	simm.s32 @!p0 $0x6  }
0xea: {  	_ =	swait.ge @!p0 [sflag:s0], $0x1  }
0xeb: {  	[sflag:s0] =	ssyncset.done @!p0 $0x0  }
0xec: {  	[sflag:s0] =	ssyncadd.s32 @!p0 $0xFFFFFFFF  }
0xed: {  	v2 =	vmov @!p0 s4;
	v1 =	vld.msk @!p0 [tilespmem:$0xB0], $0x1;
	_ =	sdelay $0x3  }
0xee: {  	s0 =	simm.s32 @!p0 $0xE0  }
0xef: {  	[tilespmem:v2+s0+$0x0], v1 =	vst.idx.ret.add.f32.msk @!p0 $0x1, v1  }
0xf0: {  	[tilespmem:s2+$0xC0] =	vst.msk $0x1, v0  }
0xf1: {  	v0 =	vld.msk [tilespmem:s4+$0xE0], $0x1;
	_ =	sdelay $0x4  }
0xf2: {  	[tilespmem:s2+$0xE0] =	vst.msk $0x1, v0;
	s2 =	sadd.s32 $0x1, s2  }
.LBB2_19:
0xf3: {  	s4 =	sadd.s32 $0x1, s4  }
0xf4: {  	p0 =	sne.s32 s4, $0x20  }
.Ltmp8:
0xf5: {  	_ = 	snop;
	(pc) =	sbr.rel @!p0 .LBB2_20-.Ltmp8, $1  }
0xf6: {  	_ =	sdelay $0x3  }
.LBB2_12:
0xf7: {  	v0 =	vld.msk [tilespmem:s4+$0xC0], $0x1;
	_ =	sdelay $0x4  }
0xf8: {  	(v2sf) =	vpush v0, $0x0;
	_ =	sdelay $0xe  }
0xf9: {  	s5 =	spop (v2sf)  }
0xfa: {  	p0 =	seq.s32 s5, $0xFFFFFFFF  }
.Ltmp9:
0xfb: {  	_ = 	snop;
	(pc) =	sbr.rel @p0 .LBB2_19-.Ltmp9, $1  }
0xfc: {  	_ =	sdelay $0x3  }
0xfd: {  	p0 =	slt.s32 s2, $0x1  }
.Ltmp10:
0xfe: {  	_ = 	snop;
	(pc) =	sbr.rel @p0 .LBB2_17-.Ltmp10, $1  }
0xff: {  	_ =	sdelay $0x3  }
0x100: {  	s0 =	simm.s32 $0xC0;
	p0 =	por $0x0, $0x0  }
0x101: {  	v1 =	vld.msk @!p0 [tilespmem:s0+$0x0], $0x1;
	_ =	sdelay $0x4  }
0x102: {  	(v2sf) =	vpush @!p0 v1, $0x0;
	_ =	sdelay $0xd  }
0x103: {  	p2 =	sne.s32 s2, $0x1  }
.Ltmp11:
0x104: {  	s6 =	spop @!p0 (v2sf);
	(pc) =	sbr.rel @!p2 .LBB2_16-.Ltmp11, $4  }
0x105: {  	p1 =	seq.s32 @!p0 s5, s6  }
0x106: {  	s6 =	simm.s32 $0x0;
	p1 =	por !p1, p0  }
0x107: {  	s8 =	simm.s32 $0xFFFFFFFF;
	s6 =	simm.s32 @p1 $0xFFFFFFFF  }
0x108: {  	s7 =	simm.s32 $0x1;
	s6 =	smov.u32 @p0 s8  }
.LBB2_15:
0x109: {  	s8 =	smov.u32 s6;
	p0 =	sne.s32 s6, $0xFFFFFFFF  }
0x10a: {  	s0 =	sadd.s32 $0x1, s0;
	s6 =	smov.u32 s7;
	s7 =	sadd.s32 $0x1, s7  }
0x10b: {  	p1 =	sne.s32 s2, s7;
	v1 =	vld.msk @!p0 [tilespmem:s0+$0x0], $0x1;
	_ =	sdelay $0x4  }
0x10c: {  	(v2sf) =	vpush @!p0 v1, $0x0;
	_ =	sdelay $0xe  }
.Ltmp12:
0x10d: {  	s9 =	spop @!p0 (v2sf);
	(pc) =	sbr.rel @p1 .LBB2_15-.Ltmp12, $4  }
0x10e: {  	p2 =	seq.s32 @!p0 s5, s9  }
0x10f: {  	p2 =	por !p2, p0  }
0x110: {  	s6 =	simm.s32 @p2 $0xFFFFFFFF  }
0x111: {  	s6 =	smov.u32 @p0 s8  }
.LBB2_16:
0x112: {  	p0 =	sne.s32 s6, $0xFFFFFFFF  }
.Ltmp13:
0x113: {  	_ = 	snop;
	(pc) =	sbr.rel @!p0 .LBB2_17-.Ltmp13, $1  }
0x114: {  	_ =	sdelay $0x3  }
0x115: {  	v0 =	vld.msk [tilespmem:s4+$0xE0], $0x1;
	v1 =	vmov s6  }
.Ltmp14:
0x116: {  	_ = 	snop;
	(pc) =	sbr.rel .LBB2_19-.Ltmp14, $2  }
0x117: {  	_ =	sdelay $0x2  }
0x118: {  	[tilespmem:v1+s3+$0x0], v0 =	vst.idx.ret.add.f32.msk $0x1, v0  }
.LBB2_20:
0x119: {  	p0 =	slt.s32 s2, $0x1  }
.Ltmp15:
0x11a: {  	_ = 	snop;
	(pc) =	sbr.rel @p0 .LBB2_24-.Ltmp15, $3  }
0x11b: {  	_ =	sdelay $0x1  }
0x11c: {  	s0 =	simm.s32 $0x6  }
0x11d: {  	s3 =	simm.s32 $0x0;
	[sflag:s0] =	ssyncpa.u1 $0x1  }
0x11e: {  	s0 =	simm.s32 $0xC0  }
0x11f: {  	v0 =	vld.msk [tilespmem:s0+$0x0], $0x1;
	_ =	sdelay $0x4  }
0x120: {  	(v2sf) =	vpush v0, $0x0;
	_ =	sdelay $0xe  }
0x121: {  	s2 =	sadd.s32 $0xFFFFFFFF, s2;
	s4 =	spop (v2sf)  }
0x122: {  	p1 =	sne.s32 s2, $0x0;
	p0 =	sgt.u32 s4, $0x27FF  }
.Ltmp16:
0x123: {  	s5 =	sshrl.u32 @!p0 s4, $0x3;
	(pc) =	sbr.rel @!p1 .LBB2_23-.Ltmp16, $4  }
0x124: {  	s0 =	simm.s32 $0xE0;
	s4 =	sand.u32 @!p0 $0x7, s4;
	s5 =	sadd.s32 @!p0 s1, s5  }
0x125: {  	[hbm4b:s5+s4] =	stream.linear.scatter @!p0 [tilespmem:s0], [sflag:$0x5], $0x1, $0x38;
	[tilespmem:$0x11A60] =	vst v63  }
0x126: {  	s5 =	simm.s32 $0x0  }
0x127: {  	s4 =	simm.s32 $0xC1;
	s5 =	simm.s32 @!p0 $0x4  }
.LBB2_22:
0x128: {  	v0 =	vld.msk [tilespmem:s4+$0x0], $0x1;
	s2 =	sadd.s32 $0xFFFFFFFF, s2;
	s3 =	sadd.s32 s3, s5  }
0x129: {  	p0 =	sne.s32 s2, $0x0;
	_ =	sdelay $0x3  }
0x12a: {  	(v2sf) =	vpush v0, $0x0;
	_ =	sdelay $0xe  }
.Ltmp17:
0x12b: {  	s6 =	spop (v2sf);
	(pc) =	sbr.rel @p0 .LBB2_22-.Ltmp17, $4  }
0x12c: {  	s5 =	simm.s32 $0x0;
	p1 =	sgt.u32 s6, $0x27FF  }
0x12d: {  	s0 =	sadd.s32 $0x1, s0;
	s5 =	simm.s32 @!p1 $0x4;
	s7 =	sshrl.u32 @!p1 s6, $0x3  }
0x12e: {  	s4 =	sadd.s32 $0x1, s4;
	s6 =	sand.u32 @!p1 $0x7, s6;
	s7 =	sadd.s32 @!p1 s1, s7  }
0x12f: {  	[hbm4b:s7+s6] =	stream.linear.scatter @!p1 [tilespmem:s0], [sflag:$0x5], $0x1, $0x38;
	[tilespmem:$0x11A60] =	vst v63  }
.LBB2_23:
0x130: {  	s0 =	sadd.s32 s3, s5  }
0x131: {  	s3 =	sshrl.u32 s0, $0x2  }
.LBB2_24:
0x132: {  	s0 =	simm.s32 $0x5  }
0x133: {  	_ =	swait.ge [sflag:s0], s3  }
0x134: {  	s1 =	ssub.s32 $0x0, s3;
	[sflag:s0] =	ssyncset.done $0x0  }
0x135: {  	[sflag:s0] =	ssyncadd.s32 s1  }
0x136: {  	[sflag:s0] =	ssyncpa.u1 $0x1  }
0x137: {  	s29 =	simm.s32 $0x1;
	_ =	sfence  }
0x138: {  	s30 =	simm.s32 $0x2;
	[sflag:s29] =	ssyncpa.u1 $0x1  }
0x139: {  	[sflag:s30] =	ssyncpa.u1 $0x1  }
0x13a: {  	_ =	strace $0x9000004A  }
0x13b: {  	[bflag:$0x2] =	sbarrier.arrive $0xFFFF  }
0x13c: {  	s31 =	rddreg [dreg:$0x2]  }
0x13d: {  	s0 =	sadd.s32 $0x100000, s31  }
0x13e: {  	[sflag:s0] =	ssyncadd.tile.s32 $0x1;
	_ =	shalt  }
.Lfunc_end2:
_tile_overlayer_lowered:
.L_overlay_start_2:
0x13f: {  	(tag) =	ssettag $0x2  }
0x140: {  	s0 =	rddreg [dreg:$0x0];
	s2 =	stileid.u32  }
0x141: {  	s1 =	rddreg [dreg:$0x1];
	p0 =	sne.s32 s2, $0x0  }
0x142: {  	s3 =	rddreg [dreg:$0x2];
	[bflag:$0x3] =	sbarrier.arrive $0xFFFF;
	s2 =	simm.s32 @!p0 $0x1C01  }
0x143: {  	[timem:s3], [sflag:s2] =	dma.local @!p0 [hbm:s0], s1  }
0x144: {  	s0 =	simm.s32 @!p0 $0x1  }
0x145: {  	_ =	swait.ge @!p0 [sflag:s0], s1  }
0x146: {  	s1 =	ssub.s32 @!p0 $0x0, s1;
	[sflag:s0] =	ssyncset.done @!p0 $0x0  }
0x147: {  	[sflag:s0] =	ssyncadd.s32 @!p0 s1  }
0x148: {  	[bflag:$0x3] =	sbarrier.arrive $0xFFFF  }
0x149: {  	_ =	shalt  }

</sc_bundles>
